<compile_context>
chip_gen: v7x
topology: tpu7x:2x2x1
jax: 0.10.2.dev20260603
libtpu: 0.0.44.dev20260713+nightly
codegen_flags: <defaults>
</compile_context>

<pallas_src>
import functools
import math

import jax
import jax.numpy as jnp
from jax import lax
from jax.experimental import pallas as pl
from jax.experimental.pallas import tpu as pltpu
from jax.experimental.pallas import tpu_sc as plsc

_B = 1024
_D = 64
_SCALE = 1.0 / math.sqrt(_D)
_V_BLK = 6144
_SUB = 6272
_NCH = 4
_NQ = 4
_QOWN = 24960


def _make_sc_gather_t(V, B):
    info = plsc.get_sparse_core_info()
    NC, NS, L = info.num_cores, info.num_subcores, info.num_lanes
    NW = NC * NS
    assert NW == 32 and _D == 64 and B % L == 0
    main = V - V % 128
    tail = V - main
    assert _NQ * _QOWN + (_NCH * _SUB - _QOWN) == main
    mesh = plsc.VectorSubcoreMesh(core_axis_name="c", subcore_axis_name="s")

    @functools.partial(
        pl.kernel,
        mesh=mesh,
        out_type=jax.ShapeDtypeStruct((_NQ * _D, B), jnp.float32),
        compiler_params=pltpu.CompilerParams(needs_layout_passes=False),
        scratch_types=[
            pltpu.VMEM((2, 8, _SUB), jnp.float32),
            pltpu.VMEM((tail, _D), jnp.float32),
            pltpu.VMEM((B,), jnp.int32),
            pltpu.VMEM((8, B), jnp.float32),
            pltpu.SemaphoreType.DMA((2,)),
        ],
    )
    def gather_k(lit_hbm, tail_hbm, idx_hbm, out_hbm, buf_v, tail_v, idx_v,
                 acc_v, sems):
        wid = lax.axis_index("s") * NC + lax.axis_index("c")
        gq = wid // _NQ
        q = wid % _NQ
        row0 = pl.multiple_of(8 * gq, 8)
        own_lo = q * _QOWN
        own_hi = jnp.where(q == _NQ - 1, own_lo + _NCH * _SUB,
                           own_lo + _QOWN)

        def chunk_copy(c):
            lo = pl.multiple_of(own_lo + c * _SUB, 128)
            return pltpu.async_copy(
                lit_hbm.at[pl.ds(row0, 8), pl.ds(lo, _SUB)],
                buf_v.at[c % 2], sems.at[c % 2])

        hs = {0: chunk_copy(0)}
        pltpu.sync_copy(idx_hbm, idx_v)
        pltpu.sync_copy(tail_hbm, tail_v)
        for c in range(_NCH):
            if c + 1 < _NCH:
                hs[c + 1] = chunk_copy(c + 1)
            hs[c].wait()
            lo = own_lo + c * _SUB

            def g_body(g, _, c=c, lo=lo):
                iv = idx_v[pl.ds(g * L, L)]
                m = (iv >= lo) & (iv < lo + _SUB) & (iv < own_hi)
                ig = jnp.where(m, iv - lo, 0)
                for rr in range(8):
                    rv = jnp.full((L,), rr, jnp.int32)
                    x = plsc.load_gather(buf_v.at[c % 2], [rv, ig], mask=m)
                    prev = (jnp.zeros_like(x) if c == 0
                            else acc_v[rr, pl.ds(g * L, L)])
                    acc_v[rr, pl.ds(g * L, L)] = jnp.where(m, x, prev)
                return 0

            lax.fori_loop(0, B // L, g_body, 0, unroll=4)

        def t_body(g, _):
            iv = idx_v[pl.ds(g * L, L)]
            m = (iv >= main) & (q == _NQ - 1)
            ig = jnp.where(m, iv - main, 0)
            for rr in range(8):
                rv = jnp.full((L,), rr, jnp.int32)
                x = plsc.load_gather(tail_v, [ig, row0 + rv], mask=m)
                prev = acc_v[rr, pl.ds(g * L, L)]
                acc_v[rr, pl.ds(g * L, L)] = jnp.where(m, x, prev)
            return 0

        lax.fori_loop(0, B // L, t_body, 0, unroll=4)
        pltpu.sync_copy(acc_v, out_hbm.at[pl.ds(pl.multiple_of(q * _D + row0, 8), 8)])

    return gather_k


def _mm_body(il_t_ref, pe4_ref, out_ref):
    pe = (pe4_ref[pl.ds(0, _D), :] + pe4_ref[pl.ds(_D, _D), :]
          + pe4_ref[pl.ds(2 * _D, _D), :] + pe4_ref[pl.ds(3 * _D, _D), :])
    out_ref[...] = lax.dot_general(
        il_t_ref[...], pe,
        dimension_numbers=(((0,), (0,)), ((), ())),
        preferred_element_type=jnp.float32,
    ) * _SCALE


def _tc_matmul_t(IL_T, pe4):
    V = IL_T.shape[1]
    return pl.pallas_call(
        _mm_body,
        grid=(pl.cdiv(V, _V_BLK),),
        in_specs=[
            pl.BlockSpec((_D, _V_BLK), lambda j: (0, j)),
            pl.BlockSpec((_NQ * _D, _B), lambda j: (0, 0)),
        ],
        out_specs=pl.BlockSpec((_V_BLK, _B), lambda j: (j, 0)),
        out_shape=jax.ShapeDtypeStruct((V, _B), jnp.float32),
        compiler_params=pltpu.CompilerParams(
            vmem_limit_bytes=56 * 1024 * 1024),
    )(IL_T, pe4)


def kernel(X, tag, IL, LI):
    V = IL.shape[0]
    main = V - V % 128
    prev_iid = X[:, -2, 3].astype(jnp.int32)
    tail = LI[main:, :]
    pe4 = _make_sc_gather_t(V, _B)(LI.T, tail, prev_iid)
    out_t = _tc_matmul_t(IL.T, pe4)
    return out_t.T

# --- scband reference (transcript-rebuilt; emitter-appended) ---
"""Pipeline reference for scband-fpmc-14199161881186 (READ-ONLY COPY).

The authoritative reference and input builder live on the scoring server;
editing this copy changes nothing except your own understanding.
"""

import jax, jax.numpy as jnp
import numpy as np

N_ITEMS = 100000
K_IL = 64


def setup_inputs(seed: int = 0) -> dict:
    key = jax.random.key(seed)
    k1, k2, k3 = jax.random.split(key, 3)
    X = jax.random.randint(k1, (1024, 10, 4), 0, N_ITEMS, dtype=jnp.int64)
    tag = 0  # inference/prediction branch (tag != 1)
    IL = jax.random.normal(k2, (N_ITEMS, K_IL), dtype=jnp.float32) * 0.02
    LI = jax.random.normal(k3, (N_ITEMS, K_IL), dtype=jnp.float32) * 0.02
    return {"X": X, "tag": tag, "IL": IL, "LI": LI}


def reference(X, tag, IL, LI):
    # Faithful translation of the tag != 1 (full-vocab scoring) branch of FPMC.forward.
    # Original per-row loop:  pre = sum(IL[sample] * LI[prev_iid_broadcast], dim=1) / sqrt(k_IL)
    # which is mathematically LI[prev] @ IL.T / sqrt(k_IL), avoiding a [B, V, k] intermediate.
    prev_iid = X[:, -2, 3]                     # [B] previous item id per user
    prev_emb = jnp.take(LI, prev_iid, axis=0)  # [B, k_IL] gather (embedding lookup)
    predictions = (prev_emb @ IL.T) / (K_IL ** 0.5)  # [B, n_items]
    return predictions

if __name__ == "__main__":
    import jax
    _d = setup_inputs()
    print(jax.jit(kernel)(*tuple(_d.values())))

</pallas_src>

<mosaic_0001>
#map = affine_map<(d0, d1) -> (0, 0)>
#map1 = affine_map<(d0, d1) -> (0)>
module attributes {stable_mosaic.version = 14 : i64} {
  func.func @gather_k(%arg0: i32, %arg1: i32, %arg2: memref<64x100000xf32, #tpu.memory_space<hbm>>, %arg3: memref<32x64xf32, #tpu.memory_space<hbm>>, %arg4: memref<1024xi32, #tpu.memory_space<hbm>>, %arg5: memref<256x1024xf32, #tpu.memory_space<hbm>>, %arg6: memref<2x8x6272xf32, #tpu.memory_space<vmem>>, %arg7: memref<32x64xf32, #tpu.memory_space<vmem>>, %arg8: memref<1024xi32, #tpu.memory_space<vmem>>, %arg9: memref<8x1024xf32, #tpu.memory_space<vmem>>, %arg10: memref<2x!tpu.dma_semaphore, #tpu.memory_space<semaphore_mem>>) attributes {dimension_semantics = [#tpu.dimension_semantics<core_parallel>, #tpu.dimension_semantics<subcore_parallel>], iteration_bounds = array<i64: 2, 16>, scalar_prefetch = 0 : i64, scratch_operands = 5 : i64, tpu.core_type = #tpu.core_type<sc_vector_subcore>, window_params = [{transform_indices = #map}, {transform_indices = #map}, {transform_indices = #map1}, {transform_indices = #map}]} {
    %mul3A = arith.constant 2 : i32
    %mul3A_0 = arith.muli %arg1, %mul3A : i32
    %add3A = arith.addi %mul3A_0, %arg0 : i32
    %jit3A = arith.constant 4 : i32
    %div3A = arith.divsi %add3A, %jit3A : i32
    %sign3A = arith.constant 0 : i32
    %sign3A_1 = arith.cmpi sgt, %add3A, %sign3A : i32
    %sign3A_2 = arith.extui %sign3A_1 : i1 to i32
    %sign3A_3 = arith.constant 0 : i32
    %sign3A_4 = arith.cmpi slt, %add3A, %sign3A_3 : i32
    %sign3A_5 = arith.extui %sign3A_4 : i1 to i32
    %sign3A_6 = arith.subi %sign3A_2, %sign3A_5 : i32
    %sign3A_7 = arith.constant 0 : i32
    %sign3A_8 = arith.cmpi sgt, %jit3A, %sign3A_7 : i32
    %sign3A_9 = arith.extui %sign3A_8 : i1 to i32
    %sign3A_10 = arith.constant 0 : i32
    %sign3A_11 = arith.cmpi slt, %jit3A, %sign3A_10 : i32
    %sign3A_12 = arith.extui %sign3A_11 : i1 to i32
    %sign3A_13 = arith.subi %sign3A_9, %sign3A_12 : i32
    %ne3A = arith.cmpi ne, %sign3A_6, %sign3A_13 : i32
    %rem3A = arith.remsi %add3A, %jit3A : i32
    %ne3A_14 = arith.constant 0 : i32
    %ne3A_15 = arith.cmpi ne, %rem3A, %ne3A_14 : i32
    %and3A = arith.andi %ne3A, %ne3A_15 : i1
    %sub3A = arith.constant 1 : i32
    %sub3A_16 = arith.subi %div3A, %sub3A : i32
    %select_n3A = arith.select %and3A, %sub3A_16, %div3A : i32
    %jit3A_17 = arith.constant 4 : i32
    %eq3A = arith.constant 0 : i32
    %eq3A_18 = arith.cmpi eq, %jit3A_17, %eq3A : i32
    %jit3A_19 = arith.constant 1 : i32
    %select_n3A_20 = arith.select %eq3A_18, %jit3A_19, %jit3A_17 : i32
    %rem3A_21 = arith.remsi %add3A, %select_n3A_20 : i32
    %ne3A_22 = arith.constant 0 : i32
    %ne3A_23 = arith.cmpi ne, %rem3A_21, %ne3A_22 : i32
    %lt3A = arith.constant 0 : i32
    %lt3A_24 = arith.cmpi slt, %rem3A_21, %lt3A : i32
    %lt3A_25 = arith.constant 0 : i32
    %lt3A_26 = arith.cmpi slt, %select_n3A_20, %lt3A_25 : i32
    %ne3A_27 = arith.xori %lt3A_24, %lt3A_26 : i1
    %and3A_28 = arith.andi %ne3A_27, %ne3A_23 : i1
    %add3A_29 = arith.addi %rem3A_21, %select_n3A_20 : i32
    %select_n3A_30 = arith.select %and3A_28, %add3A_29, %rem3A_21 : i32
    %mul3A_31 = arith.constant 8 : i32
    %mul3A_32 = arith.muli %mul3A_31, %select_n3A : i32
    %multiple_of3A = tpu.assume_multiple %mul3A_32, 8 : i32
    %mul3A_33 = arith.constant 24960 : i32
    %mul3A_34 = arith.muli %select_n3A_30, %mul3A_33 : i32
    %eq3A_35 = arith.constant 3 : i32
    %eq3A_36 = arith.cmpi eq, %select_n3A_30, %eq3A_35 : i32
    %add3A_37 = arith.constant 25088 : i32
    %add3A_38 = arith.addi %mul3A_34, %add3A_37 : i32
    %add3A_39 = arith.constant 24960 : i32
    %add3A_40 = arith.addi %mul3A_34, %add3A_39 : i32
    %select_n3A_41 = arith.select %eq3A_36, %add3A_38, %add3A_40 : i32
    %add3A_42 = arith.constant 0 : i32
    %add3A_43 = arith.addi %mul3A_34, %add3A_42 : i32
    %multiple_of3A_44 = tpu.assume_multiple %add3A_43, 128 : i32
    %dma_start3A = arith.constant 0 : i32
    %dma_start3A_45 = arith.constant 0 : i32
    %dma_start3A_46 = arith.constant 0 : i32
    %dma_start3A_47 = arith.constant 0 : i32
    %dma_start3A_48 = tpu.memref_slice %arg6[%dma_start3A, %dma_start3A_46, %dma_start3A_47] : memref<2x8x6272xf32, #tpu.memory_space<vmem>> -> memref<1x8x6272xf32, #tpu.memory_space<vmem>>
    %dma_start3A_49 = tpu.memref_squeeze %dma_start3A_48 : memref<1x8x6272xf32, #tpu.memory_space<vmem>> -> memref<8x6272xf32, #tpu.memory_space<vmem>>
    %dma_start3A_50 = tpu.memref_slice %arg2[%multiple_of3A, %multiple_of3A_44] : memref<64x100000xf32, #tpu.memory_space<hbm>> -> memref<8x6272xf32, #tpu.memory_space<hbm>>
    %dma_start3A_51 = tpu.memref_slice %arg10[%dma_start3A_45] : memref<2x!tpu.dma_semaphore, #tpu.memory_space<semaphore_mem>> -> memref<1x!tpu.dma_semaphore, #tpu.memory_space<semaphore_mem>>
    %dma_start3A_52 = tpu.memref_squeeze %dma_start3A_51 : memref<1x!tpu.dma_semaphore, #tpu.memory_space<semaphore_mem>> -> memref<!tpu.dma_semaphore, #tpu.memory_space<semaphore_mem>>
    %dma_start3A_53 = arith.constant 0 : i32
    %dma_start3A_54 = arith.constant 0 : i32
    %dma_start3A_55 = tpu.memref_slice %arg6[%dma_start3A, %dma_start3A_53, %dma_start3A_54] : memref<2x8x6272xf32, #tpu.memory_space<vmem>> -> memref<1x8x6272xf32, #tpu.memory_space<vmem>>
    %dma_start3A_56 = tpu.memref_squeeze %dma_start3A_55 : memref<1x8x6272xf32, #tpu.memory_space<vmem>> -> memref<8x6272xf32, #tpu.memory_space<vmem>>
    %dma_start3A_57 = tpu.memref_slice %arg2[%multiple_of3A, %multiple_of3A_44] : memref<64x100000xf32, #tpu.memory_space<hbm>> -> memref<8x6272xf32, #tpu.memory_space<hbm>>
    tpu.enqueue_dma source(%dma_start3A_57 : memref<8x6272xf32, #tpu.memory_space<hbm>>) target(%dma_start3A_56 : memref<8x6272xf32, #tpu.memory_space<vmem>>) target_semaphore(%dma_start3A_52 : memref<!tpu.dma_semaphore, #tpu.memory_space<semaphore_mem>>)
    "tpu.region"() ({
      %run_scoped3A = tpu.sem_alloc : memref<!tpu.dma_semaphore, #tpu.memory_space<semaphore_mem>>
      tpu.enqueue_dma source(%arg4 : memref<1024xi32, #tpu.memory_space<hbm>>) target(%arg8 : memref<1024xi32, #tpu.memory_space<vmem>>) target_semaphore(%run_scoped3A : memref<!tpu.dma_semaphore, #tpu.memory_space<semaphore_mem>>)
      tpu.wait_dma2 semaphore(%run_scoped3A : memref<!tpu.dma_semaphore, #tpu.memory_space<semaphore_mem>>) src(%arg4 : memref<1024xi32, #tpu.memory_space<hbm>>) dst(%arg8 : memref<1024xi32, #tpu.memory_space<vmem>>)
      tpu.yield
    }) : () -> ()
    "tpu.region"() ({
      %run_scoped3A = tpu.sem_alloc : memref<!tpu.dma_semaphore, #tpu.memory_space<semaphore_mem>>
      tpu.enqueue_dma source(%arg3 : memref<32x64xf32, #tpu.memory_space<hbm>>) target(%arg7 : memref<32x64xf32, #tpu.memory_space<vmem>>) target_semaphore(%run_scoped3A : memref<!tpu.dma_semaphore, #tpu.memory_space<semaphore_mem>>)
      tpu.wait_dma2 semaphore(%run_scoped3A : memref<!tpu.dma_semaphore, #tpu.memory_space<semaphore_mem>>) src(%arg3 : memref<32x64xf32, #tpu.memory_space<hbm>>) dst(%arg7 : memref<32x64xf32, #tpu.memory_space<vmem>>)
      tpu.yield
    }) : () -> ()
    %add3A_58 = arith.constant 6272 : i32
    %add3A_59 = arith.addi %mul3A_34, %add3A_58 : i32
    %multiple_of3A_60 = tpu.assume_multiple %add3A_59, 128 : i32
    %dma_start3A_61 = arith.constant 1 : i32
    %dma_start3A_62 = arith.constant 1 : i32
    %dma_start3A_63 = arith.constant 0 : i32
    %dma_start3A_64 = arith.constant 0 : i32
    %dma_start3A_65 = tpu.memref_slice %arg6[%dma_start3A_61, %dma_start3A_63, %dma_start3A_64] : memref<2x8x6272xf32, #tpu.memory_space<vmem>> -> memref<1x8x6272xf32, #tpu.memory_space<vmem>>
    %dma_start3A_66 = tpu.memref_squeeze %dma_start3A_65 : memref<1x8x6272xf32, #tpu.memory_space<vmem>> -> memref<8x6272xf32, #tpu.memory_space<vmem>>
    %dma_start3A_67 = tpu.memref_slice %arg2[%multiple_of3A, %multiple_of3A_60] : memref<64x100000xf32, #tpu.memory_space<hbm>> -> memref<8x6272xf32, #tpu.memory_space<hbm>>
    %dma_start3A_68 = tpu.memref_slice %arg10[%dma_start3A_62] : memref<2x!tpu.dma_semaphore, #tpu.memory_space<semaphore_mem>> -> memref<1x!tpu.dma_semaphore, #tpu.memory_space<semaphore_mem>>
    %dma_start3A_69 = tpu.memref_squeeze %dma_start3A_68 : memref<1x!tpu.dma_semaphore, #tpu.memory_space<semaphore_mem>> -> memref<!tpu.dma_semaphore, #tpu.memory_space<semaphore_mem>>
    %dma_start3A_70 = arith.constant 0 : i32
    %dma_start3A_71 = arith.constant 0 : i32
    %dma_start3A_72 = tpu.memref_slice %arg6[%dma_start3A_61, %dma_start3A_70, %dma_start3A_71] : memref<2x8x6272xf32, #tpu.memory_space<vmem>> -> memref<1x8x6272xf32, #tpu.memory_space<vmem>>
    %dma_start3A_73 = tpu.memref_squeeze %dma_start3A_72 : memref<1x8x6272xf32, #tpu.memory_space<vmem>> -> memref<8x6272xf32, #tpu.memory_space<vmem>>
    %dma_start3A_74 = tpu.memref_slice %arg2[%multiple_of3A, %multiple_of3A_60] : memref<64x100000xf32, #tpu.memory_space<hbm>> -> memref<8x6272xf32, #tpu.memory_space<hbm>>
    tpu.enqueue_dma source(%dma_start3A_74 : memref<8x6272xf32, #tpu.memory_space<hbm>>) target(%dma_start3A_73 : memref<8x6272xf32, #tpu.memory_space<vmem>>) target_semaphore(%dma_start3A_69 : memref<!tpu.dma_semaphore, #tpu.memory_space<semaphore_mem>>)
    %dma_wait3A = arith.constant 0 : i32
    %dma_wait3A_75 = arith.constant 0 : i32
    %dma_wait3A_76 = arith.constant 0 : i32
    %dma_wait3A_77 = arith.constant 0 : i32
    %dma_wait3A_78 = tpu.memref_slice %arg6[%dma_wait3A, %dma_wait3A_76, %dma_wait3A_77] : memref<2x8x6272xf32, #tpu.memory_space<vmem>> -> memref<1x8x6272xf32, #tpu.memory_space<vmem>>
    %dma_wait3A_79 = tpu.memref_squeeze %dma_wait3A_78 : memref<1x8x6272xf32, #tpu.memory_space<vmem>> -> memref<8x6272xf32, #tpu.memory_space<vmem>>
    %dma_wait3A_80 = tpu.memref_slice %arg2[%multiple_of3A, %multiple_of3A_44] : memref<64x100000xf32, #tpu.memory_space<hbm>> -> memref<8x6272xf32, #tpu.memory_space<hbm>>
    %dma_wait3A_81 = tpu.memref_slice %arg10[%dma_wait3A_75] : memref<2x!tpu.dma_semaphore, #tpu.memory_space<semaphore_mem>> -> memref<1x!tpu.dma_semaphore, #tpu.memory_space<semaphore_mem>>
    %dma_wait3A_82 = tpu.memref_squeeze %dma_wait3A_81 : memref<1x!tpu.dma_semaphore, #tpu.memory_space<semaphore_mem>> -> memref<!tpu.dma_semaphore, #tpu.memory_space<semaphore_mem>>
    %dma_wait3A_83 = arith.constant 0 : i32
    %dma_wait3A_84 = arith.constant 0 : i32
    %dma_wait3A_85 = tpu.memref_slice %arg6[%dma_wait3A, %dma_wait3A_83, %dma_wait3A_84] : memref<2x8x6272xf32, #tpu.memory_space<vmem>> -> memref<1x8x6272xf32, #tpu.memory_space<vmem>>
    %dma_wait3A_86 = tpu.memref_squeeze %dma_wait3A_85 : memref<1x8x6272xf32, #tpu.memory_space<vmem>> -> memref<8x6272xf32, #tpu.memory_space<vmem>>
    %dma_wait3A_87 = tpu.memref_slice %arg2[%multiple_of3A, %multiple_of3A_44] : memref<64x100000xf32, #tpu.memory_space<hbm>> -> memref<8x6272xf32, #tpu.memory_space<hbm>>
    tpu.wait_dma2 semaphore(%dma_wait3A_82 : memref<!tpu.dma_semaphore, #tpu.memory_space<semaphore_mem>>) src(%dma_wait3A_87 : memref<8x6272xf32, #tpu.memory_space<hbm>>) dst(%dma_wait3A_86 : memref<8x6272xf32, #tpu.memory_space<vmem>>)
    %add3A_88 = arith.constant 0 : i32
    %add3A_89 = arith.addi %mul3A_34, %add3A_88 : i32
    %scan3A = arith.constant 0 : i32
    %scan3A_90 = arith.constant 0 : i32
    %scan3A_91 = arith.constant 64 : i32
    %scan3A_92 = arith.addi %scan3A_90, %scan3A_91 : i32
    %scan3A_93 = arith.constant 4 : i32
    %scan3A_94 = scf.for %scan3A_210 = %scan3A_90 to %scan3A_92 step %scan3A_93 iter_args(%scan3A_211 = %scan3A) -> (i32)  : i32 {
      %mul3A_212 = arith.constant 16 : i32
      %mul3A_213 = arith.muli %scan3A_210, %mul3A_212 : i32
      %get3A = arith.index_cast %mul3A_213 : i32 to index
      %get3A_214 = tpu.vector_load %arg8[%get3A] {strides = array<i32>} : memref<1024xi32, #tpu.memory_space<vmem>>, vector<16xi32>,
      %ge3A = vector.broadcast %add3A_89 : i32 to vector<16xi32>
      %ge3A_215 = arith.cmpi sge, %get3A_214, %ge3A : vector<16xi32>
      %add3A_216 = arith.constant 6272 : i32
      %add3A_217 = arith.addi %add3A_89, %add3A_216 : i32
      %lt3A_218 = vector.broadcast %add3A_217 : i32 to vector<16xi32>
      %lt3A_219 = arith.cmpi slt, %get3A_214, %lt3A_218 : vector<16xi32>
      %and3A_220 = arith.andi %ge3A_215, %lt3A_219 : vector<16xi1>
      %lt3A_221 = vector.broadcast %select_n3A_41 : i32 to vector<16xi32>
      %lt3A_222 = arith.cmpi slt, %get3A_214, %lt3A_221 : vector<16xi32>
      %and3A_223 = arith.andi %and3A_220, %lt3A_222 : vector<16xi1>
      %sub3A_224 = vector.broadcast %add3A_89 : i32 to vector<16xi32>
      %sub3A_225 = arith.subi %get3A_214, %sub3A_224 : vector<16xi32>
      %jit3A_226 = arith.constant 0 : i32
      %broadcast_in_dim3A = vector.broadcast %jit3A_226 : i32 to vector<16xi32>
      %select_n3A_227 = arith.select %and3A_223, %sub3A_225, %broadcast_in_dim3A : vector<16xi1>, vector<16xi32>
      %broadcast_in_dim3A_228 = arith.constant 0 : i32
      %broadcast_in_dim3A_229 = vector.broadcast %broadcast_in_dim3A_228 : i32 to vector<16xi32>
      %gather3A = arith.constant 0 : i32
      %gather3A_230 = arith.constant 0 : i32
      %gather3A_231 = arith.constant 0 : i32
      %gather3A_232 = tpu.memref_slice %arg6[%gather3A, %gather3A_230, %gather3A_231] : memref<2x8x6272xf32, #tpu.memory_space<vmem>> -> memref<1x8x6272xf32, #tpu.memory_space<vmem>>
      %gather3A_233 = tpu.memref_squeeze %gather3A_232 : memref<1x8x6272xf32, #tpu.memory_space<vmem>> -> memref<8x6272xf32, #tpu.memory_space<vmem>>
      %gather3A_234 = tpu.vector_load_idx %gather3A_233[%broadcast_in_dim3A_229, %select_n3A_227] masked %and3A_223 : memref<8x6272xf32, #tpu.memory_space<vmem>>[vector<16xi32>, vector<16xi32>], vector<16xf32>, vector<16xi1>
      %broadcast_in_dim3A_235 = arith.constant 0.000000e+00 : f32
      %broadcast_in_dim3A_236 = vector.broadcast %broadcast_in_dim3A_235 : f32 to vector<16xf32>
      %select_n3A_237 = arith.select %and3A_223, %gather3A_234, %broadcast_in_dim3A_236 : vector<16xi1>, vector<16xf32>
      %mul3A_238 = arith.constant 16 : i32
      %mul3A_239 = arith.muli %scan3A_210, %mul3A_238 : i32
      %swap3A = arith.constant 0 : i32
      %swap3A_240 = arith.index_cast %swap3A : i32 to index
      %swap3A_241 = arith.index_cast %mul3A_239 : i32 to index
      %swap3A_242 = tpu.vector_load %arg9[%swap3A_240, %swap3A_241] {strides = array<i32>} : memref<8x1024xf32, #tpu.memory_space<vmem>>, vector<16xf32>,
      tpu.vector_store %arg9[%swap3A_240, %swap3A_241], %select_n3A_237 {strides = array<i32>} : memref<8x1024xf32, #tpu.memory_space<vmem>>, vector<16xf32>,
      %broadcast_in_dim3A_243 = arith.constant 1 : i32
      %broadcast_in_dim3A_244 = vector.broadcast %broadcast_in_dim3A_243 : i32 to vector<16xi32>
      %gather3A_245 = arith.constant 0 : i32
      %gather3A_246 = arith.constant 0 : i32
      %gather3A_247 = arith.constant 0 : i32
      %gather3A_248 = tpu.memref_slice %arg6[%gather3A_245, %gather3A_246, %gather3A_247] : memref<2x8x6272xf32, #tpu.memory_space<vmem>> -> memref<1x8x6272xf32, #tpu.memory_space<vmem>>
      %gather3A_249 = tpu.memref_squeeze %gather3A_248 : memref<1x8x6272xf32, #tpu.memory_space<vmem>> -> memref<8x6272xf32, #tpu.memory_space<vmem>>
      %gather3A_250 = tpu.vector_load_idx %gather3A_249[%broadcast_in_dim3A_244, %select_n3A_227] masked %and3A_223 : memref<8x6272xf32, #tpu.memory_space<vmem>>[vector<16xi32>, vector<16xi32>], vector<16xf32>, vector<16xi1>
      %broadcast_in_dim3A_251 = arith.constant 0.000000e+00 : f32
      %broadcast_in_dim3A_252 = vector.broadcast %broadcast_in_dim3A_251 : f32 to vector<16xf32>
      %select_n3A_253 = arith.select %and3A_223, %gather3A_250, %broadcast_in_dim3A_252 : vector<16xi1>, vector<16xf32>
      %mul3A_254 = arith.constant 16 : i32
      %mul3A_255 = arith.muli %scan3A_210, %mul3A_254 : i32
      %swap3A_256 = arith.constant 1 : i32
      %swap3A_257 = arith.index_cast %swap3A_256 : i32 to index
      %swap3A_258 = arith.index_cast %mul3A_255 : i32 to index
      %swap3A_259 = tpu.vector_load %arg9[%swap3A_257, %swap3A_258] {strides = array<i32>} : memref<8x1024xf32, #tpu.memory_space<vmem>>, vector<16xf32>,
      tpu.vector_store %arg9[%swap3A_257, %swap3A_258], %select_n3A_253 {strides = array<i32>} : memref<8x1024xf32, #tpu.memory_space<vmem>>, vector<16xf32>,
      %broadcast_in_dim3A_260 = arith.constant 2 : i32
      %broadcast_in_dim3A_261 = vector.broadcast %broadcast_in_dim3A_260 : i32 to vector<16xi32>
      %gather3A_262 = arith.constant 0 : i32
      %gather3A_263 = arith.constant 0 : i32
      %gather3A_264 = arith.constant 0 : i32
      %gather3A_265 = tpu.memref_slice %arg6[%gather3A_262, %gather3A_263, %gather3A_264] : memref<2x8x6272xf32, #tpu.memory_space<vmem>> -> memref<1x8x6272xf32, #tpu.memory_space<vmem>>
      %gather3A_266 = tpu.memref_squeeze %gather3A_265 : memref<1x8x6272xf32, #tpu.memory_space<vmem>> -> memref<8x6272xf32, #tpu.memory_space<vmem>>
      %gather3A_267 = tpu.vector_load_idx %gather3A_266[%broadcast_in_dim3A_261, %select_n3A_227] masked %and3A_223 : memref<8x6272xf32, #tpu.memory_space<vmem>>[vector<16xi32>, vector<16xi32>], vector<16xf32>, vector<16xi1>
      %broadcast_in_dim3A_268 = arith.constant 0.000000e+00 : f32
      %broadcast_in_dim3A_269 = vector.broadcast %broadcast_in_dim3A_268 : f32 to vector<16xf32>
      %select_n3A_270 = arith.select %and3A_223, %gather3A_267, %broadcast_in_dim3A_269 : vector<16xi1>, vector<16xf32>
      %mul3A_271 = arith.constant 16 : i32
      %mul3A_272 = arith.muli %scan3A_210, %mul3A_271 : i32
      %swap3A_273 = arith.constant 2 : i32
      %swap3A_274 = arith.index_cast %swap3A_273 : i32 to index
      %swap3A_275 = arith.index_cast %mul3A_272 : i32 to index
      %swap3A_276 = tpu.vector_load %arg9[%swap3A_274, %swap3A_275] {strides = array<i32>} : memref<8x1024xf32, #tpu.memory_space<vmem>>, vector<16xf32>,
      tpu.vector_store %arg9[%swap3A_274, %swap3A_275], %select_n3A_270 {strides = array<i32>} : memref<8x1024xf32, #tpu.memory_space<vmem>>, vector<16xf32>,
      %broadcast_in_dim3A_277 = arith.constant 3 : i32
      %broadcast_in_dim3A_278 = vector.broadcast %broadcast_in_dim3A_277 : i32 to vector<16xi32>
      %gather3A_279 = arith.constant 0 : i32
      %gather3A_280 = arith.constant 0 : i32
      %gather3A_281 = arith.constant 0 : i32
      %gather3A_282 = tpu.memref_slice %arg6[%gather3A_279, %gather3A_280, %gather3A_281] : memref<2x8x6272xf32, #tpu.memory_space<vmem>> -> memref<1x8x6272xf32, #tpu.memory_space<vmem>>
      %gather3A_283 = tpu.memref_squeeze %gather3A_282 : memref<1x8x6272xf32, #tpu.memory_space<vmem>> -> memref<8x6272xf32, #tpu.memory_space<vmem>>
      %gather3A_284 = tpu.vector_load_idx %gather3A_283[%broadcast_in_dim3A_278, %select_n3A_227] masked %and3A_223 : memref<8x6272xf32, #tpu.memory_space<vmem>>[vector<16xi32>, vector<16xi32>], vector<16xf32>, vector<16xi1>
      %broadcast_in_dim3A_285 = arith.constant 0.000000e+00 : f32
      %broadcast_in_dim3A_286 = vector.broadcast %broadcast_in_dim3A_285 : f32 to vector<16xf32>
      %select_n3A_287 = arith.select %and3A_223, %gather3A_284, %broadcast_in_dim3A_286 : vector<16xi1>, vector<16xf32>
      %mul3A_288 = arith.constant 16 : i32
      %mul3A_289 = arith.muli %scan3A_210, %mul3A_288 : i32
      %swap3A_290 = arith.constant 3 : i32
      %swap3A_291 = arith.index_cast %swap3A_290 : i32 to index
      %swap3A_292 = arith.index_cast %mul3A_289 : i32 to index
      %swap3A_293 = tpu.vector_load %arg9[%swap3A_291, %swap3A_292] {strides = array<i32>} : memref<8x1024xf32, #tpu.memory_space<vmem>>, vector<16xf32>,
      tpu.vector_store %arg9[%swap3A_291, %swap3A_292], %select_n3A_287 {strides = array<i32>} : memref<8x1024xf32, #tpu.memory_space<vmem>>, vector<16xf32>,
      %broadcast_in_dim3A_294 = arith.constant 4 : i32
      %broadcast_in_dim3A_295 = vector.broadcast %broadcast_in_dim3A_294 : i32 to vector<16xi32>
      %gather3A_296 = arith.constant 0 : i32
      %gather3A_297 = arith.constant 0 : i32
      %gather3A_298 = arith.constant 0 : i32
      %gather3A_299 = tpu.memref_slice %arg6[%gather3A_296, %gather3A_297, %gather3A_298] : memref<2x8x6272xf32, #tpu.memory_space<vmem>> -> memref<1x8x6272xf32, #tpu.memory_space<vmem>>
      %gather3A_300 = tpu.memref_squeeze %gather3A_299 : memref<1x8x6272xf32, #tpu.memory_space<vmem>> -> memref<8x6272xf32, #tpu.memory_space<vmem>>
      %gather3A_301 = tpu.vector_load_idx %gather3A_300[%broadcast_in_dim3A_295, %select_n3A_227] masked %and3A_223 : memref<8x6272xf32, #tpu.memory_space<vmem>>[vector<16xi32>, vector<16xi32>], vector<16xf32>, vector<16xi1>
      %broadcast_in_dim3A_302 = arith.constant 0.000000e+00 : f32
      %broadcast_in_dim3A_303 = vector.broadcast %broadcast_in_dim3A_302 : f32 to vector<16xf32>
      %select_n3A_304 = arith.select %and3A_223, %gather3A_301, %broadcast_in_dim3A_303 : vector<16xi1>, vector<16xf32>
      %mul3A_305 = arith.constant 16 : i32
      %mul3A_306 = arith.muli %scan3A_210, %mul3A_305 : i32
      %swap3A_307 = arith.constant 4 : i32
      %swap3A_308 = arith.index_cast %swap3A_307 : i32 to index
      %swap3A_309 = arith.index_cast %mul3A_306 : i32 to index
      %swap3A_310 = tpu.vector_load %arg9[%swap3A_308, %swap3A_309] {strides = array<i32>} : memref<8x1024xf32, #tpu.memory_space<vmem>>, vector<16xf32>,
      tpu.vector_store %arg9[%swap3A_308, %swap3A_309], %select_n3A_304 {strides = array<i32>} : memref<8x1024xf32, #tpu.memory_space<vmem>>, vector<16xf32>,
      %broadcast_in_dim3A_311 = arith.constant 5 : i32
      %broadcast_in_dim3A_312 = vector.broadcast %broadcast_in_dim3A_311 : i32 to vector<16xi32>
      %gather3A_313 = arith.constant 0 : i32
      %gather3A_314 = arith.constant 0 : i32
      %gather3A_315 = arith.constant 0 : i32
      %gather3A_316 = tpu.memref_slice %arg6[%gather3A_313, %gather3A_314, %gather3A_315] : memref<2x8x6272xf32, #tpu.memory_space<vmem>> -> memref<1x8x6272xf32, #tpu.memory_space<vmem>>
      %gather3A_317 = tpu.memref_squeeze %gather3A_316 : memref<1x8x6272xf32, #tpu.memory_space<vmem>> -> memref<8x6272xf32, #tpu.memory_space<vmem>>
      %gather3A_318 = tpu.vector_load_idx %gather3A_317[%broadcast_in_dim3A_312, %select_n3A_227] masked %and3A_223 : memref<8x6272xf32, #tpu.memory_space<vmem>>[vector<16xi32>, vector<16xi32>], vector<16xf32>, vector<16xi1>
      %broadcast_in_dim3A_319 = arith.constant 0.000000e+00 : f32
      %broadcast_in_dim3A_320 = vector.broadcast %broadcast_in_dim3A_319 : f32 to vector<16xf32>
      %select_n3A_321 = arith.select %and3A_223, %gather3A_318, %broadcast_in_dim3A_320 : vector<16xi1>, vector<16xf32>
      %mul3A_322 = arith.constant 16 : i32
      %mul3A_323 = arith.muli %scan3A_210, %mul3A_322 : i32
      %swap3A_324 = arith.constant 5 : i32
      %swap3A_325 = arith.index_cast %swap3A_324 : i32 to index
      %swap3A_326 = arith.index_cast %mul3A_323 : i32 to index
      %swap3A_327 = tpu.vector_load %arg9[%swap3A_325, %swap3A_326] {strides = array<i32>} : memref<8x1024xf32, #tpu.memory_space<vmem>>, vector<16xf32>,
      tpu.vector_store %arg9[%swap3A_325, %swap3A_326], %select_n3A_321 {strides = array<i32>} : memref<8x1024xf32, #tpu.memory_space<vmem>>, vector<16xf32>,
      %broadcast_in_dim3A_328 = arith.constant 6 : i32
      %broadcast_in_dim3A_329 = vector.broadcast %broadcast_in_dim3A_328 : i32 to vector<16xi32>
      %gather3A_330 = arith.constant 0 : i32
      %gather3A_331 = arith.constant 0 : i32
      %gather3A_332 = arith.constant 0 : i32
      %gather3A_333 = tpu.memref_slice %arg6[%gather3A_330, %gather3A_331, %gather3A_332] : memref<2x8x6272xf32, #tpu.memory_space<vmem>> -> memref<1x8x6272xf32, #tpu.memory_space<vmem>>
      %gather3A_334 = tpu.memref_squeeze %gather3A_333 : memref<1x8x6272xf32, #tpu.memory_space<vmem>> -> memref<8x6272xf32, #tpu.memory_space<vmem>>
      %gather3A_335 = tpu.vector_load_idx %gather3A_334[%broadcast_in_dim3A_329, %select_n3A_227] masked %and3A_223 : memref<8x6272xf32, #tpu.memory_space<vmem>>[vector<16xi32>, vector<16xi32>], vector<16xf32>, vector<16xi1>
      %broadcast_in_dim3A_336 = arith.constant 0.000000e+00 : f32
      %broadcast_in_dim3A_337 = vector.broadcast %broadcast_in_dim3A_336 : f32 to vector<16xf32>
      %select_n3A_338 = arith.select %and3A_223, %gather3A_335, %broadcast_in_dim3A_337 : vector<16xi1>, vector<16xf32>
      %mul3A_339 = arith.constant 16 : i32
      %mul3A_340 = arith.muli %scan3A_210, %mul3A_339 : i32
      %swap3A_341 = arith.constant 6 : i32
      %swap3A_342 = arith.index_cast %swap3A_341 : i32 to index
      %swap3A_343 = arith.index_cast %mul3A_340 : i32 to index
      %swap3A_344 = tpu.vector_load %arg9[%swap3A_342, %swap3A_343] {strides = array<i32>} : memref<8x1024xf32, #tpu.memory_space<vmem>>, vector<16xf32>,
      tpu.vector_store %arg9[%swap3A_342, %swap3A_343], %select_n3A_338 {strides = array<i32>} : memref<8x1024xf32, #tpu.memory_space<vmem>>, vector<16xf32>,
      %broadcast_in_dim3A_345 = arith.constant 7 : i32
      %broadcast_in_dim3A_346 = vector.broadcast %broadcast_in_dim3A_345 : i32 to vector<16xi32>
      %gather3A_347 = arith.constant 0 : i32
      %gather3A_348 = arith.constant 0 : i32
      %gather3A_349 = arith.constant 0 : i32
      %gather3A_350 = tpu.memref_slice %arg6[%gather3A_347, %gather3A_348, %gather3A_349] : memref<2x8x6272xf32, #tpu.memory_space<vmem>> -> memref<1x8x6272xf32, #tpu.memory_space<vmem>>
      %gather3A_351 = tpu.memref_squeeze %gather3A_350 : memref<1x8x6272xf32, #tpu.memory_space<vmem>> -> memref<8x6272xf32, #tpu.memory_space<vmem>>
      %gather3A_352 = tpu.vector_load_idx %gather3A_351[%broadcast_in_dim3A_346, %select_n3A_227] masked %and3A_223 : memref<8x6272xf32, #tpu.memory_space<vmem>>[vector<16xi32>, vector<16xi32>], vector<16xf32>, vector<16xi1>
      %broadcast_in_dim3A_353 = arith.constant 0.000000e+00 : f32
      %broadcast_in_dim3A_354 = vector.broadcast %broadcast_in_dim3A_353 : f32 to vector<16xf32>
      %select_n3A_355 = arith.select %and3A_223, %gather3A_352, %broadcast_in_dim3A_354 : vector<16xi1>, vector<16xf32>
      %mul3A_356 = arith.constant 16 : i32
      %mul3A_357 = arith.muli %scan3A_210, %mul3A_356 : i32
      %swap3A_358 = arith.constant 7 : i32
      %swap3A_359 = arith.index_cast %swap3A_358 : i32 to index
      %swap3A_360 = arith.index_cast %mul3A_357 : i32 to index
      %swap3A_361 = tpu.vector_load %arg9[%swap3A_359, %swap3A_360] {strides = array<i32>} : memref<8x1024xf32, #tpu.memory_space<vmem>>, vector<16xf32>,
      tpu.vector_store %arg9[%swap3A_359, %swap3A_360], %select_n3A_355 {strides = array<i32>} : memref<8x1024xf32, #tpu.memory_space<vmem>>, vector<16xf32>,
      %scan3A_362 = arith.constant 0 : i32
      %scan3A_363 = arith.constant 1 : i32
      %scan3A_364 = arith.addi %scan3A_210, %scan3A_363 : i32
      %mul3A_365 = arith.constant 16 : i32
      %mul3A_366 = arith.muli %scan3A_364, %mul3A_365 : i32
      %get3A_367 = arith.index_cast %mul3A_366 : i32 to index
      %get3A_368 = tpu.vector_load %arg8[%get3A_367] {strides = array<i32>} : memref<1024xi32, #tpu.memory_space<vmem>>, vector<16xi32>,
      %ge3A_369 = vector.broadcast %add3A_89 : i32 to vector<16xi32>
      %ge3A_370 = arith.cmpi sge, %get3A_368, %ge3A_369 : vector<16xi32>
      %add3A_371 = arith.constant 6272 : i32
      %add3A_372 = arith.addi %add3A_89, %add3A_371 : i32
      %lt3A_373 = vector.broadcast %add3A_372 : i32 to vector<16xi32>
      %lt3A_374 = arith.cmpi slt, %get3A_368, %lt3A_373 : vector<16xi32>
      %and3A_375 = arith.andi %ge3A_370, %lt3A_374 : vector<16xi1>
      %lt3A_376 = vector.broadcast %select_n3A_41 : i32 to vector<16xi32>
      %lt3A_377 = arith.cmpi slt, %get3A_368, %lt3A_376 : vector<16xi32>
      %and3A_378 = arith.andi %and3A_375, %lt3A_377 : vector<16xi1>
      %sub3A_379 = vector.broadcast %add3A_89 : i32 to vector<16xi32>
      %sub3A_380 = arith.subi %get3A_368, %sub3A_379 : vector<16xi32>
      %jit3A_381 = arith.constant 0 : i32
      %broadcast_in_dim3A_382 = vector.broadcast %jit3A_381 : i32 to vector<16xi32>
      %select_n3A_383 = arith.select %and3A_378, %sub3A_380, %broadcast_in_dim3A_382 : vector<16xi1>, vector<16xi32>
      %broadcast_in_dim3A_384 = arith.constant 0 : i32
      %broadcast_in_dim3A_385 = vector.broadcast %broadcast_in_dim3A_384 : i32 to vector<16xi32>
      %gather3A_386 = arith.constant 0 : i32
      %gather3A_387 = arith.constant 0 : i32
      %gather3A_388 = arith.constant 0 : i32
      %gather3A_389 = tpu.memref_slice %arg6[%gather3A_386, %gather3A_387, %gather3A_388] : memref<2x8x6272xf32, #tpu.memory_space<vmem>> -> memref<1x8x6272xf32, #tpu.memory_space<vmem>>
      %gather3A_390 = tpu.memref_squeeze %gather3A_389 : memref<1x8x6272xf32, #tpu.memory_space<vmem>> -> memref<8x6272xf32, #tpu.memory_space<vmem>>
      %gather3A_391 = tpu.vector_load_idx %gather3A_390[%broadcast_in_dim3A_385, %select_n3A_383] masked %and3A_378 : memref<8x6272xf32, #tpu.memory_space<vmem>>[vector<16xi32>, vector<16xi32>], vector<16xf32>, vector<16xi1>
      %broadcast_in_dim3A_392 = arith.constant 0.000000e+00 : f32
      %broadcast_in_dim3A_393 = vector.broadcast %broadcast_in_dim3A_392 : f32 to vector<16xf32>
      %select_n3A_394 = arith.select %and3A_378, %gather3A_391, %broadcast_in_dim3A_393 : vector<16xi1>, vector<16xf32>
      %mul3A_395 = arith.constant 16 : i32
      %mul3A_396 = arith.muli %scan3A_364, %mul3A_395 : i32
      %swap3A_397 = arith.constant 0 : i32
      %swap3A_398 = arith.index_cast %swap3A_397 : i32 to index
      %swap3A_399 = arith.index_cast %mul3A_396 : i32 to index
      %swap3A_400 = tpu.vector_load %arg9[%swap3A_398, %swap3A_399] {strides = array<i32>} : memref<8x1024xf32, #tpu.memory_space<vmem>>, vector<16xf32>,
      tpu.vector_store %arg9[%swap3A_398, %swap3A_399], %select_n3A_394 {strides = array<i32>} : memref<8x1024xf32, #tpu.memory_space<vmem>>, vector<16xf32>,
      %broadcast_in_dim3A_401 = arith.constant 1 : i32
      %broadcast_in_dim3A_402 = vector.broadcast %broadcast_in_dim3A_401 : i32 to vector<16xi32>
      %gather3A_403 = arith.constant 0 : i32
      %gather3A_404 = arith.constant 0 : i32
      %gather3A_405 = arith.constant 0 : i32
      %gather3A_406 = tpu.memref_slice %arg6[%gather3A_403, %gather3A_404, %gather3A_405] : memref<2x8x6272xf32, #tpu.memory_space<vmem>> -> memref<1x8x6272xf32, #tpu.memory_space<vmem>>
      %gather3A_407 = tpu.memref_squeeze %gather3A_406 : memref<1x8x6272xf32, #tpu.memory_space<vmem>> -> memref<8x6272xf32, #tpu.memory_space<vmem>>
      %gather3A_408 = tpu.vector_load_idx %gather3A_407[%broadcast_in_dim3A_402, %select_n3A_383] masked %and3A_378 : memref<8x6272xf32, #tpu.memory_space<vmem>>[vector<16xi32>, vector<16xi32>], vector<16xf32>, vector<16xi1>
      %broadcast_in_dim3A_409 = arith.constant 0.000000e+00 : f32
      %broadcast_in_dim3A_410 = vector.broadcast %broadcast_in_dim3A_409 : f32 to vector<16xf32>
      %select_n3A_411 = arith.select %and3A_378, %gather3A_408, %broadcast_in_dim3A_410 : vector<16xi1>, vector<16xf32>
      %mul3A_412 = arith.constant 16 : i32
      %mul3A_413 = arith.muli %scan3A_364, %mul3A_412 : i32
      %swap3A_414 = arith.constant 1 : i32
      %swap3A_415 = arith.index_cast %swap3A_414 : i32 to index
      %swap3A_416 = arith.index_cast %mul3A_413 : i32 to index
      %swap3A_417 = tpu.vector_load %arg9[%swap3A_415, %swap3A_416] {strides = array<i32>} : memref<8x1024xf32, #tpu.memory_space<vmem>>, vector<16xf32>,
      tpu.vector_store %arg9[%swap3A_415, %swap3A_416], %select_n3A_411 {strides = array<i32>} : memref<8x1024xf32, #tpu.memory_space<vmem>>, vector<16xf32>,
      %broadcast_in_dim3A_418 = arith.constant 2 : i32
      %broadcast_in_dim3A_419 = vector.broadcast %broadcast_in_dim3A_418 : i32 to vector<16xi32>
      %gather3A_420 = arith.constant 0 : i32
      %gather3A_421 = arith.constant 0 : i32
      %gather3A_422 = arith.constant 0 : i32
      %gather3A_423 = tpu.memref_slice %arg6[%gather3A_420, %gather3A_421, %gather3A_422] : memref<2x8x6272xf32, #tpu.memory_space<vmem>> -> memref<1x8x6272xf32, #tpu.memory_space<vmem>>
      %gather3A_424 = tpu.memref_squeeze %gather3A_423 : memref<1x8x6272xf32, #tpu.memory_space<vmem>> -> memref<8x6272xf32, #tpu.memory_space<vmem>>
      %gather3A_425 = tpu.vector_load_idx %gather3A_424[%broadcast_in_dim3A_419, %select_n3A_383] masked %and3A_378 : memref<8x6272xf32, #tpu.memory_space<vmem>>[vector<16xi32>, vector<16xi32>], vector<16xf32>, vector<16xi1>
      %broadcast_in_dim3A_426 = arith.constant 0.000000e+00 : f32
      %broadcast_in_dim3A_427 = vector.broadcast %broadcast_in_dim3A_426 : f32 to vector<16xf32>
      %select_n3A_428 = arith.select %and3A_378, %gather3A_425, %broadcast_in_dim3A_427 : vector<16xi1>, vector<16xf32>
      %mul3A_429 = arith.constant 16 : i32
      %mul3A_430 = arith.muli %scan3A_364, %mul3A_429 : i32
      %swap3A_431 = arith.constant 2 : i32
      %swap3A_432 = arith.index_cast %swap3A_431 : i32 to index
      %swap3A_433 = arith.index_cast %mul3A_430 : i32 to index
      %swap3A_434 = tpu.vector_load %arg9[%swap3A_432, %swap3A_433] {strides = array<i32>} : memref<8x1024xf32, #tpu.memory_space<vmem>>, vector<16xf32>,
      tpu.vector_store %arg9[%swap3A_432, %swap3A_433], %select_n3A_428 {strides = array<i32>} : memref<8x1024xf32, #tpu.memory_space<vmem>>, vector<16xf32>,
      %broadcast_in_dim3A_435 = arith.constant 3 : i32
      %broadcast_in_dim3A_436 = vector.broadcast %broadcast_in_dim3A_435 : i32 to vector<16xi32>
      %gather3A_437 = arith.constant 0 : i32
      %gather3A_438 = arith.constant 0 : i32
      %gather3A_439 = arith.constant 0 : i32
      %gather3A_440 = tpu.memref_slice %arg6[%gather3A_437, %gather3A_438, %gather3A_439] : memref<2x8x6272xf32, #tpu.memory_space<vmem>> -> memref<1x8x6272xf32, #tpu.memory_space<vmem>>
      %gather3A_441 = tpu.memref_squeeze %gather3A_440 : memref<1x8x6272xf32, #tpu.memory_space<vmem>> -> memref<8x6272xf32, #tpu.memory_space<vmem>>
      %gather3A_442 = tpu.vector_load_idx %gather3A_441[%broadcast_in_dim3A_436, %select_n3A_383] masked %and3A_378 : memref<8x6272xf32, #tpu.memory_space<vmem>>[vector<16xi32>, vector<16xi32>], vector<16xf32>, vector<16xi1>
      %broadcast_in_dim3A_443 = arith.constant 0.000000e+00 : f32
      %broadcast_in_dim3A_444 = vector.broadcast %broadcast_in_dim3A_443 : f32 to vector<16xf32>
      %select_n3A_445 = arith.select %and3A_378, %gather3A_442, %broadcast_in_dim3A_444 : vector<16xi1>, vector<16xf32>
      %mul3A_446 = arith.constant 16 : i32
      %mul3A_447 = arith.muli %scan3A_364, %mul3A_446 : i32
      %swap3A_448 = arith.constant 3 : i32
      %swap3A_449 = arith.index_cast %swap3A_448 : i32 to index
      %swap3A_450 = arith.index_cast %mul3A_447 : i32 to index
      %swap3A_451 = tpu.vector_load %arg9[%swap3A_449, %swap3A_450] {strides = array<i32>} : memref<8x1024xf32, #tpu.memory_space<vmem>>, vector<16xf32>,
      tpu.vector_store %arg9[%swap3A_449, %swap3A_450], %select_n3A_445 {strides = array<i32>} : memref<8x1024xf32, #tpu.memory_space<vmem>>, vector<16xf32>,
      %broadcast_in_dim3A_452 = arith.constant 4 : i32
      %broadcast_in_dim3A_453 = vector.broadcast %broadcast_in_dim3A_452 : i32 to vector<16xi32>
      %gather3A_454 = arith.constant 0 : i32
      %gather3A_455 = arith.constant 0 : i32
      %gather3A_456 = arith.constant 0 : i32
      %gather3A_457 = tpu.memref_slice %arg6[%gather3A_454, %gather3A_455, %gather3A_456] : memref<2x8x6272xf32, #tpu.memory_space<vmem>> -> memref<1x8x6272xf32, #tpu.memory_space<vmem>>
      %gather3A_458 = tpu.memref_squeeze %gather3A_457 : memref<1x8x6272xf32, #tpu.memory_space<vmem>> -> memref<8x6272xf32, #tpu.memory_space<vmem>>
      %gather3A_459 = tpu.vector_load_idx %gather3A_458[%broadcast_in_dim3A_453, %select_n3A_383] masked %and3A_378 : memref<8x6272xf32, #tpu.memory_space<vmem>>[vector<16xi32>, vector<16xi32>], vector<16xf32>, vector<16xi1>
      %broadcast_in_dim3A_460 = arith.constant 0.000000e+00 : f32
      %broadcast_in_dim3A_461 = vector.broadcast %broadcast_in_dim3A_460 : f32 to vector<16xf32>
      %select_n3A_462 = arith.select %and3A_378, %gather3A_459, %broadcast_in_dim3A_461 : vector<16xi1>, vector<16xf32>
      %mul3A_463 = arith.constant 16 : i32
      %mul3A_464 = arith.muli %scan3A_364, %mul3A_463 : i32
      %swap3A_465 = arith.constant 4 : i32
      %swap3A_466 = arith.index_cast %swap3A_465 : i32 to index
      %swap3A_467 = arith.index_cast %mul3A_464 : i32 to index
      %swap3A_468 = tpu.vector_load %arg9[%swap3A_466, %swap3A_467] {strides = array<i32>} : memref<8x1024xf32, #tpu.memory_space<vmem>>, vector<16xf32>,
      tpu.vector_store %arg9[%swap3A_466, %swap3A_467], %select_n3A_462 {strides = array<i32>} : memref<8x1024xf32, #tpu.memory_space<vmem>>, vector<16xf32>,
      %broadcast_in_dim3A_469 = arith.constant 5 : i32
      %broadcast_in_dim3A_470 = vector.broadcast %broadcast_in_dim3A_469 : i32 to vector<16xi32>
      %gather3A_471 = arith.constant 0 : i32
      %gather3A_472 = arith.constant 0 : i32
      %gather3A_473 = arith.constant 0 : i32
      %gather3A_474 = tpu.memref_slice %arg6[%gather3A_471, %gather3A_472, %gather3A_473] : memref<2x8x6272xf32, #tpu.memory_space<vmem>> -> memref<1x8x6272xf32, #tpu.memory_space<vmem>>
      %gather3A_475 = tpu.memref_squeeze %gather3A_474 : memref<1x8x6272xf32, #tpu.memory_space<vmem>> -> memref<8x6272xf32, #tpu.memory_space<vmem>>
      %gather3A_476 = tpu.vector_load_idx %gather3A_475[%broadcast_in_dim3A_470, %select_n3A_383] masked %and3A_378 : memref<8x6272xf32, #tpu.memory_space<vmem>>[vector<16xi32>, vector<16xi32>], vector<16xf32>, vector<16xi1>
      %broadcast_in_dim3A_477 = arith.constant 0.000000e+00 : f32
      %broadcast_in_dim3A_478 = vector.broadcast %broadcast_in_dim3A_477 : f32 to vector<16xf32>
      %select_n3A_479 = arith.select %and3A_378, %gather3A_476, %broadcast_in_dim3A_478 : vector<16xi1>, vector<16xf32>
      %mul3A_480 = arith.constant 16 : i32
      %mul3A_481 = arith.muli %scan3A_364, %mul3A_480 : i32
      %swap3A_482 = arith.constant 5 : i32
      %swap3A_483 = arith.index_cast %swap3A_482 : i32 to index
      %swap3A_484 = arith.index_cast %mul3A_481 : i32 to index
      %swap3A_485 = tpu.vector_load %arg9[%swap3A_483, %swap3A_484] {strides = array<i32>} : memref<8x1024xf32, #tpu.memory_space<vmem>>, vector<16xf32>,
      tpu.vector_store %arg9[%swap3A_483, %swap3A_484], %select_n3A_479 {strides = array<i32>} : memref<8x1024xf32, #tpu.memory_space<vmem>>, vector<16xf32>,
      %broadcast_in_dim3A_486 = arith.constant 6 : i32
      %broadcast_in_dim3A_487 = vector.broadcast %broadcast_in_dim3A_486 : i32 to vector<16xi32>
      %gather3A_488 = arith.constant 0 : i32
      %gather3A_489 = arith.constant 0 : i32
      %gather3A_490 = arith.constant 0 : i32
      %gather3A_491 = tpu.memref_slice %arg6[%gather3A_488, %gather3A_489, %gather3A_490] : memref<2x8x6272xf32, #tpu.memory_space<vmem>> -> memref<1x8x6272xf32, #tpu.memory_space<vmem>>
      %gather3A_492 = tpu.memref_squeeze %gather3A_491 : memref<1x8x6272xf32, #tpu.memory_space<vmem>> -> memref<8x6272xf32, #tpu.memory_space<vmem>>
      %gather3A_493 = tpu.vector_load_idx %gather3A_492[%broadcast_in_dim3A_487, %select_n3A_383] masked %and3A_378 : memref<8x6272xf32, #tpu.memory_space<vmem>>[vector<16xi32>, vector<16xi32>], vector<16xf32>, vector<16xi1>
      %broadcast_in_dim3A_494 = arith.constant 0.000000e+00 : f32
      %broadcast_in_dim3A_495 = vector.broadcast %broadcast_in_dim3A_494 : f32 to vector<16xf32>
      %select_n3A_496 = arith.select %and3A_378, %gather3A_493, %broadcast_in_dim3A_495 : vector<16xi1>, vector<16xf32>
      %mul3A_497 = arith.constant 16 : i32
      %mul3A_498 = arith.muli %scan3A_364, %mul3A_497 : i32
      %swap3A_499 = arith.constant 6 : i32
      %swap3A_500 = arith.index_cast %swap3A_499 : i32 to index
      %swap3A_501 = arith.index_cast %mul3A_498 : i32 to index
      %swap3A_502 = tpu.vector_load %arg9[%swap3A_500, %swap3A_501] {strides = array<i32>} : memref<8x1024xf32, #tpu.memory_space<vmem>>, vector<16xf32>,
      tpu.vector_store %arg9[%swap3A_500, %swap3A_501], %select_n3A_496 {strides = array<i32>} : memref<8x1024xf32, #tpu.memory_space<vmem>>, vector<16xf32>,
      %broadcast_in_dim3A_503 = arith.constant 7 : i32
      %broadcast_in_dim3A_504 = vector.broadcast %broadcast_in_dim3A_503 : i32 to vector<16xi32>
      %gather3A_505 = arith.constant 0 : i32
      %gather3A_506 = arith.constant 0 : i32
      %gather3A_507 = arith.constant 0 : i32
      %gather3A_508 = tpu.memref_slice %arg6[%gather3A_505, %gather3A_506, %gather3A_507] : memref<2x8x6272xf32, #tpu.memory_space<vmem>> -> memref<1x8x6272xf32, #tpu.memory_space<vmem>>
      %gather3A_509 = tpu.memref_squeeze %gather3A_508 : memref<1x8x6272xf32, #tpu.memory_space<vmem>> -> memref<8x6272xf32, #tpu.memory_space<vmem>>
      %gather3A_510 = tpu.vector_load_idx %gather3A_509[%broadcast_in_dim3A_504, %select_n3A_383] masked %and3A_378 : memref<8x6272xf32, #tpu.memory_space<vmem>>[vector<16xi32>, vector<16xi32>], vector<16xf32>, vector<16xi1>
      %broadcast_in_dim3A_511 = arith.constant 0.000000e+00 : f32
      %broadcast_in_dim3A_512 = vector.broadcast %broadcast_in_dim3A_511 : f32 to vector<16xf32>
      %select_n3A_513 = arith.select %and3A_378, %gather3A_510, %broadcast_in_dim3A_512 : vector<16xi1>, vector<16xf32>
      %mul3A_514 = arith.constant 16 : i32
      %mul3A_515 = arith.muli %scan3A_364, %mul3A_514 : i32
      %swap3A_516 = arith.constant 7 : i32
      %swap3A_517 = arith.index_cast %swap3A_516 : i32 to index
      %swap3A_518 = arith.index_cast %mul3A_515 : i32 to index
      %swap3A_519 = tpu.vector_load %arg9[%swap3A_517, %swap3A_518] {strides = array<i32>} : memref<8x1024xf32, #tpu.memory_space<vmem>>, vector<16xf32>,
      tpu.vector_store %arg9[%swap3A_517, %swap3A_518], %select_n3A_513 {strides = array<i32>} : memref<8x1024xf32, #tpu.memory_space<vmem>>, vector<16xf32>,
      %scan3A_520 = arith.constant 0 : i32
      %scan3A_521 = arith.constant 2 : i32
      %scan3A_522 = arith.addi %scan3A_210, %scan3A_521 : i32
      %mul3A_523 = arith.constant 16 : i32
      %mul3A_524 = arith.muli %scan3A_522, %mul3A_523 : i32
      %get3A_525 = arith.index_cast %mul3A_524 : i32 to index
      %get3A_526 = tpu.vector_load %arg8[%get3A_525] {strides = array<i32>} : memref<1024xi32, #tpu.memory_space<vmem>>, vector<16xi32>,
      %ge3A_527 = vector.broadcast %add3A_89 : i32 to vector<16xi32>
      %ge3A_528 = arith.cmpi sge, %get3A_526, %ge3A_527 : vector<16xi32>
      %add3A_529 = arith.constant 6272 : i32
      %add3A_530 = arith.addi %add3A_89, %add3A_529 : i32
      %lt3A_531 = vector.broadcast %add3A_530 : i32 to vector<16xi32>
      %lt3A_532 = arith.cmpi slt, %get3A_526, %lt3A_531 : vector<16xi32>
      %and3A_533 = arith.andi %ge3A_528, %lt3A_532 : vector<16xi1>
      %lt3A_534 = vector.broadcast %select_n3A_41 : i32 to vector<16xi32>
      %lt3A_535 = arith.cmpi slt, %get3A_526, %lt3A_534 : vector<16xi32>
      %and3A_536 = arith.andi %and3A_533, %lt3A_535 : vector<16xi1>
      %sub3A_537 = vector.broadcast %add3A_89 : i32 to vector<16xi32>
      %sub3A_538 = arith.subi %get3A_526, %sub3A_537 : vector<16xi32>
      %jit3A_539 = arith.constant 0 : i32
      %broadcast_in_dim3A_540 = vector.broadcast %jit3A_539 : i32 to vector<16xi32>
      %select_n3A_541 = arith.select %and3A_536, %sub3A_538, %broadcast_in_dim3A_540 : vector<16xi1>, vector<16xi32>
      %broadcast_in_dim3A_542 = arith.constant 0 : i32
      %broadcast_in_dim3A_543 = vector.broadcast %broadcast_in_dim3A_542 : i32 to vector<16xi32>
      %gather3A_544 = arith.constant 0 : i32
      %gather3A_545 = arith.constant 0 : i32
      %gather3A_546 = arith.constant 0 : i32
      %gather3A_547 = tpu.memref_slice %arg6[%gather3A_544, %gather3A_545, %gather3A_546] : memref<2x8x6272xf32, #tpu.memory_space<vmem>> -> memref<1x8x6272xf32, #tpu.memory_space<vmem>>
      %gather3A_548 = tpu.memref_squeeze %gather3A_547 : memref<1x8x6272xf32, #tpu.memory_space<vmem>> -> memref<8x6272xf32, #tpu.memory_space<vmem>>
      %gather3A_549 = tpu.vector_load_idx %gather3A_548[%broadcast_in_dim3A_543, %select_n3A_541] masked %and3A_536 : memref<8x6272xf32, #tpu.memory_space<vmem>>[vector<16xi32>, vector<16xi32>], vector<16xf32>, vector<16xi1>
      %broadcast_in_dim3A_550 = arith.constant 0.000000e+00 : f32
      %broadcast_in_dim3A_551 = vector.broadcast %broadcast_in_dim3A_550 : f32 to vector<16xf32>
      %select_n3A_552 = arith.select %and3A_536, %gather3A_549, %broadcast_in_dim3A_551 : vector<16xi1>, vector<16xf32>
      %mul3A_553 = arith.constant 16 : i32
      %mul3A_554 = arith.muli %scan3A_522, %mul3A_553 : i32
      %swap3A_555 = arith.constant 0 : i32
      %swap3A_556 = arith.index_cast %swap3A_555 : i32 to index
      %swap3A_557 = arith.index_cast %mul3A_554 : i32 to index
      %swap3A_558 = tpu.vector_load %arg9[%swap3A_556, %swap3A_557] {strides = array<i32>} : memref<8x1024xf32, #tpu.memory_space<vmem>>, vector<16xf32>,
      tpu.vector_store %arg9[%swap3A_556, %swap3A_557], %select_n3A_552 {strides = array<i32>} : memref<8x1024xf32, #tpu.memory_space<vmem>>, vector<16xf32>,
      %broadcast_in_dim3A_559 = arith.constant 1 : i32
      %broadcast_in_dim3A_560 = vector.broadcast %broadcast_in_dim3A_559 : i32 to vector<16xi32>
      %gather3A_561 = arith.constant 0 : i32
      %gather3A_562 = arith.constant 0 : i32
      %gather3A_563 = arith.constant 0 : i32
      %gather3A_564 = tpu.memref_slice %arg6[%gather3A_561, %gather3A_562, %gather3A_563] : memref<2x8x6272xf32, #tpu.memory_space<vmem>> -> memref<1x8x6272xf32, #tpu.memory_space<vmem>>
      %gather3A_565 = tpu.memref_squeeze %gather3A_564 : memref<1x8x6272xf32, #tpu.memory_space<vmem>> -> memref<8x6272xf32, #tpu.memory_space<vmem>>
      %gather3A_566 = tpu.vector_load_idx %gather3A_565[%broadcast_in_dim3A_560, %select_n3A_541] masked %and3A_536 : memref<8x6272xf32, #tpu.memory_space<vmem>>[vector<16xi32>, vector<16xi32>], vector<16xf32>, vector<16xi1>
      %broadcast_in_dim3A_567 = arith.constant 0.000000e+00 : f32
      %broadcast_in_dim3A_568 = vector.broadcast %broadcast_in_dim3A_567 : f32 to vector<16xf32>
      %select_n3A_569 = arith.select %and3A_536, %gather3A_566, %broadcast_in_dim3A_568 : vector<16xi1>, vector<16xf32>
      %mul3A_570 = arith.constant 16 : i32
      %mul3A_571 = arith.muli %scan3A_522, %mul3A_570 : i32
      %swap3A_572 = arith.constant 1 : i32
      %swap3A_573 = arith.index_cast %swap3A_572 : i32 to index
      %swap3A_574 = arith.index_cast %mul3A_571 : i32 to index
      %swap3A_575 = tpu.vector_load %arg9[%swap3A_573, %swap3A_574] {strides = array<i32>} : memref<8x1024xf32, #tpu.memory_space<vmem>>, vector<16xf32>,
      tpu.vector_store %arg9[%swap3A_573, %swap3A_574], %select_n3A_569 {strides = array<i32>} : memref<8x1024xf32, #tpu.memory_space<vmem>>, vector<16xf32>,
      %broadcast_in_dim3A_576 = arith.constant 2 : i32
      %broadcast_in_dim3A_577 = vector.broadcast %broadcast_in_dim3A_576 : i32 to vector<16xi32>
      %gather3A_578 = arith.constant 0 : i32
      %gather3A_579 = arith.constant 0 : i32
      %gather3A_580 = arith.constant 0 : i32
      %gather3A_581 = tpu.memref_slice %arg6[%gather3A_578, %gather3A_579, %gather3A_580] : memref<2x8x6272xf32, #tpu.memory_space<vmem>> -> memref<1x8x6272xf32, #tpu.memory_space<vmem>>
      %gather3A_582 = tpu.memref_squeeze %gather3A_581 : memref<1x8x6272xf32, #tpu.memory_space<vmem>> -> memref<8x6272xf32, #tpu.memory_space<vmem>>
      %gather3A_583 = tpu.vector_load_idx %gather3A_582[%broadcast_in_dim3A_577, %select_n3A_541] masked %and3A_536 : memref<8x6272xf32, #tpu.memory_space<vmem>>[vector<16xi32>, vector<16xi32>], vector<16xf32>, vector<16xi1>
      %broadcast_in_dim3A_584 = arith.constant 0.000000e+00 : f32
      %broadcast_in_dim3A_585 = vector.broadcast %broadcast_in_dim3A_584 : f32 to vector<16xf32>
      %select_n3A_586 = arith.select %and3A_536, %gather3A_583, %broadcast_in_dim3A_585 : vector<16xi1>, vector<16xf32>
      %mul3A_587 = arith.constant 16 : i32
      %mul3A_588 = arith.muli %scan3A_522, %mul3A_587 : i32
      %swap3A_589 = arith.constant 2 : i32
      %swap3A_590 = arith.index_cast %swap3A_589 : i32 to index
      %swap3A_591 = arith.index_cast %mul3A_588 : i32 to index
      %swap3A_592 = tpu.vector_load %arg9[%swap3A_590, %swap3A_591] {strides = array<i32>} : memref<8x1024xf32, #tpu.memory_space<vmem>>, vector<16xf32>,
      tpu.vector_store %arg9[%swap3A_590, %swap3A_591], %select_n3A_586 {strides = array<i32>} : memref<8x1024xf32, #tpu.memory_space<vmem>>, vector<16xf32>,
      %broadcast_in_dim3A_593 = arith.constant 3 : i32
      %broadcast_in_dim3A_594 = vector.broadcast %broadcast_in_dim3A_593 : i32 to vector<16xi32>
      %gather3A_595 = arith.constant 0 : i32
      %gather3A_596 = arith.constant 0 : i32
      %gather3A_597 = arith.constant 0 : i32
      %gather3A_598 = tpu.memref_slice %arg6[%gather3A_595, %gather3A_596, %gather3A_597] : memref<2x8x6272xf32, #tpu.memory_space<vmem>> -> memref<1x8x6272xf32, #tpu.memory_space<vmem>>
      %gather3A_599 = tpu.memref_squeeze %gather3A_598 : memref<1x8x6272xf32, #tpu.memory_space<vmem>> -> memref<8x6272xf32, #tpu.memory_space<vmem>>
      %gather3A_600 = tpu.vector_load_idx %gather3A_599[%broadcast_in_dim3A_594, %select_n3A_541] masked %and3A_536 : memref<8x6272xf32, #tpu.memory_space<vmem>>[vector<16xi32>, vector<16xi32>], vector<16xf32>, vector<16xi1>
      %broadcast_in_dim3A_601 = arith.constant 0.000000e+00 : f32
      %broadcast_in_dim3A_602 = vector.broadcast %broadcast_in_dim3A_601 : f32 to vector<16xf32>
      %select_n3A_603 = arith.select %and3A_536, %gather3A_600, %broadcast_in_dim3A_602 : vector<16xi1>, vector<16xf32>
      %mul3A_604 = arith.constant 16 : i32
      %mul3A_605 = arith.muli %scan3A_522, %mul3A_604 : i32
      %swap3A_606 = arith.constant 3 : i32
      %swap3A_607 = arith.index_cast %swap3A_606 : i32 to index
      %swap3A_608 = arith.index_cast %mul3A_605 : i32 to index
      %swap3A_609 = tpu.vector_load %arg9[%swap3A_607, %swap3A_608] {strides = array<i32>} : memref<8x1024xf32, #tpu.memory_space<vmem>>, vector<16xf32>,
      tpu.vector_store %arg9[%swap3A_607, %swap3A_608], %select_n3A_603 {strides = array<i32>} : memref<8x1024xf32, #tpu.memory_space<vmem>>, vector<16xf32>,
      %broadcast_in_dim3A_610 = arith.constant 4 : i32
      %broadcast_in_dim3A_611 = vector.broadcast %broadcast_in_dim3A_610 : i32 to vector<16xi32>
      %gather3A_612 = arith.constant 0 : i32
      %gather3A_613 = arith.constant 0 : i32
      %gather3A_614 = arith.constant 0 : i32
      %gather3A_615 = tpu.memref_slice %arg6[%gather3A_612, %gather3A_613, %gather3A_614] : memref<2x8x6272xf32, #tpu.memory_space<vmem>> -> memref<1x8x6272xf32, #tpu.memory_space<vmem>>
      %gather3A_616 = tpu.memref_squeeze %gather3A_615 : memref<1x8x6272xf32, #tpu.memory_space<vmem>> -> memref<8x6272xf32, #tpu.memory_space<vmem>>
      %gather3A_617 = tpu.vector_load_idx %gather3A_616[%broadcast_in_dim3A_611, %select_n3A_541] masked %and3A_536 : memref<8x6272xf32, #tpu.memory_space<vmem>>[vector<16xi32>, vector<16xi32>], vector<16xf32>, vector<16xi1>
      %broadcast_in_dim3A_618 = arith.constant 0.000000e+00 : f32
      %broadcast_in_dim3A_619 = vector.broadcast %broadcast_in_dim3A_618 : f32 to vector<16xf32>
      %select_n3A_620 = arith.select %and3A_536, %gather3A_617, %broadcast_in_dim3A_619 : vector<16xi1>, vector<16xf32>
      %mul3A_621 = arith.constant 16 : i32
      %mul3A_622 = arith.muli %scan3A_522, %mul3A_621 : i32
      %swap3A_623 = arith.constant 4 : i32
      %swap3A_624 = arith.index_cast %swap3A_623 : i32 to index
      %swap3A_625 = arith.index_cast %mul3A_622 : i32 to index
      %swap3A_626 = tpu.vector_load %arg9[%swap3A_624, %swap3A_625] {strides = array<i32>} : memref<8x1024xf32, #tpu.memory_space<vmem>>, vector<16xf32>,
      tpu.vector_store %arg9[%swap3A_624, %swap3A_625], %select_n3A_620 {strides = array<i32>} : memref<8x1024xf32, #tpu.memory_space<vmem>>, vector<16xf32>,
      %broadcast_in_dim3A_627 = arith.constant 5 : i32
      %broadcast_in_dim3A_628 = vector.broadcast %broadcast_in_dim3A_627 : i32 to vector<16xi32>
      %gather3A_629 = arith.constant 0 : i32
      %gather3A_630 = arith.constant 0 : i32
      %gather3A_631 = arith.constant 0 : i32
      %gather3A_632 = tpu.memref_slice %arg6[%gather3A_629, %gather3A_630, %gather3A_631] : memref<2x8x6272xf32, #tpu.memory_space<vmem>> -> memref<1x8x6272xf32, #tpu.memory_space<vmem>>
      %gather3A_633 = tpu.memref_squeeze %gather3A_632 : memref<1x8x6272xf32, #tpu.memory_space<vmem>> -> memref<8x6272xf32, #tpu.memory_space<vmem>>
      %gather3A_634 = tpu.vector_load_idx %gather3A_633[%broadcast_in_dim3A_628, %select_n3A_541] masked %and3A_536 : memref<8x6272xf32, #tpu.memory_space<vmem>>[vector<16xi32>, vector<16xi32>], vector<16xf32>, vector<16xi1>
      %broadcast_in_dim3A_635 = arith.constant 0.000000e+00 : f32
      %broadcast_in_dim3A_636 = vector.broadcast %broadcast_in_dim3A_635 : f32 to vector<16xf32>
      %select_n3A_637 = arith.select %and3A_536, %gather3A_634, %broadcast_in_dim3A_636 : vector<16xi1>, vector<16xf32>
      %mul3A_638 = arith.constant 16 : i32
      %mul3A_639 = arith.muli %scan3A_522, %mul3A_638 : i32
      %swap3A_640 = arith.constant 5 : i32
      %swap3A_641 = arith.index_cast %swap3A_640 : i32 to index
      %swap3A_642 = arith.index_cast %mul3A_639 : i32 to index
      %swap3A_643 = tpu.vector_load %arg9[%swap3A_641, %swap3A_642] {strides = array<i32>} : memref<8x1024xf32, #tpu.memory_space<vmem>>, vector<16xf32>,
      tpu.vector_store %arg9[%swap3A_641, %swap3A_642], %select_n3A_637 {strides = array<i32>} : memref<8x1024xf32, #tpu.memory_space<vmem>>, vector<16xf32>,
      %broadcast_in_dim3A_644 = arith.constant 6 : i32
      %broadcast_in_dim3A_645 = vector.broadcast %broadcast_in_dim3A_644 : i32 to vector<16xi32>
      %gather3A_646 = arith.constant 0 : i32
      %gather3A_647 = arith.constant 0 : i32
      %gather3A_648 = arith.constant 0 : i32
      %gather3A_649 = tpu.memref_slice %arg6[%gather3A_646, %gather3A_647, %gather3A_648] : memref<2x8x6272xf32, #tpu.memory_space<vmem>> -> memref<1x8x6272xf32, #tpu.memory_space<vmem>>
      %gather3A_650 = tpu.memref_squeeze %gather3A_649 : memref<1x8x6272xf32, #tpu.memory_space<vmem>> -> memref<8x6272xf32, #tpu.memory_space<vmem>>
      %gather3A_651 = tpu.vector_load_idx %gather3A_650[%broadcast_in_dim3A_645, %select_n3A_541] masked %and3A_536 : memref<8x6272xf32, #tpu.memory_space<vmem>>[vector<16xi32>, vector<16xi32>], vector<16xf32>, vector<16xi1>
      %broadcast_in_dim3A_652 = arith.constant 0.000000e+00 : f32
      %broadcast_in_dim3A_653 = vector.broadcast %broadcast_in_dim3A_652 : f32 to vector<16xf32>
      %select_n3A_654 = arith.select %and3A_536, %gather3A_651, %broadcast_in_dim3A_653 : vector<16xi1>, vector<16xf32>
      %mul3A_655 = arith.constant 16 : i32
      %mul3A_656 = arith.muli %scan3A_522, %mul3A_655 : i32
      %swap3A_657 = arith.constant 6 : i32
      %swap3A_658 = arith.index_cast %swap3A_657 : i32 to index
      %swap3A_659 = arith.index_cast %mul3A_656 : i32 to index
      %swap3A_660 = tpu.vector_load %arg9[%swap3A_658, %swap3A_659] {strides = array<i32>} : memref<8x1024xf32, #tpu.memory_space<vmem>>, vector<16xf32>,
      tpu.vector_store %arg9[%swap3A_658, %swap3A_659], %select_n3A_654 {strides = array<i32>} : memref<8x1024xf32, #tpu.memory_space<vmem>>, vector<16xf32>,
      %broadcast_in_dim3A_661 = arith.constant 7 : i32
      %broadcast_in_dim3A_662 = vector.broadcast %broadcast_in_dim3A_661 : i32 to vector<16xi32>
      %gather3A_663 = arith.constant 0 : i32
      %gather3A_664 = arith.constant 0 : i32
      %gather3A_665 = arith.constant 0 : i32
      %gather3A_666 = tpu.memref_slice %arg6[%gather3A_663, %gather3A_664, %gather3A_665] : memref<2x8x6272xf32, #tpu.memory_space<vmem>> -> memref<1x8x6272xf32, #tpu.memory_space<vmem>>
      %gather3A_667 = tpu.memref_squeeze %gather3A_666 : memref<1x8x6272xf32, #tpu.memory_space<vmem>> -> memref<8x6272xf32, #tpu.memory_space<vmem>>
      %gather3A_668 = tpu.vector_load_idx %gather3A_667[%broadcast_in_dim3A_662, %select_n3A_541] masked %and3A_536 : memref<8x6272xf32, #tpu.memory_space<vmem>>[vector<16xi32>, vector<16xi32>], vector<16xf32>, vector<16xi1>
      %broadcast_in_dim3A_669 = arith.constant 0.000000e+00 : f32
      %broadcast_in_dim3A_670 = vector.broadcast %broadcast_in_dim3A_669 : f32 to vector<16xf32>
      %select_n3A_671 = arith.select %and3A_536, %gather3A_668, %broadcast_in_dim3A_670 : vector<16xi1>, vector<16xf32>
      %mul3A_672 = arith.constant 16 : i32
      %mul3A_673 = arith.muli %scan3A_522, %mul3A_672 : i32
      %swap3A_674 = arith.constant 7 : i32
      %swap3A_675 = arith.index_cast %swap3A_674 : i32 to index
      %swap3A_676 = arith.index_cast %mul3A_673 : i32 to index
      %swap3A_677 = tpu.vector_load %arg9[%swap3A_675, %swap3A_676] {strides = array<i32>} : memref<8x1024xf32, #tpu.memory_space<vmem>>, vector<16xf32>,
      tpu.vector_store %arg9[%swap3A_675, %swap3A_676], %select_n3A_671 {strides = array<i32>} : memref<8x1024xf32, #tpu.memory_space<vmem>>, vector<16xf32>,
      %scan3A_678 = arith.constant 0 : i32
      %scan3A_679 = arith.constant 3 : i32
      %scan3A_680 = arith.addi %scan3A_210, %scan3A_679 : i32
      %mul3A_681 = arith.constant 16 : i32
      %mul3A_682 = arith.muli %scan3A_680, %mul3A_681 : i32
      %get3A_683 = arith.index_cast %mul3A_682 : i32 to index
      %get3A_684 = tpu.vector_load %arg8[%get3A_683] {strides = array<i32>} : memref<1024xi32, #tpu.memory_space<vmem>>, vector<16xi32>,
      %ge3A_685 = vector.broadcast %add3A_89 : i32 to vector<16xi32>
      %ge3A_686 = arith.cmpi sge, %get3A_684, %ge3A_685 : vector<16xi32>
      %add3A_687 = arith.constant 6272 : i32
      %add3A_688 = arith.addi %add3A_89, %add3A_687 : i32
      %lt3A_689 = vector.broadcast %add3A_688 : i32 to vector<16xi32>
      %lt3A_690 = arith.cmpi slt, %get3A_684, %lt3A_689 : vector<16xi32>
      %and3A_691 = arith.andi %ge3A_686, %lt3A_690 : vector<16xi1>
      %lt3A_692 = vector.broadcast %select_n3A_41 : i32 to vector<16xi32>
      %lt3A_693 = arith.cmpi slt, %get3A_684, %lt3A_692 : vector<16xi32>
      %and3A_694 = arith.andi %and3A_691, %lt3A_693 : vector<16xi1>
      %sub3A_695 = vector.broadcast %add3A_89 : i32 to vector<16xi32>
      %sub3A_696 = arith.subi %get3A_684, %sub3A_695 : vector<16xi32>
      %jit3A_697 = arith.constant 0 : i32
      %broadcast_in_dim3A_698 = vector.broadcast %jit3A_697 : i32 to vector<16xi32>
      %select_n3A_699 = arith.select %and3A_694, %sub3A_696, %broadcast_in_dim3A_698 : vector<16xi1>, vector<16xi32>
      %broadcast_in_dim3A_700 = arith.constant 0 : i32
      %broadcast_in_dim3A_701 = vector.broadcast %broadcast_in_dim3A_700 : i32 to vector<16xi32>
      %gather3A_702 = arith.constant 0 : i32
      %gather3A_703 = arith.constant 0 : i32
      %gather3A_704 = arith.constant 0 : i32
      %gather3A_705 = tpu.memref_slice %arg6[%gather3A_702, %gather3A_703, %gather3A_704] : memref<2x8x6272xf32, #tpu.memory_space<vmem>> -> memref<1x8x6272xf32, #tpu.memory_space<vmem>>
      %gather3A_706 = tpu.memref_squeeze %gather3A_705 : memref<1x8x6272xf32, #tpu.memory_space<vmem>> -> memref<8x6272xf32, #tpu.memory_space<vmem>>
      %gather3A_707 = tpu.vector_load_idx %gather3A_706[%broadcast_in_dim3A_701, %select_n3A_699] masked %and3A_694 : memref<8x6272xf32, #tpu.memory_space<vmem>>[vector<16xi32>, vector<16xi32>], vector<16xf32>, vector<16xi1>
      %broadcast_in_dim3A_708 = arith.constant 0.000000e+00 : f32
      %broadcast_in_dim3A_709 = vector.broadcast %broadcast_in_dim3A_708 : f32 to vector<16xf32>
      %select_n3A_710 = arith.select %and3A_694, %gather3A_707, %broadcast_in_dim3A_709 : vector<16xi1>, vector<16xf32>
      %mul3A_711 = arith.constant 16 : i32
      %mul3A_712 = arith.muli %scan3A_680, %mul3A_711 : i32
      %swap3A_713 = arith.constant 0 : i32
      %swap3A_714 = arith.index_cast %swap3A_713 : i32 to index
      %swap3A_715 = arith.index_cast %mul3A_712 : i32 to index
      %swap3A_716 = tpu.vector_load %arg9[%swap3A_714, %swap3A_715] {strides = array<i32>} : memref<8x1024xf32, #tpu.memory_space<vmem>>, vector<16xf32>,
      tpu.vector_store %arg9[%swap3A_714, %swap3A_715], %select_n3A_710 {strides = array<i32>} : memref<8x1024xf32, #tpu.memory_space<vmem>>, vector<16xf32>,
      %broadcast_in_dim3A_717 = arith.constant 1 : i32
      %broadcast_in_dim3A_718 = vector.broadcast %broadcast_in_dim3A_717 : i32 to vector<16xi32>
      %gather3A_719 = arith.constant 0 : i32
      %gather3A_720 = arith.constant 0 : i32
      %gather3A_721 = arith.constant 0 : i32
      %gather3A_722 = tpu.memref_slice %arg6[%gather3A_719, %gather3A_720, %gather3A_721] : memref<2x8x6272xf32, #tpu.memory_space<vmem>> -> memref<1x8x6272xf32, #tpu.memory_space<vmem>>
      %gather3A_723 = tpu.memref_squeeze %gather3A_722 : memref<1x8x6272xf32, #tpu.memory_space<vmem>> -> memref<8x6272xf32, #tpu.memory_space<vmem>>
      %gather3A_724 = tpu.vector_load_idx %gather3A_723[%broadcast_in_dim3A_718, %select_n3A_699] masked %and3A_694 : memref<8x6272xf32, #tpu.memory_space<vmem>>[vector<16xi32>, vector<16xi32>], vector<16xf32>, vector<16xi1>
      %broadcast_in_dim3A_725 = arith.constant 0.000000e+00 : f32
      %broadcast_in_dim3A_726 = vector.broadcast %broadcast_in_dim3A_725 : f32 to vector<16xf32>
      %select_n3A_727 = arith.select %and3A_694, %gather3A_724, %broadcast_in_dim3A_726 : vector<16xi1>, vector<16xf32>
      %mul3A_728 = arith.constant 16 : i32
      %mul3A_729 = arith.muli %scan3A_680, %mul3A_728 : i32
      %swap3A_730 = arith.constant 1 : i32
      %swap3A_731 = arith.index_cast %swap3A_730 : i32 to index
      %swap3A_732 = arith.index_cast %mul3A_729 : i32 to index
      %swap3A_733 = tpu.vector_load %arg9[%swap3A_731, %swap3A_732] {strides = array<i32>} : memref<8x1024xf32, #tpu.memory_space<vmem>>, vector<16xf32>,
      tpu.vector_store %arg9[%swap3A_731, %swap3A_732], %select_n3A_727 {strides = array<i32>} : memref<8x1024xf32, #tpu.memory_space<vmem>>, vector<16xf32>,
      %broadcast_in_dim3A_734 = arith.constant 2 : i32
      %broadcast_in_dim3A_735 = vector.broadcast %broadcast_in_dim3A_734 : i32 to vector<16xi32>
      %gather3A_736 = arith.constant 0 : i32
      %gather3A_737 = arith.constant 0 : i32
      %gather3A_738 = arith.constant 0 : i32
      %gather3A_739 = tpu.memref_slice %arg6[%gather3A_736, %gather3A_737, %gather3A_738] : memref<2x8x6272xf32, #tpu.memory_space<vmem>> -> memref<1x8x6272xf32, #tpu.memory_space<vmem>>
      %gather3A_740 = tpu.memref_squeeze %gather3A_739 : memref<1x8x6272xf32, #tpu.memory_space<vmem>> -> memref<8x6272xf32, #tpu.memory_space<vmem>>
      %gather3A_741 = tpu.vector_load_idx %gather3A_740[%broadcast_in_dim3A_735, %select_n3A_699] masked %and3A_694 : memref<8x6272xf32, #tpu.memory_space<vmem>>[vector<16xi32>, vector<16xi32>], vector<16xf32>, vector<16xi1>
      %broadcast_in_dim3A_742 = arith.constant 0.000000e+00 : f32
      %broadcast_in_dim3A_743 = vector.broadcast %broadcast_in_dim3A_742 : f32 to vector<16xf32>
      %select_n3A_744 = arith.select %and3A_694, %gather3A_741, %broadcast_in_dim3A_743 : vector<16xi1>, vector<16xf32>
      %mul3A_745 = arith.constant 16 : i32
      %mul3A_746 = arith.muli %scan3A_680, %mul3A_745 : i32
      %swap3A_747 = arith.constant 2 : i32
      %swap3A_748 = arith.index_cast %swap3A_747 : i32 to index
      %swap3A_749 = arith.index_cast %mul3A_746 : i32 to index
      %swap3A_750 = tpu.vector_load %arg9[%swap3A_748, %swap3A_749] {strides = array<i32>} : memref<8x1024xf32, #tpu.memory_space<vmem>>, vector<16xf32>,
      tpu.vector_store %arg9[%swap3A_748, %swap3A_749], %select_n3A_744 {strides = array<i32>} : memref<8x1024xf32, #tpu.memory_space<vmem>>, vector<16xf32>,
      %broadcast_in_dim3A_751 = arith.constant 3 : i32
      %broadcast_in_dim3A_752 = vector.broadcast %broadcast_in_dim3A_751 : i32 to vector<16xi32>
      %gather3A_753 = arith.constant 0 : i32
      %gather3A_754 = arith.constant 0 : i32
      %gather3A_755 = arith.constant 0 : i32
      %gather3A_756 = tpu.memref_slice %arg6[%gather3A_753, %gather3A_754, %gather3A_755] : memref<2x8x6272xf32, #tpu.memory_space<vmem>> -> memref<1x8x6272xf32, #tpu.memory_space<vmem>>
      %gather3A_757 = tpu.memref_squeeze %gather3A_756 : memref<1x8x6272xf32, #tpu.memory_space<vmem>> -> memref<8x6272xf32, #tpu.memory_space<vmem>>
      %gather3A_758 = tpu.vector_load_idx %gather3A_757[%broadcast_in_dim3A_752, %select_n3A_699] masked %and3A_694 : memref<8x6272xf32, #tpu.memory_space<vmem>>[vector<16xi32>, vector<16xi32>], vector<16xf32>, vector<16xi1>
      %broadcast_in_dim3A_759 = arith.constant 0.000000e+00 : f32
      %broadcast_in_dim3A_760 = vector.broadcast %broadcast_in_dim3A_759 : f32 to vector<16xf32>
      %select_n3A_761 = arith.select %and3A_694, %gather3A_758, %broadcast_in_dim3A_760 : vector<16xi1>, vector<16xf32>
      %mul3A_762 = arith.constant 16 : i32
      %mul3A_763 = arith.muli %scan3A_680, %mul3A_762 : i32
      %swap3A_764 = arith.constant 3 : i32
      %swap3A_765 = arith.index_cast %swap3A_764 : i32 to index
      %swap3A_766 = arith.index_cast %mul3A_763 : i32 to index
      %swap3A_767 = tpu.vector_load %arg9[%swap3A_765, %swap3A_766] {strides = array<i32>} : memref<8x1024xf32, #tpu.memory_space<vmem>>, vector<16xf32>,
      tpu.vector_store %arg9[%swap3A_765, %swap3A_766], %select_n3A_761 {strides = array<i32>} : memref<8x1024xf32, #tpu.memory_space<vmem>>, vector<16xf32>,
      %broadcast_in_dim3A_768 = arith.constant 4 : i32
      %broadcast_in_dim3A_769 = vector.broadcast %broadcast_in_dim3A_768 : i32 to vector<16xi32>
      %gather3A_770 = arith.constant 0 : i32
      %gather3A_771 = arith.constant 0 : i32
      %gather3A_772 = arith.constant 0 : i32
      %gather3A_773 = tpu.memref_slice %arg6[%gather3A_770, %gather3A_771, %gather3A_772] : memref<2x8x6272xf32, #tpu.memory_space<vmem>> -> memref<1x8x6272xf32, #tpu.memory_space<vmem>>
      %gather3A_774 = tpu.memref_squeeze %gather3A_773 : memref<1x8x6272xf32, #tpu.memory_space<vmem>> -> memref<8x6272xf32, #tpu.memory_space<vmem>>
      %gather3A_775 = tpu.vector_load_idx %gather3A_774[%broadcast_in_dim3A_769, %select_n3A_699] masked %and3A_694 : memref<8x6272xf32, #tpu.memory_space<vmem>>[vector<16xi32>, vector<16xi32>], vector<16xf32>, vector<16xi1>
      %broadcast_in_dim3A_776 = arith.constant 0.000000e+00 : f32
      %broadcast_in_dim3A_777 = vector.broadcast %broadcast_in_dim3A_776 : f32 to vector<16xf32>
      %select_n3A_778 = arith.select %and3A_694, %gather3A_775, %broadcast_in_dim3A_777 : vector<16xi1>, vector<16xf32>
      %mul3A_779 = arith.constant 16 : i32
      %mul3A_780 = arith.muli %scan3A_680, %mul3A_779 : i32
      %swap3A_781 = arith.constant 4 : i32
      %swap3A_782 = arith.index_cast %swap3A_781 : i32 to index
      %swap3A_783 = arith.index_cast %mul3A_780 : i32 to index
      %swap3A_784 = tpu.vector_load %arg9[%swap3A_782, %swap3A_783] {strides = array<i32>} : memref<8x1024xf32, #tpu.memory_space<vmem>>, vector<16xf32>,
      tpu.vector_store %arg9[%swap3A_782, %swap3A_783], %select_n3A_778 {strides = array<i32>} : memref<8x1024xf32, #tpu.memory_space<vmem>>, vector<16xf32>,
      %broadcast_in_dim3A_785 = arith.constant 5 : i32
      %broadcast_in_dim3A_786 = vector.broadcast %broadcast_in_dim3A_785 : i32 to vector<16xi32>
      %gather3A_787 = arith.constant 0 : i32
      %gather3A_788 = arith.constant 0 : i32
      %gather3A_789 = arith.constant 0 : i32
      %gather3A_790 = tpu.memref_slice %arg6[%gather3A_787, %gather3A_788, %gather3A_789] : memref<2x8x6272xf32, #tpu.memory_space<vmem>> -> memref<1x8x6272xf32, #tpu.memory_space<vmem>>
      %gather3A_791 = tpu.memref_squeeze %gather3A_790 : memref<1x8x6272xf32, #tpu.memory_space<vmem>> -> memref<8x6272xf32, #tpu.memory_space<vmem>>
      %gather3A_792 = tpu.vector_load_idx %gather3A_791[%broadcast_in_dim3A_786, %select_n3A_699] masked %and3A_694 : memref<8x6272xf32, #tpu.memory_space<vmem>>[vector<16xi32>, vector<16xi32>], vector<16xf32>, vector<16xi1>
      %broadcast_in_dim3A_793 = arith.constant 0.000000e+00 : f32
      %broadcast_in_dim3A_794 = vector.broadcast %broadcast_in_dim3A_793 : f32 to vector<16xf32>
      %select_n3A_795 = arith.select %and3A_694, %gather3A_792, %broadcast_in_dim3A_794 : vector<16xi1>, vector<16xf32>
      %mul3A_796 = arith.constant 16 : i32
      %mul3A_797 = arith.muli %scan3A_680, %mul3A_796 : i32
      %swap3A_798 = arith.constant 5 : i32
      %swap3A_799 = arith.index_cast %swap3A_798 : i32 to index
      %swap3A_800 = arith.index_cast %mul3A_797 : i32 to index
      %swap3A_801 = tpu.vector_load %arg9[%swap3A_799, %swap3A_800] {strides = array<i32>} : memref<8x1024xf32, #tpu.memory_space<vmem>>, vector<16xf32>,
      tpu.vector_store %arg9[%swap3A_799, %swap3A_800], %select_n3A_795 {strides = array<i32>} : memref<8x1024xf32, #tpu.memory_space<vmem>>, vector<16xf32>,
      %broadcast_in_dim3A_802 = arith.constant 6 : i32
      %broadcast_in_dim3A_803 = vector.broadcast %broadcast_in_dim3A_802 : i32 to vector<16xi32>
      %gather3A_804 = arith.constant 0 : i32
      %gather3A_805 = arith.constant 0 : i32
      %gather3A_806 = arith.constant 0 : i32
      %gather3A_807 = tpu.memref_slice %arg6[%gather3A_804, %gather3A_805, %gather3A_806] : memref<2x8x6272xf32, #tpu.memory_space<vmem>> -> memref<1x8x6272xf32, #tpu.memory_space<vmem>>
      %gather3A_808 = tpu.memref_squeeze %gather3A_807 : memref<1x8x6272xf32, #tpu.memory_space<vmem>> -> memref<8x6272xf32, #tpu.memory_space<vmem>>
      %gather3A_809 = tpu.vector_load_idx %gather3A_808[%broadcast_in_dim3A_803, %select_n3A_699] masked %and3A_694 : memref<8x6272xf32, #tpu.memory_space<vmem>>[vector<16xi32>, vector<16xi32>], vector<16xf32>, vector<16xi1>
      %broadcast_in_dim3A_810 = arith.constant 0.000000e+00 : f32
      %broadcast_in_dim3A_811 = vector.broadcast %broadcast_in_dim3A_810 : f32 to vector<16xf32>
      %select_n3A_812 = arith.select %and3A_694, %gather3A_809, %broadcast_in_dim3A_811 : vector<16xi1>, vector<16xf32>
      %mul3A_813 = arith.constant 16 : i32
      %mul3A_814 = arith.muli %scan3A_680, %mul3A_813 : i32
      %swap3A_815 = arith.constant 6 : i32
      %swap3A_816 = arith.index_cast %swap3A_815 : i32 to index
      %swap3A_817 = arith.index_cast %mul3A_814 : i32 to index
      %swap3A_818 = tpu.vector_load %arg9[%swap3A_816, %swap3A_817] {strides = array<i32>} : memref<8x1024xf32, #tpu.memory_space<vmem>>, vector<16xf32>,
      tpu.vector_store %arg9[%swap3A_816, %swap3A_817], %select_n3A_812 {strides = array<i32>} : memref<8x1024xf32, #tpu.memory_space<vmem>>, vector<16xf32>,
      %broadcast_in_dim3A_819 = arith.constant 7 : i32
      %broadcast_in_dim3A_820 = vector.broadcast %broadcast_in_dim3A_819 : i32 to vector<16xi32>
      %gather3A_821 = arith.constant 0 : i32
      %gather3A_822 = arith.constant 0 : i32
      %gather3A_823 = arith.constant 0 : i32
      %gather3A_824 = tpu.memref_slice %arg6[%gather3A_821, %gather3A_822, %gather3A_823] : memref<2x8x6272xf32, #tpu.memory_space<vmem>> -> memref<1x8x6272xf32, #tpu.memory_space<vmem>>
      %gather3A_825 = tpu.memref_squeeze %gather3A_824 : memref<1x8x6272xf32, #tpu.memory_space<vmem>> -> memref<8x6272xf32, #tpu.memory_space<vmem>>
      %gather3A_826 = tpu.vector_load_idx %gather3A_825[%broadcast_in_dim3A_820, %select_n3A_699] masked %and3A_694 : memref<8x6272xf32, #tpu.memory_space<vmem>>[vector<16xi32>, vector<16xi32>], vector<16xf32>, vector<16xi1>
      %broadcast_in_dim3A_827 = arith.constant 0.000000e+00 : f32
      %broadcast_in_dim3A_828 = vector.broadcast %broadcast_in_dim3A_827 : f32 to vector<16xf32>
      %select_n3A_829 = arith.select %and3A_694, %gather3A_826, %broadcast_in_dim3A_828 : vector<16xi1>, vector<16xf32>
      %mul3A_830 = arith.constant 16 : i32
      %mul3A_831 = arith.muli %scan3A_680, %mul3A_830 : i32
      %swap3A_832 = arith.constant 7 : i32
      %swap3A_833 = arith.index_cast %swap3A_832 : i32 to index
      %swap3A_834 = arith.index_cast %mul3A_831 : i32 to index
      %swap3A_835 = tpu.vector_load %arg9[%swap3A_833, %swap3A_834] {strides = array<i32>} : memref<8x1024xf32, #tpu.memory_space<vmem>>, vector<16xf32>,
      tpu.vector_store %arg9[%swap3A_833, %swap3A_834], %select_n3A_829 {strides = array<i32>} : memref<8x1024xf32, #tpu.memory_space<vmem>>, vector<16xf32>,
      %scan3A_836 = arith.constant 0 : i32
      scf.yield %scan3A_836 : i32
    }
    %scan3A_95 = arith.constant 64 : i32
    %add3A_96 = arith.constant 12544 : i32
    %add3A_97 = arith.addi %mul3A_34, %add3A_96 : i32
    %multiple_of3A_98 = tpu.assume_multiple %add3A_97, 128 : i32
    %dma_start3A_99 = arith.constant 0 : i32
    %dma_start3A_100 = arith.constant 0 : i32
    %dma_start3A_101 = arith.constant 0 : i32
    %dma_start3A_102 = arith.constant 0 : i32
    %dma_start3A_103 = tpu.memref_slice %arg6[%dma_start3A_99, %dma_start3A_101, %dma_start3A_102] : memref<2x8x6272xf32, #tpu.memory_space<vmem>> -> memref<1x8x6272xf32, #tpu.memory_space<vmem>>
    %dma_start3A_104 = tpu.memref_squeeze %dma_start3A_103 : memref<1x8x6272xf32, #tpu.memory_space<vmem>> -> memref<8x6272xf32, #tpu.memory_space<vmem>>
    %dma_start3A_105 = tpu.memref_slice %arg2[%multiple_of3A, %multiple_of3A_98] : memref<64x100000xf32, #tpu.memory_space<hbm>> -> memref<8x6272xf32, #tpu.memory_space<hbm>>
    %dma_start3A_106 = tpu.memref_slice %arg10[%dma_start3A_100] : memref<2x!tpu.dma_semaphore, #tpu.memory_space<semaphore_mem>> -> memref<1x!tpu.dma_semaphore, #tpu.memory_space<semaphore_mem>>
    %dma_start3A_107 = tpu.memref_squeeze %dma_start3A_106 : memref<1x!tpu.dma_semaphore, #tpu.memory_space<semaphore_mem>> -> memref<!tpu.dma_semaphore, #tpu.memory_space<semaphore_mem>>
    %dma_start3A_108 = arith.constant 0 : i32
    %dma_start3A_109 = arith.constant 0 : i32
    %dma_start3A_110 = tpu.memref_slice %arg6[%dma_start3A_99, %dma_start3A_108, %dma_start3A_109] : memref<2x8x6272xf32, #tpu.memory_space<vmem>> -> memref<1x8x6272xf32, #tpu.memory_space<vmem>>
    %dma_start3A_111 = tpu.memref_squeeze %dma_start3A_110 : memref<1x8x6272xf32, #tpu.memory_space<vmem>> -> memref<8x6272xf32, #tpu.memory_space<vmem>>
    %dma_start3A_112 = tpu.memref_slice %arg2[%multiple_of3A, %multiple_of3A_98] : memref<64x100000xf32, #tpu.memory_space<hbm>> -> memref<8x6272xf32, #tpu.memory_space<hbm>>
    tpu.enqueue_dma source(%dma_start3A_112 : memref<8x6272xf32, #tpu.memory_space<hbm>>) target(%dma_start3A_111 : memref<8x6272xf32, #tpu.memory_space<vmem>>) target_semaphore(%dma_start3A_107 : memref<!tpu.dma_semaphore, #tpu.memory_space<semaphore_mem>>)
    %dma_wait3A_113 = arith.constant 1 : i32
    %dma_wait3A_114 = arith.constant 1 : i32
    %dma_wait3A_115 = arith.constant 0 : i32
    %dma_wait3A_116 = arith.constant 0 : i32
    %dma_wait3A_117 = tpu.memref_slice %arg6[%dma_wait3A_113, %dma_wait3A_115, %dma_wait3A_116] : memref<2x8x6272xf32, #tpu.memory_space<vmem>> -> memref<1x8x6272xf32, #tpu.memory_space<vmem>>
    %dma_wait3A_118 = tpu.memref_squeeze %dma_wait3A_117 : memref<1x8x6272xf32, #tpu.memory_space<vmem>> -> memref<8x6272xf32, #tpu.memory_space<vmem>>
    %dma_wait3A_119 = tpu.memref_slice %arg2[%multiple_of3A, %multiple_of3A_60] : memref<64x100000xf32, #tpu.memory_space<hbm>> -> memref<8x6272xf32, #tpu.memory_space<hbm>>
    %dma_wait3A_120 = tpu.memref_slice %arg10[%dma_wait3A_114] : memref<2x!tpu.dma_semaphore, #tpu.memory_space<semaphore_mem>> -> memref<1x!tpu.dma_semaphore, #tpu.memory_space<semaphore_mem>>
    %dma_wait3A_121 = tpu.memref_squeeze %dma_wait3A_120 : memref<1x!tpu.dma_semaphore, #tpu.memory_space<semaphore_mem>> -> memref<!tpu.dma_semaphore, #tpu.memory_space<semaphore_mem>>
    %dma_wait3A_122 = arith.constant 0 : i32
    %dma_wait3A_123 = arith.constant 0 : i32
    %dma_wait3A_124 = tpu.memref_slice %arg6[%dma_wait3A_113, %dma_wait3A_122, %dma_wait3A_123] : memref<2x8x6272xf32, #tpu.memory_space<vmem>> -> memref<1x8x6272xf32, #tpu.memory_space<vmem>>
    %dma_wait3A_125 = tpu.memref_squeeze %dma_wait3A_124 : memref<1x8x6272xf32, #tpu.memory_space<vmem>> -> memref<8x6272xf32, #tpu.memory_space<vmem>>
    %dma_wait3A_126 = tpu.memref_slice %arg2[%multiple_of3A, %multiple_of3A_60] : memref<64x100000xf32, #tpu.memory_space<hbm>> -> memref<8x6272xf32, #tpu.memory_space<hbm>>
    tpu.wait_dma2 semaphore(%dma_wait3A_121 : memref<!tpu.dma_semaphore, #tpu.memory_space<semaphore_mem>>) src(%dma_wait3A_126 : memref<8x6272xf32, #tpu.memory_space<hbm>>) dst(%dma_wait3A_125 : memref<8x6272xf32, #tpu.memory_space<vmem>>)
    %add3A_127 = arith.constant 6272 : i32
    %add3A_128 = arith.addi %mul3A_34, %add3A_127 : i32
    %scan3A_129 = arith.constant 0 : i32
    %scan3A_130 = arith.constant 0 : i32
    %scan3A_131 = arith.constant 64 : i32
    %scan3A_132 = arith.addi %scan3A_130, %scan3A_131 : i32
    %scan3A_133 = arith.constant 4 : i32
    %scan3A_134 = scf.for %scan3A_210 = %scan3A_130 to %scan3A_132 step %scan3A_133 iter_args(%scan3A_211 = %scan3A_129) -> (i32)  : i32 {
      %mul3A_212 = arith.constant 16 : i32
      %mul3A_213 = arith.muli %scan3A_210, %mul3A_212 : i32
      %get3A = arith.index_cast %mul3A_213 : i32 to index
      %get3A_214 = tpu.vector_load %arg8[%get3A] {strides = array<i32>} : memref<1024xi32, #tpu.memory_space<vmem>>, vector<16xi32>,
      %ge3A = vector.broadcast %add3A_128 : i32 to vector<16xi32>
      %ge3A_215 = arith.cmpi sge, %get3A_214, %ge3A : vector<16xi32>
      %add3A_216 = arith.constant 6272 : i32
      %add3A_217 = arith.addi %add3A_128, %add3A_216 : i32
      %lt3A_218 = vector.broadcast %add3A_217 : i32 to vector<16xi32>
      %lt3A_219 = arith.cmpi slt, %get3A_214, %lt3A_218 : vector<16xi32>
      %and3A_220 = arith.andi %ge3A_215, %lt3A_219 : vector<16xi1>
      %lt3A_221 = vector.broadcast %select_n3A_41 : i32 to vector<16xi32>
      %lt3A_222 = arith.cmpi slt, %get3A_214, %lt3A_221 : vector<16xi32>
      %and3A_223 = arith.andi %and3A_220, %lt3A_222 : vector<16xi1>
      %sub3A_224 = vector.broadcast %add3A_128 : i32 to vector<16xi32>
      %sub3A_225 = arith.subi %get3A_214, %sub3A_224 : vector<16xi32>
      %jit3A_226 = arith.constant 0 : i32
      %broadcast_in_dim3A = vector.broadcast %jit3A_226 : i32 to vector<16xi32>
      %select_n3A_227 = arith.select %and3A_223, %sub3A_225, %broadcast_in_dim3A : vector<16xi1>, vector<16xi32>
      %broadcast_in_dim3A_228 = arith.constant 0 : i32
      %broadcast_in_dim3A_229 = vector.broadcast %broadcast_in_dim3A_228 : i32 to vector<16xi32>
      %gather3A = arith.constant 1 : i32
      %gather3A_230 = arith.constant 0 : i32
      %gather3A_231 = arith.constant 0 : i32
      %gather3A_232 = tpu.memref_slice %arg6[%gather3A, %gather3A_230, %gather3A_231] : memref<2x8x6272xf32, #tpu.memory_space<vmem>> -> memref<1x8x6272xf32, #tpu.memory_space<vmem>>
      %gather3A_233 = tpu.memref_squeeze %gather3A_232 : memref<1x8x6272xf32, #tpu.memory_space<vmem>> -> memref<8x6272xf32, #tpu.memory_space<vmem>>
      %gather3A_234 = tpu.vector_load_idx %gather3A_233[%broadcast_in_dim3A_229, %select_n3A_227] masked %and3A_223 : memref<8x6272xf32, #tpu.memory_space<vmem>>[vector<16xi32>, vector<16xi32>], vector<16xf32>, vector<16xi1>
      %mul3A_235 = arith.constant 16 : i32
      %mul3A_236 = arith.muli %scan3A_210, %mul3A_235 : i32
      %get3A_237 = arith.constant 0 : i32
      %get3A_238 = arith.index_cast %get3A_237 : i32 to index
      %get3A_239 = arith.index_cast %mul3A_236 : i32 to index
      %get3A_240 = tpu.vector_load %arg9[%get3A_238, %get3A_239] {strides = array<i32>} : memref<8x1024xf32, #tpu.memory_space<vmem>>, vector<16xf32>,
      %select_n3A_241 = arith.select %and3A_223, %gather3A_234, %get3A_240 : vector<16xi1>, vector<16xf32>
      %mul3A_242 = arith.constant 16 : i32
      %mul3A_243 = arith.muli %scan3A_210, %mul3A_242 : i32
      %swap3A = arith.constant 0 : i32
      %swap3A_244 = arith.index_cast %swap3A : i32 to index
      %swap3A_245 = arith.index_cast %mul3A_243 : i32 to index
      %swap3A_246 = tpu.vector_load %arg9[%swap3A_244, %swap3A_245] {strides = array<i32>} : memref<8x1024xf32, #tpu.memory_space<vmem>>, vector<16xf32>,
      tpu.vector_store %arg9[%swap3A_244, %swap3A_245], %select_n3A_241 {strides = array<i32>} : memref<8x1024xf32, #tpu.memory_space<vmem>>, vector<16xf32>,
      %broadcast_in_dim3A_247 = arith.constant 1 : i32
      %broadcast_in_dim3A_248 = vector.broadcast %broadcast_in_dim3A_247 : i32 to vector<16xi32>
      %gather3A_249 = arith.constant 1 : i32
      %gather3A_250 = arith.constant 0 : i32
      %gather3A_251 = arith.constant 0 : i32
      %gather3A_252 = tpu.memref_slice %arg6[%gather3A_249, %gather3A_250, %gather3A_251] : memref<2x8x6272xf32, #tpu.memory_space<vmem>> -> memref<1x8x6272xf32, #tpu.memory_space<vmem>>
      %gather3A_253 = tpu.memref_squeeze %gather3A_252 : memref<1x8x6272xf32, #tpu.memory_space<vmem>> -> memref<8x6272xf32, #tpu.memory_space<vmem>>
      %gather3A_254 = tpu.vector_load_idx %gather3A_253[%broadcast_in_dim3A_248, %select_n3A_227] masked %and3A_223 : memref<8x6272xf32, #tpu.memory_space<vmem>>[vector<16xi32>, vector<16xi32>], vector<16xf32>, vector<16xi1>
      %mul3A_255 = arith.constant 16 : i32
      %mul3A_256 = arith.muli %scan3A_210, %mul3A_255 : i32
      %get3A_257 = arith.constant 1 : i32
      %get3A_258 = arith.index_cast %get3A_257 : i32 to index
      %get3A_259 = arith.index_cast %mul3A_256 : i32 to index
      %get3A_260 = tpu.vector_load %arg9[%get3A_258, %get3A_259] {strides = array<i32>} : memref<8x1024xf32, #tpu.memory_space<vmem>>, vector<16xf32>,
      %select_n3A_261 = arith.select %and3A_223, %gather3A_254, %get3A_260 : vector<16xi1>, vector<16xf32>
      %mul3A_262 = arith.constant 16 : i32
      %mul3A_263 = arith.muli %scan3A_210, %mul3A_262 : i32
      %swap3A_264 = arith.constant 1 : i32
      %swap3A_265 = arith.index_cast %swap3A_264 : i32 to index
      %swap3A_266 = arith.index_cast %mul3A_263 : i32 to index
      %swap3A_267 = tpu.vector_load %arg9[%swap3A_265, %swap3A_266] {strides = array<i32>} : memref<8x1024xf32, #tpu.memory_space<vmem>>, vector<16xf32>,
      tpu.vector_store %arg9[%swap3A_265, %swap3A_266], %select_n3A_261 {strides = array<i32>} : memref<8x1024xf32, #tpu.memory_space<vmem>>, vector<16xf32>,
      %broadcast_in_dim3A_268 = arith.constant 2 : i32
      %broadcast_in_dim3A_269 = vector.broadcast %broadcast_in_dim3A_268 : i32 to vector<16xi32>
      %gather3A_270 = arith.constant 1 : i32
      %gather3A_271 = arith.constant 0 : i32
      %gather3A_272 = arith.constant 0 : i32
      %gather3A_273 = tpu.memref_slice %arg6[%gather3A_270, %gather3A_271, %gather3A_272] : memref<2x8x6272xf32, #tpu.memory_space<vmem>> -> memref<1x8x6272xf32, #tpu.memory_space<vmem>>
      %gather3A_274 = tpu.memref_squeeze %gather3A_273 : memref<1x8x6272xf32, #tpu.memory_space<vmem>> -> memref<8x6272xf32, #tpu.memory_space<vmem>>
      %gather3A_275 = tpu.vector_load_idx %gather3A_274[%broadcast_in_dim3A_269, %select_n3A_227] masked %and3A_223 : memref<8x6272xf32, #tpu.memory_space<vmem>>[vector<16xi32>, vector<16xi32>], vector<16xf32>, vector<16xi1>
      %mul3A_276 = arith.constant 16 : i32
      %mul3A_277 = arith.muli %scan3A_210, %mul3A_276 : i32
      %get3A_278 = arith.constant 2 : i32
      %get3A_279 = arith.index_cast %get3A_278 : i32 to index
      %get3A_280 = arith.index_cast %mul3A_277 : i32 to index
      %get3A_281 = tpu.vector_load %arg9[%get3A_279, %get3A_280] {strides = array<i32>} : memref<8x1024xf32, #tpu.memory_space<vmem>>, vector<16xf32>,
      %select_n3A_282 = arith.select %and3A_223, %gather3A_275, %get3A_281 : vector<16xi1>, vector<16xf32>
      %mul3A_283 = arith.constant 16 : i32
      %mul3A_284 = arith.muli %scan3A_210, %mul3A_283 : i32
      %swap3A_285 = arith.constant 2 : i32
      %swap3A_286 = arith.index_cast %swap3A_285 : i32 to index
      %swap3A_287 = arith.index_cast %mul3A_284 : i32 to index
      %swap3A_288 = tpu.vector_load %arg9[%swap3A_286, %swap3A_287] {strides = array<i32>} : memref<8x1024xf32, #tpu.memory_space<vmem>>, vector<16xf32>,
      tpu.vector_store %arg9[%swap3A_286, %swap3A_287], %select_n3A_282 {strides = array<i32>} : memref<8x1024xf32, #tpu.memory_space<vmem>>, vector<16xf32>,
      %broadcast_in_dim3A_289 = arith.constant 3 : i32
      %broadcast_in_dim3A_290 = vector.broadcast %broadcast_in_dim3A_289 : i32 to vector<16xi32>
      %gather3A_291 = arith.constant 1 : i32
      %gather3A_292 = arith.constant 0 : i32
      %gather3A_293 = arith.constant 0 : i32
      %gather3A_294 = tpu.memref_slice %arg6[%gather3A_291, %gather3A_292, %gather3A_293] : memref<2x8x6272xf32, #tpu.memory_space<vmem>> -> memref<1x8x6272xf32, #tpu.memory_space<vmem>>
      %gather3A_295 = tpu.memref_squeeze %gather3A_294 : memref<1x8x6272xf32, #tpu.memory_space<vmem>> -> memref<8x6272xf32, #tpu.memory_space<vmem>>
      %gather3A_296 = tpu.vector_load_idx %gather3A_295[%broadcast_in_dim3A_290, %select_n3A_227] masked %and3A_223 : memref<8x6272xf32, #tpu.memory_space<vmem>>[vector<16xi32>, vector<16xi32>], vector<16xf32>, vector<16xi1>
      %mul3A_297 = arith.constant 16 : i32
      %mul3A_298 = arith.muli %scan3A_210, %mul3A_297 : i32
      %get3A_299 = arith.constant 3 : i32
      %get3A_300 = arith.index_cast %get3A_299 : i32 to index
      %get3A_301 = arith.index_cast %mul3A_298 : i32 to index
      %get3A_302 = tpu.vector_load %arg9[%get3A_300, %get3A_301] {strides = array<i32>} : memref<8x1024xf32, #tpu.memory_space<vmem>>, vector<16xf32>,
      %select_n3A_303 = arith.select %and3A_223, %gather3A_296, %get3A_302 : vector<16xi1>, vector<16xf32>
      %mul3A_304 = arith.constant 16 : i32
      %mul3A_305 = arith.muli %scan3A_210, %mul3A_304 : i32
      %swap3A_306 = arith.constant 3 : i32
      %swap3A_307 = arith.index_cast %swap3A_306 : i32 to index
      %swap3A_308 = arith.index_cast %mul3A_305 : i32 to index
      %swap3A_309 = tpu.vector_load %arg9[%swap3A_307, %swap3A_308] {strides = array<i32>} : memref<8x1024xf32, #tpu.memory_space<vmem>>, vector<16xf32>,
      tpu.vector_store %arg9[%swap3A_307, %swap3A_308], %select_n3A_303 {strides = array<i32>} : memref<8x1024xf32, #tpu.memory_space<vmem>>, vector<16xf32>,
      %broadcast_in_dim3A_310 = arith.constant 4 : i32
      %broadcast_in_dim3A_311 = vector.broadcast %broadcast_in_dim3A_310 : i32 to vector<16xi32>
      %gather3A_312 = arith.constant 1 : i32
      %gather3A_313 = arith.constant 0 : i32
      %gather3A_314 = arith.constant 0 : i32
      %gather3A_315 = tpu.memref_slice %arg6[%gather3A_312, %gather3A_313, %gather3A_314] : memref<2x8x6272xf32, #tpu.memory_space<vmem>> -> memref<1x8x6272xf32, #tpu.memory_space<vmem>>
      %gather3A_316 = tpu.memref_squeeze %gather3A_315 : memref<1x8x6272xf32, #tpu.memory_space<vmem>> -> memref<8x6272xf32, #tpu.memory_space<vmem>>
      %gather3A_317 = tpu.vector_load_idx %gather3A_316[%broadcast_in_dim3A_311, %select_n3A_227] masked %and3A_223 : memref<8x6272xf32, #tpu.memory_space<vmem>>[vector<16xi32>, vector<16xi32>], vector<16xf32>, vector<16xi1>
      %mul3A_318 = arith.constant 16 : i32
      %mul3A_319 = arith.muli %scan3A_210, %mul3A_318 : i32
      %get3A_320 = arith.constant 4 : i32
      %get3A_321 = arith.index_cast %get3A_320 : i32 to index
      %get3A_322 = arith.index_cast %mul3A_319 : i32 to index
      %get3A_323 = tpu.vector_load %arg9[%get3A_321, %get3A_322] {strides = array<i32>} : memref<8x1024xf32, #tpu.memory_space<vmem>>, vector<16xf32>,
      %select_n3A_324 = arith.select %and3A_223, %gather3A_317, %get3A_323 : vector<16xi1>, vector<16xf32>
      %mul3A_325 = arith.constant 16 : i32
      %mul3A_326 = arith.muli %scan3A_210, %mul3A_325 : i32
      %swap3A_327 = arith.constant 4 : i32
      %swap3A_328 = arith.index_cast %swap3A_327 : i32 to index
      %swap3A_329 = arith.index_cast %mul3A_326 : i32 to index
      %swap3A_330 = tpu.vector_load %arg9[%swap3A_328, %swap3A_329] {strides = array<i32>} : memref<8x1024xf32, #tpu.memory_space<vmem>>, vector<16xf32>,
      tpu.vector_store %arg9[%swap3A_328, %swap3A_329], %select_n3A_324 {strides = array<i32>} : memref<8x1024xf32, #tpu.memory_space<vmem>>, vector<16xf32>,
      %broadcast_in_dim3A_331 = arith.constant 5 : i32
      %broadcast_in_dim3A_332 = vector.broadcast %broadcast_in_dim3A_331 : i32 to vector<16xi32>
      %gather3A_333 = arith.constant 1 : i32
      %gather3A_334 = arith.constant 0 : i32
      %gather3A_335 = arith.constant 0 : i32
      %gather3A_336 = tpu.memref_slice %arg6[%gather3A_333, %gather3A_334, %gather3A_335] : memref<2x8x6272xf32, #tpu.memory_space<vmem>> -> memref<1x8x6272xf32, #tpu.memory_space<vmem>>
      %gather3A_337 = tpu.memref_squeeze %gather3A_336 : memref<1x8x6272xf32, #tpu.memory_space<vmem>> -> memref<8x6272xf32, #tpu.memory_space<vmem>>
      %gather3A_338 = tpu.vector_load_idx %gather3A_337[%broadcast_in_dim3A_332, %select_n3A_227] masked %and3A_223 : memref<8x6272xf32, #tpu.memory_space<vmem>>[vector<16xi32>, vector<16xi32>], vector<16xf32>, vector<16xi1>
      %mul3A_339 = arith.constant 16 : i32
      %mul3A_340 = arith.muli %scan3A_210, %mul3A_339 : i32
      %get3A_341 = arith.constant 5 : i32
      %get3A_342 = arith.index_cast %get3A_341 : i32 to index
      %get3A_343 = arith.index_cast %mul3A_340 : i32 to index
      %get3A_344 = tpu.vector_load %arg9[%get3A_342, %get3A_343] {strides = array<i32>} : memref<8x1024xf32, #tpu.memory_space<vmem>>, vector<16xf32>,
      %select_n3A_345 = arith.select %and3A_223, %gather3A_338, %get3A_344 : vector<16xi1>, vector<16xf32>
      %mul3A_346 = arith.constant 16 : i32
      %mul3A_347 = arith.muli %scan3A_210, %mul3A_346 : i32
      %swap3A_348 = arith.constant 5 : i32
      %swap3A_349 = arith.index_cast %swap3A_348 : i32 to index
      %swap3A_350 = arith.index_cast %mul3A_347 : i32 to index
      %swap3A_351 = tpu.vector_load %arg9[%swap3A_349, %swap3A_350] {strides = array<i32>} : memref<8x1024xf32, #tpu.memory_space<vmem>>, vector<16xf32>,
      tpu.vector_store %arg9[%swap3A_349, %swap3A_350], %select_n3A_345 {strides = array<i32>} : memref<8x1024xf32, #tpu.memory_space<vmem>>, vector<16xf32>,
      %broadcast_in_dim3A_352 = arith.constant 6 : i32
      %broadcast_in_dim3A_353 = vector.broadcast %broadcast_in_dim3A_352 : i32 to vector<16xi32>
      %gather3A_354 = arith.constant 1 : i32
      %gather3A_355 = arith.constant 0 : i32
      %gather3A_356 = arith.constant 0 : i32
      %gather3A_357 = tpu.memref_slice %arg6[%gather3A_354, %gather3A_355, %gather3A_356] : memref<2x8x6272xf32, #tpu.memory_space<vmem>> -> memref<1x8x6272xf32, #tpu.memory_space<vmem>>
      %gather3A_358 = tpu.memref_squeeze %gather3A_357 : memref<1x8x6272xf32, #tpu.memory_space<vmem>> -> memref<8x6272xf32, #tpu.memory_space<vmem>>
      %gather3A_359 = tpu.vector_load_idx %gather3A_358[%broadcast_in_dim3A_353, %select_n3A_227] masked %and3A_223 : memref<8x6272xf32, #tpu.memory_space<vmem>>[vector<16xi32>, vector<16xi32>], vector<16xf32>, vector<16xi1>
      %mul3A_360 = arith.constant 16 : i32
      %mul3A_361 = arith.muli %scan3A_210, %mul3A_360 : i32
      %get3A_362 = arith.constant 6 : i32
      %get3A_363 = arith.index_cast %get3A_362 : i32 to index
      %get3A_364 = arith.index_cast %mul3A_361 : i32 to index
      %get3A_365 = tpu.vector_load %arg9[%get3A_363, %get3A_364] {strides = array<i32>} : memref<8x1024xf32, #tpu.memory_space<vmem>>, vector<16xf32>,
      %select_n3A_366 = arith.select %and3A_223, %gather3A_359, %get3A_365 : vector<16xi1>, vector<16xf32>
      %mul3A_367 = arith.constant 16 : i32
      %mul3A_368 = arith.muli %scan3A_210, %mul3A_367 : i32
      %swap3A_369 = arith.constant 6 : i32
      %swap3A_370 = arith.index_cast %swap3A_369 : i32 to index
      %swap3A_371 = arith.index_cast %mul3A_368 : i32 to index
      %swap3A_372 = tpu.vector_load %arg9[%swap3A_370, %swap3A_371] {strides = array<i32>} : memref<8x1024xf32, #tpu.memory_space<vmem>>, vector<16xf32>,
      tpu.vector_store %arg9[%swap3A_370, %swap3A_371], %select_n3A_366 {strides = array<i32>} : memref<8x1024xf32, #tpu.memory_space<vmem>>, vector<16xf32>,
      %broadcast_in_dim3A_373 = arith.constant 7 : i32
      %broadcast_in_dim3A_374 = vector.broadcast %broadcast_in_dim3A_373 : i32 to vector<16xi32>
      %gather3A_375 = arith.constant 1 : i32
      %gather3A_376 = arith.constant 0 : i32
      %gather3A_377 = arith.constant 0 : i32
      %gather3A_378 = tpu.memref_slice %arg6[%gather3A_375, %gather3A_376, %gather3A_377] : memref<2x8x6272xf32, #tpu.memory_space<vmem>> -> memref<1x8x6272xf32, #tpu.memory_space<vmem>>
      %gather3A_379 = tpu.memref_squeeze %gather3A_378 : memref<1x8x6272xf32, #tpu.memory_space<vmem>> -> memref<8x6272xf32, #tpu.memory_space<vmem>>
      %gather3A_380 = tpu.vector_load_idx %gather3A_379[%broadcast_in_dim3A_374, %select_n3A_227] masked %and3A_223 : memref<8x6272xf32, #tpu.memory_space<vmem>>[vector<16xi32>, vector<16xi32>], vector<16xf32>, vector<16xi1>
      %mul3A_381 = arith.constant 16 : i32
      %mul3A_382 = arith.muli %scan3A_210, %mul3A_381 : i32
      %get3A_383 = arith.constant 7 : i32
      %get3A_384 = arith.index_cast %get3A_383 : i32 to index
      %get3A_385 = arith.index_cast %mul3A_382 : i32 to index
      %get3A_386 = tpu.vector_load %arg9[%get3A_384, %get3A_385] {strides = array<i32>} : memref<8x1024xf32, #tpu.memory_space<vmem>>, vector<16xf32>,
      %select_n3A_387 = arith.select %and3A_223, %gather3A_380, %get3A_386 : vector<16xi1>, vector<16xf32>
      %mul3A_388 = arith.constant 16 : i32
      %mul3A_389 = arith.muli %scan3A_210, %mul3A_388 : i32
      %swap3A_390 = arith.constant 7 : i32
      %swap3A_391 = arith.index_cast %swap3A_390 : i32 to index
      %swap3A_392 = arith.index_cast %mul3A_389 : i32 to index
      %swap3A_393 = tpu.vector_load %arg9[%swap3A_391, %swap3A_392] {strides = array<i32>} : memref<8x1024xf32, #tpu.memory_space<vmem>>, vector<16xf32>,
      tpu.vector_store %arg9[%swap3A_391, %swap3A_392], %select_n3A_387 {strides = array<i32>} : memref<8x1024xf32, #tpu.memory_space<vmem>>, vector<16xf32>,
      %scan3A_394 = arith.constant 0 : i32
      %scan3A_395 = arith.constant 1 : i32
      %scan3A_396 = arith.addi %scan3A_210, %scan3A_395 : i32
      %mul3A_397 = arith.constant 16 : i32
      %mul3A_398 = arith.muli %scan3A_396, %mul3A_397 : i32
      %get3A_399 = arith.index_cast %mul3A_398 : i32 to index
      %get3A_400 = tpu.vector_load %arg8[%get3A_399] {strides = array<i32>} : memref<1024xi32, #tpu.memory_space<vmem>>, vector<16xi32>,
      %ge3A_401 = vector.broadcast %add3A_128 : i32 to vector<16xi32>
      %ge3A_402 = arith.cmpi sge, %get3A_400, %ge3A_401 : vector<16xi32>
      %add3A_403 = arith.constant 6272 : i32
      %add3A_404 = arith.addi %add3A_128, %add3A_403 : i32
      %lt3A_405 = vector.broadcast %add3A_404 : i32 to vector<16xi32>
      %lt3A_406 = arith.cmpi slt, %get3A_400, %lt3A_405 : vector<16xi32>
      %and3A_407 = arith.andi %ge3A_402, %lt3A_406 : vector<16xi1>
      %lt3A_408 = vector.broadcast %select_n3A_41 : i32 to vector<16xi32>
      %lt3A_409 = arith.cmpi slt, %get3A_400, %lt3A_408 : vector<16xi32>
      %and3A_410 = arith.andi %and3A_407, %lt3A_409 : vector<16xi1>
      %sub3A_411 = vector.broadcast %add3A_128 : i32 to vector<16xi32>
      %sub3A_412 = arith.subi %get3A_400, %sub3A_411 : vector<16xi32>
      %jit3A_413 = arith.constant 0 : i32
      %broadcast_in_dim3A_414 = vector.broadcast %jit3A_413 : i32 to vector<16xi32>
      %select_n3A_415 = arith.select %and3A_410, %sub3A_412, %broadcast_in_dim3A_414 : vector<16xi1>, vector<16xi32>
      %broadcast_in_dim3A_416 = arith.constant 0 : i32
      %broadcast_in_dim3A_417 = vector.broadcast %broadcast_in_dim3A_416 : i32 to vector<16xi32>
      %gather3A_418 = arith.constant 1 : i32
      %gather3A_419 = arith.constant 0 : i32
      %gather3A_420 = arith.constant 0 : i32
      %gather3A_421 = tpu.memref_slice %arg6[%gather3A_418, %gather3A_419, %gather3A_420] : memref<2x8x6272xf32, #tpu.memory_space<vmem>> -> memref<1x8x6272xf32, #tpu.memory_space<vmem>>
      %gather3A_422 = tpu.memref_squeeze %gather3A_421 : memref<1x8x6272xf32, #tpu.memory_space<vmem>> -> memref<8x6272xf32, #tpu.memory_space<vmem>>
      %gather3A_423 = tpu.vector_load_idx %gather3A_422[%broadcast_in_dim3A_417, %select_n3A_415] masked %and3A_410 : memref<8x6272xf32, #tpu.memory_space<vmem>>[vector<16xi32>, vector<16xi32>], vector<16xf32>, vector<16xi1>
      %mul3A_424 = arith.constant 16 : i32
      %mul3A_425 = arith.muli %scan3A_396, %mul3A_424 : i32
      %get3A_426 = arith.constant 0 : i32
      %get3A_427 = arith.index_cast %get3A_426 : i32 to index
      %get3A_428 = arith.index_cast %mul3A_425 : i32 to index
      %get3A_429 = tpu.vector_load %arg9[%get3A_427, %get3A_428] {strides = array<i32>} : memref<8x1024xf32, #tpu.memory_space<vmem>>, vector<16xf32>,
      %select_n3A_430 = arith.select %and3A_410, %gather3A_423, %get3A_429 : vector<16xi1>, vector<16xf32>
      %mul3A_431 = arith.constant 16 : i32
      %mul3A_432 = arith.muli %scan3A_396, %mul3A_431 : i32
      %swap3A_433 = arith.constant 0 : i32
      %swap3A_434 = arith.index_cast %swap3A_433 : i32 to index
      %swap3A_435 = arith.index_cast %mul3A_432 : i32 to index
      %swap3A_436 = tpu.vector_load %arg9[%swap3A_434, %swap3A_435] {strides = array<i32>} : memref<8x1024xf32, #tpu.memory_space<vmem>>, vector<16xf32>,
      tpu.vector_store %arg9[%swap3A_434, %swap3A_435], %select_n3A_430 {strides = array<i32>} : memref<8x1024xf32, #tpu.memory_space<vmem>>, vector<16xf32>,
      %broadcast_in_dim3A_437 = arith.constant 1 : i32
      %broadcast_in_dim3A_438 = vector.broadcast %broadcast_in_dim3A_437 : i32 to vector<16xi32>
      %gather3A_439 = arith.constant 1 : i32
      %gather3A_440 = arith.constant 0 : i32
      %gather3A_441 = arith.constant 0 : i32
      %gather3A_442 = tpu.memref_slice %arg6[%gather3A_439, %gather3A_440, %gather3A_441] : memref<2x8x6272xf32, #tpu.memory_space<vmem>> -> memref<1x8x6272xf32, #tpu.memory_space<vmem>>
      %gather3A_443 = tpu.memref_squeeze %gather3A_442 : memref<1x8x6272xf32, #tpu.memory_space<vmem>> -> memref<8x6272xf32, #tpu.memory_space<vmem>>
      %gather3A_444 = tpu.vector_load_idx %gather3A_443[%broadcast_in_dim3A_438, %select_n3A_415] masked %and3A_410 : memref<8x6272xf32, #tpu.memory_space<vmem>>[vector<16xi32>, vector<16xi32>], vector<16xf32>, vector<16xi1>
      %mul3A_445 = arith.constant 16 : i32
      %mul3A_446 = arith.muli %scan3A_396, %mul3A_445 : i32
      %get3A_447 = arith.constant 1 : i32
      %get3A_448 = arith.index_cast %get3A_447 : i32 to index
      %get3A_449 = arith.index_cast %mul3A_446 : i32 to index
      %get3A_450 = tpu.vector_load %arg9[%get3A_448, %get3A_449] {strides = array<i32>} : memref<8x1024xf32, #tpu.memory_space<vmem>>, vector<16xf32>,
      %select_n3A_451 = arith.select %and3A_410, %gather3A_444, %get3A_450 : vector<16xi1>, vector<16xf32>
      %mul3A_452 = arith.constant 16 : i32
      %mul3A_453 = arith.muli %scan3A_396, %mul3A_452 : i32
      %swap3A_454 = arith.constant 1 : i32
      %swap3A_455 = arith.index_cast %swap3A_454 : i32 to index
      %swap3A_456 = arith.index_cast %mul3A_453 : i32 to index
      %swap3A_457 = tpu.vector_load %arg9[%swap3A_455, %swap3A_456] {strides = array<i32>} : memref<8x1024xf32, #tpu.memory_space<vmem>>, vector<16xf32>,
      tpu.vector_store %arg9[%swap3A_455, %swap3A_456], %select_n3A_451 {strides = array<i32>} : memref<8x1024xf32, #tpu.memory_space<vmem>>, vector<16xf32>,
      %broadcast_in_dim3A_458 = arith.constant 2 : i32
      %broadcast_in_dim3A_459 = vector.broadcast %broadcast_in_dim3A_458 : i32 to vector<16xi32>
      %gather3A_460 = arith.constant 1 : i32
      %gather3A_461 = arith.constant 0 : i32
      %gather3A_462 = arith.constant 0 : i32
      %gather3A_463 = tpu.memref_slice %arg6[%gather3A_460, %gather3A_461, %gather3A_462] : memref<2x8x6272xf32, #tpu.memory_space<vmem>> -> memref<1x8x6272xf32, #tpu.memory_space<vmem>>
      %gather3A_464 = tpu.memref_squeeze %gather3A_463 : memref<1x8x6272xf32, #tpu.memory_space<vmem>> -> memref<8x6272xf32, #tpu.memory_space<vmem>>
      %gather3A_465 = tpu.vector_load_idx %gather3A_464[%broadcast_in_dim3A_459, %select_n3A_415] masked %and3A_410 : memref<8x6272xf32, #tpu.memory_space<vmem>>[vector<16xi32>, vector<16xi32>], vector<16xf32>, vector<16xi1>
      %mul3A_466 = arith.constant 16 : i32
      %mul3A_467 = arith.muli %scan3A_396, %mul3A_466 : i32
      %get3A_468 = arith.constant 2 : i32
      %get3A_469 = arith.index_cast %get3A_468 : i32 to index
      %get3A_470 = arith.index_cast %mul3A_467 : i32 to index
      %get3A_471 = tpu.vector_load %arg9[%get3A_469, %get3A_470] {strides = array<i32>} : memref<8x1024xf32, #tpu.memory_space<vmem>>, vector<16xf32>,
      %select_n3A_472 = arith.select %and3A_410, %gather3A_465, %get3A_471 : vector<16xi1>, vector<16xf32>
      %mul3A_473 = arith.constant 16 : i32
      %mul3A_474 = arith.muli %scan3A_396, %mul3A_473 : i32
      %swap3A_475 = arith.constant 2 : i32
      %swap3A_476 = arith.index_cast %swap3A_475 : i32 to index
      %swap3A_477 = arith.index_cast %mul3A_474 : i32 to index
      %swap3A_478 = tpu.vector_load %arg9[%swap3A_476, %swap3A_477] {strides = array<i32>} : memref<8x1024xf32, #tpu.memory_space<vmem>>, vector<16xf32>,
      tpu.vector_store %arg9[%swap3A_476, %swap3A_477], %select_n3A_472 {strides = array<i32>} : memref<8x1024xf32, #tpu.memory_space<vmem>>, vector<16xf32>,
      %broadcast_in_dim3A_479 = arith.constant 3 : i32
      %broadcast_in_dim3A_480 = vector.broadcast %broadcast_in_dim3A_479 : i32 to vector<16xi32>
      %gather3A_481 = arith.constant 1 : i32
      %gather3A_482 = arith.constant 0 : i32
      %gather3A_483 = arith.constant 0 : i32
      %gather3A_484 = tpu.memref_slice %arg6[%gather3A_481, %gather3A_482, %gather3A_483] : memref<2x8x6272xf32, #tpu.memory_space<vmem>> -> memref<1x8x6272xf32, #tpu.memory_space<vmem>>
      %gather3A_485 = tpu.memref_squeeze %gather3A_484 : memref<1x8x6272xf32, #tpu.memory_space<vmem>> -> memref<8x6272xf32, #tpu.memory_space<vmem>>
      %gather3A_486 = tpu.vector_load_idx %gather3A_485[%broadcast_in_dim3A_480, %select_n3A_415] masked %and3A_410 : memref<8x6272xf32, #tpu.memory_space<vmem>>[vector<16xi32>, vector<16xi32>], vector<16xf32>, vector<16xi1>
      %mul3A_487 = arith.constant 16 : i32
      %mul3A_488 = arith.muli %scan3A_396, %mul3A_487 : i32
      %get3A_489 = arith.constant 3 : i32
      %get3A_490 = arith.index_cast %get3A_489 : i32 to index
      %get3A_491 = arith.index_cast %mul3A_488 : i32 to index
      %get3A_492 = tpu.vector_load %arg9[%get3A_490, %get3A_491] {strides = array<i32>} : memref<8x1024xf32, #tpu.memory_space<vmem>>, vector<16xf32>,
      %select_n3A_493 = arith.select %and3A_410, %gather3A_486, %get3A_492 : vector<16xi1>, vector<16xf32>
      %mul3A_494 = arith.constant 16 : i32
      %mul3A_495 = arith.muli %scan3A_396, %mul3A_494 : i32
      %swap3A_496 = arith.constant 3 : i32
      %swap3A_497 = arith.index_cast %swap3A_496 : i32 to index
      %swap3A_498 = arith.index_cast %mul3A_495 : i32 to index
      %swap3A_499 = tpu.vector_load %arg9[%swap3A_497, %swap3A_498] {strides = array<i32>} : memref<8x1024xf32, #tpu.memory_space<vmem>>, vector<16xf32>,
      tpu.vector_store %arg9[%swap3A_497, %swap3A_498], %select_n3A_493 {strides = array<i32>} : memref<8x1024xf32, #tpu.memory_space<vmem>>, vector<16xf32>,
      %broadcast_in_dim3A_500 = arith.constant 4 : i32
      %broadcast_in_dim3A_501 = vector.broadcast %broadcast_in_dim3A_500 : i32 to vector<16xi32>
      %gather3A_502 = arith.constant 1 : i32
      %gather3A_503 = arith.constant 0 : i32
      %gather3A_504 = arith.constant 0 : i32
      %gather3A_505 = tpu.memref_slice %arg6[%gather3A_502, %gather3A_503, %gather3A_504] : memref<2x8x6272xf32, #tpu.memory_space<vmem>> -> memref<1x8x6272xf32, #tpu.memory_space<vmem>>
      %gather3A_506 = tpu.memref_squeeze %gather3A_505 : memref<1x8x6272xf32, #tpu.memory_space<vmem>> -> memref<8x6272xf32, #tpu.memory_space<vmem>>
      %gather3A_507 = tpu.vector_load_idx %gather3A_506[%broadcast_in_dim3A_501, %select_n3A_415] masked %and3A_410 : memref<8x6272xf32, #tpu.memory_space<vmem>>[vector<16xi32>, vector<16xi32>], vector<16xf32>, vector<16xi1>
      %mul3A_508 = arith.constant 16 : i32
      %mul3A_509 = arith.muli %scan3A_396, %mul3A_508 : i32
      %get3A_510 = arith.constant 4 : i32
      %get3A_511 = arith.index_cast %get3A_510 : i32 to index
      %get3A_512 = arith.index_cast %mul3A_509 : i32 to index
      %get3A_513 = tpu.vector_load %arg9[%get3A_511, %get3A_512] {strides = array<i32>} : memref<8x1024xf32, #tpu.memory_space<vmem>>, vector<16xf32>,
      %select_n3A_514 = arith.select %and3A_410, %gather3A_507, %get3A_513 : vector<16xi1>, vector<16xf32>
      %mul3A_515 = arith.constant 16 : i32
      %mul3A_516 = arith.muli %scan3A_396, %mul3A_515 : i32
      %swap3A_517 = arith.constant 4 : i32
      %swap3A_518 = arith.index_cast %swap3A_517 : i32 to index
      %swap3A_519 = arith.index_cast %mul3A_516 : i32 to index
      %swap3A_520 = tpu.vector_load %arg9[%swap3A_518, %swap3A_519] {strides = array<i32>} : memref<8x1024xf32, #tpu.memory_space<vmem>>, vector<16xf32>,
      tpu.vector_store %arg9[%swap3A_518, %swap3A_519], %select_n3A_514 {strides = array<i32>} : memref<8x1024xf32, #tpu.memory_space<vmem>>, vector<16xf32>,
      %broadcast_in_dim3A_521 = arith.constant 5 : i32
      %broadcast_in_dim3A_522 = vector.broadcast %broadcast_in_dim3A_521 : i32 to vector<16xi32>
      %gather3A_523 = arith.constant 1 : i32
      %gather3A_524 = arith.constant 0 : i32
      %gather3A_525 = arith.constant 0 : i32
      %gather3A_526 = tpu.memref_slice %arg6[%gather3A_523, %gather3A_524, %gather3A_525] : memref<2x8x6272xf32, #tpu.memory_space<vmem>> -> memref<1x8x6272xf32, #tpu.memory_space<vmem>>
      %gather3A_527 = tpu.memref_squeeze %gather3A_526 : memref<1x8x6272xf32, #tpu.memory_space<vmem>> -> memref<8x6272xf32, #tpu.memory_space<vmem>>
      %gather3A_528 = tpu.vector_load_idx %gather3A_527[%broadcast_in_dim3A_522, %select_n3A_415] masked %and3A_410 : memref<8x6272xf32, #tpu.memory_space<vmem>>[vector<16xi32>, vector<16xi32>], vector<16xf32>, vector<16xi1>
      %mul3A_529 = arith.constant 16 : i32
      %mul3A_530 = arith.muli %scan3A_396, %mul3A_529 : i32
      %get3A_531 = arith.constant 5 : i32
      %get3A_532 = arith.index_cast %get3A_531 : i32 to index
      %get3A_533 = arith.index_cast %mul3A_530 : i32 to index
      %get3A_534 = tpu.vector_load %arg9[%get3A_532, %get3A_533] {strides = array<i32>} : memref<8x1024xf32, #tpu.memory_space<vmem>>, vector<16xf32>,
      %select_n3A_535 = arith.select %and3A_410, %gather3A_528, %get3A_534 : vector<16xi1>, vector<16xf32>
      %mul3A_536 = arith.constant 16 : i32
      %mul3A_537 = arith.muli %scan3A_396, %mul3A_536 : i32
      %swap3A_538 = arith.constant 5 : i32
      %swap3A_539 = arith.index_cast %swap3A_538 : i32 to index
      %swap3A_540 = arith.index_cast %mul3A_537 : i32 to index
      %swap3A_541 = tpu.vector_load %arg9[%swap3A_539, %swap3A_540] {strides = array<i32>} : memref<8x1024xf32, #tpu.memory_space<vmem>>, vector<16xf32>,
      tpu.vector_store %arg9[%swap3A_539, %swap3A_540], %select_n3A_535 {strides = array<i32>} : memref<8x1024xf32, #tpu.memory_space<vmem>>, vector<16xf32>,
      %broadcast_in_dim3A_542 = arith.constant 6 : i32
      %broadcast_in_dim3A_543 = vector.broadcast %broadcast_in_dim3A_542 : i32 to vector<16xi32>
      %gather3A_544 = arith.constant 1 : i32
      %gather3A_545 = arith.constant 0 : i32
      %gather3A_546 = arith.constant 0 : i32
      %gather3A_547 = tpu.memref_slice %arg6[%gather3A_544, %gather3A_545, %gather3A_546] : memref<2x8x6272xf32, #tpu.memory_space<vmem>> -> memref<1x8x6272xf32, #tpu.memory_space<vmem>>
      %gather3A_548 = tpu.memref_squeeze %gather3A_547 : memref<1x8x6272xf32, #tpu.memory_space<vmem>> -> memref<8x6272xf32, #tpu.memory_space<vmem>>
      %gather3A_549 = tpu.vector_load_idx %gather3A_548[%broadcast_in_dim3A_543, %select_n3A_415] masked %and3A_410 : memref<8x6272xf32, #tpu.memory_space<vmem>>[vector<16xi32>, vector<16xi32>], vector<16xf32>, vector<16xi1>
      %mul3A_550 = arith.constant 16 : i32
      %mul3A_551 = arith.muli %scan3A_396, %mul3A_550 : i32
      %get3A_552 = arith.constant 6 : i32
      %get3A_553 = arith.index_cast %get3A_552 : i32 to index
      %get3A_554 = arith.index_cast %mul3A_551 : i32 to index
      %get3A_555 = tpu.vector_load %arg9[%get3A_553, %get3A_554] {strides = array<i32>} : memref<8x1024xf32, #tpu.memory_space<vmem>>, vector<16xf32>,
      %select_n3A_556 = arith.select %and3A_410, %gather3A_549, %get3A_555 : vector<16xi1>, vector<16xf32>
      %mul3A_557 = arith.constant 16 : i32
      %mul3A_558 = arith.muli %scan3A_396, %mul3A_557 : i32
      %swap3A_559 = arith.constant 6 : i32
      %swap3A_560 = arith.index_cast %swap3A_559 : i32 to index
      %swap3A_561 = arith.index_cast %mul3A_558 : i32 to index
      %swap3A_562 = tpu.vector_load %arg9[%swap3A_560, %swap3A_561] {strides = array<i32>} : memref<8x1024xf32, #tpu.memory_space<vmem>>, vector<16xf32>,
      tpu.vector_store %arg9[%swap3A_560, %swap3A_561], %select_n3A_556 {strides = array<i32>} : memref<8x1024xf32, #tpu.memory_space<vmem>>, vector<16xf32>,
      %broadcast_in_dim3A_563 = arith.constant 7 : i32
      %broadcast_in_dim3A_564 = vector.broadcast %broadcast_in_dim3A_563 : i32 to vector<16xi32>
      %gather3A_565 = arith.constant 1 : i32
      %gather3A_566 = arith.constant 0 : i32
      %gather3A_567 = arith.constant 0 : i32
      %gather3A_568 = tpu.memref_slice %arg6[%gather3A_565, %gather3A_566, %gather3A_567] : memref<2x8x6272xf32, #tpu.memory_space<vmem>> -> memref<1x8x6272xf32, #tpu.memory_space<vmem>>
      %gather3A_569 = tpu.memref_squeeze %gather3A_568 : memref<1x8x6272xf32, #tpu.memory_space<vmem>> -> memref<8x6272xf32, #tpu.memory_space<vmem>>
      %gather3A_570 = tpu.vector_load_idx %gather3A_569[%broadcast_in_dim3A_564, %select_n3A_415] masked %and3A_410 : memref<8x6272xf32, #tpu.memory_space<vmem>>[vector<16xi32>, vector<16xi32>], vector<16xf32>, vector<16xi1>
      %mul3A_571 = arith.constant 16 : i32
      %mul3A_572 = arith.muli %scan3A_396, %mul3A_571 : i32
      %get3A_573 = arith.constant 7 : i32
      %get3A_574 = arith.index_cast %get3A_573 : i32 to index
      %get3A_575 = arith.index_cast %mul3A_572 : i32 to index
      %get3A_576 = tpu.vector_load %arg9[%get3A_574, %get3A_575] {strides = array<i32>} : memref<8x1024xf32, #tpu.memory_space<vmem>>, vector<16xf32>,
      %select_n3A_577 = arith.select %and3A_410, %gather3A_570, %get3A_576 : vector<16xi1>, vector<16xf32>
      %mul3A_578 = arith.constant 16 : i32
      %mul3A_579 = arith.muli %scan3A_396, %mul3A_578 : i32
      %swap3A_580 = arith.constant 7 : i32
      %swap3A_581 = arith.index_cast %swap3A_580 : i32 to index
      %swap3A_582 = arith.index_cast %mul3A_579 : i32 to index
      %swap3A_583 = tpu.vector_load %arg9[%swap3A_581, %swap3A_582] {strides = array<i32>} : memref<8x1024xf32, #tpu.memory_space<vmem>>, vector<16xf32>,
      tpu.vector_store %arg9[%swap3A_581, %swap3A_582], %select_n3A_577 {strides = array<i32>} : memref<8x1024xf32, #tpu.memory_space<vmem>>, vector<16xf32>,
      %scan3A_584 = arith.constant 0 : i32
      %scan3A_585 = arith.constant 2 : i32
      %scan3A_586 = arith.addi %scan3A_210, %scan3A_585 : i32
      %mul3A_587 = arith.constant 16 : i32
      %mul3A_588 = arith.muli %scan3A_586, %mul3A_587 : i32
      %get3A_589 = arith.index_cast %mul3A_588 : i32 to index
      %get3A_590 = tpu.vector_load %arg8[%get3A_589] {strides = array<i32>} : memref<1024xi32, #tpu.memory_space<vmem>>, vector<16xi32>,
      %ge3A_591 = vector.broadcast %add3A_128 : i32 to vector<16xi32>
      %ge3A_592 = arith.cmpi sge, %get3A_590, %ge3A_591 : vector<16xi32>
      %add3A_593 = arith.constant 6272 : i32
      %add3A_594 = arith.addi %add3A_128, %add3A_593 : i32
      %lt3A_595 = vector.broadcast %add3A_594 : i32 to vector<16xi32>
      %lt3A_596 = arith.cmpi slt, %get3A_590, %lt3A_595 : vector<16xi32>
      %and3A_597 = arith.andi %ge3A_592, %lt3A_596 : vector<16xi1>
      %lt3A_598 = vector.broadcast %select_n3A_41 : i32 to vector<16xi32>
      %lt3A_599 = arith.cmpi slt, %get3A_590, %lt3A_598 : vector<16xi32>
      %and3A_600 = arith.andi %and3A_597, %lt3A_599 : vector<16xi1>
      %sub3A_601 = vector.broadcast %add3A_128 : i32 to vector<16xi32>
      %sub3A_602 = arith.subi %get3A_590, %sub3A_601 : vector<16xi32>
      %jit3A_603 = arith.constant 0 : i32
      %broadcast_in_dim3A_604 = vector.broadcast %jit3A_603 : i32 to vector<16xi32>
      %select_n3A_605 = arith.select %and3A_600, %sub3A_602, %broadcast_in_dim3A_604 : vector<16xi1>, vector<16xi32>
      %broadcast_in_dim3A_606 = arith.constant 0 : i32
      %broadcast_in_dim3A_607 = vector.broadcast %broadcast_in_dim3A_606 : i32 to vector<16xi32>
      %gather3A_608 = arith.constant 1 : i32
      %gather3A_609 = arith.constant 0 : i32
      %gather3A_610 = arith.constant 0 : i32
      %gather3A_611 = tpu.memref_slice %arg6[%gather3A_608, %gather3A_609, %gather3A_610] : memref<2x8x6272xf32, #tpu.memory_space<vmem>> -> memref<1x8x6272xf32, #tpu.memory_space<vmem>>
      %gather3A_612 = tpu.memref_squeeze %gather3A_611 : memref<1x8x6272xf32, #tpu.memory_space<vmem>> -> memref<8x6272xf32, #tpu.memory_space<vmem>>
      %gather3A_613 = tpu.vector_load_idx %gather3A_612[%broadcast_in_dim3A_607, %select_n3A_605] masked %and3A_600 : memref<8x6272xf32, #tpu.memory_space<vmem>>[vector<16xi32>, vector<16xi32>], vector<16xf32>, vector<16xi1>
      %mul3A_614 = arith.constant 16 : i32
      %mul3A_615 = arith.muli %scan3A_586, %mul3A_614 : i32
      %get3A_616 = arith.constant 0 : i32
      %get3A_617 = arith.index_cast %get3A_616 : i32 to index
      %get3A_618 = arith.index_cast %mul3A_615 : i32 to index
      %get3A_619 = tpu.vector_load %arg9[%get3A_617, %get3A_618] {strides = array<i32>} : memref<8x1024xf32, #tpu.memory_space<vmem>>, vector<16xf32>,
      %select_n3A_620 = arith.select %and3A_600, %gather3A_613, %get3A_619 : vector<16xi1>, vector<16xf32>
      %mul3A_621 = arith.constant 16 : i32
      %mul3A_622 = arith.muli %scan3A_586, %mul3A_621 : i32
      %swap3A_623 = arith.constant 0 : i32
      %swap3A_624 = arith.index_cast %swap3A_623 : i32 to index
      %swap3A_625 = arith.index_cast %mul3A_622 : i32 to index
      %swap3A_626 = tpu.vector_load %arg9[%swap3A_624, %swap3A_625] {strides = array<i32>} : memref<8x1024xf32, #tpu.memory_space<vmem>>, vector<16xf32>,
      tpu.vector_store %arg9[%swap3A_624, %swap3A_625], %select_n3A_620 {strides = array<i32>} : memref<8x1024xf32, #tpu.memory_space<vmem>>, vector<16xf32>,
      %broadcast_in_dim3A_627 = arith.constant 1 : i32
      %broadcast_in_dim3A_628 = vector.broadcast %broadcast_in_dim3A_627 : i32 to vector<16xi32>
      %gather3A_629 = arith.constant 1 : i32
      %gather3A_630 = arith.constant 0 : i32
      %gather3A_631 = arith.constant 0 : i32
      %gather3A_632 = tpu.memref_slice %arg6[%gather3A_629, %gather3A_630, %gather3A_631] : memref<2x8x6272xf32, #tpu.memory_space<vmem>> -> memref<1x8x6272xf32, #tpu.memory_space<vmem>>
      %gather3A_633 = tpu.memref_squeeze %gather3A_632 : memref<1x8x6272xf32, #tpu.memory_space<vmem>> -> memref<8x6272xf32, #tpu.memory_space<vmem>>
      %gather3A_634 = tpu.vector_load_idx %gather3A_633[%broadcast_in_dim3A_628, %select_n3A_605] masked %and3A_600 : memref<8x6272xf32, #tpu.memory_space<vmem>>[vector<16xi32>, vector<16xi32>], vector<16xf32>, vector<16xi1>
      %mul3A_635 = arith.constant 16 : i32
      %mul3A_636 = arith.muli %scan3A_586, %mul3A_635 : i32
      %get3A_637 = arith.constant 1 : i32
      %get3A_638 = arith.index_cast %get3A_637 : i32 to index
      %get3A_639 = arith.index_cast %mul3A_636 : i32 to index
      %get3A_640 = tpu.vector_load %arg9[%get3A_638, %get3A_639] {strides = array<i32>} : memref<8x1024xf32, #tpu.memory_space<vmem>>, vector<16xf32>,
      %select_n3A_641 = arith.select %and3A_600, %gather3A_634, %get3A_640 : vector<16xi1>, vector<16xf32>
      %mul3A_642 = arith.constant 16 : i32
      %mul3A_643 = arith.muli %scan3A_586, %mul3A_642 : i32
      %swap3A_644 = arith.constant 1 : i32
      %swap3A_645 = arith.index_cast %swap3A_644 : i32 to index
      %swap3A_646 = arith.index_cast %mul3A_643 : i32 to index
      %swap3A_647 = tpu.vector_load %arg9[%swap3A_645, %swap3A_646] {strides = array<i32>} : memref<8x1024xf32, #tpu.memory_space<vmem>>, vector<16xf32>,
      tpu.vector_store %arg9[%swap3A_645, %swap3A_646], %select_n3A_641 {strides = array<i32>} : memref<8x1024xf32, #tpu.memory_space<vmem>>, vector<16xf32>,
      %broadcast_in_dim3A_648 = arith.constant 2 : i32
      %broadcast_in_dim3A_649 = vector.broadcast %broadcast_in_dim3A_648 : i32 to vector<16xi32>
      %gather3A_650 = arith.constant 1 : i32
      %gather3A_651 = arith.constant 0 : i32
      %gather3A_652 = arith.constant 0 : i32
      %gather3A_653 = tpu.memref_slice %arg6[%gather3A_650, %gather3A_651, %gather3A_652] : memref<2x8x6272xf32, #tpu.memory_space<vmem>> -> memref<1x8x6272xf32, #tpu.memory_space<vmem>>
      %gather3A_654 = tpu.memref_squeeze %gather3A_653 : memref<1x8x6272xf32, #tpu.memory_space<vmem>> -> memref<8x6272xf32, #tpu.memory_space<vmem>>
      %gather3A_655 = tpu.vector_load_idx %gather3A_654[%broadcast_in_dim3A_649, %select_n3A_605] masked %and3A_600 : memref<8x6272xf32, #tpu.memory_space<vmem>>[vector<16xi32>, vector<16xi32>], vector<16xf32>, vector<16xi1>
      %mul3A_656 = arith.constant 16 : i32
      %mul3A_657 = arith.muli %scan3A_586, %mul3A_656 : i32
      %get3A_658 = arith.constant 2 : i32
      %get3A_659 = arith.index_cast %get3A_658 : i32 to index
      %get3A_660 = arith.index_cast %mul3A_657 : i32 to index
      %get3A_661 = tpu.vector_load %arg9[%get3A_659, %get3A_660] {strides = array<i32>} : memref<8x1024xf32, #tpu.memory_space<vmem>>, vector<16xf32>,
      %select_n3A_662 = arith.select %and3A_600, %gather3A_655, %get3A_661 : vector<16xi1>, vector<16xf32>
      %mul3A_663 = arith.constant 16 : i32
      %mul3A_664 = arith.muli %scan3A_586, %mul3A_663 : i32
      %swap3A_665 = arith.constant 2 : i32
      %swap3A_666 = arith.index_cast %swap3A_665 : i32 to index
      %swap3A_667 = arith.index_cast %mul3A_664 : i32 to index
      %swap3A_668 = tpu.vector_load %arg9[%swap3A_666, %swap3A_667] {strides = array<i32>} : memref<8x1024xf32, #tpu.memory_space<vmem>>, vector<16xf32>,
      tpu.vector_store %arg9[%swap3A_666, %swap3A_667], %select_n3A_662 {strides = array<i32>} : memref<8x1024xf32, #tpu.memory_space<vmem>>, vector<16xf32>,
      %broadcast_in_dim3A_669 = arith.constant 3 : i32
      %broadcast_in_dim3A_670 = vector.broadcast %broadcast_in_dim3A_669 : i32 to vector<16xi32>
      %gather3A_671 = arith.constant 1 : i32
      %gather3A_672 = arith.constant 0 : i32
      %gather3A_673 = arith.constant 0 : i32
      %gather3A_674 = tpu.memref_slice %arg6[%gather3A_671, %gather3A_672, %gather3A_673] : memref<2x8x6272xf32, #tpu.memory_space<vmem>> -> memref<1x8x6272xf32, #tpu.memory_space<vmem>>
      %gather3A_675 = tpu.memref_squeeze %gather3A_674 : memref<1x8x6272xf32, #tpu.memory_space<vmem>> -> memref<8x6272xf32, #tpu.memory_space<vmem>>
      %gather3A_676 = tpu.vector_load_idx %gather3A_675[%broadcast_in_dim3A_670, %select_n3A_605] masked %and3A_600 : memref<8x6272xf32, #tpu.memory_space<vmem>>[vector<16xi32>, vector<16xi32>], vector<16xf32>, vector<16xi1>
      %mul3A_677 = arith.constant 16 : i32
      %mul3A_678 = arith.muli %scan3A_586, %mul3A_677 : i32
      %get3A_679 = arith.constant 3 : i32
      %get3A_680 = arith.index_cast %get3A_679 : i32 to index
      %get3A_681 = arith.index_cast %mul3A_678 : i32 to index
      %get3A_682 = tpu.vector_load %arg9[%get3A_680, %get3A_681] {strides = array<i32>} : memref<8x1024xf32, #tpu.memory_space<vmem>>, vector<16xf32>,
      %select_n3A_683 = arith.select %and3A_600, %gather3A_676, %get3A_682 : vector<16xi1>, vector<16xf32>
      %mul3A_684 = arith.constant 16 : i32
      %mul3A_685 = arith.muli %scan3A_586, %mul3A_684 : i32
      %swap3A_686 = arith.constant 3 : i32
      %swap3A_687 = arith.index_cast %swap3A_686 : i32 to index
      %swap3A_688 = arith.index_cast %mul3A_685 : i32 to index
      %swap3A_689 = tpu.vector_load %arg9[%swap3A_687, %swap3A_688] {strides = array<i32>} : memref<8x1024xf32, #tpu.memory_space<vmem>>, vector<16xf32>,
      tpu.vector_store %arg9[%swap3A_687, %swap3A_688], %select_n3A_683 {strides = array<i32>} : memref<8x1024xf32, #tpu.memory_space<vmem>>, vector<16xf32>,
      %broadcast_in_dim3A_690 = arith.constant 4 : i32
      %broadcast_in_dim3A_691 = vector.broadcast %broadcast_in_dim3A_690 : i32 to vector<16xi32>
      %gather3A_692 = arith.constant 1 : i32
      %gather3A_693 = arith.constant 0 : i32
      %gather3A_694 = arith.constant 0 : i32
      %gather3A_695 = tpu.memref_slice %arg6[%gather3A_692, %gather3A_693, %gather3A_694] : memref<2x8x6272xf32, #tpu.memory_space<vmem>> -> memref<1x8x6272xf32, #tpu.memory_space<vmem>>
      %gather3A_696 = tpu.memref_squeeze %gather3A_695 : memref<1x8x6272xf32, #tpu.memory_space<vmem>> -> memref<8x6272xf32, #tpu.memory_space<vmem>>
      %gather3A_697 = tpu.vector_load_idx %gather3A_696[%broadcast_in_dim3A_691, %select_n3A_605] masked %and3A_600 : memref<8x6272xf32, #tpu.memory_space<vmem>>[vector<16xi32>, vector<16xi32>], vector<16xf32>, vector<16xi1>
      %mul3A_698 = arith.constant 16 : i32
      %mul3A_699 = arith.muli %scan3A_586, %mul3A_698 : i32
      %get3A_700 = arith.constant 4 : i32
      %get3A_701 = arith.index_cast %get3A_700 : i32 to index
      %get3A_702 = arith.index_cast %mul3A_699 : i32 to index
      %get3A_703 = tpu.vector_load %arg9[%get3A_701, %get3A_702] {strides = array<i32>} : memref<8x1024xf32, #tpu.memory_space<vmem>>, vector<16xf32>,
      %select_n3A_704 = arith.select %and3A_600, %gather3A_697, %get3A_703 : vector<16xi1>, vector<16xf32>
      %mul3A_705 = arith.constant 16 : i32
      %mul3A_706 = arith.muli %scan3A_586, %mul3A_705 : i32
      %swap3A_707 = arith.constant 4 : i32
      %swap3A_708 = arith.index_cast %swap3A_707 : i32 to index
      %swap3A_709 = arith.index_cast %mul3A_706 : i32 to index
      %swap3A_710 = tpu.vector_load %arg9[%swap3A_708, %swap3A_709] {strides = array<i32>} : memref<8x1024xf32, #tpu.memory_space<vmem>>, vector<16xf32>,
      tpu.vector_store %arg9[%swap3A_708, %swap3A_709], %select_n3A_704 {strides = array<i32>} : memref<8x1024xf32, #tpu.memory_space<vmem>>, vector<16xf32>,
      %broadcast_in_dim3A_711 = arith.constant 5 : i32
      %broadcast_in_dim3A_712 = vector.broadcast %broadcast_in_dim3A_711 : i32 to vector<16xi32>
      %gather3A_713 = arith.constant 1 : i32
      %gather3A_714 = arith.constant 0 : i32
      %gather3A_715 = arith.constant 0 : i32
      %gather3A_716 = tpu.memref_slice %arg6[%gather3A_713, %gather3A_714, %gather3A_715] : memref<2x8x6272xf32, #tpu.memory_space<vmem>> -> memref<1x8x6272xf32, #tpu.memory_space<vmem>>
      %gather3A_717 = tpu.memref_squeeze %gather3A_716 : memref<1x8x6272xf32, #tpu.memory_space<vmem>> -> memref<8x6272xf32, #tpu.memory_space<vmem>>
      %gather3A_718 = tpu.vector_load_idx %gather3A_717[%broadcast_in_dim3A_712, %select_n3A_605] masked %and3A_600 : memref<8x6272xf32, #tpu.memory_space<vmem>>[vector<16xi32>, vector<16xi32>], vector<16xf32>, vector<16xi1>
      %mul3A_719 = arith.constant 16 : i32
      %mul3A_720 = arith.muli %scan3A_586, %mul3A_719 : i32
      %get3A_721 = arith.constant 5 : i32
      %get3A_722 = arith.index_cast %get3A_721 : i32 to index
      %get3A_723 = arith.index_cast %mul3A_720 : i32 to index
      %get3A_724 = tpu.vector_load %arg9[%get3A_722, %get3A_723] {strides = array<i32>} : memref<8x1024xf32, #tpu.memory_space<vmem>>, vector<16xf32>,
      %select_n3A_725 = arith.select %and3A_600, %gather3A_718, %get3A_724 : vector<16xi1>, vector<16xf32>
      %mul3A_726 = arith.constant 16 : i32
      %mul3A_727 = arith.muli %scan3A_586, %mul3A_726 : i32
      %swap3A_728 = arith.constant 5 : i32
      %swap3A_729 = arith.index_cast %swap3A_728 : i32 to index
      %swap3A_730 = arith.index_cast %mul3A_727 : i32 to index
      %swap3A_731 = tpu.vector_load %arg9[%swap3A_729, %swap3A_730] {strides = array<i32>} : memref<8x1024xf32, #tpu.memory_space<vmem>>, vector<16xf32>,
      tpu.vector_store %arg9[%swap3A_729, %swap3A_730], %select_n3A_725 {strides = array<i32>} : memref<8x1024xf32, #tpu.memory_space<vmem>>, vector<16xf32>,
      %broadcast_in_dim3A_732 = arith.constant 6 : i32
      %broadcast_in_dim3A_733 = vector.broadcast %broadcast_in_dim3A_732 : i32 to vector<16xi32>
      %gather3A_734 = arith.constant 1 : i32
      %gather3A_735 = arith.constant 0 : i32
      %gather3A_736 = arith.constant 0 : i32
      %gather3A_737 = tpu.memref_slice %arg6[%gather3A_734, %gather3A_735, %gather3A_736] : memref<2x8x6272xf32, #tpu.memory_space<vmem>> -> memref<1x8x6272xf32, #tpu.memory_space<vmem>>
      %gather3A_738 = tpu.memref_squeeze %gather3A_737 : memref<1x8x6272xf32, #tpu.memory_space<vmem>> -> memref<8x6272xf32, #tpu.memory_space<vmem>>
      %gather3A_739 = tpu.vector_load_idx %gather3A_738[%broadcast_in_dim3A_733, %select_n3A_605] masked %and3A_600 : memref<8x6272xf32, #tpu.memory_space<vmem>>[vector<16xi32>, vector<16xi32>], vector<16xf32>, vector<16xi1>
      %mul3A_740 = arith.constant 16 : i32
      %mul3A_741 = arith.muli %scan3A_586, %mul3A_740 : i32
      %get3A_742 = arith.constant 6 : i32
      %get3A_743 = arith.index_cast %get3A_742 : i32 to index
      %get3A_744 = arith.index_cast %mul3A_741 : i32 to index
      %get3A_745 = tpu.vector_load %arg9[%get3A_743, %get3A_744] {strides = array<i32>} : memref<8x1024xf32, #tpu.memory_space<vmem>>, vector<16xf32>,
      %select_n3A_746 = arith.select %and3A_600, %gather3A_739, %get3A_745 : vector<16xi1>, vector<16xf32>
      %mul3A_747 = arith.constant 16 : i32
      %mul3A_748 = arith.muli %scan3A_586, %mul3A_747 : i32
      %swap3A_749 = arith.constant 6 : i32
      %swap3A_750 = arith.index_cast %swap3A_749 : i32 to index
      %swap3A_751 = arith.index_cast %mul3A_748 : i32 to index
      %swap3A_752 = tpu.vector_load %arg9[%swap3A_750, %swap3A_751] {strides = array<i32>} : memref<8x1024xf32, #tpu.memory_space<vmem>>, vector<16xf32>,
      tpu.vector_store %arg9[%swap3A_750, %swap3A_751], %select_n3A_746 {strides = array<i32>} : memref<8x1024xf32, #tpu.memory_space<vmem>>, vector<16xf32>,
      %broadcast_in_dim3A_753 = arith.constant 7 : i32
      %broadcast_in_dim3A_754 = vector.broadcast %broadcast_in_dim3A_753 : i32 to vector<16xi32>
      %gather3A_755 = arith.constant 1 : i32
      %gather3A_756 = arith.constant 0 : i32
      %gather3A_757 = arith.constant 0 : i32
      %gather3A_758 = tpu.memref_slice %arg6[%gather3A_755, %gather3A_756, %gather3A_757] : memref<2x8x6272xf32, #tpu.memory_space<vmem>> -> memref<1x8x6272xf32, #tpu.memory_space<vmem>>
      %gather3A_759 = tpu.memref_squeeze %gather3A_758 : memref<1x8x6272xf32, #tpu.memory_space<vmem>> -> memref<8x6272xf32, #tpu.memory_space<vmem>>
      %gather3A_760 = tpu.vector_load_idx %gather3A_759[%broadcast_in_dim3A_754, %select_n3A_605] masked %and3A_600 : memref<8x6272xf32, #tpu.memory_space<vmem>>[vector<16xi32>, vector<16xi32>], vector<16xf32>, vector<16xi1>
      %mul3A_761 = arith.constant 16 : i32
      %mul3A_762 = arith.muli %scan3A_586, %mul3A_761 : i32
      %get3A_763 = arith.constant 7 : i32
      %get3A_764 = arith.index_cast %get3A_763 : i32 to index
      %get3A_765 = arith.index_cast %mul3A_762 : i32 to index
      %get3A_766 = tpu.vector_load %arg9[%get3A_764, %get3A_765] {strides = array<i32>} : memref<8x1024xf32, #tpu.memory_space<vmem>>, vector<16xf32>,
      %select_n3A_767 = arith.select %and3A_600, %gather3A_760, %get3A_766 : vector<16xi1>, vector<16xf32>
      %mul3A_768 = arith.constant 16 : i32
      %mul3A_769 = arith.muli %scan3A_586, %mul3A_768 : i32
      %swap3A_770 = arith.constant 7 : i32
      %swap3A_771 = arith.index_cast %swap3A_770 : i32 to index
      %swap3A_772 = arith.index_cast %mul3A_769 : i32 to index
      %swap3A_773 = tpu.vector_load %arg9[%swap3A_771, %swap3A_772] {strides = array<i32>} : memref<8x1024xf32, #tpu.memory_space<vmem>>, vector<16xf32>,
      tpu.vector_store %arg9[%swap3A_771, %swap3A_772], %select_n3A_767 {strides = array<i32>} : memref<8x1024xf32, #tpu.memory_space<vmem>>, vector<16xf32>,
      %scan3A_774 = arith.constant 0 : i32
      %scan3A_775 = arith.constant 3 : i32
      %scan3A_776 = arith.addi %scan3A_210, %scan3A_775 : i32
      %mul3A_777 = arith.constant 16 : i32
      %mul3A_778 = arith.muli %scan3A_776, %mul3A_777 : i32
      %get3A_779 = arith.index_cast %mul3A_778 : i32 to index
      %get3A_780 = tpu.vector_load %arg8[%get3A_779] {strides = array<i32>} : memref<1024xi32, #tpu.memory_space<vmem>>, vector<16xi32>,
      %ge3A_781 = vector.broadcast %add3A_128 : i32 to vector<16xi32>
      %ge3A_782 = arith.cmpi sge, %get3A_780, %ge3A_781 : vector<16xi32>
      %add3A_783 = arith.constant 6272 : i32
      %add3A_784 = arith.addi %add3A_128, %add3A_783 : i32
      %lt3A_785 = vector.broadcast %add3A_784 : i32 to vector<16xi32>
      %lt3A_786 = arith.cmpi slt, %get3A_780, %lt3A_785 : vector<16xi32>
      %and3A_787 = arith.andi %ge3A_782, %lt3A_786 : vector<16xi1>
      %lt3A_788 = vector.broadcast %select_n3A_41 : i32 to vector<16xi32>
      %lt3A_789 = arith.cmpi slt, %get3A_780, %lt3A_788 : vector<16xi32>
      %and3A_790 = arith.andi %and3A_787, %lt3A_789 : vector<16xi1>
      %sub3A_791 = vector.broadcast %add3A_128 : i32 to vector<16xi32>
      %sub3A_792 = arith.subi %get3A_780, %sub3A_791 : vector<16xi32>
      %jit3A_793 = arith.constant 0 : i32
      %broadcast_in_dim3A_794 = vector.broadcast %jit3A_793 : i32 to vector<16xi32>
      %select_n3A_795 = arith.select %and3A_790, %sub3A_792, %broadcast_in_dim3A_794 : vector<16xi1>, vector<16xi32>
      %broadcast_in_dim3A_796 = arith.constant 0 : i32
      %broadcast_in_dim3A_797 = vector.broadcast %broadcast_in_dim3A_796 : i32 to vector<16xi32>
      %gather3A_798 = arith.constant 1 : i32
      %gather3A_799 = arith.constant 0 : i32
      %gather3A_800 = arith.constant 0 : i32
      %gather3A_801 = tpu.memref_slice %arg6[%gather3A_798, %gather3A_799, %gather3A_800] : memref<2x8x6272xf32, #tpu.memory_space<vmem>> -> memref<1x8x6272xf32, #tpu.memory_space<vmem>>
      %gather3A_802 = tpu.memref_squeeze %gather3A_801 : memref<1x8x6272xf32, #tpu.memory_space<vmem>> -> memref<8x6272xf32, #tpu.memory_space<vmem>>
      %gather3A_803 = tpu.vector_load_idx %gather3A_802[%broadcast_in_dim3A_797, %select_n3A_795] masked %and3A_790 : memref<8x6272xf32, #tpu.memory_space<vmem>>[vector<16xi32>, vector<16xi32>], vector<16xf32>, vector<16xi1>
      %mul3A_804 = arith.constant 16 : i32
      %mul3A_805 = arith.muli %scan3A_776, %mul3A_804 : i32
      %get3A_806 = arith.constant 0 : i32
      %get3A_807 = arith.index_cast %get3A_806 : i32 to index
      %get3A_808 = arith.index_cast %mul3A_805 : i32 to index
      %get3A_809 = tpu.vector_load %arg9[%get3A_807, %get3A_808] {strides = array<i32>} : memref<8x1024xf32, #tpu.memory_space<vmem>>, vector<16xf32>,
      %select_n3A_810 = arith.select %and3A_790, %gather3A_803, %get3A_809 : vector<16xi1>, vector<16xf32>
      %mul3A_811 = arith.constant 16 : i32
      %mul3A_812 = arith.muli %scan3A_776, %mul3A_811 : i32
      %swap3A_813 = arith.constant 0 : i32
      %swap3A_814 = arith.index_cast %swap3A_813 : i32 to index
      %swap3A_815 = arith.index_cast %mul3A_812 : i32 to index
      %swap3A_816 = tpu.vector_load %arg9[%swap3A_814, %swap3A_815] {strides = array<i32>} : memref<8x1024xf32, #tpu.memory_space<vmem>>, vector<16xf32>,
      tpu.vector_store %arg9[%swap3A_814, %swap3A_815], %select_n3A_810 {strides = array<i32>} : memref<8x1024xf32, #tpu.memory_space<vmem>>, vector<16xf32>,
      %broadcast_in_dim3A_817 = arith.constant 1 : i32
      %broadcast_in_dim3A_818 = vector.broadcast %broadcast_in_dim3A_817 : i32 to vector<16xi32>
      %gather3A_819 = arith.constant 1 : i32
      %gather3A_820 = arith.constant 0 : i32
      %gather3A_821 = arith.constant 0 : i32
      %gather3A_822 = tpu.memref_slice %arg6[%gather3A_819, %gather3A_820, %gather3A_821] : memref<2x8x6272xf32, #tpu.memory_space<vmem>> -> memref<1x8x6272xf32, #tpu.memory_space<vmem>>
      %gather3A_823 = tpu.memref_squeeze %gather3A_822 : memref<1x8x6272xf32, #tpu.memory_space<vmem>> -> memref<8x6272xf32, #tpu.memory_space<vmem>>
      %gather3A_824 = tpu.vector_load_idx %gather3A_823[%broadcast_in_dim3A_818, %select_n3A_795] masked %and3A_790 : memref<8x6272xf32, #tpu.memory_space<vmem>>[vector<16xi32>, vector<16xi32>], vector<16xf32>, vector<16xi1>
      %mul3A_825 = arith.constant 16 : i32
      %mul3A_826 = arith.muli %scan3A_776, %mul3A_825 : i32
      %get3A_827 = arith.constant 1 : i32
      %get3A_828 = arith.index_cast %get3A_827 : i32 to index
      %get3A_829 = arith.index_cast %mul3A_826 : i32 to index
      %get3A_830 = tpu.vector_load %arg9[%get3A_828, %get3A_829] {strides = array<i32>} : memref<8x1024xf32, #tpu.memory_space<vmem>>, vector<16xf32>,
      %select_n3A_831 = arith.select %and3A_790, %gather3A_824, %get3A_830 : vector<16xi1>, vector<16xf32>
      %mul3A_832 = arith.constant 16 : i32
      %mul3A_833 = arith.muli %scan3A_776, %mul3A_832 : i32
      %swap3A_834 = arith.constant 1 : i32
      %swap3A_835 = arith.index_cast %swap3A_834 : i32 to index
      %swap3A_836 = arith.index_cast %mul3A_833 : i32 to index
      %swap3A_837 = tpu.vector_load %arg9[%swap3A_835, %swap3A_836] {strides = array<i32>} : memref<8x1024xf32, #tpu.memory_space<vmem>>, vector<16xf32>,
      tpu.vector_store %arg9[%swap3A_835, %swap3A_836], %select_n3A_831 {strides = array<i32>} : memref<8x1024xf32, #tpu.memory_space<vmem>>, vector<16xf32>,
      %broadcast_in_dim3A_838 = arith.constant 2 : i32
      %broadcast_in_dim3A_839 = vector.broadcast %broadcast_in_dim3A_838 : i32 to vector<16xi32>
      %gather3A_840 = arith.constant 1 : i32
      %gather3A_841 = arith.constant 0 : i32
      %gather3A_842 = arith.constant 0 : i32
      %gather3A_843 = tpu.memref_slice %arg6[%gather3A_840, %gather3A_841, %gather3A_842] : memref<2x8x6272xf32, #tpu.memory_space<vmem>> -> memref<1x8x6272xf32, #tpu.memory_space<vmem>>
      %gather3A_844 = tpu.memref_squeeze %gather3A_843 : memref<1x8x6272xf32, #tpu.memory_space<vmem>> -> memref<8x6272xf32, #tpu.memory_space<vmem>>
      %gather3A_845 = tpu.vector_load_idx %gather3A_844[%broadcast_in_dim3A_839, %select_n3A_795] masked %and3A_790 : memref<8x6272xf32, #tpu.memory_space<vmem>>[vector<16xi32>, vector<16xi32>], vector<16xf32>, vector<16xi1>
      %mul3A_846 = arith.constant 16 : i32
      %mul3A_847 = arith.muli %scan3A_776, %mul3A_846 : i32
      %get3A_848 = arith.constant 2 : i32
      %get3A_849 = arith.index_cast %get3A_848 : i32 to index
      %get3A_850 = arith.index_cast %mul3A_847 : i32 to index
      %get3A_851 = tpu.vector_load %arg9[%get3A_849, %get3A_850] {strides = array<i32>} : memref<8x1024xf32, #tpu.memory_space<vmem>>, vector<16xf32>,
      %select_n3A_852 = arith.select %and3A_790, %gather3A_845, %get3A_851 : vector<16xi1>, vector<16xf32>
      %mul3A_853 = arith.constant 16 : i32
      %mul3A_854 = arith.muli %scan3A_776, %mul3A_853 : i32
      %swap3A_855 = arith.constant 2 : i32
      %swap3A_856 = arith.index_cast %swap3A_855 : i32 to index
      %swap3A_857 = arith.index_cast %mul3A_854 : i32 to index
      %swap3A_858 = tpu.vector_load %arg9[%swap3A_856, %swap3A_857] {strides = array<i32>} : memref<8x1024xf32, #tpu.memory_space<vmem>>, vector<16xf32>,
      tpu.vector_store %arg9[%swap3A_856, %swap3A_857], %select_n3A_852 {strides = array<i32>} : memref<8x1024xf32, #tpu.memory_space<vmem>>, vector<16xf32>,
      %broadcast_in_dim3A_859 = arith.constant 3 : i32
      %broadcast_in_dim3A_860 = vector.broadcast %broadcast_in_dim3A_859 : i32 to vector<16xi32>
      %gather3A_861 = arith.constant 1 : i32
      %gather3A_862 = arith.constant 0 : i32
      %gather3A_863 = arith.constant 0 : i32
      %gather3A_864 = tpu.memref_slice %arg6[%gather3A_861, %gather3A_862, %gather3A_863] : memref<2x8x6272xf32, #tpu.memory_space<vmem>> -> memref<1x8x6272xf32, #tpu.memory_space<vmem>>
      %gather3A_865 = tpu.memref_squeeze %gather3A_864 : memref<1x8x6272xf32, #tpu.memory_space<vmem>> -> memref<8x6272xf32, #tpu.memory_space<vmem>>
      %gather3A_866 = tpu.vector_load_idx %gather3A_865[%broadcast_in_dim3A_860, %select_n3A_795] masked %and3A_790 : memref<8x6272xf32, #tpu.memory_space<vmem>>[vector<16xi32>, vector<16xi32>], vector<16xf32>, vector<16xi1>
      %mul3A_867 = arith.constant 16 : i32
      %mul3A_868 = arith.muli %scan3A_776, %mul3A_867 : i32
      %get3A_869 = arith.constant 3 : i32
      %get3A_870 = arith.index_cast %get3A_869 : i32 to index
      %get3A_871 = arith.index_cast %mul3A_868 : i32 to index
      %get3A_872 = tpu.vector_load %arg9[%get3A_870, %get3A_871] {strides = array<i32>} : memref<8x1024xf32, #tpu.memory_space<vmem>>, vector<16xf32>,
      %select_n3A_873 = arith.select %and3A_790, %gather3A_866, %get3A_872 : vector<16xi1>, vector<16xf32>
      %mul3A_874 = arith.constant 16 : i32
      %mul3A_875 = arith.muli %scan3A_776, %mul3A_874 : i32
      %swap3A_876 = arith.constant 3 : i32
      %swap3A_877 = arith.index_cast %swap3A_876 : i32 to index
      %swap3A_878 = arith.index_cast %mul3A_875 : i32 to index
      %swap3A_879 = tpu.vector_load %arg9[%swap3A_877, %swap3A_878] {strides = array<i32>} : memref<8x1024xf32, #tpu.memory_space<vmem>>, vector<16xf32>,
      tpu.vector_store %arg9[%swap3A_877, %swap3A_878], %select_n3A_873 {strides = array<i32>} : memref<8x1024xf32, #tpu.memory_space<vmem>>, vector<16xf32>,
      %broadcast_in_dim3A_880 = arith.constant 4 : i32
      %broadcast_in_dim3A_881 = vector.broadcast %broadcast_in_dim3A_880 : i32 to vector<16xi32>
      %gather3A_882 = arith.constant 1 : i32
      %gather3A_883 = arith.constant 0 : i32
      %gather3A_884 = arith.constant 0 : i32
      %gather3A_885 = tpu.memref_slice %arg6[%gather3A_882, %gather3A_883, %gather3A_884] : memref<2x8x6272xf32, #tpu.memory_space<vmem>> -> memref<1x8x6272xf32, #tpu.memory_space<vmem>>
      %gather3A_886 = tpu.memref_squeeze %gather3A_885 : memref<1x8x6272xf32, #tpu.memory_space<vmem>> -> memref<8x6272xf32, #tpu.memory_space<vmem>>
      %gather3A_887 = tpu.vector_load_idx %gather3A_886[%broadcast_in_dim3A_881, %select_n3A_795] masked %and3A_790 : memref<8x6272xf32, #tpu.memory_space<vmem>>[vector<16xi32>, vector<16xi32>], vector<16xf32>, vector<16xi1>
      %mul3A_888 = arith.constant 16 : i32
      %mul3A_889 = arith.muli %scan3A_776, %mul3A_888 : i32
      %get3A_890 = arith.constant 4 : i32
      %get3A_891 = arith.index_cast %get3A_890 : i32 to index
      %get3A_892 = arith.index_cast %mul3A_889 : i32 to index
      %get3A_893 = tpu.vector_load %arg9[%get3A_891, %get3A_892] {strides = array<i32>} : memref<8x1024xf32, #tpu.memory_space<vmem>>, vector<16xf32>,
      %select_n3A_894 = arith.select %and3A_790, %gather3A_887, %get3A_893 : vector<16xi1>, vector<16xf32>
      %mul3A_895 = arith.constant 16 : i32
      %mul3A_896 = arith.muli %scan3A_776, %mul3A_895 : i32
      %swap3A_897 = arith.constant 4 : i32
      %swap3A_898 = arith.index_cast %swap3A_897 : i32 to index
      %swap3A_899 = arith.index_cast %mul3A_896 : i32 to index
      %swap3A_900 = tpu.vector_load %arg9[%swap3A_898, %swap3A_899] {strides = array<i32>} : memref<8x1024xf32, #tpu.memory_space<vmem>>, vector<16xf32>,
      tpu.vector_store %arg9[%swap3A_898, %swap3A_899], %select_n3A_894 {strides = array<i32>} : memref<8x1024xf32, #tpu.memory_space<vmem>>, vector<16xf32>,
      %broadcast_in_dim3A_901 = arith.constant 5 : i32
      %broadcast_in_dim3A_902 = vector.broadcast %broadcast_in_dim3A_901 : i32 to vector<16xi32>
      %gather3A_903 = arith.constant 1 : i32
      %gather3A_904 = arith.constant 0 : i32
      %gather3A_905 = arith.constant 0 : i32
      %gather3A_906 = tpu.memref_slice %arg6[%gather3A_903, %gather3A_904, %gather3A_905] : memref<2x8x6272xf32, #tpu.memory_space<vmem>> -> memref<1x8x6272xf32, #tpu.memory_space<vmem>>
      %gather3A_907 = tpu.memref_squeeze %gather3A_906 : memref<1x8x6272xf32, #tpu.memory_space<vmem>> -> memref<8x6272xf32, #tpu.memory_space<vmem>>
      %gather3A_908 = tpu.vector_load_idx %gather3A_907[%broadcast_in_dim3A_902, %select_n3A_795] masked %and3A_790 : memref<8x6272xf32, #tpu.memory_space<vmem>>[vector<16xi32>, vector<16xi32>], vector<16xf32>, vector<16xi1>
      %mul3A_909 = arith.constant 16 : i32
      %mul3A_910 = arith.muli %scan3A_776, %mul3A_909 : i32
      %get3A_911 = arith.constant 5 : i32
      %get3A_912 = arith.index_cast %get3A_911 : i32 to index
      %get3A_913 = arith.index_cast %mul3A_910 : i32 to index
      %get3A_914 = tpu.vector_load %arg9[%get3A_912, %get3A_913] {strides = array<i32>} : memref<8x1024xf32, #tpu.memory_space<vmem>>, vector<16xf32>,
      %select_n3A_915 = arith.select %and3A_790, %gather3A_908, %get3A_914 : vector<16xi1>, vector<16xf32>
      %mul3A_916 = arith.constant 16 : i32
      %mul3A_917 = arith.muli %scan3A_776, %mul3A_916 : i32
      %swap3A_918 = arith.constant 5 : i32
      %swap3A_919 = arith.index_cast %swap3A_918 : i32 to index
      %swap3A_920 = arith.index_cast %mul3A_917 : i32 to index
      %swap3A_921 = tpu.vector_load %arg9[%swap3A_919, %swap3A_920] {strides = array<i32>} : memref<8x1024xf32, #tpu.memory_space<vmem>>, vector<16xf32>,
      tpu.vector_store %arg9[%swap3A_919, %swap3A_920], %select_n3A_915 {strides = array<i32>} : memref<8x1024xf32, #tpu.memory_space<vmem>>, vector<16xf32>,
      %broadcast_in_dim3A_922 = arith.constant 6 : i32
      %broadcast_in_dim3A_923 = vector.broadcast %broadcast_in_dim3A_922 : i32 to vector<16xi32>
      %gather3A_924 = arith.constant 1 : i32
      %gather3A_925 = arith.constant 0 : i32
      %gather3A_926 = arith.constant 0 : i32
      %gather3A_927 = tpu.memref_slice %arg6[%gather3A_924, %gather3A_925, %gather3A_926] : memref<2x8x6272xf32, #tpu.memory_space<vmem>> -> memref<1x8x6272xf32, #tpu.memory_space<vmem>>
      %gather3A_928 = tpu.memref_squeeze %gather3A_927 : memref<1x8x6272xf32, #tpu.memory_space<vmem>> -> memref<8x6272xf32, #tpu.memory_space<vmem>>
      %gather3A_929 = tpu.vector_load_idx %gather3A_928[%broadcast_in_dim3A_923, %select_n3A_795] masked %and3A_790 : memref<8x6272xf32, #tpu.memory_space<vmem>>[vector<16xi32>, vector<16xi32>], vector<16xf32>, vector<16xi1>
      %mul3A_930 = arith.constant 16 : i32
      %mul3A_931 = arith.muli %scan3A_776, %mul3A_930 : i32
      %get3A_932 = arith.constant 6 : i32
      %get3A_933 = arith.index_cast %get3A_932 : i32 to index
      %get3A_934 = arith.index_cast %mul3A_931 : i32 to index
      %get3A_935 = tpu.vector_load %arg9[%get3A_933, %get3A_934] {strides = array<i32>} : memref<8x1024xf32, #tpu.memory_space<vmem>>, vector<16xf32>,
      %select_n3A_936 = arith.select %and3A_790, %gather3A_929, %get3A_935 : vector<16xi1>, vector<16xf32>
      %mul3A_937 = arith.constant 16 : i32
      %mul3A_938 = arith.muli %scan3A_776, %mul3A_937 : i32
      %swap3A_939 = arith.constant 6 : i32
      %swap3A_940 = arith.index_cast %swap3A_939 : i32 to index
      %swap3A_941 = arith.index_cast %mul3A_938 : i32 to index
      %swap3A_942 = tpu.vector_load %arg9[%swap3A_940, %swap3A_941] {strides = array<i32>} : memref<8x1024xf32, #tpu.memory_space<vmem>>, vector<16xf32>,
      tpu.vector_store %arg9[%swap3A_940, %swap3A_941], %select_n3A_936 {strides = array<i32>} : memref<8x1024xf32, #tpu.memory_space<vmem>>, vector<16xf32>,
      %broadcast_in_dim3A_943 = arith.constant 7 : i32
      %broadcast_in_dim3A_944 = vector.broadcast %broadcast_in_dim3A_943 : i32 to vector<16xi32>
      %gather3A_945 = arith.constant 1 : i32
      %gather3A_946 = arith.constant 0 : i32
      %gather3A_947 = arith.constant 0 : i32
      %gather3A_948 = tpu.memref_slice %arg6[%gather3A_945, %gather3A_946, %gather3A_947] : memref<2x8x6272xf32, #tpu.memory_space<vmem>> -> memref<1x8x6272xf32, #tpu.memory_space<vmem>>
      %gather3A_949 = tpu.memref_squeeze %gather3A_948 : memref<1x8x6272xf32, #tpu.memory_space<vmem>> -> memref<8x6272xf32, #tpu.memory_space<vmem>>
      %gather3A_950 = tpu.vector_load_idx %gather3A_949[%broadcast_in_dim3A_944, %select_n3A_795] masked %and3A_790 : memref<8x6272xf32, #tpu.memory_space<vmem>>[vector<16xi32>, vector<16xi32>], vector<16xf32>, vector<16xi1>
      %mul3A_951 = arith.constant 16 : i32
      %mul3A_952 = arith.muli %scan3A_776, %mul3A_951 : i32
      %get3A_953 = arith.constant 7 : i32
      %get3A_954 = arith.index_cast %get3A_953 : i32 to index
      %get3A_955 = arith.index_cast %mul3A_952 : i32 to index
      %get3A_956 = tpu.vector_load %arg9[%get3A_954, %get3A_955] {strides = array<i32>} : memref<8x1024xf32, #tpu.memory_space<vmem>>, vector<16xf32>,
      %select_n3A_957 = arith.select %and3A_790, %gather3A_950, %get3A_956 : vector<16xi1>, vector<16xf32>
      %mul3A_958 = arith.constant 16 : i32
      %mul3A_959 = arith.muli %scan3A_776, %mul3A_958 : i32
      %swap3A_960 = arith.constant 7 : i32
      %swap3A_961 = arith.index_cast %swap3A_960 : i32 to index
      %swap3A_962 = arith.index_cast %mul3A_959 : i32 to index
      %swap3A_963 = tpu.vector_load %arg9[%swap3A_961, %swap3A_962] {strides = array<i32>} : memref<8x1024xf32, #tpu.memory_space<vmem>>, vector<16xf32>,
      tpu.vector_store %arg9[%swap3A_961, %swap3A_962], %select_n3A_957 {strides = array<i32>} : memref<8x1024xf32, #tpu.memory_space<vmem>>, vector<16xf32>,
      %scan3A_964 = arith.constant 0 : i32
      scf.yield %scan3A_964 : i32
    }
    %scan3A_135 = arith.constant 64 : i32
    %add3A_136 = arith.constant 18816 : i32
    %add3A_137 = arith.addi %mul3A_34, %add3A_136 : i32
    %multiple_of3A_138 = tpu.assume_multiple %add3A_137, 128 : i32
    %dma_start3A_139 = arith.constant 1 : i32
    %dma_start3A_140 = arith.constant 1 : i32
    %dma_start3A_141 = arith.constant 0 : i32
    %dma_start3A_142 = arith.constant 0 : i32
    %dma_start3A_143 = tpu.memref_slice %arg6[%dma_start3A_139, %dma_start3A_141, %dma_start3A_142] : memref<2x8x6272xf32, #tpu.memory_space<vmem>> -> memref<1x8x6272xf32, #tpu.memory_space<vmem>>
    %dma_start3A_144 = tpu.memref_squeeze %dma_start3A_143 : memref<1x8x6272xf32, #tpu.memory_space<vmem>> -> memref<8x6272xf32, #tpu.memory_space<vmem>>
    %dma_start3A_145 = tpu.memref_slice %arg2[%multiple_of3A, %multiple_of3A_138] : memref<64x100000xf32, #tpu.memory_space<hbm>> -> memref<8x6272xf32, #tpu.memory_space<hbm>>
    %dma_start3A_146 = tpu.memref_slice %arg10[%dma_start3A_140] : memref<2x!tpu.dma_semaphore, #tpu.memory_space<semaphore_mem>> -> memref<1x!tpu.dma_semaphore, #tpu.memory_space<semaphore_mem>>
    %dma_start3A_147 = tpu.memref_squeeze %dma_start3A_146 : memref<1x!tpu.dma_semaphore, #tpu.memory_space<semaphore_mem>> -> memref<!tpu.dma_semaphore, #tpu.memory_space<semaphore_mem>>
    %dma_start3A_148 = arith.constant 0 : i32
    %dma_start3A_149 = arith.constant 0 : i32
    %dma_start3A_150 = tpu.memref_slice %arg6[%dma_start3A_139, %dma_start3A_148, %dma_start3A_149] : memref<2x8x6272xf32, #tpu.memory_space<vmem>> -> memref<1x8x6272xf32, #tpu.memory_space<vmem>>
    %dma_start3A_151 = tpu.memref_squeeze %dma_start3A_150 : memref<1x8x6272xf32, #tpu.memory_space<vmem>> -> memref<8x6272xf32, #tpu.memory_space<vmem>>
    %dma_start3A_152 = tpu.memref_slice %arg2[%multiple_of3A, %multiple_of3A_138] : memref<64x100000xf32, #tpu.memory_space<hbm>> -> memref<8x6272xf32, #tpu.memory_space<hbm>>
    tpu.enqueue_dma source(%dma_start3A_152 : memref<8x6272xf32, #tpu.memory_space<hbm>>) target(%dma_start3A_151 : memref<8x6272xf32, #tpu.memory_space<vmem>>) target_semaphore(%dma_start3A_147 : memref<!tpu.dma_semaphore, #tpu.memory_space<semaphore_mem>>)
    %dma_wait3A_153 = arith.constant 0 : i32
    %dma_wait3A_154 = arith.constant 0 : i32
    %dma_wait3A_155 = arith.constant 0 : i32
    %dma_wait3A_156 = arith.constant 0 : i32
    %dma_wait3A_157 = tpu.memref_slice %arg6[%dma_wait3A_153, %dma_wait3A_155, %dma_wait3A_156] : memref<2x8x6272xf32, #tpu.memory_space<vmem>> -> memref<1x8x6272xf32, #tpu.memory_space<vmem>>
    %dma_wait3A_158 = tpu.memref_squeeze %dma_wait3A_157 : memref<1x8x6272xf32, #tpu.memory_space<vmem>> -> memref<8x6272xf32, #tpu.memory_space<vmem>>
    %dma_wait3A_159 = tpu.memref_slice %arg2[%multiple_of3A, %multiple_of3A_98] : memref<64x100000xf32, #tpu.memory_space<hbm>> -> memref<8x6272xf32, #tpu.memory_space<hbm>>
    %dma_wait3A_160 = tpu.memref_slice %arg10[%dma_wait3A_154] : memref<2x!tpu.dma_semaphore, #tpu.memory_space<semaphore_mem>> -> memref<1x!tpu.dma_semaphore, #tpu.memory_space<semaphore_mem>>
    %dma_wait3A_161 = tpu.memref_squeeze %dma_wait3A_160 : memref<1x!tpu.dma_semaphore, #tpu.memory_space<semaphore_mem>> -> memref<!tpu.dma_semaphore, #tpu.memory_space<semaphore_mem>>
    %dma_wait3A_162 = arith.constant 0 : i32
    %dma_wait3A_163 = arith.constant 0 : i32
    %dma_wait3A_164 = tpu.memref_slice %arg6[%dma_wait3A_153, %dma_wait3A_162, %dma_wait3A_163] : memref<2x8x6272xf32, #tpu.memory_space<vmem>> -> memref<1x8x6272xf32, #tpu.memory_space<vmem>>
    %dma_wait3A_165 = tpu.memref_squeeze %dma_wait3A_164 : memref<1x8x6272xf32, #tpu.memory_space<vmem>> -> memref<8x6272xf32, #tpu.memory_space<vmem>>
    %dma_wait3A_166 = tpu.memref_slice %arg2[%multiple_of3A, %multiple_of3A_98] : memref<64x100000xf32, #tpu.memory_space<hbm>> -> memref<8x6272xf32, #tpu.memory_space<hbm>>
    tpu.wait_dma2 semaphore(%dma_wait3A_161 : memref<!tpu.dma_semaphore, #tpu.memory_space<semaphore_mem>>) src(%dma_wait3A_166 : memref<8x6272xf32, #tpu.memory_space<hbm>>) dst(%dma_wait3A_165 : memref<8x6272xf32, #tpu.memory_space<vmem>>)
    %add3A_167 = arith.constant 12544 : i32
    %add3A_168 = arith.addi %mul3A_34, %add3A_167 : i32
    %scan3A_169 = arith.constant 0 : i32
    %scan3A_170 = arith.constant 0 : i32
    %scan3A_171 = arith.constant 64 : i32
    %scan3A_172 = arith.addi %scan3A_170, %scan3A_171 : i32
    %scan3A_173 = arith.constant 4 : i32
    %scan3A_174 = scf.for %scan3A_210 = %scan3A_170 to %scan3A_172 step %scan3A_173 iter_args(%scan3A_211 = %scan3A_169) -> (i32)  : i32 {
      %mul3A_212 = arith.constant 16 : i32
      %mul3A_213 = arith.muli %scan3A_210, %mul3A_212 : i32
      %get3A = arith.index_cast %mul3A_213 : i32 to index
      %get3A_214 = tpu.vector_load %arg8[%get3A] {strides = array<i32>} : memref<1024xi32, #tpu.memory_space<vmem>>, vector<16xi32>,
      %ge3A = vector.broadcast %add3A_168 : i32 to vector<16xi32>
      %ge3A_215 = arith.cmpi sge, %get3A_214, %ge3A : vector<16xi32>
      %add3A_216 = arith.constant 6272 : i32
      %add3A_217 = arith.addi %add3A_168, %add3A_216 : i32
      %lt3A_218 = vector.broadcast %add3A_217 : i32 to vector<16xi32>
      %lt3A_219 = arith.cmpi slt, %get3A_214, %lt3A_218 : vector<16xi32>
      %and3A_220 = arith.andi %ge3A_215, %lt3A_219 : vector<16xi1>
      %lt3A_221 = vector.broadcast %select_n3A_41 : i32 to vector<16xi32>
      %lt3A_222 = arith.cmpi slt, %get3A_214, %lt3A_221 : vector<16xi32>
      %and3A_223 = arith.andi %and3A_220, %lt3A_222 : vector<16xi1>
      %sub3A_224 = vector.broadcast %add3A_168 : i32 to vector<16xi32>
      %sub3A_225 = arith.subi %get3A_214, %sub3A_224 : vector<16xi32>
      %jit3A_226 = arith.constant 0 : i32
      %broadcast_in_dim3A = vector.broadcast %jit3A_226 : i32 to vector<16xi32>
      %select_n3A_227 = arith.select %and3A_223, %sub3A_225, %broadcast_in_dim3A : vector<16xi1>, vector<16xi32>
      %broadcast_in_dim3A_228 = arith.constant 0 : i32
      %broadcast_in_dim3A_229 = vector.broadcast %broadcast_in_dim3A_228 : i32 to vector<16xi32>
      %gather3A = arith.constant 0 : i32
      %gather3A_230 = arith.constant 0 : i32
      %gather3A_231 = arith.constant 0 : i32
      %gather3A_232 = tpu.memref_slice %arg6[%gather3A, %gather3A_230, %gather3A_231] : memref<2x8x6272xf32, #tpu.memory_space<vmem>> -> memref<1x8x6272xf32, #tpu.memory_space<vmem>>
      %gather3A_233 = tpu.memref_squeeze %gather3A_232 : memref<1x8x6272xf32, #tpu.memory_space<vmem>> -> memref<8x6272xf32, #tpu.memory_space<vmem>>
      %gather3A_234 = tpu.vector_load_idx %gather3A_233[%broadcast_in_dim3A_229, %select_n3A_227] masked %and3A_223 : memref<8x6272xf32, #tpu.memory_space<vmem>>[vector<16xi32>, vector<16xi32>], vector<16xf32>, vector<16xi1>
      %mul3A_235 = arith.constant 16 : i32
      %mul3A_236 = arith.muli %scan3A_210, %mul3A_235 : i32
      %get3A_237 = arith.constant 0 : i32
      %get3A_238 = arith.index_cast %get3A_237 : i32 to index
      %get3A_239 = arith.index_cast %mul3A_236 : i32 to index
      %get3A_240 = tpu.vector_load %arg9[%get3A_238, %get3A_239] {strides = array<i32>} : memref<8x1024xf32, #tpu.memory_space<vmem>>, vector<16xf32>,
      %select_n3A_241 = arith.select %and3A_223, %gather3A_234, %get3A_240 : vector<16xi1>, vector<16xf32>
      %mul3A_242 = arith.constant 16 : i32
      %mul3A_243 = arith.muli %scan3A_210, %mul3A_242 : i32
      %swap3A = arith.constant 0 : i32
      %swap3A_244 = arith.index_cast %swap3A : i32 to index
      %swap3A_245 = arith.index_cast %mul3A_243 : i32 to index
      %swap3A_246 = tpu.vector_load %arg9[%swap3A_244, %swap3A_245] {strides = array<i32>} : memref<8x1024xf32, #tpu.memory_space<vmem>>, vector<16xf32>,
      tpu.vector_store %arg9[%swap3A_244, %swap3A_245], %select_n3A_241 {strides = array<i32>} : memref<8x1024xf32, #tpu.memory_space<vmem>>, vector<16xf32>,
      %broadcast_in_dim3A_247 = arith.constant 1 : i32
      %broadcast_in_dim3A_248 = vector.broadcast %broadcast_in_dim3A_247 : i32 to vector<16xi32>
      %gather3A_249 = arith.constant 0 : i32
      %gather3A_250 = arith.constant 0 : i32
      %gather3A_251 = arith.constant 0 : i32
      %gather3A_252 = tpu.memref_slice %arg6[%gather3A_249, %gather3A_250, %gather3A_251] : memref<2x8x6272xf32, #tpu.memory_space<vmem>> -> memref<1x8x6272xf32, #tpu.memory_space<vmem>>
      %gather3A_253 = tpu.memref_squeeze %gather3A_252 : memref<1x8x6272xf32, #tpu.memory_space<vmem>> -> memref<8x6272xf32, #tpu.memory_space<vmem>>
      %gather3A_254 = tpu.vector_load_idx %gather3A_253[%broadcast_in_dim3A_248, %select_n3A_227] masked %and3A_223 : memref<8x6272xf32, #tpu.memory_space<vmem>>[vector<16xi32>, vector<16xi32>], vector<16xf32>, vector<16xi1>
      %mul3A_255 = arith.constant 16 : i32
      %mul3A_256 = arith.muli %scan3A_210, %mul3A_255 : i32
      %get3A_257 = arith.constant 1 : i32
      %get3A_258 = arith.index_cast %get3A_257 : i32 to index
      %get3A_259 = arith.index_cast %mul3A_256 : i32 to index
      %get3A_260 = tpu.vector_load %arg9[%get3A_258, %get3A_259] {strides = array<i32>} : memref<8x1024xf32, #tpu.memory_space<vmem>>, vector<16xf32>,
      %select_n3A_261 = arith.select %and3A_223, %gather3A_254, %get3A_260 : vector<16xi1>, vector<16xf32>
      %mul3A_262 = arith.constant 16 : i32
      %mul3A_263 = arith.muli %scan3A_210, %mul3A_262 : i32
      %swap3A_264 = arith.constant 1 : i32
      %swap3A_265 = arith.index_cast %swap3A_264 : i32 to index
      %swap3A_266 = arith.index_cast %mul3A_263 : i32 to index
      %swap3A_267 = tpu.vector_load %arg9[%swap3A_265, %swap3A_266] {strides = array<i32>} : memref<8x1024xf32, #tpu.memory_space<vmem>>, vector<16xf32>,
      tpu.vector_store %arg9[%swap3A_265, %swap3A_266], %select_n3A_261 {strides = array<i32>} : memref<8x1024xf32, #tpu.memory_space<vmem>>, vector<16xf32>,
      %broadcast_in_dim3A_268 = arith.constant 2 : i32
      %broadcast_in_dim3A_269 = vector.broadcast %broadcast_in_dim3A_268 : i32 to vector<16xi32>
      %gather3A_270 = arith.constant 0 : i32
      %gather3A_271 = arith.constant 0 : i32
      %gather3A_272 = arith.constant 0 : i32
      %gather3A_273 = tpu.memref_slice %arg6[%gather3A_270, %gather3A_271, %gather3A_272] : memref<2x8x6272xf32, #tpu.memory_space<vmem>> -> memref<1x8x6272xf32, #tpu.memory_space<vmem>>
      %gather3A_274 = tpu.memref_squeeze %gather3A_273 : memref<1x8x6272xf32, #tpu.memory_space<vmem>> -> memref<8x6272xf32, #tpu.memory_space<vmem>>
      %gather3A_275 = tpu.vector_load_idx %gather3A_274[%broadcast_in_dim3A_269, %select_n3A_227] masked %and3A_223 : memref<8x6272xf32, #tpu.memory_space<vmem>>[vector<16xi32>, vector<16xi32>], vector<16xf32>, vector<16xi1>
      %mul3A_276 = arith.constant 16 : i32
      %mul3A_277 = arith.muli %scan3A_210, %mul3A_276 : i32
      %get3A_278 = arith.constant 2 : i32
      %get3A_279 = arith.index_cast %get3A_278 : i32 to index
      %get3A_280 = arith.index_cast %mul3A_277 : i32 to index
      %get3A_281 = tpu.vector_load %arg9[%get3A_279, %get3A_280] {strides = array<i32>} : memref<8x1024xf32, #tpu.memory_space<vmem>>, vector<16xf32>,
      %select_n3A_282 = arith.select %and3A_223, %gather3A_275, %get3A_281 : vector<16xi1>, vector<16xf32>
      %mul3A_283 = arith.constant 16 : i32
      %mul3A_284 = arith.muli %scan3A_210, %mul3A_283 : i32
      %swap3A_285 = arith.constant 2 : i32
      %swap3A_286 = arith.index_cast %swap3A_285 : i32 to index
      %swap3A_287 = arith.index_cast %mul3A_284 : i32 to index
      %swap3A_288 = tpu.vector_load %arg9[%swap3A_286, %swap3A_287] {strides = array<i32>} : memref<8x1024xf32, #tpu.memory_space<vmem>>, vector<16xf32>,
      tpu.vector_store %arg9[%swap3A_286, %swap3A_287], %select_n3A_282 {strides = array<i32>} : memref<8x1024xf32, #tpu.memory_space<vmem>>, vector<16xf32>,
      %broadcast_in_dim3A_289 = arith.constant 3 : i32
      %broadcast_in_dim3A_290 = vector.broadcast %broadcast_in_dim3A_289 : i32 to vector<16xi32>
      %gather3A_291 = arith.constant 0 : i32
      %gather3A_292 = arith.constant 0 : i32
      %gather3A_293 = arith.constant 0 : i32
      %gather3A_294 = tpu.memref_slice %arg6[%gather3A_291, %gather3A_292, %gather3A_293] : memref<2x8x6272xf32, #tpu.memory_space<vmem>> -> memref<1x8x6272xf32, #tpu.memory_space<vmem>>
      %gather3A_295 = tpu.memref_squeeze %gather3A_294 : memref<1x8x6272xf32, #tpu.memory_space<vmem>> -> memref<8x6272xf32, #tpu.memory_space<vmem>>
      %gather3A_296 = tpu.vector_load_idx %gather3A_295[%broadcast_in_dim3A_290, %select_n3A_227] masked %and3A_223 : memref<8x6272xf32, #tpu.memory_space<vmem>>[vector<16xi32>, vector<16xi32>], vector<16xf32>, vector<16xi1>
      %mul3A_297 = arith.constant 16 : i32
      %mul3A_298 = arith.muli %scan3A_210, %mul3A_297 : i32
      %get3A_299 = arith.constant 3 : i32
      %get3A_300 = arith.index_cast %get3A_299 : i32 to index
      %get3A_301 = arith.index_cast %mul3A_298 : i32 to index
      %get3A_302 = tpu.vector_load %arg9[%get3A_300, %get3A_301] {strides = array<i32>} : memref<8x1024xf32, #tpu.memory_space<vmem>>, vector<16xf32>,
      %select_n3A_303 = arith.select %and3A_223, %gather3A_296, %get3A_302 : vector<16xi1>, vector<16xf32>
      %mul3A_304 = arith.constant 16 : i32
      %mul3A_305 = arith.muli %scan3A_210, %mul3A_304 : i32
      %swap3A_306 = arith.constant 3 : i32
      %swap3A_307 = arith.index_cast %swap3A_306 : i32 to index
      %swap3A_308 = arith.index_cast %mul3A_305 : i32 to index
      %swap3A_309 = tpu.vector_load %arg9[%swap3A_307, %swap3A_308] {strides = array<i32>} : memref<8x1024xf32, #tpu.memory_space<vmem>>, vector<16xf32>,
      tpu.vector_store %arg9[%swap3A_307, %swap3A_308], %select_n3A_303 {strides = array<i32>} : memref<8x1024xf32, #tpu.memory_space<vmem>>, vector<16xf32>,
      %broadcast_in_dim3A_310 = arith.constant 4 : i32
      %broadcast_in_dim3A_311 = vector.broadcast %broadcast_in_dim3A_310 : i32 to vector<16xi32>
      %gather3A_312 = arith.constant 0 : i32
      %gather3A_313 = arith.constant 0 : i32
      %gather3A_314 = arith.constant 0 : i32
      %gather3A_315 = tpu.memref_slice %arg6[%gather3A_312, %gather3A_313, %gather3A_314] : memref<2x8x6272xf32, #tpu.memory_space<vmem>> -> memref<1x8x6272xf32, #tpu.memory_space<vmem>>
      %gather3A_316 = tpu.memref_squeeze %gather3A_315 : memref<1x8x6272xf32, #tpu.memory_space<vmem>> -> memref<8x6272xf32, #tpu.memory_space<vmem>>
      %gather3A_317 = tpu.vector_load_idx %gather3A_316[%broadcast_in_dim3A_311, %select_n3A_227] masked %and3A_223 : memref<8x6272xf32, #tpu.memory_space<vmem>>[vector<16xi32>, vector<16xi32>], vector<16xf32>, vector<16xi1>
      %mul3A_318 = arith.constant 16 : i32
      %mul3A_319 = arith.muli %scan3A_210, %mul3A_318 : i32
      %get3A_320 = arith.constant 4 : i32
      %get3A_321 = arith.index_cast %get3A_320 : i32 to index
      %get3A_322 = arith.index_cast %mul3A_319 : i32 to index
      %get3A_323 = tpu.vector_load %arg9[%get3A_321, %get3A_322] {strides = array<i32>} : memref<8x1024xf32, #tpu.memory_space<vmem>>, vector<16xf32>,
      %select_n3A_324 = arith.select %and3A_223, %gather3A_317, %get3A_323 : vector<16xi1>, vector<16xf32>
      %mul3A_325 = arith.constant 16 : i32
      %mul3A_326 = arith.muli %scan3A_210, %mul3A_325 : i32
      %swap3A_327 = arith.constant 4 : i32
      %swap3A_328 = arith.index_cast %swap3A_327 : i32 to index
      %swap3A_329 = arith.index_cast %mul3A_326 : i32 to index
      %swap3A_330 = tpu.vector_load %arg9[%swap3A_328, %swap3A_329] {strides = array<i32>} : memref<8x1024xf32, #tpu.memory_space<vmem>>, vector<16xf32>,
      tpu.vector_store %arg9[%swap3A_328, %swap3A_329], %select_n3A_324 {strides = array<i32>} : memref<8x1024xf32, #tpu.memory_space<vmem>>, vector<16xf32>,
      %broadcast_in_dim3A_331 = arith.constant 5 : i32
      %broadcast_in_dim3A_332 = vector.broadcast %broadcast_in_dim3A_331 : i32 to vector<16xi32>
      %gather3A_333 = arith.constant 0 : i32
      %gather3A_334 = arith.constant 0 : i32
      %gather3A_335 = arith.constant 0 : i32
      %gather3A_336 = tpu.memref_slice %arg6[%gather3A_333, %gather3A_334, %gather3A_335] : memref<2x8x6272xf32, #tpu.memory_space<vmem>> -> memref<1x8x6272xf32, #tpu.memory_space<vmem>>
      %gather3A_337 = tpu.memref_squeeze %gather3A_336 : memref<1x8x6272xf32, #tpu.memory_space<vmem>> -> memref<8x6272xf32, #tpu.memory_space<vmem>>
      %gather3A_338 = tpu.vector_load_idx %gather3A_337[%broadcast_in_dim3A_332, %select_n3A_227] masked %and3A_223 : memref<8x6272xf32, #tpu.memory_space<vmem>>[vector<16xi32>, vector<16xi32>], vector<16xf32>, vector<16xi1>
      %mul3A_339 = arith.constant 16 : i32
      %mul3A_340 = arith.muli %scan3A_210, %mul3A_339 : i32
      %get3A_341 = arith.constant 5 : i32
      %get3A_342 = arith.index_cast %get3A_341 : i32 to index
      %get3A_343 = arith.index_cast %mul3A_340 : i32 to index
      %get3A_344 = tpu.vector_load %arg9[%get3A_342, %get3A_343] {strides = array<i32>} : memref<8x1024xf32, #tpu.memory_space<vmem>>, vector<16xf32>,
      %select_n3A_345 = arith.select %and3A_223, %gather3A_338, %get3A_344 : vector<16xi1>, vector<16xf32>
      %mul3A_346 = arith.constant 16 : i32
      %mul3A_347 = arith.muli %scan3A_210, %mul3A_346 : i32
      %swap3A_348 = arith.constant 5 : i32
      %swap3A_349 = arith.index_cast %swap3A_348 : i32 to index
      %swap3A_350 = arith.index_cast %mul3A_347 : i32 to index
      %swap3A_351 = tpu.vector_load %arg9[%swap3A_349, %swap3A_350] {strides = array<i32>} : memref<8x1024xf32, #tpu.memory_space<vmem>>, vector<16xf32>,
      tpu.vector_store %arg9[%swap3A_349, %swap3A_350], %select_n3A_345 {strides = array<i32>} : memref<8x1024xf32, #tpu.memory_space<vmem>>, vector<16xf32>,
      %broadcast_in_dim3A_352 = arith.constant 6 : i32
      %broadcast_in_dim3A_353 = vector.broadcast %broadcast_in_dim3A_352 : i32 to vector<16xi32>
      %gather3A_354 = arith.constant 0 : i32
      %gather3A_355 = arith.constant 0 : i32
      %gather3A_356 = arith.constant 0 : i32
      %gather3A_357 = tpu.memref_slice %arg6[%gather3A_354, %gather3A_355, %gather3A_356] : memref<2x8x6272xf32, #tpu.memory_space<vmem>> -> memref<1x8x6272xf32, #tpu.memory_space<vmem>>
      %gather3A_358 = tpu.memref_squeeze %gather3A_357 : memref<1x8x6272xf32, #tpu.memory_space<vmem>> -> memref<8x6272xf32, #tpu.memory_space<vmem>>
      %gather3A_359 = tpu.vector_load_idx %gather3A_358[%broadcast_in_dim3A_353, %select_n3A_227] masked %and3A_223 : memref<8x6272xf32, #tpu.memory_space<vmem>>[vector<16xi32>, vector<16xi32>], vector<16xf32>, vector<16xi1>
      %mul3A_360 = arith.constant 16 : i32
      %mul3A_361 = arith.muli %scan3A_210, %mul3A_360 : i32
      %get3A_362 = arith.constant 6 : i32
      %get3A_363 = arith.index_cast %get3A_362 : i32 to index
      %get3A_364 = arith.index_cast %mul3A_361 : i32 to index
      %get3A_365 = tpu.vector_load %arg9[%get3A_363, %get3A_364] {strides = array<i32>} : memref<8x1024xf32, #tpu.memory_space<vmem>>, vector<16xf32>,
      %select_n3A_366 = arith.select %and3A_223, %gather3A_359, %get3A_365 : vector<16xi1>, vector<16xf32>
      %mul3A_367 = arith.constant 16 : i32
      %mul3A_368 = arith.muli %scan3A_210, %mul3A_367 : i32
      %swap3A_369 = arith.constant 6 : i32
      %swap3A_370 = arith.index_cast %swap3A_369 : i32 to index
      %swap3A_371 = arith.index_cast %mul3A_368 : i32 to index
      %swap3A_372 = tpu.vector_load %arg9[%swap3A_370, %swap3A_371] {strides = array<i32>} : memref<8x1024xf32, #tpu.memory_space<vmem>>, vector<16xf32>,
      tpu.vector_store %arg9[%swap3A_370, %swap3A_371], %select_n3A_366 {strides = array<i32>} : memref<8x1024xf32, #tpu.memory_space<vmem>>, vector<16xf32>,
      %broadcast_in_dim3A_373 = arith.constant 7 : i32
      %broadcast_in_dim3A_374 = vector.broadcast %broadcast_in_dim3A_373 : i32 to vector<16xi32>
      %gather3A_375 = arith.constant 0 : i32
      %gather3A_376 = arith.constant 0 : i32
      %gather3A_377 = arith.constant 0 : i32
      %gather3A_378 = tpu.memref_slice %arg6[%gather3A_375, %gather3A_376, %gather3A_377] : memref<2x8x6272xf32, #tpu.memory_space<vmem>> -> memref<1x8x6272xf32, #tpu.memory_space<vmem>>
      %gather3A_379 = tpu.memref_squeeze %gather3A_378 : memref<1x8x6272xf32, #tpu.memory_space<vmem>> -> memref<8x6272xf32, #tpu.memory_space<vmem>>
      %gather3A_380 = tpu.vector_load_idx %gather3A_379[%broadcast_in_dim3A_374, %select_n3A_227] masked %and3A_223 : memref<8x6272xf32, #tpu.memory_space<vmem>>[vector<16xi32>, vector<16xi32>], vector<16xf32>, vector<16xi1>
      %mul3A_381 = arith.constant 16 : i32
      %mul3A_382 = arith.muli %scan3A_210, %mul3A_381 : i32
      %get3A_383 = arith.constant 7 : i32
      %get3A_384 = arith.index_cast %get3A_383 : i32 to index
      %get3A_385 = arith.index_cast %mul3A_382 : i32 to index
      %get3A_386 = tpu.vector_load %arg9[%get3A_384, %get3A_385] {strides = array<i32>} : memref<8x1024xf32, #tpu.memory_space<vmem>>, vector<16xf32>,
      %select_n3A_387 = arith.select %and3A_223, %gather3A_380, %get3A_386 : vector<16xi1>, vector<16xf32>
      %mul3A_388 = arith.constant 16 : i32
      %mul3A_389 = arith.muli %scan3A_210, %mul3A_388 : i32
      %swap3A_390 = arith.constant 7 : i32
      %swap3A_391 = arith.index_cast %swap3A_390 : i32 to index
      %swap3A_392 = arith.index_cast %mul3A_389 : i32 to index
      %swap3A_393 = tpu.vector_load %arg9[%swap3A_391, %swap3A_392] {strides = array<i32>} : memref<8x1024xf32, #tpu.memory_space<vmem>>, vector<16xf32>,
      tpu.vector_store %arg9[%swap3A_391, %swap3A_392], %select_n3A_387 {strides = array<i32>} : memref<8x1024xf32, #tpu.memory_space<vmem>>, vector<16xf32>,
      %scan3A_394 = arith.constant 0 : i32
      %scan3A_395 = arith.constant 1 : i32
      %scan3A_396 = arith.addi %scan3A_210, %scan3A_395 : i32
      %mul3A_397 = arith.constant 16 : i32
      %mul3A_398 = arith.muli %scan3A_396, %mul3A_397 : i32
      %get3A_399 = arith.index_cast %mul3A_398 : i32 to index
      %get3A_400 = tpu.vector_load %arg8[%get3A_399] {strides = array<i32>} : memref<1024xi32, #tpu.memory_space<vmem>>, vector<16xi32>,
      %ge3A_401 = vector.broadcast %add3A_168 : i32 to vector<16xi32>
      %ge3A_402 = arith.cmpi sge, %get3A_400, %ge3A_401 : vector<16xi32>
      %add3A_403 = arith.constant 6272 : i32
      %add3A_404 = arith.addi %add3A_168, %add3A_403 : i32
      %lt3A_405 = vector.broadcast %add3A_404 : i32 to vector<16xi32>
      %lt3A_406 = arith.cmpi slt, %get3A_400, %lt3A_405 : vector<16xi32>
      %and3A_407 = arith.andi %ge3A_402, %lt3A_406 : vector<16xi1>
      %lt3A_408 = vector.broadcast %select_n3A_41 : i32 to vector<16xi32>
      %lt3A_409 = arith.cmpi slt, %get3A_400, %lt3A_408 : vector<16xi32>
      %and3A_410 = arith.andi %and3A_407, %lt3A_409 : vector<16xi1>
      %sub3A_411 = vector.broadcast %add3A_168 : i32 to vector<16xi32>
      %sub3A_412 = arith.subi %get3A_400, %sub3A_411 : vector<16xi32>
      %jit3A_413 = arith.constant 0 : i32
      %broadcast_in_dim3A_414 = vector.broadcast %jit3A_413 : i32 to vector<16xi32>
      %select_n3A_415 = arith.select %and3A_410, %sub3A_412, %broadcast_in_dim3A_414 : vector<16xi1>, vector<16xi32>
      %broadcast_in_dim3A_416 = arith.constant 0 : i32
      %broadcast_in_dim3A_417 = vector.broadcast %broadcast_in_dim3A_416 : i32 to vector<16xi32>
      %gather3A_418 = arith.constant 0 : i32
      %gather3A_419 = arith.constant 0 : i32
      %gather3A_420 = arith.constant 0 : i32
      %gather3A_421 = tpu.memref_slice %arg6[%gather3A_418, %gather3A_419, %gather3A_420] : memref<2x8x6272xf32, #tpu.memory_space<vmem>> -> memref<1x8x6272xf32, #tpu.memory_space<vmem>>
      %gather3A_422 = tpu.memref_squeeze %gather3A_421 : memref<1x8x6272xf32, #tpu.memory_space<vmem>> -> memref<8x6272xf32, #tpu.memory_space<vmem>>
      %gather3A_423 = tpu.vector_load_idx %gather3A_422[%broadcast_in_dim3A_417, %select_n3A_415] masked %and3A_410 : memref<8x6272xf32, #tpu.memory_space<vmem>>[vector<16xi32>, vector<16xi32>], vector<16xf32>, vector<16xi1>
      %mul3A_424 = arith.constant 16 : i32
      %mul3A_425 = arith.muli %scan3A_396, %mul3A_424 : i32
      %get3A_426 = arith.constant 0 : i32
      %get3A_427 = arith.index_cast %get3A_426 : i32 to index
      %get3A_428 = arith.index_cast %mul3A_425 : i32 to index
      %get3A_429 = tpu.vector_load %arg9[%get3A_427, %get3A_428] {strides = array<i32>} : memref<8x1024xf32, #tpu.memory_space<vmem>>, vector<16xf32>,
      %select_n3A_430 = arith.select %and3A_410, %gather3A_423, %get3A_429 : vector<16xi1>, vector<16xf32>
      %mul3A_431 = arith.constant 16 : i32
      %mul3A_432 = arith.muli %scan3A_396, %mul3A_431 : i32
      %swap3A_433 = arith.constant 0 : i32
      %swap3A_434 = arith.index_cast %swap3A_433 : i32 to index
      %swap3A_435 = arith.index_cast %mul3A_432 : i32 to index
      %swap3A_436 = tpu.vector_load %arg9[%swap3A_434, %swap3A_435] {strides = array<i32>} : memref<8x1024xf32, #tpu.memory_space<vmem>>, vector<16xf32>,
      tpu.vector_store %arg9[%swap3A_434, %swap3A_435], %select_n3A_430 {strides = array<i32>} : memref<8x1024xf32, #tpu.memory_space<vmem>>, vector<16xf32>,
      %broadcast_in_dim3A_437 = arith.constant 1 : i32
      %broadcast_in_dim3A_438 = vector.broadcast %broadcast_in_dim3A_437 : i32 to vector<16xi32>
      %gather3A_439 = arith.constant 0 : i32
      %gather3A_440 = arith.constant 0 : i32
      %gather3A_441 = arith.constant 0 : i32
      %gather3A_442 = tpu.memref_slice %arg6[%gather3A_439, %gather3A_440, %gather3A_441] : memref<2x8x6272xf32, #tpu.memory_space<vmem>> -> memref<1x8x6272xf32, #tpu.memory_space<vmem>>
      %gather3A_443 = tpu.memref_squeeze %gather3A_442 : memref<1x8x6272xf32, #tpu.memory_space<vmem>> -> memref<8x6272xf32, #tpu.memory_space<vmem>>
      %gather3A_444 = tpu.vector_load_idx %gather3A_443[%broadcast_in_dim3A_438, %select_n3A_415] masked %and3A_410 : memref<8x6272xf32, #tpu.memory_space<vmem>>[vector<16xi32>, vector<16xi32>], vector<16xf32>, vector<16xi1>
      %mul3A_445 = arith.constant 16 : i32
      %mul3A_446 = arith.muli %scan3A_396, %mul3A_445 : i32
      %get3A_447 = arith.constant 1 : i32
      %get3A_448 = arith.index_cast %get3A_447 : i32 to index
      %get3A_449 = arith.index_cast %mul3A_446 : i32 to index
      %get3A_450 = tpu.vector_load %arg9[%get3A_448, %get3A_449] {strides = array<i32>} : memref<8x1024xf32, #tpu.memory_space<vmem>>, vector<16xf32>,
      %select_n3A_451 = arith.select %and3A_410, %gather3A_444, %get3A_450 : vector<16xi1>, vector<16xf32>
      %mul3A_452 = arith.constant 16 : i32
      %mul3A_453 = arith.muli %scan3A_396, %mul3A_452 : i32
      %swap3A_454 = arith.constant 1 : i32
      %swap3A_455 = arith.index_cast %swap3A_454 : i32 to index
      %swap3A_456 = arith.index_cast %mul3A_453 : i32 to index
      %swap3A_457 = tpu.vector_load %arg9[%swap3A_455, %swap3A_456] {strides = array<i32>} : memref<8x1024xf32, #tpu.memory_space<vmem>>, vector<16xf32>,
      tpu.vector_store %arg9[%swap3A_455, %swap3A_456], %select_n3A_451 {strides = array<i32>} : memref<8x1024xf32, #tpu.memory_space<vmem>>, vector<16xf32>,
      %broadcast_in_dim3A_458 = arith.constant 2 : i32
      %broadcast_in_dim3A_459 = vector.broadcast %broadcast_in_dim3A_458 : i32 to vector<16xi32>
      %gather3A_460 = arith.constant 0 : i32
      %gather3A_461 = arith.constant 0 : i32
      %gather3A_462 = arith.constant 0 : i32
      %gather3A_463 = tpu.memref_slice %arg6[%gather3A_460, %gather3A_461, %gather3A_462] : memref<2x8x6272xf32, #tpu.memory_space<vmem>> -> memref<1x8x6272xf32, #tpu.memory_space<vmem>>
      %gather3A_464 = tpu.memref_squeeze %gather3A_463 : memref<1x8x6272xf32, #tpu.memory_space<vmem>> -> memref<8x6272xf32, #tpu.memory_space<vmem>>
      %gather3A_465 = tpu.vector_load_idx %gather3A_464[%broadcast_in_dim3A_459, %select_n3A_415] masked %and3A_410 : memref<8x6272xf32, #tpu.memory_space<vmem>>[vector<16xi32>, vector<16xi32>], vector<16xf32>, vector<16xi1>
      %mul3A_466 = arith.constant 16 : i32
      %mul3A_467 = arith.muli %scan3A_396, %mul3A_466 : i32
      %get3A_468 = arith.constant 2 : i32
      %get3A_469 = arith.index_cast %get3A_468 : i32 to index
      %get3A_470 = arith.index_cast %mul3A_467 : i32 to index
      %get3A_471 = tpu.vector_load %arg9[%get3A_469, %get3A_470] {strides = array<i32>} : memref<8x1024xf32, #tpu.memory_space<vmem>>, vector<16xf32>,
      %select_n3A_472 = arith.select %and3A_410, %gather3A_465, %get3A_471 : vector<16xi1>, vector<16xf32>
      %mul3A_473 = arith.constant 16 : i32
      %mul3A_474 = arith.muli %scan3A_396, %mul3A_473 : i32
      %swap3A_475 = arith.constant 2 : i32
      %swap3A_476 = arith.index_cast %swap3A_475 : i32 to index
      %swap3A_477 = arith.index_cast %mul3A_474 : i32 to index
      %swap3A_478 = tpu.vector_load %arg9[%swap3A_476, %swap3A_477] {strides = array<i32>} : memref<8x1024xf32, #tpu.memory_space<vmem>>, vector<16xf32>,
      tpu.vector_store %arg9[%swap3A_476, %swap3A_477], %select_n3A_472 {strides = array<i32>} : memref<8x1024xf32, #tpu.memory_space<vmem>>, vector<16xf32>,
      %broadcast_in_dim3A_479 = arith.constant 3 : i32
      %broadcast_in_dim3A_480 = vector.broadcast %broadcast_in_dim3A_479 : i32 to vector<16xi32>
      %gather3A_481 = arith.constant 0 : i32
      %gather3A_482 = arith.constant 0 : i32
      %gather3A_483 = arith.constant 0 : i32
      %gather3A_484 = tpu.memref_slice %arg6[%gather3A_481, %gather3A_482, %gather3A_483] : memref<2x8x6272xf32, #tpu.memory_space<vmem>> -> memref<1x8x6272xf32, #tpu.memory_space<vmem>>
      %gather3A_485 = tpu.memref_squeeze %gather3A_484 : memref<1x8x6272xf32, #tpu.memory_space<vmem>> -> memref<8x6272xf32, #tpu.memory_space<vmem>>
      %gather3A_486 = tpu.vector_load_idx %gather3A_485[%broadcast_in_dim3A_480, %select_n3A_415] masked %and3A_410 : memref<8x6272xf32, #tpu.memory_space<vmem>>[vector<16xi32>, vector<16xi32>], vector<16xf32>, vector<16xi1>
      %mul3A_487 = arith.constant 16 : i32
      %mul3A_488 = arith.muli %scan3A_396, %mul3A_487 : i32
      %get3A_489 = arith.constant 3 : i32
      %get3A_490 = arith.index_cast %get3A_489 : i32 to index
      %get3A_491 = arith.index_cast %mul3A_488 : i32 to index
      %get3A_492 = tpu.vector_load %arg9[%get3A_490, %get3A_491] {strides = array<i32>} : memref<8x1024xf32, #tpu.memory_space<vmem>>, vector<16xf32>,
      %select_n3A_493 = arith.select %and3A_410, %gather3A_486, %get3A_492 : vector<16xi1>, vector<16xf32>
      %mul3A_494 = arith.constant 16 : i32
      %mul3A_495 = arith.muli %scan3A_396, %mul3A_494 : i32
      %swap3A_496 = arith.constant 3 : i32
      %swap3A_497 = arith.index_cast %swap3A_496 : i32 to index
      %swap3A_498 = arith.index_cast %mul3A_495 : i32 to index
      %swap3A_499 = tpu.vector_load %arg9[%swap3A_497, %swap3A_498] {strides = array<i32>} : memref<8x1024xf32, #tpu.memory_space<vmem>>, vector<16xf32>,
      tpu.vector_store %arg9[%swap3A_497, %swap3A_498], %select_n3A_493 {strides = array<i32>} : memref<8x1024xf32, #tpu.memory_space<vmem>>, vector<16xf32>,
      %broadcast_in_dim3A_500 = arith.constant 4 : i32
      %broadcast_in_dim3A_501 = vector.broadcast %broadcast_in_dim3A_500 : i32 to vector<16xi32>
      %gather3A_502 = arith.constant 0 : i32
      %gather3A_503 = arith.constant 0 : i32
      %gather3A_504 = arith.constant 0 : i32
      %gather3A_505 = tpu.memref_slice %arg6[%gather3A_502, %gather3A_503, %gather3A_504] : memref<2x8x6272xf32, #tpu.memory_space<vmem>> -> memref<1x8x6272xf32, #tpu.memory_space<vmem>>
      %gather3A_506 = tpu.memref_squeeze %gather3A_505 : memref<1x8x6272xf32, #tpu.memory_space<vmem>> -> memref<8x6272xf32, #tpu.memory_space<vmem>>
      %gather3A_507 = tpu.vector_load_idx %gather3A_506[%broadcast_in_dim3A_501, %select_n3A_415] masked %and3A_410 : memref<8x6272xf32, #tpu.memory_space<vmem>>[vector<16xi32>, vector<16xi32>], vector<16xf32>, vector<16xi1>
      %mul3A_508 = arith.constant 16 : i32
      %mul3A_509 = arith.muli %scan3A_396, %mul3A_508 : i32
      %get3A_510 = arith.constant 4 : i32
      %get3A_511 = arith.index_cast %get3A_510 : i32 to index
      %get3A_512 = arith.index_cast %mul3A_509 : i32 to index
      %get3A_513 = tpu.vector_load %arg9[%get3A_511, %get3A_512] {strides = array<i32>} : memref<8x1024xf32, #tpu.memory_space<vmem>>, vector<16xf32>,
      %select_n3A_514 = arith.select %and3A_410, %gather3A_507, %get3A_513 : vector<16xi1>, vector<16xf32>
      %mul3A_515 = arith.constant 16 : i32
      %mul3A_516 = arith.muli %scan3A_396, %mul3A_515 : i32
      %swap3A_517 = arith.constant 4 : i32
      %swap3A_518 = arith.index_cast %swap3A_517 : i32 to index
      %swap3A_519 = arith.index_cast %mul3A_516 : i32 to index
      %swap3A_520 = tpu.vector_load %arg9[%swap3A_518, %swap3A_519] {strides = array<i32>} : memref<8x1024xf32, #tpu.memory_space<vmem>>, vector<16xf32>,
      tpu.vector_store %arg9[%swap3A_518, %swap3A_519], %select_n3A_514 {strides = array<i32>} : memref<8x1024xf32, #tpu.memory_space<vmem>>, vector<16xf32>,
      %broadcast_in_dim3A_521 = arith.constant 5 : i32
      %broadcast_in_dim3A_522 = vector.broadcast %broadcast_in_dim3A_521 : i32 to vector<16xi32>
      %gather3A_523 = arith.constant 0 : i32
      %gather3A_524 = arith.constant 0 : i32
      %gather3A_525 = arith.constant 0 : i32
      %gather3A_526 = tpu.memref_slice %arg6[%gather3A_523, %gather3A_524, %gather3A_525] : memref<2x8x6272xf32, #tpu.memory_space<vmem>> -> memref<1x8x6272xf32, #tpu.memory_space<vmem>>
      %gather3A_527 = tpu.memref_squeeze %gather3A_526 : memref<1x8x6272xf32, #tpu.memory_space<vmem>> -> memref<8x6272xf32, #tpu.memory_space<vmem>>
      %gather3A_528 = tpu.vector_load_idx %gather3A_527[%broadcast_in_dim3A_522, %select_n3A_415] masked %and3A_410 : memref<8x6272xf32, #tpu.memory_space<vmem>>[vector<16xi32>, vector<16xi32>], vector<16xf32>, vector<16xi1>
      %mul3A_529 = arith.constant 16 : i32
      %mul3A_530 = arith.muli %scan3A_396, %mul3A_529 : i32
      %get3A_531 = arith.constant 5 : i32
      %get3A_532 = arith.index_cast %get3A_531 : i32 to index
      %get3A_533 = arith.index_cast %mul3A_530 : i32 to index
      %get3A_534 = tpu.vector_load %arg9[%get3A_532, %get3A_533] {strides = array<i32>} : memref<8x1024xf32, #tpu.memory_space<vmem>>, vector<16xf32>,
      %select_n3A_535 = arith.select %and3A_410, %gather3A_528, %get3A_534 : vector<16xi1>, vector<16xf32>
      %mul3A_536 = arith.constant 16 : i32
      %mul3A_537 = arith.muli %scan3A_396, %mul3A_536 : i32
      %swap3A_538 = arith.constant 5 : i32
      %swap3A_539 = arith.index_cast %swap3A_538 : i32 to index
      %swap3A_540 = arith.index_cast %mul3A_537 : i32 to index
      %swap3A_541 = tpu.vector_load %arg9[%swap3A_539, %swap3A_540] {strides = array<i32>} : memref<8x1024xf32, #tpu.memory_space<vmem>>, vector<16xf32>,
      tpu.vector_store %arg9[%swap3A_539, %swap3A_540], %select_n3A_535 {strides = array<i32>} : memref<8x1024xf32, #tpu.memory_space<vmem>>, vector<16xf32>,
      %broadcast_in_dim3A_542 = arith.constant 6 : i32
      %broadcast_in_dim3A_543 = vector.broadcast %broadcast_in_dim3A_542 : i32 to vector<16xi32>
      %gather3A_544 = arith.constant 0 : i32
      %gather3A_545 = arith.constant 0 : i32
      %gather3A_546 = arith.constant 0 : i32
      %gather3A_547 = tpu.memref_slice %arg6[%gather3A_544, %gather3A_545, %gather3A_546] : memref<2x8x6272xf32, #tpu.memory_space<vmem>> -> memref<1x8x6272xf32, #tpu.memory_space<vmem>>
      %gather3A_548 = tpu.memref_squeeze %gather3A_547 : memref<1x8x6272xf32, #tpu.memory_space<vmem>> -> memref<8x6272xf32, #tpu.memory_space<vmem>>
      %gather3A_549 = tpu.vector_load_idx %gather3A_548[%broadcast_in_dim3A_543, %select_n3A_415] masked %and3A_410 : memref<8x6272xf32, #tpu.memory_space<vmem>>[vector<16xi32>, vector<16xi32>], vector<16xf32>, vector<16xi1>
      %mul3A_550 = arith.constant 16 : i32
      %mul3A_551 = arith.muli %scan3A_396, %mul3A_550 : i32
      %get3A_552 = arith.constant 6 : i32
      %get3A_553 = arith.index_cast %get3A_552 : i32 to index
      %get3A_554 = arith.index_cast %mul3A_551 : i32 to index
      %get3A_555 = tpu.vector_load %arg9[%get3A_553, %get3A_554] {strides = array<i32>} : memref<8x1024xf32, #tpu.memory_space<vmem>>, vector<16xf32>,
      %select_n3A_556 = arith.select %and3A_410, %gather3A_549, %get3A_555 : vector<16xi1>, vector<16xf32>
      %mul3A_557 = arith.constant 16 : i32
      %mul3A_558 = arith.muli %scan3A_396, %mul3A_557 : i32
      %swap3A_559 = arith.constant 6 : i32
      %swap3A_560 = arith.index_cast %swap3A_559 : i32 to index
      %swap3A_561 = arith.index_cast %mul3A_558 : i32 to index
      %swap3A_562 = tpu.vector_load %arg9[%swap3A_560, %swap3A_561] {strides = array<i32>} : memref<8x1024xf32, #tpu.memory_space<vmem>>, vector<16xf32>,
      tpu.vector_store %arg9[%swap3A_560, %swap3A_561], %select_n3A_556 {strides = array<i32>} : memref<8x1024xf32, #tpu.memory_space<vmem>>, vector<16xf32>,
      %broadcast_in_dim3A_563 = arith.constant 7 : i32
      %broadcast_in_dim3A_564 = vector.broadcast %broadcast_in_dim3A_563 : i32 to vector<16xi32>
      %gather3A_565 = arith.constant 0 : i32
      %gather3A_566 = arith.constant 0 : i32
      %gather3A_567 = arith.constant 0 : i32
      %gather3A_568 = tpu.memref_slice %arg6[%gather3A_565, %gather3A_566, %gather3A_567] : memref<2x8x6272xf32, #tpu.memory_space<vmem>> -> memref<1x8x6272xf32, #tpu.memory_space<vmem>>
      %gather3A_569 = tpu.memref_squeeze %gather3A_568 : memref<1x8x6272xf32, #tpu.memory_space<vmem>> -> memref<8x6272xf32, #tpu.memory_space<vmem>>
      %gather3A_570 = tpu.vector_load_idx %gather3A_569[%broadcast_in_dim3A_564, %select_n3A_415] masked %and3A_410 : memref<8x6272xf32, #tpu.memory_space<vmem>>[vector<16xi32>, vector<16xi32>], vector<16xf32>, vector<16xi1>
      %mul3A_571 = arith.constant 16 : i32
      %mul3A_572 = arith.muli %scan3A_396, %mul3A_571 : i32
      %get3A_573 = arith.constant 7 : i32
      %get3A_574 = arith.index_cast %get3A_573 : i32 to index
      %get3A_575 = arith.index_cast %mul3A_572 : i32 to index
      %get3A_576 = tpu.vector_load %arg9[%get3A_574, %get3A_575] {strides = array<i32>} : memref<8x1024xf32, #tpu.memory_space<vmem>>, vector<16xf32>,
      %select_n3A_577 = arith.select %and3A_410, %gather3A_570, %get3A_576 : vector<16xi1>, vector<16xf32>
      %mul3A_578 = arith.constant 16 : i32
      %mul3A_579 = arith.muli %scan3A_396, %mul3A_578 : i32
      %swap3A_580 = arith.constant 7 : i32
      %swap3A_581 = arith.index_cast %swap3A_580 : i32 to index
      %swap3A_582 = arith.index_cast %mul3A_579 : i32 to index
      %swap3A_583 = tpu.vector_load %arg9[%swap3A_581, %swap3A_582] {strides = array<i32>} : memref<8x1024xf32, #tpu.memory_space<vmem>>, vector<16xf32>,
      tpu.vector_store %arg9[%swap3A_581, %swap3A_582], %select_n3A_577 {strides = array<i32>} : memref<8x1024xf32, #tpu.memory_space<vmem>>, vector<16xf32>,
      %scan3A_584 = arith.constant 0 : i32
      %scan3A_585 = arith.constant 2 : i32
      %scan3A_586 = arith.addi %scan3A_210, %scan3A_585 : i32
      %mul3A_587 = arith.constant 16 : i32
      %mul3A_588 = arith.muli %scan3A_586, %mul3A_587 : i32
      %get3A_589 = arith.index_cast %mul3A_588 : i32 to index
      %get3A_590 = tpu.vector_load %arg8[%get3A_589] {strides = array<i32>} : memref<1024xi32, #tpu.memory_space<vmem>>, vector<16xi32>,
      %ge3A_591 = vector.broadcast %add3A_168 : i32 to vector<16xi32>
      %ge3A_592 = arith.cmpi sge, %get3A_590, %ge3A_591 : vector<16xi32>
      %add3A_593 = arith.constant 6272 : i32
      %add3A_594 = arith.addi %add3A_168, %add3A_593 : i32
      %lt3A_595 = vector.broadcast %add3A_594 : i32 to vector<16xi32>
      %lt3A_596 = arith.cmpi slt, %get3A_590, %lt3A_595 : vector<16xi32>
      %and3A_597 = arith.andi %ge3A_592, %lt3A_596 : vector<16xi1>
      %lt3A_598 = vector.broadcast %select_n3A_41 : i32 to vector<16xi32>
      %lt3A_599 = arith.cmpi slt, %get3A_590, %lt3A_598 : vector<16xi32>
      %and3A_600 = arith.andi %and3A_597, %lt3A_599 : vector<16xi1>
      %sub3A_601 = vector.broadcast %add3A_168 : i32 to vector<16xi32>
      %sub3A_602 = arith.subi %get3A_590, %sub3A_601 : vector<16xi32>
      %jit3A_603 = arith.constant 0 : i32
      %broadcast_in_dim3A_604 = vector.broadcast %jit3A_603 : i32 to vector<16xi32>
      %select_n3A_605 = arith.select %and3A_600, %sub3A_602, %broadcast_in_dim3A_604 : vector<16xi1>, vector<16xi32>
      %broadcast_in_dim3A_606 = arith.constant 0 : i32
      %broadcast_in_dim3A_607 = vector.broadcast %broadcast_in_dim3A_606 : i32 to vector<16xi32>
      %gather3A_608 = arith.constant 0 : i32
      %gather3A_609 = arith.constant 0 : i32
      %gather3A_610 = arith.constant 0 : i32
      %gather3A_611 = tpu.memref_slice %arg6[%gather3A_608, %gather3A_609, %gather3A_610] : memref<2x8x6272xf32, #tpu.memory_space<vmem>> -> memref<1x8x6272xf32, #tpu.memory_space<vmem>>
      %gather3A_612 = tpu.memref_squeeze %gather3A_611 : memref<1x8x6272xf32, #tpu.memory_space<vmem>> -> memref<8x6272xf32, #tpu.memory_space<vmem>>
      %gather3A_613 = tpu.vector_load_idx %gather3A_612[%broadcast_in_dim3A_607, %select_n3A_605] masked %and3A_600 : memref<8x6272xf32, #tpu.memory_space<vmem>>[vector<16xi32>, vector<16xi32>], vector<16xf32>, vector<16xi1>
      %mul3A_614 = arith.constant 16 : i32
      %mul3A_615 = arith.muli %scan3A_586, %mul3A_614 : i32
      %get3A_616 = arith.constant 0 : i32
      %get3A_617 = arith.index_cast %get3A_616 : i32 to index
      %get3A_618 = arith.index_cast %mul3A_615 : i32 to index
      %get3A_619 = tpu.vector_load %arg9[%get3A_617, %get3A_618] {strides = array<i32>} : memref<8x1024xf32, #tpu.memory_space<vmem>>, vector<16xf32>,
      %select_n3A_620 = arith.select %and3A_600, %gather3A_613, %get3A_619 : vector<16xi1>, vector<16xf32>
      %mul3A_621 = arith.constant 16 : i32
      %mul3A_622 = arith.muli %scan3A_586, %mul3A_621 : i32
      %swap3A_623 = arith.constant 0 : i32
      %swap3A_624 = arith.index_cast %swap3A_623 : i32 to index
      %swap3A_625 = arith.index_cast %mul3A_622 : i32 to index
      %swap3A_626 = tpu.vector_load %arg9[%swap3A_624, %swap3A_625] {strides = array<i32>} : memref<8x1024xf32, #tpu.memory_space<vmem>>, vector<16xf32>,
      tpu.vector_store %arg9[%swap3A_624, %swap3A_625], %select_n3A_620 {strides = array<i32>} : memref<8x1024xf32, #tpu.memory_space<vmem>>, vector<16xf32>,
      %broadcast_in_dim3A_627 = arith.constant 1 : i32
      %broadcast_in_dim3A_628 = vector.broadcast %broadcast_in_dim3A_627 : i32 to vector<16xi32>
      %gather3A_629 = arith.constant 0 : i32
      %gather3A_630 = arith.constant 0 : i32
      %gather3A_631 = arith.constant 0 : i32
      %gather3A_632 = tpu.memref_slice %arg6[%gather3A_629, %gather3A_630, %gather3A_631] : memref<2x8x6272xf32, #tpu.memory_space<vmem>> -> memref<1x8x6272xf32, #tpu.memory_space<vmem>>
      %gather3A_633 = tpu.memref_squeeze %gather3A_632 : memref<1x8x6272xf32, #tpu.memory_space<vmem>> -> memref<8x6272xf32, #tpu.memory_space<vmem>>
      %gather3A_634 = tpu.vector_load_idx %gather3A_633[%broadcast_in_dim3A_628, %select_n3A_605] masked %and3A_600 : memref<8x6272xf32, #tpu.memory_space<vmem>>[vector<16xi32>, vector<16xi32>], vector<16xf32>, vector<16xi1>
      %mul3A_635 = arith.constant 16 : i32
      %mul3A_636 = arith.muli %scan3A_586, %mul3A_635 : i32
      %get3A_637 = arith.constant 1 : i32
      %get3A_638 = arith.index_cast %get3A_637 : i32 to index
      %get3A_639 = arith.index_cast %mul3A_636 : i32 to index
      %get3A_640 = tpu.vector_load %arg9[%get3A_638, %get3A_639] {strides = array<i32>} : memref<8x1024xf32, #tpu.memory_space<vmem>>, vector<16xf32>,
      %select_n3A_641 = arith.select %and3A_600, %gather3A_634, %get3A_640 : vector<16xi1>, vector<16xf32>
      %mul3A_642 = arith.constant 16 : i32
      %mul3A_643 = arith.muli %scan3A_586, %mul3A_642 : i32
      %swap3A_644 = arith.constant 1 : i32
      %swap3A_645 = arith.index_cast %swap3A_644 : i32 to index
      %swap3A_646 = arith.index_cast %mul3A_643 : i32 to index
      %swap3A_647 = tpu.vector_load %arg9[%swap3A_645, %swap3A_646] {strides = array<i32>} : memref<8x1024xf32, #tpu.memory_space<vmem>>, vector<16xf32>,
      tpu.vector_store %arg9[%swap3A_645, %swap3A_646], %select_n3A_641 {strides = array<i32>} : memref<8x1024xf32, #tpu.memory_space<vmem>>, vector<16xf32>,
      %broadcast_in_dim3A_648 = arith.constant 2 : i32
      %broadcast_in_dim3A_649 = vector.broadcast %broadcast_in_dim3A_648 : i32 to vector<16xi32>
      %gather3A_650 = arith.constant 0 : i32
      %gather3A_651 = arith.constant 0 : i32
      %gather3A_652 = arith.constant 0 : i32
      %gather3A_653 = tpu.memref_slice %arg6[%gather3A_650, %gather3A_651, %gather3A_652] : memref<2x8x6272xf32, #tpu.memory_space<vmem>> -> memref<1x8x6272xf32, #tpu.memory_space<vmem>>
      %gather3A_654 = tpu.memref_squeeze %gather3A_653 : memref<1x8x6272xf32, #tpu.memory_space<vmem>> -> memref<8x6272xf32, #tpu.memory_space<vmem>>
      %gather3A_655 = tpu.vector_load_idx %gather3A_654[%broadcast_in_dim3A_649, %select_n3A_605] masked %and3A_600 : memref<8x6272xf32, #tpu.memory_space<vmem>>[vector<16xi32>, vector<16xi32>], vector<16xf32>, vector<16xi1>
      %mul3A_656 = arith.constant 16 : i32
      %mul3A_657 = arith.muli %scan3A_586, %mul3A_656 : i32
      %get3A_658 = arith.constant 2 : i32
      %get3A_659 = arith.index_cast %get3A_658 : i32 to index
      %get3A_660 = arith.index_cast %mul3A_657 : i32 to index
      %get3A_661 = tpu.vector_load %arg9[%get3A_659, %get3A_660] {strides = array<i32>} : memref<8x1024xf32, #tpu.memory_space<vmem>>, vector<16xf32>,
      %select_n3A_662 = arith.select %and3A_600, %gather3A_655, %get3A_661 : vector<16xi1>, vector<16xf32>
      %mul3A_663 = arith.constant 16 : i32
      %mul3A_664 = arith.muli %scan3A_586, %mul3A_663 : i32
      %swap3A_665 = arith.constant 2 : i32
      %swap3A_666 = arith.index_cast %swap3A_665 : i32 to index
      %swap3A_667 = arith.index_cast %mul3A_664 : i32 to index
      %swap3A_668 = tpu.vector_load %arg9[%swap3A_666, %swap3A_667] {strides = array<i32>} : memref<8x1024xf32, #tpu.memory_space<vmem>>, vector<16xf32>,
      tpu.vector_store %arg9[%swap3A_666, %swap3A_667], %select_n3A_662 {strides = array<i32>} : memref<8x1024xf32, #tpu.memory_space<vmem>>, vector<16xf32>,
      %broadcast_in_dim3A_669 = arith.constant 3 : i32
      %broadcast_in_dim3A_670 = vector.broadcast %broadcast_in_dim3A_669 : i32 to vector<16xi32>
      %gather3A_671 = arith.constant 0 : i32
      %gather3A_672 = arith.constant 0 : i32
      %gather3A_673 = arith.constant 0 : i32
      %gather3A_674 = tpu.memref_slice %arg6[%gather3A_671, %gather3A_672, %gather3A_673] : memref<2x8x6272xf32, #tpu.memory_space<vmem>> -> memref<1x8x6272xf32, #tpu.memory_space<vmem>>
      %gather3A_675 = tpu.memref_squeeze %gather3A_674 : memref<1x8x6272xf32, #tpu.memory_space<vmem>> -> memref<8x6272xf32, #tpu.memory_space<vmem>>
      %gather3A_676 = tpu.vector_load_idx %gather3A_675[%broadcast_in_dim3A_670, %select_n3A_605] masked %and3A_600 : memref<8x6272xf32, #tpu.memory_space<vmem>>[vector<16xi32>, vector<16xi32>], vector<16xf32>, vector<16xi1>
      %mul3A_677 = arith.constant 16 : i32
      %mul3A_678 = arith.muli %scan3A_586, %mul3A_677 : i32
      %get3A_679 = arith.constant 3 : i32
      %get3A_680 = arith.index_cast %get3A_679 : i32 to index
      %get3A_681 = arith.index_cast %mul3A_678 : i32 to index
      %get3A_682 = tpu.vector_load %arg9[%get3A_680, %get3A_681] {strides = array<i32>} : memref<8x1024xf32, #tpu.memory_space<vmem>>, vector<16xf32>,
      %select_n3A_683 = arith.select %and3A_600, %gather3A_676, %get3A_682 : vector<16xi1>, vector<16xf32>
      %mul3A_684 = arith.constant 16 : i32
      %mul3A_685 = arith.muli %scan3A_586, %mul3A_684 : i32
      %swap3A_686 = arith.constant 3 : i32
      %swap3A_687 = arith.index_cast %swap3A_686 : i32 to index
      %swap3A_688 = arith.index_cast %mul3A_685 : i32 to index
      %swap3A_689 = tpu.vector_load %arg9[%swap3A_687, %swap3A_688] {strides = array<i32>} : memref<8x1024xf32, #tpu.memory_space<vmem>>, vector<16xf32>,
      tpu.vector_store %arg9[%swap3A_687, %swap3A_688], %select_n3A_683 {strides = array<i32>} : memref<8x1024xf32, #tpu.memory_space<vmem>>, vector<16xf32>,
      %broadcast_in_dim3A_690 = arith.constant 4 : i32
      %broadcast_in_dim3A_691 = vector.broadcast %broadcast_in_dim3A_690 : i32 to vector<16xi32>
      %gather3A_692 = arith.constant 0 : i32
      %gather3A_693 = arith.constant 0 : i32
      %gather3A_694 = arith.constant 0 : i32
      %gather3A_695 = tpu.memref_slice %arg6[%gather3A_692, %gather3A_693, %gather3A_694] : memref<2x8x6272xf32, #tpu.memory_space<vmem>> -> memref<1x8x6272xf32, #tpu.memory_space<vmem>>
      %gather3A_696 = tpu.memref_squeeze %gather3A_695 : memref<1x8x6272xf32, #tpu.memory_space<vmem>> -> memref<8x6272xf32, #tpu.memory_space<vmem>>
      %gather3A_697 = tpu.vector_load_idx %gather3A_696[%broadcast_in_dim3A_691, %select_n3A_605] masked %and3A_600 : memref<8x6272xf32, #tpu.memory_space<vmem>>[vector<16xi32>, vector<16xi32>], vector<16xf32>, vector<16xi1>
      %mul3A_698 = arith.constant 16 : i32
      %mul3A_699 = arith.muli %scan3A_586, %mul3A_698 : i32
      %get3A_700 = arith.constant 4 : i32
      %get3A_701 = arith.index_cast %get3A_700 : i32 to index
      %get3A_702 = arith.index_cast %mul3A_699 : i32 to index
      %get3A_703 = tpu.vector_load %arg9[%get3A_701, %get3A_702] {strides = array<i32>} : memref<8x1024xf32, #tpu.memory_space<vmem>>, vector<16xf32>,
      %select_n3A_704 = arith.select %and3A_600, %gather3A_697, %get3A_703 : vector<16xi1>, vector<16xf32>
      %mul3A_705 = arith.constant 16 : i32
      %mul3A_706 = arith.muli %scan3A_586, %mul3A_705 : i32
      %swap3A_707 = arith.constant 4 : i32
      %swap3A_708 = arith.index_cast %swap3A_707 : i32 to index
      %swap3A_709 = arith.index_cast %mul3A_706 : i32 to index
      %swap3A_710 = tpu.vector_load %arg9[%swap3A_708, %swap3A_709] {strides = array<i32>} : memref<8x1024xf32, #tpu.memory_space<vmem>>, vector<16xf32>,
      tpu.vector_store %arg9[%swap3A_708, %swap3A_709], %select_n3A_704 {strides = array<i32>} : memref<8x1024xf32, #tpu.memory_space<vmem>>, vector<16xf32>,
      %broadcast_in_dim3A_711 = arith.constant 5 : i32
      %broadcast_in_dim3A_712 = vector.broadcast %broadcast_in_dim3A_711 : i32 to vector<16xi32>
      %gather3A_713 = arith.constant 0 : i32
      %gather3A_714 = arith.constant 0 : i32
      %gather3A_715 = arith.constant 0 : i32
      %gather3A_716 = tpu.memref_slice %arg6[%gather3A_713, %gather3A_714, %gather3A_715] : memref<2x8x6272xf32, #tpu.memory_space<vmem>> -> memref<1x8x6272xf32, #tpu.memory_space<vmem>>
      %gather3A_717 = tpu.memref_squeeze %gather3A_716 : memref<1x8x6272xf32, #tpu.memory_space<vmem>> -> memref<8x6272xf32, #tpu.memory_space<vmem>>
      %gather3A_718 = tpu.vector_load_idx %gather3A_717[%broadcast_in_dim3A_712, %select_n3A_605] masked %and3A_600 : memref<8x6272xf32, #tpu.memory_space<vmem>>[vector<16xi32>, vector<16xi32>], vector<16xf32>, vector<16xi1>
      %mul3A_719 = arith.constant 16 : i32
      %mul3A_720 = arith.muli %scan3A_586, %mul3A_719 : i32
      %get3A_721 = arith.constant 5 : i32
      %get3A_722 = arith.index_cast %get3A_721 : i32 to index
      %get3A_723 = arith.index_cast %mul3A_720 : i32 to index
      %get3A_724 = tpu.vector_load %arg9[%get3A_722, %get3A_723] {strides = array<i32>} : memref<8x1024xf32, #tpu.memory_space<vmem>>, vector<16xf32>,
      %select_n3A_725 = arith.select %and3A_600, %gather3A_718, %get3A_724 : vector<16xi1>, vector<16xf32>
      %mul3A_726 = arith.constant 16 : i32
      %mul3A_727 = arith.muli %scan3A_586, %mul3A_726 : i32
      %swap3A_728 = arith.constant 5 : i32
      %swap3A_729 = arith.index_cast %swap3A_728 : i32 to index
      %swap3A_730 = arith.index_cast %mul3A_727 : i32 to index
      %swap3A_731 = tpu.vector_load %arg9[%swap3A_729, %swap3A_730] {strides = array<i32>} : memref<8x1024xf32, #tpu.memory_space<vmem>>, vector<16xf32>,
      tpu.vector_store %arg9[%swap3A_729, %swap3A_730], %select_n3A_725 {strides = array<i32>} : memref<8x1024xf32, #tpu.memory_space<vmem>>, vector<16xf32>,
      %broadcast_in_dim3A_732 = arith.constant 6 : i32
      %broadcast_in_dim3A_733 = vector.broadcast %broadcast_in_dim3A_732 : i32 to vector<16xi32>
      %gather3A_734 = arith.constant 0 : i32
      %gather3A_735 = arith.constant 0 : i32
      %gather3A_736 = arith.constant 0 : i32
      %gather3A_737 = tpu.memref_slice %arg6[%gather3A_734, %gather3A_735, %gather3A_736] : memref<2x8x6272xf32, #tpu.memory_space<vmem>> -> memref<1x8x6272xf32, #tpu.memory_space<vmem>>
      %gather3A_738 = tpu.memref_squeeze %gather3A_737 : memref<1x8x6272xf32, #tpu.memory_space<vmem>> -> memref<8x6272xf32, #tpu.memory_space<vmem>>
      %gather3A_739 = tpu.vector_load_idx %gather3A_738[%broadcast_in_dim3A_733, %select_n3A_605] masked %and3A_600 : memref<8x6272xf32, #tpu.memory_space<vmem>>[vector<16xi32>, vector<16xi32>], vector<16xf32>, vector<16xi1>
      %mul3A_740 = arith.constant 16 : i32
      %mul3A_741 = arith.muli %scan3A_586, %mul3A_740 : i32
      %get3A_742 = arith.constant 6 : i32
      %get3A_743 = arith.index_cast %get3A_742 : i32 to index
      %get3A_744 = arith.index_cast %mul3A_741 : i32 to index
      %get3A_745 = tpu.vector_load %arg9[%get3A_743, %get3A_744] {strides = array<i32>} : memref<8x1024xf32, #tpu.memory_space<vmem>>, vector<16xf32>,
      %select_n3A_746 = arith.select %and3A_600, %gather3A_739, %get3A_745 : vector<16xi1>, vector<16xf32>
      %mul3A_747 = arith.constant 16 : i32
      %mul3A_748 = arith.muli %scan3A_586, %mul3A_747 : i32
      %swap3A_749 = arith.constant 6 : i32
      %swap3A_750 = arith.index_cast %swap3A_749 : i32 to index
      %swap3A_751 = arith.index_cast %mul3A_748 : i32 to index
      %swap3A_752 = tpu.vector_load %arg9[%swap3A_750, %swap3A_751] {strides = array<i32>} : memref<8x1024xf32, #tpu.memory_space<vmem>>, vector<16xf32>,
      tpu.vector_store %arg9[%swap3A_750, %swap3A_751], %select_n3A_746 {strides = array<i32>} : memref<8x1024xf32, #tpu.memory_space<vmem>>, vector<16xf32>,
      %broadcast_in_dim3A_753 = arith.constant 7 : i32
      %broadcast_in_dim3A_754 = vector.broadcast %broadcast_in_dim3A_753 : i32 to vector<16xi32>
      %gather3A_755 = arith.constant 0 : i32
      %gather3A_756 = arith.constant 0 : i32
      %gather3A_757 = arith.constant 0 : i32
      %gather3A_758 = tpu.memref_slice %arg6[%gather3A_755, %gather3A_756, %gather3A_757] : memref<2x8x6272xf32, #tpu.memory_space<vmem>> -> memref<1x8x6272xf32, #tpu.memory_space<vmem>>
      %gather3A_759 = tpu.memref_squeeze %gather3A_758 : memref<1x8x6272xf32, #tpu.memory_space<vmem>> -> memref<8x6272xf32, #tpu.memory_space<vmem>>
      %gather3A_760 = tpu.vector_load_idx %gather3A_759[%broadcast_in_dim3A_754, %select_n3A_605] masked %and3A_600 : memref<8x6272xf32, #tpu.memory_space<vmem>>[vector<16xi32>, vector<16xi32>], vector<16xf32>, vector<16xi1>
      %mul3A_761 = arith.constant 16 : i32
      %mul3A_762 = arith.muli %scan3A_586, %mul3A_761 : i32
      %get3A_763 = arith.constant 7 : i32
      %get3A_764 = arith.index_cast %get3A_763 : i32 to index
      %get3A_765 = arith.index_cast %mul3A_762 : i32 to index
      %get3A_766 = tpu.vector_load %arg9[%get3A_764, %get3A_765] {strides = array<i32>} : memref<8x1024xf32, #tpu.memory_space<vmem>>, vector<16xf32>,
      %select_n3A_767 = arith.select %and3A_600, %gather3A_760, %get3A_766 : vector<16xi1>, vector<16xf32>
      %mul3A_768 = arith.constant 16 : i32
      %mul3A_769 = arith.muli %scan3A_586, %mul3A_768 : i32
      %swap3A_770 = arith.constant 7 : i32
      %swap3A_771 = arith.index_cast %swap3A_770 : i32 to index
      %swap3A_772 = arith.index_cast %mul3A_769 : i32 to index
      %swap3A_773 = tpu.vector_load %arg9[%swap3A_771, %swap3A_772] {strides = array<i32>} : memref<8x1024xf32, #tpu.memory_space<vmem>>, vector<16xf32>,
      tpu.vector_store %arg9[%swap3A_771, %swap3A_772], %select_n3A_767 {strides = array<i32>} : memref<8x1024xf32, #tpu.memory_space<vmem>>, vector<16xf32>,
      %scan3A_774 = arith.constant 0 : i32
      %scan3A_775 = arith.constant 3 : i32
      %scan3A_776 = arith.addi %scan3A_210, %scan3A_775 : i32
      %mul3A_777 = arith.constant 16 : i32
      %mul3A_778 = arith.muli %scan3A_776, %mul3A_777 : i32
      %get3A_779 = arith.index_cast %mul3A_778 : i32 to index
      %get3A_780 = tpu.vector_load %arg8[%get3A_779] {strides = array<i32>} : memref<1024xi32, #tpu.memory_space<vmem>>, vector<16xi32>,
      %ge3A_781 = vector.broadcast %add3A_168 : i32 to vector<16xi32>
      %ge3A_782 = arith.cmpi sge, %get3A_780, %ge3A_781 : vector<16xi32>
      %add3A_783 = arith.constant 6272 : i32
      %add3A_784 = arith.addi %add3A_168, %add3A_783 : i32
      %lt3A_785 = vector.broadcast %add3A_784 : i32 to vector<16xi32>
      %lt3A_786 = arith.cmpi slt, %get3A_780, %lt3A_785 : vector<16xi32>
      %and3A_787 = arith.andi %ge3A_782, %lt3A_786 : vector<16xi1>
      %lt3A_788 = vector.broadcast %select_n3A_41 : i32 to vector<16xi32>
      %lt3A_789 = arith.cmpi slt, %get3A_780, %lt3A_788 : vector<16xi32>
      %and3A_790 = arith.andi %and3A_787, %lt3A_789 : vector<16xi1>
      %sub3A_791 = vector.broadcast %add3A_168 : i32 to vector<16xi32>
      %sub3A_792 = arith.subi %get3A_780, %sub3A_791 : vector<16xi32>
      %jit3A_793 = arith.constant 0 : i32
      %broadcast_in_dim3A_794 = vector.broadcast %jit3A_793 : i32 to vector<16xi32>
      %select_n3A_795 = arith.select %and3A_790, %sub3A_792, %broadcast_in_dim3A_794 : vector<16xi1>, vector<16xi32>
      %broadcast_in_dim3A_796 = arith.constant 0 : i32
      %broadcast_in_dim3A_797 = vector.broadcast %broadcast_in_dim3A_796 : i32 to vector<16xi32>
      %gather3A_798 = arith.constant 0 : i32
      %gather3A_799 = arith.constant 0 : i32
      %gather3A_800 = arith.constant 0 : i32
      %gather3A_801 = tpu.memref_slice %arg6[%gather3A_798, %gather3A_799, %gather3A_800] : memref<2x8x6272xf32, #tpu.memory_space<vmem>> -> memref<1x8x6272xf32, #tpu.memory_space<vmem>>
      %gather3A_802 = tpu.memref_squeeze %gather3A_801 : memref<1x8x6272xf32, #tpu.memory_space<vmem>> -> memref<8x6272xf32, #tpu.memory_space<vmem>>
      %gather3A_803 = tpu.vector_load_idx %gather3A_802[%broadcast_in_dim3A_797, %select_n3A_795] masked %and3A_790 : memref<8x6272xf32, #tpu.memory_space<vmem>>[vector<16xi32>, vector<16xi32>], vector<16xf32>, vector<16xi1>
      %mul3A_804 = arith.constant 16 : i32
      %mul3A_805 = arith.muli %scan3A_776, %mul3A_804 : i32
      %get3A_806 = arith.constant 0 : i32
      %get3A_807 = arith.index_cast %get3A_806 : i32 to index
      %get3A_808 = arith.index_cast %mul3A_805 : i32 to index
      %get3A_809 = tpu.vector_load %arg9[%get3A_807, %get3A_808] {strides = array<i32>} : memref<8x1024xf32, #tpu.memory_space<vmem>>, vector<16xf32>,
      %select_n3A_810 = arith.select %and3A_790, %gather3A_803, %get3A_809 : vector<16xi1>, vector<16xf32>
      %mul3A_811 = arith.constant 16 : i32
      %mul3A_812 = arith.muli %scan3A_776, %mul3A_811 : i32
      %swap3A_813 = arith.constant 0 : i32
      %swap3A_814 = arith.index_cast %swap3A_813 : i32 to index
      %swap3A_815 = arith.index_cast %mul3A_812 : i32 to index
      %swap3A_816 = tpu.vector_load %arg9[%swap3A_814, %swap3A_815] {strides = array<i32>} : memref<8x1024xf32, #tpu.memory_space<vmem>>, vector<16xf32>,
      tpu.vector_store %arg9[%swap3A_814, %swap3A_815], %select_n3A_810 {strides = array<i32>} : memref<8x1024xf32, #tpu.memory_space<vmem>>, vector<16xf32>,
      %broadcast_in_dim3A_817 = arith.constant 1 : i32
      %broadcast_in_dim3A_818 = vector.broadcast %broadcast_in_dim3A_817 : i32 to vector<16xi32>
      %gather3A_819 = arith.constant 0 : i32
      %gather3A_820 = arith.constant 0 : i32
      %gather3A_821 = arith.constant 0 : i32
      %gather3A_822 = tpu.memref_slice %arg6[%gather3A_819, %gather3A_820, %gather3A_821] : memref<2x8x6272xf32, #tpu.memory_space<vmem>> -> memref<1x8x6272xf32, #tpu.memory_space<vmem>>
      %gather3A_823 = tpu.memref_squeeze %gather3A_822 : memref<1x8x6272xf32, #tpu.memory_space<vmem>> -> memref<8x6272xf32, #tpu.memory_space<vmem>>
      %gather3A_824 = tpu.vector_load_idx %gather3A_823[%broadcast_in_dim3A_818, %select_n3A_795] masked %and3A_790 : memref<8x6272xf32, #tpu.memory_space<vmem>>[vector<16xi32>, vector<16xi32>], vector<16xf32>, vector<16xi1>
      %mul3A_825 = arith.constant 16 : i32
      %mul3A_826 = arith.muli %scan3A_776, %mul3A_825 : i32
      %get3A_827 = arith.constant 1 : i32
      %get3A_828 = arith.index_cast %get3A_827 : i32 to index
      %get3A_829 = arith.index_cast %mul3A_826 : i32 to index
      %get3A_830 = tpu.vector_load %arg9[%get3A_828, %get3A_829] {strides = array<i32>} : memref<8x1024xf32, #tpu.memory_space<vmem>>, vector<16xf32>,
      %select_n3A_831 = arith.select %and3A_790, %gather3A_824, %get3A_830 : vector<16xi1>, vector<16xf32>
      %mul3A_832 = arith.constant 16 : i32
      %mul3A_833 = arith.muli %scan3A_776, %mul3A_832 : i32
      %swap3A_834 = arith.constant 1 : i32
      %swap3A_835 = arith.index_cast %swap3A_834 : i32 to index
      %swap3A_836 = arith.index_cast %mul3A_833 : i32 to index
      %swap3A_837 = tpu.vector_load %arg9[%swap3A_835, %swap3A_836] {strides = array<i32>} : memref<8x1024xf32, #tpu.memory_space<vmem>>, vector<16xf32>,
      tpu.vector_store %arg9[%swap3A_835, %swap3A_836], %select_n3A_831 {strides = array<i32>} : memref<8x1024xf32, #tpu.memory_space<vmem>>, vector<16xf32>,
      %broadcast_in_dim3A_838 = arith.constant 2 : i32
      %broadcast_in_dim3A_839 = vector.broadcast %broadcast_in_dim3A_838 : i32 to vector<16xi32>
      %gather3A_840 = arith.constant 0 : i32
      %gather3A_841 = arith.constant 0 : i32
      %gather3A_842 = arith.constant 0 : i32
      %gather3A_843 = tpu.memref_slice %arg6[%gather3A_840, %gather3A_841, %gather3A_842] : memref<2x8x6272xf32, #tpu.memory_space<vmem>> -> memref<1x8x6272xf32, #tpu.memory_space<vmem>>
      %gather3A_844 = tpu.memref_squeeze %gather3A_843 : memref<1x8x6272xf32, #tpu.memory_space<vmem>> -> memref<8x6272xf32, #tpu.memory_space<vmem>>
      %gather3A_845 = tpu.vector_load_idx %gather3A_844[%broadcast_in_dim3A_839, %select_n3A_795] masked %and3A_790 : memref<8x6272xf32, #tpu.memory_space<vmem>>[vector<16xi32>, vector<16xi32>], vector<16xf32>, vector<16xi1>
      %mul3A_846 = arith.constant 16 : i32
      %mul3A_847 = arith.muli %scan3A_776, %mul3A_846 : i32
      %get3A_848 = arith.constant 2 : i32
      %get3A_849 = arith.index_cast %get3A_848 : i32 to index
      %get3A_850 = arith.index_cast %mul3A_847 : i32 to index
      %get3A_851 = tpu.vector_load %arg9[%get3A_849, %get3A_850] {strides = array<i32>} : memref<8x1024xf32, #tpu.memory_space<vmem>>, vector<16xf32>,
      %select_n3A_852 = arith.select %and3A_790, %gather3A_845, %get3A_851 : vector<16xi1>, vector<16xf32>
      %mul3A_853 = arith.constant 16 : i32
      %mul3A_854 = arith.muli %scan3A_776, %mul3A_853 : i32
      %swap3A_855 = arith.constant 2 : i32
      %swap3A_856 = arith.index_cast %swap3A_855 : i32 to index
      %swap3A_857 = arith.index_cast %mul3A_854 : i32 to index
      %swap3A_858 = tpu.vector_load %arg9[%swap3A_856, %swap3A_857] {strides = array<i32>} : memref<8x1024xf32, #tpu.memory_space<vmem>>, vector<16xf32>,
      tpu.vector_store %arg9[%swap3A_856, %swap3A_857], %select_n3A_852 {strides = array<i32>} : memref<8x1024xf32, #tpu.memory_space<vmem>>, vector<16xf32>,
      %broadcast_in_dim3A_859 = arith.constant 3 : i32
      %broadcast_in_dim3A_860 = vector.broadcast %broadcast_in_dim3A_859 : i32 to vector<16xi32>
      %gather3A_861 = arith.constant 0 : i32
      %gather3A_862 = arith.constant 0 : i32
      %gather3A_863 = arith.constant 0 : i32
      %gather3A_864 = tpu.memref_slice %arg6[%gather3A_861, %gather3A_862, %gather3A_863] : memref<2x8x6272xf32, #tpu.memory_space<vmem>> -> memref<1x8x6272xf32, #tpu.memory_space<vmem>>
      %gather3A_865 = tpu.memref_squeeze %gather3A_864 : memref<1x8x6272xf32, #tpu.memory_space<vmem>> -> memref<8x6272xf32, #tpu.memory_space<vmem>>
      %gather3A_866 = tpu.vector_load_idx %gather3A_865[%broadcast_in_dim3A_860, %select_n3A_795] masked %and3A_790 : memref<8x6272xf32, #tpu.memory_space<vmem>>[vector<16xi32>, vector<16xi32>], vector<16xf32>, vector<16xi1>
      %mul3A_867 = arith.constant 16 : i32
      %mul3A_868 = arith.muli %scan3A_776, %mul3A_867 : i32
      %get3A_869 = arith.constant 3 : i32
      %get3A_870 = arith.index_cast %get3A_869 : i32 to index
      %get3A_871 = arith.index_cast %mul3A_868 : i32 to index
      %get3A_872 = tpu.vector_load %arg9[%get3A_870, %get3A_871] {strides = array<i32>} : memref<8x1024xf32, #tpu.memory_space<vmem>>, vector<16xf32>,
      %select_n3A_873 = arith.select %and3A_790, %gather3A_866, %get3A_872 : vector<16xi1>, vector<16xf32>
      %mul3A_874 = arith.constant 16 : i32
      %mul3A_875 = arith.muli %scan3A_776, %mul3A_874 : i32
      %swap3A_876 = arith.constant 3 : i32
      %swap3A_877 = arith.index_cast %swap3A_876 : i32 to index
      %swap3A_878 = arith.index_cast %mul3A_875 : i32 to index
      %swap3A_879 = tpu.vector_load %arg9[%swap3A_877, %swap3A_878] {strides = array<i32>} : memref<8x1024xf32, #tpu.memory_space<vmem>>, vector<16xf32>,
      tpu.vector_store %arg9[%swap3A_877, %swap3A_878], %select_n3A_873 {strides = array<i32>} : memref<8x1024xf32, #tpu.memory_space<vmem>>, vector<16xf32>,
      %broadcast_in_dim3A_880 = arith.constant 4 : i32
      %broadcast_in_dim3A_881 = vector.broadcast %broadcast_in_dim3A_880 : i32 to vector<16xi32>
      %gather3A_882 = arith.constant 0 : i32
      %gather3A_883 = arith.constant 0 : i32
      %gather3A_884 = arith.constant 0 : i32
      %gather3A_885 = tpu.memref_slice %arg6[%gather3A_882, %gather3A_883, %gather3A_884] : memref<2x8x6272xf32, #tpu.memory_space<vmem>> -> memref<1x8x6272xf32, #tpu.memory_space<vmem>>
      %gather3A_886 = tpu.memref_squeeze %gather3A_885 : memref<1x8x6272xf32, #tpu.memory_space<vmem>> -> memref<8x6272xf32, #tpu.memory_space<vmem>>
      %gather3A_887 = tpu.vector_load_idx %gather3A_886[%broadcast_in_dim3A_881, %select_n3A_795] masked %and3A_790 : memref<8x6272xf32, #tpu.memory_space<vmem>>[vector<16xi32>, vector<16xi32>], vector<16xf32>, vector<16xi1>
      %mul3A_888 = arith.constant 16 : i32
      %mul3A_889 = arith.muli %scan3A_776, %mul3A_888 : i32
      %get3A_890 = arith.constant 4 : i32
      %get3A_891 = arith.index_cast %get3A_890 : i32 to index
      %get3A_892 = arith.index_cast %mul3A_889 : i32 to index
      %get3A_893 = tpu.vector_load %arg9[%get3A_891, %get3A_892] {strides = array<i32>} : memref<8x1024xf32, #tpu.memory_space<vmem>>, vector<16xf32>,
      %select_n3A_894 = arith.select %and3A_790, %gather3A_887, %get3A_893 : vector<16xi1>, vector<16xf32>
      %mul3A_895 = arith.constant 16 : i32
      %mul3A_896 = arith.muli %scan3A_776, %mul3A_895 : i32
      %swap3A_897 = arith.constant 4 : i32
      %swap3A_898 = arith.index_cast %swap3A_897 : i32 to index
      %swap3A_899 = arith.index_cast %mul3A_896 : i32 to index
      %swap3A_900 = tpu.vector_load %arg9[%swap3A_898, %swap3A_899] {strides = array<i32>} : memref<8x1024xf32, #tpu.memory_space<vmem>>, vector<16xf32>,
      tpu.vector_store %arg9[%swap3A_898, %swap3A_899], %select_n3A_894 {strides = array<i32>} : memref<8x1024xf32, #tpu.memory_space<vmem>>, vector<16xf32>,
      %broadcast_in_dim3A_901 = arith.constant 5 : i32
      %broadcast_in_dim3A_902 = vector.broadcast %broadcast_in_dim3A_901 : i32 to vector<16xi32>
      %gather3A_903 = arith.constant 0 : i32
      %gather3A_904 = arith.constant 0 : i32
      %gather3A_905 = arith.constant 0 : i32
      %gather3A_906 = tpu.memref_slice %arg6[%gather3A_903, %gather3A_904, %gather3A_905] : memref<2x8x6272xf32, #tpu.memory_space<vmem>> -> memref<1x8x6272xf32, #tpu.memory_space<vmem>>
      %gather3A_907 = tpu.memref_squeeze %gather3A_906 : memref<1x8x6272xf32, #tpu.memory_space<vmem>> -> memref<8x6272xf32, #tpu.memory_space<vmem>>
      %gather3A_908 = tpu.vector_load_idx %gather3A_907[%broadcast_in_dim3A_902, %select_n3A_795] masked %and3A_790 : memref<8x6272xf32, #tpu.memory_space<vmem>>[vector<16xi32>, vector<16xi32>], vector<16xf32>, vector<16xi1>
      %mul3A_909 = arith.constant 16 : i32
      %mul3A_910 = arith.muli %scan3A_776, %mul3A_909 : i32
      %get3A_911 = arith.constant 5 : i32
      %get3A_912 = arith.index_cast %get3A_911 : i32 to index
      %get3A_913 = arith.index_cast %mul3A_910 : i32 to index
      %get3A_914 = tpu.vector_load %arg9[%get3A_912, %get3A_913] {strides = array<i32>} : memref<8x1024xf32, #tpu.memory_space<vmem>>, vector<16xf32>,
      %select_n3A_915 = arith.select %and3A_790, %gather3A_908, %get3A_914 : vector<16xi1>, vector<16xf32>
      %mul3A_916 = arith.constant 16 : i32
      %mul3A_917 = arith.muli %scan3A_776, %mul3A_916 : i32
      %swap3A_918 = arith.constant 5 : i32
      %swap3A_919 = arith.index_cast %swap3A_918 : i32 to index
      %swap3A_920 = arith.index_cast %mul3A_917 : i32 to index
      %swap3A_921 = tpu.vector_load %arg9[%swap3A_919, %swap3A_920] {strides = array<i32>} : memref<8x1024xf32, #tpu.memory_space<vmem>>, vector<16xf32>,
      tpu.vector_store %arg9[%swap3A_919, %swap3A_920], %select_n3A_915 {strides = array<i32>} : memref<8x1024xf32, #tpu.memory_space<vmem>>, vector<16xf32>,
      %broadcast_in_dim3A_922 = arith.constant 6 : i32
      %broadcast_in_dim3A_923 = vector.broadcast %broadcast_in_dim3A_922 : i32 to vector<16xi32>
      %gather3A_924 = arith.constant 0 : i32
      %gather3A_925 = arith.constant 0 : i32
      %gather3A_926 = arith.constant 0 : i32
      %gather3A_927 = tpu.memref_slice %arg6[%gather3A_924, %gather3A_925, %gather3A_926] : memref<2x8x6272xf32, #tpu.memory_space<vmem>> -> memref<1x8x6272xf32, #tpu.memory_space<vmem>>
      %gather3A_928 = tpu.memref_squeeze %gather3A_927 : memref<1x8x6272xf32, #tpu.memory_space<vmem>> -> memref<8x6272xf32, #tpu.memory_space<vmem>>
      %gather3A_929 = tpu.vector_load_idx %gather3A_928[%broadcast_in_dim3A_923, %select_n3A_795] masked %and3A_790 : memref<8x6272xf32, #tpu.memory_space<vmem>>[vector<16xi32>, vector<16xi32>], vector<16xf32>, vector<16xi1>
      %mul3A_930 = arith.constant 16 : i32
      %mul3A_931 = arith.muli %scan3A_776, %mul3A_930 : i32
      %get3A_932 = arith.constant 6 : i32
      %get3A_933 = arith.index_cast %get3A_932 : i32 to index
      %get3A_934 = arith.index_cast %mul3A_931 : i32 to index
      %get3A_935 = tpu.vector_load %arg9[%get3A_933, %get3A_934] {strides = array<i32>} : memref<8x1024xf32, #tpu.memory_space<vmem>>, vector<16xf32>,
      %select_n3A_936 = arith.select %and3A_790, %gather3A_929, %get3A_935 : vector<16xi1>, vector<16xf32>
      %mul3A_937 = arith.constant 16 : i32
      %mul3A_938 = arith.muli %scan3A_776, %mul3A_937 : i32
      %swap3A_939 = arith.constant 6 : i32
      %swap3A_940 = arith.index_cast %swap3A_939 : i32 to index
      %swap3A_941 = arith.index_cast %mul3A_938 : i32 to index
      %swap3A_942 = tpu.vector_load %arg9[%swap3A_940, %swap3A_941] {strides = array<i32>} : memref<8x1024xf32, #tpu.memory_space<vmem>>, vector<16xf32>,
      tpu.vector_store %arg9[%swap3A_940, %swap3A_941], %select_n3A_936 {strides = array<i32>} : memref<8x1024xf32, #tpu.memory_space<vmem>>, vector<16xf32>,
      %broadcast_in_dim3A_943 = arith.constant 7 : i32
      %broadcast_in_dim3A_944 = vector.broadcast %broadcast_in_dim3A_943 : i32 to vector<16xi32>
      %gather3A_945 = arith.constant 0 : i32
      %gather3A_946 = arith.constant 0 : i32
      %gather3A_947 = arith.constant 0 : i32
      %gather3A_948 = tpu.memref_slice %arg6[%gather3A_945, %gather3A_946, %gather3A_947] : memref<2x8x6272xf32, #tpu.memory_space<vmem>> -> memref<1x8x6272xf32, #tpu.memory_space<vmem>>
      %gather3A_949 = tpu.memref_squeeze %gather3A_948 : memref<1x8x6272xf32, #tpu.memory_space<vmem>> -> memref<8x6272xf32, #tpu.memory_space<vmem>>
      %gather3A_950 = tpu.vector_load_idx %gather3A_949[%broadcast_in_dim3A_944, %select_n3A_795] masked %and3A_790 : memref<8x6272xf32, #tpu.memory_space<vmem>>[vector<16xi32>, vector<16xi32>], vector<16xf32>, vector<16xi1>
      %mul3A_951 = arith.constant 16 : i32
      %mul3A_952 = arith.muli %scan3A_776, %mul3A_951 : i32
      %get3A_953 = arith.constant 7 : i32
      %get3A_954 = arith.index_cast %get3A_953 : i32 to index
      %get3A_955 = arith.index_cast %mul3A_952 : i32 to index
      %get3A_956 = tpu.vector_load %arg9[%get3A_954, %get3A_955] {strides = array<i32>} : memref<8x1024xf32, #tpu.memory_space<vmem>>, vector<16xf32>,
      %select_n3A_957 = arith.select %and3A_790, %gather3A_950, %get3A_956 : vector<16xi1>, vector<16xf32>
      %mul3A_958 = arith.constant 16 : i32
      %mul3A_959 = arith.muli %scan3A_776, %mul3A_958 : i32
      %swap3A_960 = arith.constant 7 : i32
      %swap3A_961 = arith.index_cast %swap3A_960 : i32 to index
      %swap3A_962 = arith.index_cast %mul3A_959 : i32 to index
      %swap3A_963 = tpu.vector_load %arg9[%swap3A_961, %swap3A_962] {strides = array<i32>} : memref<8x1024xf32, #tpu.memory_space<vmem>>, vector<16xf32>,
      tpu.vector_store %arg9[%swap3A_961, %swap3A_962], %select_n3A_957 {strides = array<i32>} : memref<8x1024xf32, #tpu.memory_space<vmem>>, vector<16xf32>,
      %scan3A_964 = arith.constant 0 : i32
      scf.yield %scan3A_964 : i32
    }
    %scan3A_175 = arith.constant 64 : i32
    %dma_wait3A_176 = arith.constant 1 : i32
    %dma_wait3A_177 = arith.constant 1 : i32
    %dma_wait3A_178 = arith.constant 0 : i32
    %dma_wait3A_179 = arith.constant 0 : i32
    %dma_wait3A_180 = tpu.memref_slice %arg6[%dma_wait3A_176, %dma_wait3A_178, %dma_wait3A_179] : memref<2x8x6272xf32, #tpu.memory_space<vmem>> -> memref<1x8x6272xf32, #tpu.memory_space<vmem>>
    %dma_wait3A_181 = tpu.memref_squeeze %dma_wait3A_180 : memref<1x8x6272xf32, #tpu.memory_space<vmem>> -> memref<8x6272xf32, #tpu.memory_space<vmem>>
    %dma_wait3A_182 = tpu.memref_slice %arg2[%multiple_of3A, %multiple_of3A_138] : memref<64x100000xf32, #tpu.memory_space<hbm>> -> memref<8x6272xf32, #tpu.memory_space<hbm>>
    %dma_wait3A_183 = tpu.memref_slice %arg10[%dma_wait3A_177] : memref<2x!tpu.dma_semaphore, #tpu.memory_space<semaphore_mem>> -> memref<1x!tpu.dma_semaphore, #tpu.memory_space<semaphore_mem>>
    %dma_wait3A_184 = tpu.memref_squeeze %dma_wait3A_183 : memref<1x!tpu.dma_semaphore, #tpu.memory_space<semaphore_mem>> -> memref<!tpu.dma_semaphore, #tpu.memory_space<semaphore_mem>>
    %dma_wait3A_185 = arith.constant 0 : i32
    %dma_wait3A_186 = arith.constant 0 : i32
    %dma_wait3A_187 = tpu.memref_slice %arg6[%dma_wait3A_176, %dma_wait3A_185, %dma_wait3A_186] : memref<2x8x6272xf32, #tpu.memory_space<vmem>> -> memref<1x8x6272xf32, #tpu.memory_space<vmem>>
    %dma_wait3A_188 = tpu.memref_squeeze %dma_wait3A_187 : memref<1x8x6272xf32, #tpu.memory_space<vmem>> -> memref<8x6272xf32, #tpu.memory_space<vmem>>
    %dma_wait3A_189 = tpu.memref_slice %arg2[%multiple_of3A, %multiple_of3A_138] : memref<64x100000xf32, #tpu.memory_space<hbm>> -> memref<8x6272xf32, #tpu.memory_space<hbm>>
    tpu.wait_dma2 semaphore(%dma_wait3A_184 : memref<!tpu.dma_semaphore, #tpu.memory_space<semaphore_mem>>) src(%dma_wait3A_189 : memref<8x6272xf32, #tpu.memory_space<hbm>>) dst(%dma_wait3A_188 : memref<8x6272xf32, #tpu.memory_space<vmem>>)
    %add3A_190 = arith.constant 18816 : i32
    %add3A_191 = arith.addi %mul3A_34, %add3A_190 : i32
    %scan3A_192 = arith.constant 0 : i32
    %scan3A_193 = arith.constant 0 : i32
    %scan3A_194 = arith.constant 64 : i32
    %scan3A_195 = arith.addi %scan3A_193, %scan3A_194 : i32
    %scan3A_196 = arith.constant 4 : i32
    %scan3A_197 = scf.for %scan3A_210 = %scan3A_193 to %scan3A_195 step %scan3A_196 iter_args(%scan3A_211 = %scan3A_192) -> (i32)  : i32 {
      %mul3A_212 = arith.constant 16 : i32
      %mul3A_213 = arith.muli %scan3A_210, %mul3A_212 : i32
      %get3A = arith.index_cast %mul3A_213 : i32 to index
      %get3A_214 = tpu.vector_load %arg8[%get3A] {strides = array<i32>} : memref<1024xi32, #tpu.memory_space<vmem>>, vector<16xi32>,
      %ge3A = vector.broadcast %add3A_191 : i32 to vector<16xi32>
      %ge3A_215 = arith.cmpi sge, %get3A_214, %ge3A : vector<16xi32>
      %add3A_216 = arith.constant 6272 : i32
      %add3A_217 = arith.addi %add3A_191, %add3A_216 : i32
      %lt3A_218 = vector.broadcast %add3A_217 : i32 to vector<16xi32>
      %lt3A_219 = arith.cmpi slt, %get3A_214, %lt3A_218 : vector<16xi32>
      %and3A_220 = arith.andi %ge3A_215, %lt3A_219 : vector<16xi1>
      %lt3A_221 = vector.broadcast %select_n3A_41 : i32 to vector<16xi32>
      %lt3A_222 = arith.cmpi slt, %get3A_214, %lt3A_221 : vector<16xi32>
      %and3A_223 = arith.andi %and3A_220, %lt3A_222 : vector<16xi1>
      %sub3A_224 = vector.broadcast %add3A_191 : i32 to vector<16xi32>
      %sub3A_225 = arith.subi %get3A_214, %sub3A_224 : vector<16xi32>
      %jit3A_226 = arith.constant 0 : i32
      %broadcast_in_dim3A = vector.broadcast %jit3A_226 : i32 to vector<16xi32>
      %select_n3A_227 = arith.select %and3A_223, %sub3A_225, %broadcast_in_dim3A : vector<16xi1>, vector<16xi32>
      %broadcast_in_dim3A_228 = arith.constant 0 : i32
      %broadcast_in_dim3A_229 = vector.broadcast %broadcast_in_dim3A_228 : i32 to vector<16xi32>
      %gather3A = arith.constant 1 : i32
      %gather3A_230 = arith.constant 0 : i32
      %gather3A_231 = arith.constant 0 : i32
      %gather3A_232 = tpu.memref_slice %arg6[%gather3A, %gather3A_230, %gather3A_231] : memref<2x8x6272xf32, #tpu.memory_space<vmem>> -> memref<1x8x6272xf32, #tpu.memory_space<vmem>>
      %gather3A_233 = tpu.memref_squeeze %gather3A_232 : memref<1x8x6272xf32, #tpu.memory_space<vmem>> -> memref<8x6272xf32, #tpu.memory_space<vmem>>
      %gather3A_234 = tpu.vector_load_idx %gather3A_233[%broadcast_in_dim3A_229, %select_n3A_227] masked %and3A_223 : memref<8x6272xf32, #tpu.memory_space<vmem>>[vector<16xi32>, vector<16xi32>], vector<16xf32>, vector<16xi1>
      %mul3A_235 = arith.constant 16 : i32
      %mul3A_236 = arith.muli %scan3A_210, %mul3A_235 : i32
      %get3A_237 = arith.constant 0 : i32
      %get3A_238 = arith.index_cast %get3A_237 : i32 to index
      %get3A_239 = arith.index_cast %mul3A_236 : i32 to index
      %get3A_240 = tpu.vector_load %arg9[%get3A_238, %get3A_239] {strides = array<i32>} : memref<8x1024xf32, #tpu.memory_space<vmem>>, vector<16xf32>,
      %select_n3A_241 = arith.select %and3A_223, %gather3A_234, %get3A_240 : vector<16xi1>, vector<16xf32>
      %mul3A_242 = arith.constant 16 : i32
      %mul3A_243 = arith.muli %scan3A_210, %mul3A_242 : i32
      %swap3A = arith.constant 0 : i32
      %swap3A_244 = arith.index_cast %swap3A : i32 to index
      %swap3A_245 = arith.index_cast %mul3A_243 : i32 to index
      %swap3A_246 = tpu.vector_load %arg9[%swap3A_244, %swap3A_245] {strides = array<i32>} : memref<8x1024xf32, #tpu.memory_space<vmem>>, vector<16xf32>,
      tpu.vector_store %arg9[%swap3A_244, %swap3A_245], %select_n3A_241 {strides = array<i32>} : memref<8x1024xf32, #tpu.memory_space<vmem>>, vector<16xf32>,
      %broadcast_in_dim3A_247 = arith.constant 1 : i32
      %broadcast_in_dim3A_248 = vector.broadcast %broadcast_in_dim3A_247 : i32 to vector<16xi32>
      %gather3A_249 = arith.constant 1 : i32
      %gather3A_250 = arith.constant 0 : i32
      %gather3A_251 = arith.constant 0 : i32
      %gather3A_252 = tpu.memref_slice %arg6[%gather3A_249, %gather3A_250, %gather3A_251] : memref<2x8x6272xf32, #tpu.memory_space<vmem>> -> memref<1x8x6272xf32, #tpu.memory_space<vmem>>
      %gather3A_253 = tpu.memref_squeeze %gather3A_252 : memref<1x8x6272xf32, #tpu.memory_space<vmem>> -> memref<8x6272xf32, #tpu.memory_space<vmem>>
      %gather3A_254 = tpu.vector_load_idx %gather3A_253[%broadcast_in_dim3A_248, %select_n3A_227] masked %and3A_223 : memref<8x6272xf32, #tpu.memory_space<vmem>>[vector<16xi32>, vector<16xi32>], vector<16xf32>, vector<16xi1>
      %mul3A_255 = arith.constant 16 : i32
      %mul3A_256 = arith.muli %scan3A_210, %mul3A_255 : i32
      %get3A_257 = arith.constant 1 : i32
      %get3A_258 = arith.index_cast %get3A_257 : i32 to index
      %get3A_259 = arith.index_cast %mul3A_256 : i32 to index
      %get3A_260 = tpu.vector_load %arg9[%get3A_258, %get3A_259] {strides = array<i32>} : memref<8x1024xf32, #tpu.memory_space<vmem>>, vector<16xf32>,
      %select_n3A_261 = arith.select %and3A_223, %gather3A_254, %get3A_260 : vector<16xi1>, vector<16xf32>
      %mul3A_262 = arith.constant 16 : i32
      %mul3A_263 = arith.muli %scan3A_210, %mul3A_262 : i32
      %swap3A_264 = arith.constant 1 : i32
      %swap3A_265 = arith.index_cast %swap3A_264 : i32 to index
      %swap3A_266 = arith.index_cast %mul3A_263 : i32 to index
      %swap3A_267 = tpu.vector_load %arg9[%swap3A_265, %swap3A_266] {strides = array<i32>} : memref<8x1024xf32, #tpu.memory_space<vmem>>, vector<16xf32>,
      tpu.vector_store %arg9[%swap3A_265, %swap3A_266], %select_n3A_261 {strides = array<i32>} : memref<8x1024xf32, #tpu.memory_space<vmem>>, vector<16xf32>,
      %broadcast_in_dim3A_268 = arith.constant 2 : i32
      %broadcast_in_dim3A_269 = vector.broadcast %broadcast_in_dim3A_268 : i32 to vector<16xi32>
      %gather3A_270 = arith.constant 1 : i32
      %gather3A_271 = arith.constant 0 : i32
      %gather3A_272 = arith.constant 0 : i32
      %gather3A_273 = tpu.memref_slice %arg6[%gather3A_270, %gather3A_271, %gather3A_272] : memref<2x8x6272xf32, #tpu.memory_space<vmem>> -> memref<1x8x6272xf32, #tpu.memory_space<vmem>>
      %gather3A_274 = tpu.memref_squeeze %gather3A_273 : memref<1x8x6272xf32, #tpu.memory_space<vmem>> -> memref<8x6272xf32, #tpu.memory_space<vmem>>
      %gather3A_275 = tpu.vector_load_idx %gather3A_274[%broadcast_in_dim3A_269, %select_n3A_227] masked %and3A_223 : memref<8x6272xf32, #tpu.memory_space<vmem>>[vector<16xi32>, vector<16xi32>], vector<16xf32>, vector<16xi1>
      %mul3A_276 = arith.constant 16 : i32
      %mul3A_277 = arith.muli %scan3A_210, %mul3A_276 : i32
      %get3A_278 = arith.constant 2 : i32
      %get3A_279 = arith.index_cast %get3A_278 : i32 to index
      %get3A_280 = arith.index_cast %mul3A_277 : i32 to index
      %get3A_281 = tpu.vector_load %arg9[%get3A_279, %get3A_280] {strides = array<i32>} : memref<8x1024xf32, #tpu.memory_space<vmem>>, vector<16xf32>,
      %select_n3A_282 = arith.select %and3A_223, %gather3A_275, %get3A_281 : vector<16xi1>, vector<16xf32>
      %mul3A_283 = arith.constant 16 : i32
      %mul3A_284 = arith.muli %scan3A_210, %mul3A_283 : i32
      %swap3A_285 = arith.constant 2 : i32
      %swap3A_286 = arith.index_cast %swap3A_285 : i32 to index
      %swap3A_287 = arith.index_cast %mul3A_284 : i32 to index
      %swap3A_288 = tpu.vector_load %arg9[%swap3A_286, %swap3A_287] {strides = array<i32>} : memref<8x1024xf32, #tpu.memory_space<vmem>>, vector<16xf32>,
      tpu.vector_store %arg9[%swap3A_286, %swap3A_287], %select_n3A_282 {strides = array<i32>} : memref<8x1024xf32, #tpu.memory_space<vmem>>, vector<16xf32>,
      %broadcast_in_dim3A_289 = arith.constant 3 : i32
      %broadcast_in_dim3A_290 = vector.broadcast %broadcast_in_dim3A_289 : i32 to vector<16xi32>
      %gather3A_291 = arith.constant 1 : i32
      %gather3A_292 = arith.constant 0 : i32
      %gather3A_293 = arith.constant 0 : i32
      %gather3A_294 = tpu.memref_slice %arg6[%gather3A_291, %gather3A_292, %gather3A_293] : memref<2x8x6272xf32, #tpu.memory_space<vmem>> -> memref<1x8x6272xf32, #tpu.memory_space<vmem>>
      %gather3A_295 = tpu.memref_squeeze %gather3A_294 : memref<1x8x6272xf32, #tpu.memory_space<vmem>> -> memref<8x6272xf32, #tpu.memory_space<vmem>>
      %gather3A_296 = tpu.vector_load_idx %gather3A_295[%broadcast_in_dim3A_290, %select_n3A_227] masked %and3A_223 : memref<8x6272xf32, #tpu.memory_space<vmem>>[vector<16xi32>, vector<16xi32>], vector<16xf32>, vector<16xi1>
      %mul3A_297 = arith.constant 16 : i32
      %mul3A_298 = arith.muli %scan3A_210, %mul3A_297 : i32
      %get3A_299 = arith.constant 3 : i32
      %get3A_300 = arith.index_cast %get3A_299 : i32 to index
      %get3A_301 = arith.index_cast %mul3A_298 : i32 to index
      %get3A_302 = tpu.vector_load %arg9[%get3A_300, %get3A_301] {strides = array<i32>} : memref<8x1024xf32, #tpu.memory_space<vmem>>, vector<16xf32>,
      %select_n3A_303 = arith.select %and3A_223, %gather3A_296, %get3A_302 : vector<16xi1>, vector<16xf32>
      %mul3A_304 = arith.constant 16 : i32
      %mul3A_305 = arith.muli %scan3A_210, %mul3A_304 : i32
      %swap3A_306 = arith.constant 3 : i32
      %swap3A_307 = arith.index_cast %swap3A_306 : i32 to index
      %swap3A_308 = arith.index_cast %mul3A_305 : i32 to index
      %swap3A_309 = tpu.vector_load %arg9[%swap3A_307, %swap3A_308] {strides = array<i32>} : memref<8x1024xf32, #tpu.memory_space<vmem>>, vector<16xf32>,
      tpu.vector_store %arg9[%swap3A_307, %swap3A_308], %select_n3A_303 {strides = array<i32>} : memref<8x1024xf32, #tpu.memory_space<vmem>>, vector<16xf32>,
      %broadcast_in_dim3A_310 = arith.constant 4 : i32
      %broadcast_in_dim3A_311 = vector.broadcast %broadcast_in_dim3A_310 : i32 to vector<16xi32>
      %gather3A_312 = arith.constant 1 : i32
      %gather3A_313 = arith.constant 0 : i32
      %gather3A_314 = arith.constant 0 : i32
      %gather3A_315 = tpu.memref_slice %arg6[%gather3A_312, %gather3A_313, %gather3A_314] : memref<2x8x6272xf32, #tpu.memory_space<vmem>> -> memref<1x8x6272xf32, #tpu.memory_space<vmem>>
      %gather3A_316 = tpu.memref_squeeze %gather3A_315 : memref<1x8x6272xf32, #tpu.memory_space<vmem>> -> memref<8x6272xf32, #tpu.memory_space<vmem>>
      %gather3A_317 = tpu.vector_load_idx %gather3A_316[%broadcast_in_dim3A_311, %select_n3A_227] masked %and3A_223 : memref<8x6272xf32, #tpu.memory_space<vmem>>[vector<16xi32>, vector<16xi32>], vector<16xf32>, vector<16xi1>
      %mul3A_318 = arith.constant 16 : i32
      %mul3A_319 = arith.muli %scan3A_210, %mul3A_318 : i32
      %get3A_320 = arith.constant 4 : i32
      %get3A_321 = arith.index_cast %get3A_320 : i32 to index
      %get3A_322 = arith.index_cast %mul3A_319 : i32 to index
      %get3A_323 = tpu.vector_load %arg9[%get3A_321, %get3A_322] {strides = array<i32>} : memref<8x1024xf32, #tpu.memory_space<vmem>>, vector<16xf32>,
      %select_n3A_324 = arith.select %and3A_223, %gather3A_317, %get3A_323 : vector<16xi1>, vector<16xf32>
      %mul3A_325 = arith.constant 16 : i32
      %mul3A_326 = arith.muli %scan3A_210, %mul3A_325 : i32
      %swap3A_327 = arith.constant 4 : i32
      %swap3A_328 = arith.index_cast %swap3A_327 : i32 to index
      %swap3A_329 = arith.index_cast %mul3A_326 : i32 to index
      %swap3A_330 = tpu.vector_load %arg9[%swap3A_328, %swap3A_329] {strides = array<i32>} : memref<8x1024xf32, #tpu.memory_space<vmem>>, vector<16xf32>,
      tpu.vector_store %arg9[%swap3A_328, %swap3A_329], %select_n3A_324 {strides = array<i32>} : memref<8x1024xf32, #tpu.memory_space<vmem>>, vector<16xf32>,
      %broadcast_in_dim3A_331 = arith.constant 5 : i32
      %broadcast_in_dim3A_332 = vector.broadcast %broadcast_in_dim3A_331 : i32 to vector<16xi32>
      %gather3A_333 = arith.constant 1 : i32
      %gather3A_334 = arith.constant 0 : i32
      %gather3A_335 = arith.constant 0 : i32
      %gather3A_336 = tpu.memref_slice %arg6[%gather3A_333, %gather3A_334, %gather3A_335] : memref<2x8x6272xf32, #tpu.memory_space<vmem>> -> memref<1x8x6272xf32, #tpu.memory_space<vmem>>
      %gather3A_337 = tpu.memref_squeeze %gather3A_336 : memref<1x8x6272xf32, #tpu.memory_space<vmem>> -> memref<8x6272xf32, #tpu.memory_space<vmem>>
      %gather3A_338 = tpu.vector_load_idx %gather3A_337[%broadcast_in_dim3A_332, %select_n3A_227] masked %and3A_223 : memref<8x6272xf32, #tpu.memory_space<vmem>>[vector<16xi32>, vector<16xi32>], vector<16xf32>, vector<16xi1>
      %mul3A_339 = arith.constant 16 : i32
      %mul3A_340 = arith.muli %scan3A_210, %mul3A_339 : i32
      %get3A_341 = arith.constant 5 : i32
      %get3A_342 = arith.index_cast %get3A_341 : i32 to index
      %get3A_343 = arith.index_cast %mul3A_340 : i32 to index
      %get3A_344 = tpu.vector_load %arg9[%get3A_342, %get3A_343] {strides = array<i32>} : memref<8x1024xf32, #tpu.memory_space<vmem>>, vector<16xf32>,
      %select_n3A_345 = arith.select %and3A_223, %gather3A_338, %get3A_344 : vector<16xi1>, vector<16xf32>
      %mul3A_346 = arith.constant 16 : i32
      %mul3A_347 = arith.muli %scan3A_210, %mul3A_346 : i32
      %swap3A_348 = arith.constant 5 : i32
      %swap3A_349 = arith.index_cast %swap3A_348 : i32 to index
      %swap3A_350 = arith.index_cast %mul3A_347 : i32 to index
      %swap3A_351 = tpu.vector_load %arg9[%swap3A_349, %swap3A_350] {strides = array<i32>} : memref<8x1024xf32, #tpu.memory_space<vmem>>, vector<16xf32>,
      tpu.vector_store %arg9[%swap3A_349, %swap3A_350], %select_n3A_345 {strides = array<i32>} : memref<8x1024xf32, #tpu.memory_space<vmem>>, vector<16xf32>,
      %broadcast_in_dim3A_352 = arith.constant 6 : i32
      %broadcast_in_dim3A_353 = vector.broadcast %broadcast_in_dim3A_352 : i32 to vector<16xi32>
      %gather3A_354 = arith.constant 1 : i32
      %gather3A_355 = arith.constant 0 : i32
      %gather3A_356 = arith.constant 0 : i32
      %gather3A_357 = tpu.memref_slice %arg6[%gather3A_354, %gather3A_355, %gather3A_356] : memref<2x8x6272xf32, #tpu.memory_space<vmem>> -> memref<1x8x6272xf32, #tpu.memory_space<vmem>>
      %gather3A_358 = tpu.memref_squeeze %gather3A_357 : memref<1x8x6272xf32, #tpu.memory_space<vmem>> -> memref<8x6272xf32, #tpu.memory_space<vmem>>
      %gather3A_359 = tpu.vector_load_idx %gather3A_358[%broadcast_in_dim3A_353, %select_n3A_227] masked %and3A_223 : memref<8x6272xf32, #tpu.memory_space<vmem>>[vector<16xi32>, vector<16xi32>], vector<16xf32>, vector<16xi1>
      %mul3A_360 = arith.constant 16 : i32
      %mul3A_361 = arith.muli %scan3A_210, %mul3A_360 : i32
      %get3A_362 = arith.constant 6 : i32
      %get3A_363 = arith.index_cast %get3A_362 : i32 to index
      %get3A_364 = arith.index_cast %mul3A_361 : i32 to index
      %get3A_365 = tpu.vector_load %arg9[%get3A_363, %get3A_364] {strides = array<i32>} : memref<8x1024xf32, #tpu.memory_space<vmem>>, vector<16xf32>,
      %select_n3A_366 = arith.select %and3A_223, %gather3A_359, %get3A_365 : vector<16xi1>, vector<16xf32>
      %mul3A_367 = arith.constant 16 : i32
      %mul3A_368 = arith.muli %scan3A_210, %mul3A_367 : i32
      %swap3A_369 = arith.constant 6 : i32
      %swap3A_370 = arith.index_cast %swap3A_369 : i32 to index
      %swap3A_371 = arith.index_cast %mul3A_368 : i32 to index
      %swap3A_372 = tpu.vector_load %arg9[%swap3A_370, %swap3A_371] {strides = array<i32>} : memref<8x1024xf32, #tpu.memory_space<vmem>>, vector<16xf32>,
      tpu.vector_store %arg9[%swap3A_370, %swap3A_371], %select_n3A_366 {strides = array<i32>} : memref<8x1024xf32, #tpu.memory_space<vmem>>, vector<16xf32>,
      %broadcast_in_dim3A_373 = arith.constant 7 : i32
      %broadcast_in_dim3A_374 = vector.broadcast %broadcast_in_dim3A_373 : i32 to vector<16xi32>
      %gather3A_375 = arith.constant 1 : i32
      %gather3A_376 = arith.constant 0 : i32
      %gather3A_377 = arith.constant 0 : i32
      %gather3A_378 = tpu.memref_slice %arg6[%gather3A_375, %gather3A_376, %gather3A_377] : memref<2x8x6272xf32, #tpu.memory_space<vmem>> -> memref<1x8x6272xf32, #tpu.memory_space<vmem>>
      %gather3A_379 = tpu.memref_squeeze %gather3A_378 : memref<1x8x6272xf32, #tpu.memory_space<vmem>> -> memref<8x6272xf32, #tpu.memory_space<vmem>>
      %gather3A_380 = tpu.vector_load_idx %gather3A_379[%broadcast_in_dim3A_374, %select_n3A_227] masked %and3A_223 : memref<8x6272xf32, #tpu.memory_space<vmem>>[vector<16xi32>, vector<16xi32>], vector<16xf32>, vector<16xi1>
      %mul3A_381 = arith.constant 16 : i32
      %mul3A_382 = arith.muli %scan3A_210, %mul3A_381 : i32
      %get3A_383 = arith.constant 7 : i32
      %get3A_384 = arith.index_cast %get3A_383 : i32 to index
      %get3A_385 = arith.index_cast %mul3A_382 : i32 to index
      %get3A_386 = tpu.vector_load %arg9[%get3A_384, %get3A_385] {strides = array<i32>} : memref<8x1024xf32, #tpu.memory_space<vmem>>, vector<16xf32>,
      %select_n3A_387 = arith.select %and3A_223, %gather3A_380, %get3A_386 : vector<16xi1>, vector<16xf32>
      %mul3A_388 = arith.constant 16 : i32
      %mul3A_389 = arith.muli %scan3A_210, %mul3A_388 : i32
      %swap3A_390 = arith.constant 7 : i32
      %swap3A_391 = arith.index_cast %swap3A_390 : i32 to index
      %swap3A_392 = arith.index_cast %mul3A_389 : i32 to index
      %swap3A_393 = tpu.vector_load %arg9[%swap3A_391, %swap3A_392] {strides = array<i32>} : memref<8x1024xf32, #tpu.memory_space<vmem>>, vector<16xf32>,
      tpu.vector_store %arg9[%swap3A_391, %swap3A_392], %select_n3A_387 {strides = array<i32>} : memref<8x1024xf32, #tpu.memory_space<vmem>>, vector<16xf32>,
      %scan3A_394 = arith.constant 0 : i32
      %scan3A_395 = arith.constant 1 : i32
      %scan3A_396 = arith.addi %scan3A_210, %scan3A_395 : i32
      %mul3A_397 = arith.constant 16 : i32
      %mul3A_398 = arith.muli %scan3A_396, %mul3A_397 : i32
      %get3A_399 = arith.index_cast %mul3A_398 : i32 to index
      %get3A_400 = tpu.vector_load %arg8[%get3A_399] {strides = array<i32>} : memref<1024xi32, #tpu.memory_space<vmem>>, vector<16xi32>,
      %ge3A_401 = vector.broadcast %add3A_191 : i32 to vector<16xi32>
      %ge3A_402 = arith.cmpi sge, %get3A_400, %ge3A_401 : vector<16xi32>
      %add3A_403 = arith.constant 6272 : i32
      %add3A_404 = arith.addi %add3A_191, %add3A_403 : i32
      %lt3A_405 = vector.broadcast %add3A_404 : i32 to vector<16xi32>
      %lt3A_406 = arith.cmpi slt, %get3A_400, %lt3A_405 : vector<16xi32>
      %and3A_407 = arith.andi %ge3A_402, %lt3A_406 : vector<16xi1>
      %lt3A_408 = vector.broadcast %select_n3A_41 : i32 to vector<16xi32>
      %lt3A_409 = arith.cmpi slt, %get3A_400, %lt3A_408 : vector<16xi32>
      %and3A_410 = arith.andi %and3A_407, %lt3A_409 : vector<16xi1>
      %sub3A_411 = vector.broadcast %add3A_191 : i32 to vector<16xi32>
      %sub3A_412 = arith.subi %get3A_400, %sub3A_411 : vector<16xi32>
      %jit3A_413 = arith.constant 0 : i32
      %broadcast_in_dim3A_414 = vector.broadcast %jit3A_413 : i32 to vector<16xi32>
      %select_n3A_415 = arith.select %and3A_410, %sub3A_412, %broadcast_in_dim3A_414 : vector<16xi1>, vector<16xi32>
      %broadcast_in_dim3A_416 = arith.constant 0 : i32
      %broadcast_in_dim3A_417 = vector.broadcast %broadcast_in_dim3A_416 : i32 to vector<16xi32>
      %gather3A_418 = arith.constant 1 : i32
      %gather3A_419 = arith.constant 0 : i32
      %gather3A_420 = arith.constant 0 : i32
      %gather3A_421 = tpu.memref_slice %arg6[%gather3A_418, %gather3A_419, %gather3A_420] : memref<2x8x6272xf32, #tpu.memory_space<vmem>> -> memref<1x8x6272xf32, #tpu.memory_space<vmem>>
      %gather3A_422 = tpu.memref_squeeze %gather3A_421 : memref<1x8x6272xf32, #tpu.memory_space<vmem>> -> memref<8x6272xf32, #tpu.memory_space<vmem>>
      %gather3A_423 = tpu.vector_load_idx %gather3A_422[%broadcast_in_dim3A_417, %select_n3A_415] masked %and3A_410 : memref<8x6272xf32, #tpu.memory_space<vmem>>[vector<16xi32>, vector<16xi32>], vector<16xf32>, vector<16xi1>
      %mul3A_424 = arith.constant 16 : i32
      %mul3A_425 = arith.muli %scan3A_396, %mul3A_424 : i32
      %get3A_426 = arith.constant 0 : i32
      %get3A_427 = arith.index_cast %get3A_426 : i32 to index
      %get3A_428 = arith.index_cast %mul3A_425 : i32 to index
      %get3A_429 = tpu.vector_load %arg9[%get3A_427, %get3A_428] {strides = array<i32>} : memref<8x1024xf32, #tpu.memory_space<vmem>>, vector<16xf32>,
      %select_n3A_430 = arith.select %and3A_410, %gather3A_423, %get3A_429 : vector<16xi1>, vector<16xf32>
      %mul3A_431 = arith.constant 16 : i32
      %mul3A_432 = arith.muli %scan3A_396, %mul3A_431 : i32
      %swap3A_433 = arith.constant 0 : i32
      %swap3A_434 = arith.index_cast %swap3A_433 : i32 to index
      %swap3A_435 = arith.index_cast %mul3A_432 : i32 to index
      %swap3A_436 = tpu.vector_load %arg9[%swap3A_434, %swap3A_435] {strides = array<i32>} : memref<8x1024xf32, #tpu.memory_space<vmem>>, vector<16xf32>,
      tpu.vector_store %arg9[%swap3A_434, %swap3A_435], %select_n3A_430 {strides = array<i32>} : memref<8x1024xf32, #tpu.memory_space<vmem>>, vector<16xf32>,
      %broadcast_in_dim3A_437 = arith.constant 1 : i32
      %broadcast_in_dim3A_438 = vector.broadcast %broadcast_in_dim3A_437 : i32 to vector<16xi32>
      %gather3A_439 = arith.constant 1 : i32
      %gather3A_440 = arith.constant 0 : i32
      %gather3A_441 = arith.constant 0 : i32
      %gather3A_442 = tpu.memref_slice %arg6[%gather3A_439, %gather3A_440, %gather3A_441] : memref<2x8x6272xf32, #tpu.memory_space<vmem>> -> memref<1x8x6272xf32, #tpu.memory_space<vmem>>
      %gather3A_443 = tpu.memref_squeeze %gather3A_442 : memref<1x8x6272xf32, #tpu.memory_space<vmem>> -> memref<8x6272xf32, #tpu.memory_space<vmem>>
      %gather3A_444 = tpu.vector_load_idx %gather3A_443[%broadcast_in_dim3A_438, %select_n3A_415] masked %and3A_410 : memref<8x6272xf32, #tpu.memory_space<vmem>>[vector<16xi32>, vector<16xi32>], vector<16xf32>, vector<16xi1>
      %mul3A_445 = arith.constant 16 : i32
      %mul3A_446 = arith.muli %scan3A_396, %mul3A_445 : i32
      %get3A_447 = arith.constant 1 : i32
      %get3A_448 = arith.index_cast %get3A_447 : i32 to index
      %get3A_449 = arith.index_cast %mul3A_446 : i32 to index
      %get3A_450 = tpu.vector_load %arg9[%get3A_448, %get3A_449] {strides = array<i32>} : memref<8x1024xf32, #tpu.memory_space<vmem>>, vector<16xf32>,
      %select_n3A_451 = arith.select %and3A_410, %gather3A_444, %get3A_450 : vector<16xi1>, vector<16xf32>
      %mul3A_452 = arith.constant 16 : i32
      %mul3A_453 = arith.muli %scan3A_396, %mul3A_452 : i32
      %swap3A_454 = arith.constant 1 : i32
      %swap3A_455 = arith.index_cast %swap3A_454 : i32 to index
      %swap3A_456 = arith.index_cast %mul3A_453 : i32 to index
      %swap3A_457 = tpu.vector_load %arg9[%swap3A_455, %swap3A_456] {strides = array<i32>} : memref<8x1024xf32, #tpu.memory_space<vmem>>, vector<16xf32>,
      tpu.vector_store %arg9[%swap3A_455, %swap3A_456], %select_n3A_451 {strides = array<i32>} : memref<8x1024xf32, #tpu.memory_space<vmem>>, vector<16xf32>,
      %broadcast_in_dim3A_458 = arith.constant 2 : i32
      %broadcast_in_dim3A_459 = vector.broadcast %broadcast_in_dim3A_458 : i32 to vector<16xi32>
      %gather3A_460 = arith.constant 1 : i32
      %gather3A_461 = arith.constant 0 : i32
      %gather3A_462 = arith.constant 0 : i32
      %gather3A_463 = tpu.memref_slice %arg6[%gather3A_460, %gather3A_461, %gather3A_462] : memref<2x8x6272xf32, #tpu.memory_space<vmem>> -> memref<1x8x6272xf32, #tpu.memory_space<vmem>>
      %gather3A_464 = tpu.memref_squeeze %gather3A_463 : memref<1x8x6272xf32, #tpu.memory_space<vmem>> -> memref<8x6272xf32, #tpu.memory_space<vmem>>
      %gather3A_465 = tpu.vector_load_idx %gather3A_464[%broadcast_in_dim3A_459, %select_n3A_415] masked %and3A_410 : memref<8x6272xf32, #tpu.memory_space<vmem>>[vector<16xi32>, vector<16xi32>], vector<16xf32>, vector<16xi1>
      %mul3A_466 = arith.constant 16 : i32
      %mul3A_467 = arith.muli %scan3A_396, %mul3A_466 : i32
      %get3A_468 = arith.constant 2 : i32
      %get3A_469 = arith.index_cast %get3A_468 : i32 to index
      %get3A_470 = arith.index_cast %mul3A_467 : i32 to index
      %get3A_471 = tpu.vector_load %arg9[%get3A_469, %get3A_470] {strides = array<i32>} : memref<8x1024xf32, #tpu.memory_space<vmem>>, vector<16xf32>,
      %select_n3A_472 = arith.select %and3A_410, %gather3A_465, %get3A_471 : vector<16xi1>, vector<16xf32>
      %mul3A_473 = arith.constant 16 : i32
      %mul3A_474 = arith.muli %scan3A_396, %mul3A_473 : i32
      %swap3A_475 = arith.constant 2 : i32
      %swap3A_476 = arith.index_cast %swap3A_475 : i32 to index
      %swap3A_477 = arith.index_cast %mul3A_474 : i32 to index
      %swap3A_478 = tpu.vector_load %arg9[%swap3A_476, %swap3A_477] {strides = array<i32>} : memref<8x1024xf32, #tpu.memory_space<vmem>>, vector<16xf32>,
      tpu.vector_store %arg9[%swap3A_476, %swap3A_477], %select_n3A_472 {strides = array<i32>} : memref<8x1024xf32, #tpu.memory_space<vmem>>, vector<16xf32>,
      %broadcast_in_dim3A_479 = arith.constant 3 : i32
      %broadcast_in_dim3A_480 = vector.broadcast %broadcast_in_dim3A_479 : i32 to vector<16xi32>
      %gather3A_481 = arith.constant 1 : i32
      %gather3A_482 = arith.constant 0 : i32
      %gather3A_483 = arith.constant 0 : i32
      %gather3A_484 = tpu.memref_slice %arg6[%gather3A_481, %gather3A_482, %gather3A_483] : memref<2x8x6272xf32, #tpu.memory_space<vmem>> -> memref<1x8x6272xf32, #tpu.memory_space<vmem>>
      %gather3A_485 = tpu.memref_squeeze %gather3A_484 : memref<1x8x6272xf32, #tpu.memory_space<vmem>> -> memref<8x6272xf32, #tpu.memory_space<vmem>>
      %gather3A_486 = tpu.vector_load_idx %gather3A_485[%broadcast_in_dim3A_480, %select_n3A_415] masked %and3A_410 : memref<8x6272xf32, #tpu.memory_space<vmem>>[vector<16xi32>, vector<16xi32>], vector<16xf32>, vector<16xi1>
      %mul3A_487 = arith.constant 16 : i32
      %mul3A_488 = arith.muli %scan3A_396, %mul3A_487 : i32
      %get3A_489 = arith.constant 3 : i32
      %get3A_490 = arith.index_cast %get3A_489 : i32 to index
      %get3A_491 = arith.index_cast %mul3A_488 : i32 to index
      %get3A_492 = tpu.vector_load %arg9[%get3A_490, %get3A_491] {strides = array<i32>} : memref<8x1024xf32, #tpu.memory_space<vmem>>, vector<16xf32>,
      %select_n3A_493 = arith.select %and3A_410, %gather3A_486, %get3A_492 : vector<16xi1>, vector<16xf32>
      %mul3A_494 = arith.constant 16 : i32
      %mul3A_495 = arith.muli %scan3A_396, %mul3A_494 : i32
      %swap3A_496 = arith.constant 3 : i32
      %swap3A_497 = arith.index_cast %swap3A_496 : i32 to index
      %swap3A_498 = arith.index_cast %mul3A_495 : i32 to index
      %swap3A_499 = tpu.vector_load %arg9[%swap3A_497, %swap3A_498] {strides = array<i32>} : memref<8x1024xf32, #tpu.memory_space<vmem>>, vector<16xf32>,
      tpu.vector_store %arg9[%swap3A_497, %swap3A_498], %select_n3A_493 {strides = array<i32>} : memref<8x1024xf32, #tpu.memory_space<vmem>>, vector<16xf32>,
      %broadcast_in_dim3A_500 = arith.constant 4 : i32
      %broadcast_in_dim3A_501 = vector.broadcast %broadcast_in_dim3A_500 : i32 to vector<16xi32>
      %gather3A_502 = arith.constant 1 : i32
      %gather3A_503 = arith.constant 0 : i32
      %gather3A_504 = arith.constant 0 : i32
      %gather3A_505 = tpu.memref_slice %arg6[%gather3A_502, %gather3A_503, %gather3A_504] : memref<2x8x6272xf32, #tpu.memory_space<vmem>> -> memref<1x8x6272xf32, #tpu.memory_space<vmem>>
      %gather3A_506 = tpu.memref_squeeze %gather3A_505 : memref<1x8x6272xf32, #tpu.memory_space<vmem>> -> memref<8x6272xf32, #tpu.memory_space<vmem>>
      %gather3A_507 = tpu.vector_load_idx %gather3A_506[%broadcast_in_dim3A_501, %select_n3A_415] masked %and3A_410 : memref<8x6272xf32, #tpu.memory_space<vmem>>[vector<16xi32>, vector<16xi32>], vector<16xf32>, vector<16xi1>
      %mul3A_508 = arith.constant 16 : i32
      %mul3A_509 = arith.muli %scan3A_396, %mul3A_508 : i32
      %get3A_510 = arith.constant 4 : i32
      %get3A_511 = arith.index_cast %get3A_510 : i32 to index
      %get3A_512 = arith.index_cast %mul3A_509 : i32 to index
      %get3A_513 = tpu.vector_load %arg9[%get3A_511, %get3A_512] {strides = array<i32>} : memref<8x1024xf32, #tpu.memory_space<vmem>>, vector<16xf32>,
      %select_n3A_514 = arith.select %and3A_410, %gather3A_507, %get3A_513 : vector<16xi1>, vector<16xf32>
      %mul3A_515 = arith.constant 16 : i32
      %mul3A_516 = arith.muli %scan3A_396, %mul3A_515 : i32
      %swap3A_517 = arith.constant 4 : i32
      %swap3A_518 = arith.index_cast %swap3A_517 : i32 to index
      %swap3A_519 = arith.index_cast %mul3A_516 : i32 to index
      %swap3A_520 = tpu.vector_load %arg9[%swap3A_518, %swap3A_519] {strides = array<i32>} : memref<8x1024xf32, #tpu.memory_space<vmem>>, vector<16xf32>,
      tpu.vector_store %arg9[%swap3A_518, %swap3A_519], %select_n3A_514 {strides = array<i32>} : memref<8x1024xf32, #tpu.memory_space<vmem>>, vector<16xf32>,
      %broadcast_in_dim3A_521 = arith.constant 5 : i32
      %broadcast_in_dim3A_522 = vector.broadcast %broadcast_in_dim3A_521 : i32 to vector<16xi32>
      %gather3A_523 = arith.constant 1 : i32
      %gather3A_524 = arith.constant 0 : i32
      %gather3A_525 = arith.constant 0 : i32
      %gather3A_526 = tpu.memref_slice %arg6[%gather3A_523, %gather3A_524, %gather3A_525] : memref<2x8x6272xf32, #tpu.memory_space<vmem>> -> memref<1x8x6272xf32, #tpu.memory_space<vmem>>
      %gather3A_527 = tpu.memref_squeeze %gather3A_526 : memref<1x8x6272xf32, #tpu.memory_space<vmem>> -> memref<8x6272xf32, #tpu.memory_space<vmem>>
      %gather3A_528 = tpu.vector_load_idx %gather3A_527[%broadcast_in_dim3A_522, %select_n3A_415] masked %and3A_410 : memref<8x6272xf32, #tpu.memory_space<vmem>>[vector<16xi32>, vector<16xi32>], vector<16xf32>, vector<16xi1>
      %mul3A_529 = arith.constant 16 : i32
      %mul3A_530 = arith.muli %scan3A_396, %mul3A_529 : i32
      %get3A_531 = arith.constant 5 : i32
      %get3A_532 = arith.index_cast %get3A_531 : i32 to index
      %get3A_533 = arith.index_cast %mul3A_530 : i32 to index
      %get3A_534 = tpu.vector_load %arg9[%get3A_532, %get3A_533] {strides = array<i32>} : memref<8x1024xf32, #tpu.memory_space<vmem>>, vector<16xf32>,
      %select_n3A_535 = arith.select %and3A_410, %gather3A_528, %get3A_534 : vector<16xi1>, vector<16xf32>
      %mul3A_536 = arith.constant 16 : i32
      %mul3A_537 = arith.muli %scan3A_396, %mul3A_536 : i32
      %swap3A_538 = arith.constant 5 : i32
      %swap3A_539 = arith.index_cast %swap3A_538 : i32 to index
      %swap3A_540 = arith.index_cast %mul3A_537 : i32 to index
      %swap3A_541 = tpu.vector_load %arg9[%swap3A_539, %swap3A_540] {strides = array<i32>} : memref<8x1024xf32, #tpu.memory_space<vmem>>, vector<16xf32>,
      tpu.vector_store %arg9[%swap3A_539, %swap3A_540], %select_n3A_535 {strides = array<i32>} : memref<8x1024xf32, #tpu.memory_space<vmem>>, vector<16xf32>,
      %broadcast_in_dim3A_542 = arith.constant 6 : i32
      %broadcast_in_dim3A_543 = vector.broadcast %broadcast_in_dim3A_542 : i32 to vector<16xi32>
      %gather3A_544 = arith.constant 1 : i32
      %gather3A_545 = arith.constant 0 : i32
      %gather3A_546 = arith.constant 0 : i32
      %gather3A_547 = tpu.memref_slice %arg6[%gather3A_544, %gather3A_545, %gather3A_546] : memref<2x8x6272xf32, #tpu.memory_space<vmem>> -> memref<1x8x6272xf32, #tpu.memory_space<vmem>>
      %gather3A_548 = tpu.memref_squeeze %gather3A_547 : memref<1x8x6272xf32, #tpu.memory_space<vmem>> -> memref<8x6272xf32, #tpu.memory_space<vmem>>
      %gather3A_549 = tpu.vector_load_idx %gather3A_548[%broadcast_in_dim3A_543, %select_n3A_415] masked %and3A_410 : memref<8x6272xf32, #tpu.memory_space<vmem>>[vector<16xi32>, vector<16xi32>], vector<16xf32>, vector<16xi1>
      %mul3A_550 = arith.constant 16 : i32
      %mul3A_551 = arith.muli %scan3A_396, %mul3A_550 : i32
      %get3A_552 = arith.constant 6 : i32
      %get3A_553 = arith.index_cast %get3A_552 : i32 to index
      %get3A_554 = arith.index_cast %mul3A_551 : i32 to index
      %get3A_555 = tpu.vector_load %arg9[%get3A_553, %get3A_554] {strides = array<i32>} : memref<8x1024xf32, #tpu.memory_space<vmem>>, vector<16xf32>,
      %select_n3A_556 = arith.select %and3A_410, %gather3A_549, %get3A_555 : vector<16xi1>, vector<16xf32>
      %mul3A_557 = arith.constant 16 : i32
      %mul3A_558 = arith.muli %scan3A_396, %mul3A_557 : i32
      %swap3A_559 = arith.constant 6 : i32
      %swap3A_560 = arith.index_cast %swap3A_559 : i32 to index
      %swap3A_561 = arith.index_cast %mul3A_558 : i32 to index
      %swap3A_562 = tpu.vector_load %arg9[%swap3A_560, %swap3A_561] {strides = array<i32>} : memref<8x1024xf32, #tpu.memory_space<vmem>>, vector<16xf32>,
      tpu.vector_store %arg9[%swap3A_560, %swap3A_561], %select_n3A_556 {strides = array<i32>} : memref<8x1024xf32, #tpu.memory_space<vmem>>, vector<16xf32>,
      %broadcast_in_dim3A_563 = arith.constant 7 : i32
      %broadcast_in_dim3A_564 = vector.broadcast %broadcast_in_dim3A_563 : i32 to vector<16xi32>
      %gather3A_565 = arith.constant 1 : i32
      %gather3A_566 = arith.constant 0 : i32
      %gather3A_567 = arith.constant 0 : i32
      %gather3A_568 = tpu.memref_slice %arg6[%gather3A_565, %gather3A_566, %gather3A_567] : memref<2x8x6272xf32, #tpu.memory_space<vmem>> -> memref<1x8x6272xf32, #tpu.memory_space<vmem>>
      %gather3A_569 = tpu.memref_squeeze %gather3A_568 : memref<1x8x6272xf32, #tpu.memory_space<vmem>> -> memref<8x6272xf32, #tpu.memory_space<vmem>>
      %gather3A_570 = tpu.vector_load_idx %gather3A_569[%broadcast_in_dim3A_564, %select_n3A_415] masked %and3A_410 : memref<8x6272xf32, #tpu.memory_space<vmem>>[vector<16xi32>, vector<16xi32>], vector<16xf32>, vector<16xi1>
      %mul3A_571 = arith.constant 16 : i32
      %mul3A_572 = arith.muli %scan3A_396, %mul3A_571 : i32
      %get3A_573 = arith.constant 7 : i32
      %get3A_574 = arith.index_cast %get3A_573 : i32 to index
      %get3A_575 = arith.index_cast %mul3A_572 : i32 to index
      %get3A_576 = tpu.vector_load %arg9[%get3A_574, %get3A_575] {strides = array<i32>} : memref<8x1024xf32, #tpu.memory_space<vmem>>, vector<16xf32>,
      %select_n3A_577 = arith.select %and3A_410, %gather3A_570, %get3A_576 : vector<16xi1>, vector<16xf32>
      %mul3A_578 = arith.constant 16 : i32
      %mul3A_579 = arith.muli %scan3A_396, %mul3A_578 : i32
      %swap3A_580 = arith.constant 7 : i32
      %swap3A_581 = arith.index_cast %swap3A_580 : i32 to index
      %swap3A_582 = arith.index_cast %mul3A_579 : i32 to index
      %swap3A_583 = tpu.vector_load %arg9[%swap3A_581, %swap3A_582] {strides = array<i32>} : memref<8x1024xf32, #tpu.memory_space<vmem>>, vector<16xf32>,
      tpu.vector_store %arg9[%swap3A_581, %swap3A_582], %select_n3A_577 {strides = array<i32>} : memref<8x1024xf32, #tpu.memory_space<vmem>>, vector<16xf32>,
      %scan3A_584 = arith.constant 0 : i32
      %scan3A_585 = arith.constant 2 : i32
      %scan3A_586 = arith.addi %scan3A_210, %scan3A_585 : i32
      %mul3A_587 = arith.constant 16 : i32
      %mul3A_588 = arith.muli %scan3A_586, %mul3A_587 : i32
      %get3A_589 = arith.index_cast %mul3A_588 : i32 to index
      %get3A_590 = tpu.vector_load %arg8[%get3A_589] {strides = array<i32>} : memref<1024xi32, #tpu.memory_space<vmem>>, vector<16xi32>,
      %ge3A_591 = vector.broadcast %add3A_191 : i32 to vector<16xi32>
      %ge3A_592 = arith.cmpi sge, %get3A_590, %ge3A_591 : vector<16xi32>
      %add3A_593 = arith.constant 6272 : i32
      %add3A_594 = arith.addi %add3A_191, %add3A_593 : i32
      %lt3A_595 = vector.broadcast %add3A_594 : i32 to vector<16xi32>
      %lt3A_596 = arith.cmpi slt, %get3A_590, %lt3A_595 : vector<16xi32>
      %and3A_597 = arith.andi %ge3A_592, %lt3A_596 : vector<16xi1>
      %lt3A_598 = vector.broadcast %select_n3A_41 : i32 to vector<16xi32>
      %lt3A_599 = arith.cmpi slt, %get3A_590, %lt3A_598 : vector<16xi32>
      %and3A_600 = arith.andi %and3A_597, %lt3A_599 : vector<16xi1>
      %sub3A_601 = vector.broadcast %add3A_191 : i32 to vector<16xi32>
      %sub3A_602 = arith.subi %get3A_590, %sub3A_601 : vector<16xi32>
      %jit3A_603 = arith.constant 0 : i32
      %broadcast_in_dim3A_604 = vector.broadcast %jit3A_603 : i32 to vector<16xi32>
      %select_n3A_605 = arith.select %and3A_600, %sub3A_602, %broadcast_in_dim3A_604 : vector<16xi1>, vector<16xi32>
      %broadcast_in_dim3A_606 = arith.constant 0 : i32
      %broadcast_in_dim3A_607 = vector.broadcast %broadcast_in_dim3A_606 : i32 to vector<16xi32>
      %gather3A_608 = arith.constant 1 : i32
      %gather3A_609 = arith.constant 0 : i32
      %gather3A_610 = arith.constant 0 : i32
      %gather3A_611 = tpu.memref_slice %arg6[%gather3A_608, %gather3A_609, %gather3A_610] : memref<2x8x6272xf32, #tpu.memory_space<vmem>> -> memref<1x8x6272xf32, #tpu.memory_space<vmem>>
      %gather3A_612 = tpu.memref_squeeze %gather3A_611 : memref<1x8x6272xf32, #tpu.memory_space<vmem>> -> memref<8x6272xf32, #tpu.memory_space<vmem>>
      %gather3A_613 = tpu.vector_load_idx %gather3A_612[%broadcast_in_dim3A_607, %select_n3A_605] masked %and3A_600 : memref<8x6272xf32, #tpu.memory_space<vmem>>[vector<16xi32>, vector<16xi32>], vector<16xf32>, vector<16xi1>
      %mul3A_614 = arith.constant 16 : i32
      %mul3A_615 = arith.muli %scan3A_586, %mul3A_614 : i32
      %get3A_616 = arith.constant 0 : i32
      %get3A_617 = arith.index_cast %get3A_616 : i32 to index
      %get3A_618 = arith.index_cast %mul3A_615 : i32 to index
      %get3A_619 = tpu.vector_load %arg9[%get3A_617, %get3A_618] {strides = array<i32>} : memref<8x1024xf32, #tpu.memory_space<vmem>>, vector<16xf32>,
      %select_n3A_620 = arith.select %and3A_600, %gather3A_613, %get3A_619 : vector<16xi1>, vector<16xf32>
      %mul3A_621 = arith.constant 16 : i32
      %mul3A_622 = arith.muli %scan3A_586, %mul3A_621 : i32
      %swap3A_623 = arith.constant 0 : i32
      %swap3A_624 = arith.index_cast %swap3A_623 : i32 to index
      %swap3A_625 = arith.index_cast %mul3A_622 : i32 to index
      %swap3A_626 = tpu.vector_load %arg9[%swap3A_624, %swap3A_625] {strides = array<i32>} : memref<8x1024xf32, #tpu.memory_space<vmem>>, vector<16xf32>,
      tpu.vector_store %arg9[%swap3A_624, %swap3A_625], %select_n3A_620 {strides = array<i32>} : memref<8x1024xf32, #tpu.memory_space<vmem>>, vector<16xf32>,
      %broadcast_in_dim3A_627 = arith.constant 1 : i32
      %broadcast_in_dim3A_628 = vector.broadcast %broadcast_in_dim3A_627 : i32 to vector<16xi32>
      %gather3A_629 = arith.constant 1 : i32
      %gather3A_630 = arith.constant 0 : i32
      %gather3A_631 = arith.constant 0 : i32
      %gather3A_632 = tpu.memref_slice %arg6[%gather3A_629, %gather3A_630, %gather3A_631] : memref<2x8x6272xf32, #tpu.memory_space<vmem>> -> memref<1x8x6272xf32, #tpu.memory_space<vmem>>
      %gather3A_633 = tpu.memref_squeeze %gather3A_632 : memref<1x8x6272xf32, #tpu.memory_space<vmem>> -> memref<8x6272xf32, #tpu.memory_space<vmem>>
      %gather3A_634 = tpu.vector_load_idx %gather3A_633[%broadcast_in_dim3A_628, %select_n3A_605] masked %and3A_600 : memref<8x6272xf32, #tpu.memory_space<vmem>>[vector<16xi32>, vector<16xi32>], vector<16xf32>, vector<16xi1>
      %mul3A_635 = arith.constant 16 : i32
      %mul3A_636 = arith.muli %scan3A_586, %mul3A_635 : i32
      %get3A_637 = arith.constant 1 : i32
      %get3A_638 = arith.index_cast %get3A_637 : i32 to index
      %get3A_639 = arith.index_cast %mul3A_636 : i32 to index
      %get3A_640 = tpu.vector_load %arg9[%get3A_638, %get3A_639] {strides = array<i32>} : memref<8x1024xf32, #tpu.memory_space<vmem>>, vector<16xf32>,
      %select_n3A_641 = arith.select %and3A_600, %gather3A_634, %get3A_640 : vector<16xi1>, vector<16xf32>
      %mul3A_642 = arith.constant 16 : i32
      %mul3A_643 = arith.muli %scan3A_586, %mul3A_642 : i32
      %swap3A_644 = arith.constant 1 : i32
      %swap3A_645 = arith.index_cast %swap3A_644 : i32 to index
      %swap3A_646 = arith.index_cast %mul3A_643 : i32 to index
      %swap3A_647 = tpu.vector_load %arg9[%swap3A_645, %swap3A_646] {strides = array<i32>} : memref<8x1024xf32, #tpu.memory_space<vmem>>, vector<16xf32>,
      tpu.vector_store %arg9[%swap3A_645, %swap3A_646], %select_n3A_641 {strides = array<i32>} : memref<8x1024xf32, #tpu.memory_space<vmem>>, vector<16xf32>,
      %broadcast_in_dim3A_648 = arith.constant 2 : i32
      %broadcast_in_dim3A_649 = vector.broadcast %broadcast_in_dim3A_648 : i32 to vector<16xi32>
      %gather3A_650 = arith.constant 1 : i32
      %gather3A_651 = arith.constant 0 : i32
      %gather3A_652 = arith.constant 0 : i32
      %gather3A_653 = tpu.memref_slice %arg6[%gather3A_650, %gather3A_651, %gather3A_652] : memref<2x8x6272xf32, #tpu.memory_space<vmem>> -> memref<1x8x6272xf32, #tpu.memory_space<vmem>>
      %gather3A_654 = tpu.memref_squeeze %gather3A_653 : memref<1x8x6272xf32, #tpu.memory_space<vmem>> -> memref<8x6272xf32, #tpu.memory_space<vmem>>
      %gather3A_655 = tpu.vector_load_idx %gather3A_654[%broadcast_in_dim3A_649, %select_n3A_605] masked %and3A_600 : memref<8x6272xf32, #tpu.memory_space<vmem>>[vector<16xi32>, vector<16xi32>], vector<16xf32>, vector<16xi1>
      %mul3A_656 = arith.constant 16 : i32
      %mul3A_657 = arith.muli %scan3A_586, %mul3A_656 : i32
      %get3A_658 = arith.constant 2 : i32
      %get3A_659 = arith.index_cast %get3A_658 : i32 to index
      %get3A_660 = arith.index_cast %mul3A_657 : i32 to index
      %get3A_661 = tpu.vector_load %arg9[%get3A_659, %get3A_660] {strides = array<i32>} : memref<8x1024xf32, #tpu.memory_space<vmem>>, vector<16xf32>,
      %select_n3A_662 = arith.select %and3A_600, %gather3A_655, %get3A_661 : vector<16xi1>, vector<16xf32>
      %mul3A_663 = arith.constant 16 : i32
      %mul3A_664 = arith.muli %scan3A_586, %mul3A_663 : i32
      %swap3A_665 = arith.constant 2 : i32
      %swap3A_666 = arith.index_cast %swap3A_665 : i32 to index
      %swap3A_667 = arith.index_cast %mul3A_664 : i32 to index
      %swap3A_668 = tpu.vector_load %arg9[%swap3A_666, %swap3A_667] {strides = array<i32>} : memref<8x1024xf32, #tpu.memory_space<vmem>>, vector<16xf32>,
      tpu.vector_store %arg9[%swap3A_666, %swap3A_667], %select_n3A_662 {strides = array<i32>} : memref<8x1024xf32, #tpu.memory_space<vmem>>, vector<16xf32>,
      %broadcast_in_dim3A_669 = arith.constant 3 : i32
      %broadcast_in_dim3A_670 = vector.broadcast %broadcast_in_dim3A_669 : i32 to vector<16xi32>
      %gather3A_671 = arith.constant 1 : i32
      %gather3A_672 = arith.constant 0 : i32
      %gather3A_673 = arith.constant 0 : i32
      %gather3A_674 = tpu.memref_slice %arg6[%gather3A_671, %gather3A_672, %gather3A_673] : memref<2x8x6272xf32, #tpu.memory_space<vmem>> -> memref<1x8x6272xf32, #tpu.memory_space<vmem>>
      %gather3A_675 = tpu.memref_squeeze %gather3A_674 : memref<1x8x6272xf32, #tpu.memory_space<vmem>> -> memref<8x6272xf32, #tpu.memory_space<vmem>>
      %gather3A_676 = tpu.vector_load_idx %gather3A_675[%broadcast_in_dim3A_670, %select_n3A_605] masked %and3A_600 : memref<8x6272xf32, #tpu.memory_space<vmem>>[vector<16xi32>, vector<16xi32>], vector<16xf32>, vector<16xi1>
      %mul3A_677 = arith.constant 16 : i32
      %mul3A_678 = arith.muli %scan3A_586, %mul3A_677 : i32
      %get3A_679 = arith.constant 3 : i32
      %get3A_680 = arith.index_cast %get3A_679 : i32 to index
      %get3A_681 = arith.index_cast %mul3A_678 : i32 to index
      %get3A_682 = tpu.vector_load %arg9[%get3A_680, %get3A_681] {strides = array<i32>} : memref<8x1024xf32, #tpu.memory_space<vmem>>, vector<16xf32>,
      %select_n3A_683 = arith.select %and3A_600, %gather3A_676, %get3A_682 : vector<16xi1>, vector<16xf32>
      %mul3A_684 = arith.constant 16 : i32
      %mul3A_685 = arith.muli %scan3A_586, %mul3A_684 : i32
      %swap3A_686 = arith.constant 3 : i32
      %swap3A_687 = arith.index_cast %swap3A_686 : i32 to index
      %swap3A_688 = arith.index_cast %mul3A_685 : i32 to index
      %swap3A_689 = tpu.vector_load %arg9[%swap3A_687, %swap3A_688] {strides = array<i32>} : memref<8x1024xf32, #tpu.memory_space<vmem>>, vector<16xf32>,
      tpu.vector_store %arg9[%swap3A_687, %swap3A_688], %select_n3A_683 {strides = array<i32>} : memref<8x1024xf32, #tpu.memory_space<vmem>>, vector<16xf32>,
      %broadcast_in_dim3A_690 = arith.constant 4 : i32
      %broadcast_in_dim3A_691 = vector.broadcast %broadcast_in_dim3A_690 : i32 to vector<16xi32>
      %gather3A_692 = arith.constant 1 : i32
      %gather3A_693 = arith.constant 0 : i32
      %gather3A_694 = arith.constant 0 : i32
      %gather3A_695 = tpu.memref_slice %arg6[%gather3A_692, %gather3A_693, %gather3A_694] : memref<2x8x6272xf32, #tpu.memory_space<vmem>> -> memref<1x8x6272xf32, #tpu.memory_space<vmem>>
      %gather3A_696 = tpu.memref_squeeze %gather3A_695 : memref<1x8x6272xf32, #tpu.memory_space<vmem>> -> memref<8x6272xf32, #tpu.memory_space<vmem>>
      %gather3A_697 = tpu.vector_load_idx %gather3A_696[%broadcast_in_dim3A_691, %select_n3A_605] masked %and3A_600 : memref<8x6272xf32, #tpu.memory_space<vmem>>[vector<16xi32>, vector<16xi32>], vector<16xf32>, vector<16xi1>
      %mul3A_698 = arith.constant 16 : i32
      %mul3A_699 = arith.muli %scan3A_586, %mul3A_698 : i32
      %get3A_700 = arith.constant 4 : i32
      %get3A_701 = arith.index_cast %get3A_700 : i32 to index
      %get3A_702 = arith.index_cast %mul3A_699 : i32 to index
      %get3A_703 = tpu.vector_load %arg9[%get3A_701, %get3A_702] {strides = array<i32>} : memref<8x1024xf32, #tpu.memory_space<vmem>>, vector<16xf32>,
      %select_n3A_704 = arith.select %and3A_600, %gather3A_697, %get3A_703 : vector<16xi1>, vector<16xf32>
      %mul3A_705 = arith.constant 16 : i32
      %mul3A_706 = arith.muli %scan3A_586, %mul3A_705 : i32
      %swap3A_707 = arith.constant 4 : i32
      %swap3A_708 = arith.index_cast %swap3A_707 : i32 to index
      %swap3A_709 = arith.index_cast %mul3A_706 : i32 to index
      %swap3A_710 = tpu.vector_load %arg9[%swap3A_708, %swap3A_709] {strides = array<i32>} : memref<8x1024xf32, #tpu.memory_space<vmem>>, vector<16xf32>,
      tpu.vector_store %arg9[%swap3A_708, %swap3A_709], %select_n3A_704 {strides = array<i32>} : memref<8x1024xf32, #tpu.memory_space<vmem>>, vector<16xf32>,
      %broadcast_in_dim3A_711 = arith.constant 5 : i32
      %broadcast_in_dim3A_712 = vector.broadcast %broadcast_in_dim3A_711 : i32 to vector<16xi32>
      %gather3A_713 = arith.constant 1 : i32
      %gather3A_714 = arith.constant 0 : i32
      %gather3A_715 = arith.constant 0 : i32
      %gather3A_716 = tpu.memref_slice %arg6[%gather3A_713, %gather3A_714, %gather3A_715] : memref<2x8x6272xf32, #tpu.memory_space<vmem>> -> memref<1x8x6272xf32, #tpu.memory_space<vmem>>
      %gather3A_717 = tpu.memref_squeeze %gather3A_716 : memref<1x8x6272xf32, #tpu.memory_space<vmem>> -> memref<8x6272xf32, #tpu.memory_space<vmem>>
      %gather3A_718 = tpu.vector_load_idx %gather3A_717[%broadcast_in_dim3A_712, %select_n3A_605] masked %and3A_600 : memref<8x6272xf32, #tpu.memory_space<vmem>>[vector<16xi32>, vector<16xi32>], vector<16xf32>, vector<16xi1>
      %mul3A_719 = arith.constant 16 : i32
      %mul3A_720 = arith.muli %scan3A_586, %mul3A_719 : i32
      %get3A_721 = arith.constant 5 : i32
      %get3A_722 = arith.index_cast %get3A_721 : i32 to index
      %get3A_723 = arith.index_cast %mul3A_720 : i32 to index
      %get3A_724 = tpu.vector_load %arg9[%get3A_722, %get3A_723] {strides = array<i32>} : memref<8x1024xf32, #tpu.memory_space<vmem>>, vector<16xf32>,
      %select_n3A_725 = arith.select %and3A_600, %gather3A_718, %get3A_724 : vector<16xi1>, vector<16xf32>
      %mul3A_726 = arith.constant 16 : i32
      %mul3A_727 = arith.muli %scan3A_586, %mul3A_726 : i32
      %swap3A_728 = arith.constant 5 : i32
      %swap3A_729 = arith.index_cast %swap3A_728 : i32 to index
      %swap3A_730 = arith.index_cast %mul3A_727 : i32 to index
      %swap3A_731 = tpu.vector_load %arg9[%swap3A_729, %swap3A_730] {strides = array<i32>} : memref<8x1024xf32, #tpu.memory_space<vmem>>, vector<16xf32>,
      tpu.vector_store %arg9[%swap3A_729, %swap3A_730], %select_n3A_725 {strides = array<i32>} : memref<8x1024xf32, #tpu.memory_space<vmem>>, vector<16xf32>,
      %broadcast_in_dim3A_732 = arith.constant 6 : i32
      %broadcast_in_dim3A_733 = vector.broadcast %broadcast_in_dim3A_732 : i32 to vector<16xi32>
      %gather3A_734 = arith.constant 1 : i32
      %gather3A_735 = arith.constant 0 : i32
      %gather3A_736 = arith.constant 0 : i32
      %gather3A_737 = tpu.memref_slice %arg6[%gather3A_734, %gather3A_735, %gather3A_736] : memref<2x8x6272xf32, #tpu.memory_space<vmem>> -> memref<1x8x6272xf32, #tpu.memory_space<vmem>>
      %gather3A_738 = tpu.memref_squeeze %gather3A_737 : memref<1x8x6272xf32, #tpu.memory_space<vmem>> -> memref<8x6272xf32, #tpu.memory_space<vmem>>
      %gather3A_739 = tpu.vector_load_idx %gather3A_738[%broadcast_in_dim3A_733, %select_n3A_605] masked %and3A_600 : memref<8x6272xf32, #tpu.memory_space<vmem>>[vector<16xi32>, vector<16xi32>], vector<16xf32>, vector<16xi1>
      %mul3A_740 = arith.constant 16 : i32
      %mul3A_741 = arith.muli %scan3A_586, %mul3A_740 : i32
      %get3A_742 = arith.constant 6 : i32
      %get3A_743 = arith.index_cast %get3A_742 : i32 to index
      %get3A_744 = arith.index_cast %mul3A_741 : i32 to index
      %get3A_745 = tpu.vector_load %arg9[%get3A_743, %get3A_744] {strides = array<i32>} : memref<8x1024xf32, #tpu.memory_space<vmem>>, vector<16xf32>,
      %select_n3A_746 = arith.select %and3A_600, %gather3A_739, %get3A_745 : vector<16xi1>, vector<16xf32>
      %mul3A_747 = arith.constant 16 : i32
      %mul3A_748 = arith.muli %scan3A_586, %mul3A_747 : i32
      %swap3A_749 = arith.constant 6 : i32
      %swap3A_750 = arith.index_cast %swap3A_749 : i32 to index
      %swap3A_751 = arith.index_cast %mul3A_748 : i32 to index
      %swap3A_752 = tpu.vector_load %arg9[%swap3A_750, %swap3A_751] {strides = array<i32>} : memref<8x1024xf32, #tpu.memory_space<vmem>>, vector<16xf32>,
      tpu.vector_store %arg9[%swap3A_750, %swap3A_751], %select_n3A_746 {strides = array<i32>} : memref<8x1024xf32, #tpu.memory_space<vmem>>, vector<16xf32>,
      %broadcast_in_dim3A_753 = arith.constant 7 : i32
      %broadcast_in_dim3A_754 = vector.broadcast %broadcast_in_dim3A_753 : i32 to vector<16xi32>
      %gather3A_755 = arith.constant 1 : i32
      %gather3A_756 = arith.constant 0 : i32
      %gather3A_757 = arith.constant 0 : i32
      %gather3A_758 = tpu.memref_slice %arg6[%gather3A_755, %gather3A_756, %gather3A_757] : memref<2x8x6272xf32, #tpu.memory_space<vmem>> -> memref<1x8x6272xf32, #tpu.memory_space<vmem>>
      %gather3A_759 = tpu.memref_squeeze %gather3A_758 : memref<1x8x6272xf32, #tpu.memory_space<vmem>> -> memref<8x6272xf32, #tpu.memory_space<vmem>>
      %gather3A_760 = tpu.vector_load_idx %gather3A_759[%broadcast_in_dim3A_754, %select_n3A_605] masked %and3A_600 : memref<8x6272xf32, #tpu.memory_space<vmem>>[vector<16xi32>, vector<16xi32>], vector<16xf32>, vector<16xi1>
      %mul3A_761 = arith.constant 16 : i32
      %mul3A_762 = arith.muli %scan3A_586, %mul3A_761 : i32
      %get3A_763 = arith.constant 7 : i32
      %get3A_764 = arith.index_cast %get3A_763 : i32 to index
      %get3A_765 = arith.index_cast %mul3A_762 : i32 to index
      %get3A_766 = tpu.vector_load %arg9[%get3A_764, %get3A_765] {strides = array<i32>} : memref<8x1024xf32, #tpu.memory_space<vmem>>, vector<16xf32>,
      %select_n3A_767 = arith.select %and3A_600, %gather3A_760, %get3A_766 : vector<16xi1>, vector<16xf32>
      %mul3A_768 = arith.constant 16 : i32
      %mul3A_769 = arith.muli %scan3A_586, %mul3A_768 : i32
      %swap3A_770 = arith.constant 7 : i32
      %swap3A_771 = arith.index_cast %swap3A_770 : i32 to index
      %swap3A_772 = arith.index_cast %mul3A_769 : i32 to index
      %swap3A_773 = tpu.vector_load %arg9[%swap3A_771, %swap3A_772] {strides = array<i32>} : memref<8x1024xf32, #tpu.memory_space<vmem>>, vector<16xf32>,
      tpu.vector_store %arg9[%swap3A_771, %swap3A_772], %select_n3A_767 {strides = array<i32>} : memref<8x1024xf32, #tpu.memory_space<vmem>>, vector<16xf32>,
      %scan3A_774 = arith.constant 0 : i32
      %scan3A_775 = arith.constant 3 : i32
      %scan3A_776 = arith.addi %scan3A_210, %scan3A_775 : i32
      %mul3A_777 = arith.constant 16 : i32
      %mul3A_778 = arith.muli %scan3A_776, %mul3A_777 : i32
      %get3A_779 = arith.index_cast %mul3A_778 : i32 to index
      %get3A_780 = tpu.vector_load %arg8[%get3A_779] {strides = array<i32>} : memref<1024xi32, #tpu.memory_space<vmem>>, vector<16xi32>,
      %ge3A_781 = vector.broadcast %add3A_191 : i32 to vector<16xi32>
      %ge3A_782 = arith.cmpi sge, %get3A_780, %ge3A_781 : vector<16xi32>
      %add3A_783 = arith.constant 6272 : i32
      %add3A_784 = arith.addi %add3A_191, %add3A_783 : i32
      %lt3A_785 = vector.broadcast %add3A_784 : i32 to vector<16xi32>
      %lt3A_786 = arith.cmpi slt, %get3A_780, %lt3A_785 : vector<16xi32>
      %and3A_787 = arith.andi %ge3A_782, %lt3A_786 : vector<16xi1>
      %lt3A_788 = vector.broadcast %select_n3A_41 : i32 to vector<16xi32>
      %lt3A_789 = arith.cmpi slt, %get3A_780, %lt3A_788 : vector<16xi32>
      %and3A_790 = arith.andi %and3A_787, %lt3A_789 : vector<16xi1>
      %sub3A_791 = vector.broadcast %add3A_191 : i32 to vector<16xi32>
      %sub3A_792 = arith.subi %get3A_780, %sub3A_791 : vector<16xi32>
      %jit3A_793 = arith.constant 0 : i32
      %broadcast_in_dim3A_794 = vector.broadcast %jit3A_793 : i32 to vector<16xi32>
      %select_n3A_795 = arith.select %and3A_790, %sub3A_792, %broadcast_in_dim3A_794 : vector<16xi1>, vector<16xi32>
      %broadcast_in_dim3A_796 = arith.constant 0 : i32
      %broadcast_in_dim3A_797 = vector.broadcast %broadcast_in_dim3A_796 : i32 to vector<16xi32>
      %gather3A_798 = arith.constant 1 : i32
      %gather3A_799 = arith.constant 0 : i32
      %gather3A_800 = arith.constant 0 : i32
      %gather3A_801 = tpu.memref_slice %arg6[%gather3A_798, %gather3A_799, %gather3A_800] : memref<2x8x6272xf32, #tpu.memory_space<vmem>> -> memref<1x8x6272xf32, #tpu.memory_space<vmem>>
      %gather3A_802 = tpu.memref_squeeze %gather3A_801 : memref<1x8x6272xf32, #tpu.memory_space<vmem>> -> memref<8x6272xf32, #tpu.memory_space<vmem>>
      %gather3A_803 = tpu.vector_load_idx %gather3A_802[%broadcast_in_dim3A_797, %select_n3A_795] masked %and3A_790 : memref<8x6272xf32, #tpu.memory_space<vmem>>[vector<16xi32>, vector<16xi32>], vector<16xf32>, vector<16xi1>
      %mul3A_804 = arith.constant 16 : i32
      %mul3A_805 = arith.muli %scan3A_776, %mul3A_804 : i32
      %get3A_806 = arith.constant 0 : i32
      %get3A_807 = arith.index_cast %get3A_806 : i32 to index
      %get3A_808 = arith.index_cast %mul3A_805 : i32 to index
      %get3A_809 = tpu.vector_load %arg9[%get3A_807, %get3A_808] {strides = array<i32>} : memref<8x1024xf32, #tpu.memory_space<vmem>>, vector<16xf32>,
      %select_n3A_810 = arith.select %and3A_790, %gather3A_803, %get3A_809 : vector<16xi1>, vector<16xf32>
      %mul3A_811 = arith.constant 16 : i32
      %mul3A_812 = arith.muli %scan3A_776, %mul3A_811 : i32
      %swap3A_813 = arith.constant 0 : i32
      %swap3A_814 = arith.index_cast %swap3A_813 : i32 to index
      %swap3A_815 = arith.index_cast %mul3A_812 : i32 to index
      %swap3A_816 = tpu.vector_load %arg9[%swap3A_814, %swap3A_815] {strides = array<i32>} : memref<8x1024xf32, #tpu.memory_space<vmem>>, vector<16xf32>,
      tpu.vector_store %arg9[%swap3A_814, %swap3A_815], %select_n3A_810 {strides = array<i32>} : memref<8x1024xf32, #tpu.memory_space<vmem>>, vector<16xf32>,
      %broadcast_in_dim3A_817 = arith.constant 1 : i32
      %broadcast_in_dim3A_818 = vector.broadcast %broadcast_in_dim3A_817 : i32 to vector<16xi32>
      %gather3A_819 = arith.constant 1 : i32
      %gather3A_820 = arith.constant 0 : i32
      %gather3A_821 = arith.constant 0 : i32
      %gather3A_822 = tpu.memref_slice %arg6[%gather3A_819, %gather3A_820, %gather3A_821] : memref<2x8x6272xf32, #tpu.memory_space<vmem>> -> memref<1x8x6272xf32, #tpu.memory_space<vmem>>
      %gather3A_823 = tpu.memref_squeeze %gather3A_822 : memref<1x8x6272xf32, #tpu.memory_space<vmem>> -> memref<8x6272xf32, #tpu.memory_space<vmem>>
      %gather3A_824 = tpu.vector_load_idx %gather3A_823[%broadcast_in_dim3A_818, %select_n3A_795] masked %and3A_790 : memref<8x6272xf32, #tpu.memory_space<vmem>>[vector<16xi32>, vector<16xi32>], vector<16xf32>, vector<16xi1>
      %mul3A_825 = arith.constant 16 : i32
      %mul3A_826 = arith.muli %scan3A_776, %mul3A_825 : i32
      %get3A_827 = arith.constant 1 : i32
      %get3A_828 = arith.index_cast %get3A_827 : i32 to index
      %get3A_829 = arith.index_cast %mul3A_826 : i32 to index
      %get3A_830 = tpu.vector_load %arg9[%get3A_828, %get3A_829] {strides = array<i32>} : memref<8x1024xf32, #tpu.memory_space<vmem>>, vector<16xf32>,
      %select_n3A_831 = arith.select %and3A_790, %gather3A_824, %get3A_830 : vector<16xi1>, vector<16xf32>
      %mul3A_832 = arith.constant 16 : i32
      %mul3A_833 = arith.muli %scan3A_776, %mul3A_832 : i32
      %swap3A_834 = arith.constant 1 : i32
      %swap3A_835 = arith.index_cast %swap3A_834 : i32 to index
      %swap3A_836 = arith.index_cast %mul3A_833 : i32 to index
      %swap3A_837 = tpu.vector_load %arg9[%swap3A_835, %swap3A_836] {strides = array<i32>} : memref<8x1024xf32, #tpu.memory_space<vmem>>, vector<16xf32>,
      tpu.vector_store %arg9[%swap3A_835, %swap3A_836], %select_n3A_831 {strides = array<i32>} : memref<8x1024xf32, #tpu.memory_space<vmem>>, vector<16xf32>,
      %broadcast_in_dim3A_838 = arith.constant 2 : i32
      %broadcast_in_dim3A_839 = vector.broadcast %broadcast_in_dim3A_838 : i32 to vector<16xi32>
      %gather3A_840 = arith.constant 1 : i32
      %gather3A_841 = arith.constant 0 : i32
      %gather3A_842 = arith.constant 0 : i32
      %gather3A_843 = tpu.memref_slice %arg6[%gather3A_840, %gather3A_841, %gather3A_842] : memref<2x8x6272xf32, #tpu.memory_space<vmem>> -> memref<1x8x6272xf32, #tpu.memory_space<vmem>>
      %gather3A_844 = tpu.memref_squeeze %gather3A_843 : memref<1x8x6272xf32, #tpu.memory_space<vmem>> -> memref<8x6272xf32, #tpu.memory_space<vmem>>
      %gather3A_845 = tpu.vector_load_idx %gather3A_844[%broadcast_in_dim3A_839, %select_n3A_795] masked %and3A_790 : memref<8x6272xf32, #tpu.memory_space<vmem>>[vector<16xi32>, vector<16xi32>], vector<16xf32>, vector<16xi1>
      %mul3A_846 = arith.constant 16 : i32
      %mul3A_847 = arith.muli %scan3A_776, %mul3A_846 : i32
      %get3A_848 = arith.constant 2 : i32
      %get3A_849 = arith.index_cast %get3A_848 : i32 to index
      %get3A_850 = arith.index_cast %mul3A_847 : i32 to index
      %get3A_851 = tpu.vector_load %arg9[%get3A_849, %get3A_850] {strides = array<i32>} : memref<8x1024xf32, #tpu.memory_space<vmem>>, vector<16xf32>,
      %select_n3A_852 = arith.select %and3A_790, %gather3A_845, %get3A_851 : vector<16xi1>, vector<16xf32>
      %mul3A_853 = arith.constant 16 : i32
      %mul3A_854 = arith.muli %scan3A_776, %mul3A_853 : i32
      %swap3A_855 = arith.constant 2 : i32
      %swap3A_856 = arith.index_cast %swap3A_855 : i32 to index
      %swap3A_857 = arith.index_cast %mul3A_854 : i32 to index
      %swap3A_858 = tpu.vector_load %arg9[%swap3A_856, %swap3A_857] {strides = array<i32>} : memref<8x1024xf32, #tpu.memory_space<vmem>>, vector<16xf32>,
      tpu.vector_store %arg9[%swap3A_856, %swap3A_857], %select_n3A_852 {strides = array<i32>} : memref<8x1024xf32, #tpu.memory_space<vmem>>, vector<16xf32>,
      %broadcast_in_dim3A_859 = arith.constant 3 : i32
      %broadcast_in_dim3A_860 = vector.broadcast %broadcast_in_dim3A_859 : i32 to vector<16xi32>
      %gather3A_861 = arith.constant 1 : i32
      %gather3A_862 = arith.constant 0 : i32
      %gather3A_863 = arith.constant 0 : i32
      %gather3A_864 = tpu.memref_slice %arg6[%gather3A_861, %gather3A_862, %gather3A_863] : memref<2x8x6272xf32, #tpu.memory_space<vmem>> -> memref<1x8x6272xf32, #tpu.memory_space<vmem>>
      %gather3A_865 = tpu.memref_squeeze %gather3A_864 : memref<1x8x6272xf32, #tpu.memory_space<vmem>> -> memref<8x6272xf32, #tpu.memory_space<vmem>>
      %gather3A_866 = tpu.vector_load_idx %gather3A_865[%broadcast_in_dim3A_860, %select_n3A_795] masked %and3A_790 : memref<8x6272xf32, #tpu.memory_space<vmem>>[vector<16xi32>, vector<16xi32>], vector<16xf32>, vector<16xi1>
      %mul3A_867 = arith.constant 16 : i32
      %mul3A_868 = arith.muli %scan3A_776, %mul3A_867 : i32
      %get3A_869 = arith.constant 3 : i32
      %get3A_870 = arith.index_cast %get3A_869 : i32 to index
      %get3A_871 = arith.index_cast %mul3A_868 : i32 to index
      %get3A_872 = tpu.vector_load %arg9[%get3A_870, %get3A_871] {strides = array<i32>} : memref<8x1024xf32, #tpu.memory_space<vmem>>, vector<16xf32>,
      %select_n3A_873 = arith.select %and3A_790, %gather3A_866, %get3A_872 : vector<16xi1>, vector<16xf32>
      %mul3A_874 = arith.constant 16 : i32
      %mul3A_875 = arith.muli %scan3A_776, %mul3A_874 : i32
      %swap3A_876 = arith.constant 3 : i32
      %swap3A_877 = arith.index_cast %swap3A_876 : i32 to index
      %swap3A_878 = arith.index_cast %mul3A_875 : i32 to index
      %swap3A_879 = tpu.vector_load %arg9[%swap3A_877, %swap3A_878] {strides = array<i32>} : memref<8x1024xf32, #tpu.memory_space<vmem>>, vector<16xf32>,
      tpu.vector_store %arg9[%swap3A_877, %swap3A_878], %select_n3A_873 {strides = array<i32>} : memref<8x1024xf32, #tpu.memory_space<vmem>>, vector<16xf32>,
      %broadcast_in_dim3A_880 = arith.constant 4 : i32
      %broadcast_in_dim3A_881 = vector.broadcast %broadcast_in_dim3A_880 : i32 to vector<16xi32>
      %gather3A_882 = arith.constant 1 : i32
      %gather3A_883 = arith.constant 0 : i32
      %gather3A_884 = arith.constant 0 : i32
      %gather3A_885 = tpu.memref_slice %arg6[%gather3A_882, %gather3A_883, %gather3A_884] : memref<2x8x6272xf32, #tpu.memory_space<vmem>> -> memref<1x8x6272xf32, #tpu.memory_space<vmem>>
      %gather3A_886 = tpu.memref_squeeze %gather3A_885 : memref<1x8x6272xf32, #tpu.memory_space<vmem>> -> memref<8x6272xf32, #tpu.memory_space<vmem>>
      %gather3A_887 = tpu.vector_load_idx %gather3A_886[%broadcast_in_dim3A_881, %select_n3A_795] masked %and3A_790 : memref<8x6272xf32, #tpu.memory_space<vmem>>[vector<16xi32>, vector<16xi32>], vector<16xf32>, vector<16xi1>
      %mul3A_888 = arith.constant 16 : i32
      %mul3A_889 = arith.muli %scan3A_776, %mul3A_888 : i32
      %get3A_890 = arith.constant 4 : i32
      %get3A_891 = arith.index_cast %get3A_890 : i32 to index
      %get3A_892 = arith.index_cast %mul3A_889 : i32 to index
      %get3A_893 = tpu.vector_load %arg9[%get3A_891, %get3A_892] {strides = array<i32>} : memref<8x1024xf32, #tpu.memory_space<vmem>>, vector<16xf32>,
      %select_n3A_894 = arith.select %and3A_790, %gather3A_887, %get3A_893 : vector<16xi1>, vector<16xf32>
      %mul3A_895 = arith.constant 16 : i32
      %mul3A_896 = arith.muli %scan3A_776, %mul3A_895 : i32
      %swap3A_897 = arith.constant 4 : i32
      %swap3A_898 = arith.index_cast %swap3A_897 : i32 to index
      %swap3A_899 = arith.index_cast %mul3A_896 : i32 to index
      %swap3A_900 = tpu.vector_load %arg9[%swap3A_898, %swap3A_899] {strides = array<i32>} : memref<8x1024xf32, #tpu.memory_space<vmem>>, vector<16xf32>,
      tpu.vector_store %arg9[%swap3A_898, %swap3A_899], %select_n3A_894 {strides = array<i32>} : memref<8x1024xf32, #tpu.memory_space<vmem>>, vector<16xf32>,
      %broadcast_in_dim3A_901 = arith.constant 5 : i32
      %broadcast_in_dim3A_902 = vector.broadcast %broadcast_in_dim3A_901 : i32 to vector<16xi32>
      %gather3A_903 = arith.constant 1 : i32
      %gather3A_904 = arith.constant 0 : i32
      %gather3A_905 = arith.constant 0 : i32
      %gather3A_906 = tpu.memref_slice %arg6[%gather3A_903, %gather3A_904, %gather3A_905] : memref<2x8x6272xf32, #tpu.memory_space<vmem>> -> memref<1x8x6272xf32, #tpu.memory_space<vmem>>
      %gather3A_907 = tpu.memref_squeeze %gather3A_906 : memref<1x8x6272xf32, #tpu.memory_space<vmem>> -> memref<8x6272xf32, #tpu.memory_space<vmem>>
      %gather3A_908 = tpu.vector_load_idx %gather3A_907[%broadcast_in_dim3A_902, %select_n3A_795] masked %and3A_790 : memref<8x6272xf32, #tpu.memory_space<vmem>>[vector<16xi32>, vector<16xi32>], vector<16xf32>, vector<16xi1>
      %mul3A_909 = arith.constant 16 : i32
      %mul3A_910 = arith.muli %scan3A_776, %mul3A_909 : i32
      %get3A_911 = arith.constant 5 : i32
      %get3A_912 = arith.index_cast %get3A_911 : i32 to index
      %get3A_913 = arith.index_cast %mul3A_910 : i32 to index
      %get3A_914 = tpu.vector_load %arg9[%get3A_912, %get3A_913] {strides = array<i32>} : memref<8x1024xf32, #tpu.memory_space<vmem>>, vector<16xf32>,
      %select_n3A_915 = arith.select %and3A_790, %gather3A_908, %get3A_914 : vector<16xi1>, vector<16xf32>
      %mul3A_916 = arith.constant 16 : i32
      %mul3A_917 = arith.muli %scan3A_776, %mul3A_916 : i32
      %swap3A_918 = arith.constant 5 : i32
      %swap3A_919 = arith.index_cast %swap3A_918 : i32 to index
      %swap3A_920 = arith.index_cast %mul3A_917 : i32 to index
      %swap3A_921 = tpu.vector_load %arg9[%swap3A_919, %swap3A_920] {strides = array<i32>} : memref<8x1024xf32, #tpu.memory_space<vmem>>, vector<16xf32>,
      tpu.vector_store %arg9[%swap3A_919, %swap3A_920], %select_n3A_915 {strides = array<i32>} : memref<8x1024xf32, #tpu.memory_space<vmem>>, vector<16xf32>,
      %broadcast_in_dim3A_922 = arith.constant 6 : i32
      %broadcast_in_dim3A_923 = vector.broadcast %broadcast_in_dim3A_922 : i32 to vector<16xi32>
      %gather3A_924 = arith.constant 1 : i32
      %gather3A_925 = arith.constant 0 : i32
      %gather3A_926 = arith.constant 0 : i32
      %gather3A_927 = tpu.memref_slice %arg6[%gather3A_924, %gather3A_925, %gather3A_926] : memref<2x8x6272xf32, #tpu.memory_space<vmem>> -> memref<1x8x6272xf32, #tpu.memory_space<vmem>>
      %gather3A_928 = tpu.memref_squeeze %gather3A_927 : memref<1x8x6272xf32, #tpu.memory_space<vmem>> -> memref<8x6272xf32, #tpu.memory_space<vmem>>
      %gather3A_929 = tpu.vector_load_idx %gather3A_928[%broadcast_in_dim3A_923, %select_n3A_795] masked %and3A_790 : memref<8x6272xf32, #tpu.memory_space<vmem>>[vector<16xi32>, vector<16xi32>], vector<16xf32>, vector<16xi1>
      %mul3A_930 = arith.constant 16 : i32
      %mul3A_931 = arith.muli %scan3A_776, %mul3A_930 : i32
      %get3A_932 = arith.constant 6 : i32
      %get3A_933 = arith.index_cast %get3A_932 : i32 to index
      %get3A_934 = arith.index_cast %mul3A_931 : i32 to index
      %get3A_935 = tpu.vector_load %arg9[%get3A_933, %get3A_934] {strides = array<i32>} : memref<8x1024xf32, #tpu.memory_space<vmem>>, vector<16xf32>,
      %select_n3A_936 = arith.select %and3A_790, %gather3A_929, %get3A_935 : vector<16xi1>, vector<16xf32>
      %mul3A_937 = arith.constant 16 : i32
      %mul3A_938 = arith.muli %scan3A_776, %mul3A_937 : i32
      %swap3A_939 = arith.constant 6 : i32
      %swap3A_940 = arith.index_cast %swap3A_939 : i32 to index
      %swap3A_941 = arith.index_cast %mul3A_938 : i32 to index
      %swap3A_942 = tpu.vector_load %arg9[%swap3A_940, %swap3A_941] {strides = array<i32>} : memref<8x1024xf32, #tpu.memory_space<vmem>>, vector<16xf32>,
      tpu.vector_store %arg9[%swap3A_940, %swap3A_941], %select_n3A_936 {strides = array<i32>} : memref<8x1024xf32, #tpu.memory_space<vmem>>, vector<16xf32>,
      %broadcast_in_dim3A_943 = arith.constant 7 : i32
      %broadcast_in_dim3A_944 = vector.broadcast %broadcast_in_dim3A_943 : i32 to vector<16xi32>
      %gather3A_945 = arith.constant 1 : i32
      %gather3A_946 = arith.constant 0 : i32
      %gather3A_947 = arith.constant 0 : i32
      %gather3A_948 = tpu.memref_slice %arg6[%gather3A_945, %gather3A_946, %gather3A_947] : memref<2x8x6272xf32, #tpu.memory_space<vmem>> -> memref<1x8x6272xf32, #tpu.memory_space<vmem>>
      %gather3A_949 = tpu.memref_squeeze %gather3A_948 : memref<1x8x6272xf32, #tpu.memory_space<vmem>> -> memref<8x6272xf32, #tpu.memory_space<vmem>>
      %gather3A_950 = tpu.vector_load_idx %gather3A_949[%broadcast_in_dim3A_944, %select_n3A_795] masked %and3A_790 : memref<8x6272xf32, #tpu.memory_space<vmem>>[vector<16xi32>, vector<16xi32>], vector<16xf32>, vector<16xi1>
      %mul3A_951 = arith.constant 16 : i32
      %mul3A_952 = arith.muli %scan3A_776, %mul3A_951 : i32
      %get3A_953 = arith.constant 7 : i32
      %get3A_954 = arith.index_cast %get3A_953 : i32 to index
      %get3A_955 = arith.index_cast %mul3A_952 : i32 to index
      %get3A_956 = tpu.vector_load %arg9[%get3A_954, %get3A_955] {strides = array<i32>} : memref<8x1024xf32, #tpu.memory_space<vmem>>, vector<16xf32>,
      %select_n3A_957 = arith.select %and3A_790, %gather3A_950, %get3A_956 : vector<16xi1>, vector<16xf32>
      %mul3A_958 = arith.constant 16 : i32
      %mul3A_959 = arith.muli %scan3A_776, %mul3A_958 : i32
      %swap3A_960 = arith.constant 7 : i32
      %swap3A_961 = arith.index_cast %swap3A_960 : i32 to index
      %swap3A_962 = arith.index_cast %mul3A_959 : i32 to index
      %swap3A_963 = tpu.vector_load %arg9[%swap3A_961, %swap3A_962] {strides = array<i32>} : memref<8x1024xf32, #tpu.memory_space<vmem>>, vector<16xf32>,
      tpu.vector_store %arg9[%swap3A_961, %swap3A_962], %select_n3A_957 {strides = array<i32>} : memref<8x1024xf32, #tpu.memory_space<vmem>>, vector<16xf32>,
      %scan3A_964 = arith.constant 0 : i32
      scf.yield %scan3A_964 : i32
    }
    %scan3A_198 = arith.constant 64 : i32
    %scan3A_199 = arith.constant 0 : i32
    %scan3A_200 = arith.constant 0 : i32
    %scan3A_201 = arith.constant 64 : i32
    %scan3A_202 = arith.addi %scan3A_200, %scan3A_201 : i32
    %scan3A_203 = arith.constant 4 : i32
    %scan3A_204 = scf.for %scan3A_210 = %scan3A_200 to %scan3A_202 step %scan3A_203 iter_args(%scan3A_211 = %scan3A_199) -> (i32)  : i32 {
      %mul3A_212 = arith.constant 16 : i32
      %mul3A_213 = arith.muli %scan3A_210, %mul3A_212 : i32
      %get3A = arith.index_cast %mul3A_213 : i32 to index
      %get3A_214 = tpu.vector_load %arg8[%get3A] {strides = array<i32>} : memref<1024xi32, #tpu.memory_space<vmem>>, vector<16xi32>,
      %ge3A = arith.constant 99968 : i32
      %ge3A_215 = vector.broadcast %ge3A : i32 to vector<16xi32>
      %ge3A_216 = arith.cmpi sge, %get3A_214, %ge3A_215 : vector<16xi32>
      %eq3A_217 = arith.constant 3 : i32
      %eq3A_218 = arith.cmpi eq, %select_n3A_30, %eq3A_217 : i32
      %and3A_219 = vector.broadcast %eq3A_218 : i1 to vector<16xi1>
      %and3A_220 = arith.andi %ge3A_216, %and3A_219 : vector<16xi1>
      %sub3A_221 = arith.constant 99968 : i32
      %sub3A_222 = vector.broadcast %sub3A_221 : i32 to vector<16xi32>
      %sub3A_223 = arith.subi %get3A_214, %sub3A_222 : vector<16xi32>
      %jit3A_224 = arith.constant 0 : i32
      %broadcast_in_dim3A = vector.broadcast %jit3A_224 : i32 to vector<16xi32>
      %select_n3A_225 = arith.select %and3A_220, %sub3A_223, %broadcast_in_dim3A : vector<16xi1>, vector<16xi32>
      %broadcast_in_dim3A_226 = arith.constant 0 : i32
      %broadcast_in_dim3A_227 = vector.broadcast %broadcast_in_dim3A_226 : i32 to vector<16xi32>
      %add3A_228 = vector.broadcast %multiple_of3A : i32 to vector<16xi32>
      %add3A_229 = arith.addi %add3A_228, %broadcast_in_dim3A_227 : vector<16xi32>
      %gather3A = tpu.vector_load_idx %arg7[%select_n3A_225, %add3A_229] masked %and3A_220 : memref<32x64xf32, #tpu.memory_space<vmem>>[vector<16xi32>, vector<16xi32>], vector<16xf32>, vector<16xi1>
      %mul3A_230 = arith.constant 16 : i32
      %mul3A_231 = arith.muli %scan3A_210, %mul3A_230 : i32
      %get3A_232 = arith.constant 0 : i32
      %get3A_233 = arith.index_cast %get3A_232 : i32 to index
      %get3A_234 = arith.index_cast %mul3A_231 : i32 to index
      %get3A_235 = tpu.vector_load %arg9[%get3A_233, %get3A_234] {strides = array<i32>} : memref<8x1024xf32, #tpu.memory_space<vmem>>, vector<16xf32>,
      %select_n3A_236 = arith.select %and3A_220, %gather3A, %get3A_235 : vector<16xi1>, vector<16xf32>
      %mul3A_237 = arith.constant 16 : i32
      %mul3A_238 = arith.muli %scan3A_210, %mul3A_237 : i32
      %swap3A = arith.constant 0 : i32
      %swap3A_239 = arith.index_cast %swap3A : i32 to index
      %swap3A_240 = arith.index_cast %mul3A_238 : i32 to index
      %swap3A_241 = tpu.vector_load %arg9[%swap3A_239, %swap3A_240] {strides = array<i32>} : memref<8x1024xf32, #tpu.memory_space<vmem>>, vector<16xf32>,
      tpu.vector_store %arg9[%swap3A_239, %swap3A_240], %select_n3A_236 {strides = array<i32>} : memref<8x1024xf32, #tpu.memory_space<vmem>>, vector<16xf32>,
      %broadcast_in_dim3A_242 = arith.constant 1 : i32
      %broadcast_in_dim3A_243 = vector.broadcast %broadcast_in_dim3A_242 : i32 to vector<16xi32>
      %add3A_244 = vector.broadcast %multiple_of3A : i32 to vector<16xi32>
      %add3A_245 = arith.addi %add3A_244, %broadcast_in_dim3A_243 : vector<16xi32>
      %gather3A_246 = tpu.vector_load_idx %arg7[%select_n3A_225, %add3A_245] masked %and3A_220 : memref<32x64xf32, #tpu.memory_space<vmem>>[vector<16xi32>, vector<16xi32>], vector<16xf32>, vector<16xi1>
      %mul3A_247 = arith.constant 16 : i32
      %mul3A_248 = arith.muli %scan3A_210, %mul3A_247 : i32
      %get3A_249 = arith.constant 1 : i32
      %get3A_250 = arith.index_cast %get3A_249 : i32 to index
      %get3A_251 = arith.index_cast %mul3A_248 : i32 to index
      %get3A_252 = tpu.vector_load %arg9[%get3A_250, %get3A_251] {strides = array<i32>} : memref<8x1024xf32, #tpu.memory_space<vmem>>, vector<16xf32>,
      %select_n3A_253 = arith.select %and3A_220, %gather3A_246, %get3A_252 : vector<16xi1>, vector<16xf32>
      %mul3A_254 = arith.constant 16 : i32
      %mul3A_255 = arith.muli %scan3A_210, %mul3A_254 : i32
      %swap3A_256 = arith.constant 1 : i32
      %swap3A_257 = arith.index_cast %swap3A_256 : i32 to index
      %swap3A_258 = arith.index_cast %mul3A_255 : i32 to index
      %swap3A_259 = tpu.vector_load %arg9[%swap3A_257, %swap3A_258] {strides = array<i32>} : memref<8x1024xf32, #tpu.memory_space<vmem>>, vector<16xf32>,
      tpu.vector_store %arg9[%swap3A_257, %swap3A_258], %select_n3A_253 {strides = array<i32>} : memref<8x1024xf32, #tpu.memory_space<vmem>>, vector<16xf32>,
      %broadcast_in_dim3A_260 = arith.constant 2 : i32
      %broadcast_in_dim3A_261 = vector.broadcast %broadcast_in_dim3A_260 : i32 to vector<16xi32>
      %add3A_262 = vector.broadcast %multiple_of3A : i32 to vector<16xi32>
      %add3A_263 = arith.addi %add3A_262, %broadcast_in_dim3A_261 : vector<16xi32>
      %gather3A_264 = tpu.vector_load_idx %arg7[%select_n3A_225, %add3A_263] masked %and3A_220 : memref<32x64xf32, #tpu.memory_space<vmem>>[vector<16xi32>, vector<16xi32>], vector<16xf32>, vector<16xi1>
      %mul3A_265 = arith.constant 16 : i32
      %mul3A_266 = arith.muli %scan3A_210, %mul3A_265 : i32
      %get3A_267 = arith.constant 2 : i32
      %get3A_268 = arith.index_cast %get3A_267 : i32 to index
      %get3A_269 = arith.index_cast %mul3A_266 : i32 to index
      %get3A_270 = tpu.vector_load %arg9[%get3A_268, %get3A_269] {strides = array<i32>} : memref<8x1024xf32, #tpu.memory_space<vmem>>, vector<16xf32>,
      %select_n3A_271 = arith.select %and3A_220, %gather3A_264, %get3A_270 : vector<16xi1>, vector<16xf32>
      %mul3A_272 = arith.constant 16 : i32
      %mul3A_273 = arith.muli %scan3A_210, %mul3A_272 : i32
      %swap3A_274 = arith.constant 2 : i32
      %swap3A_275 = arith.index_cast %swap3A_274 : i32 to index
      %swap3A_276 = arith.index_cast %mul3A_273 : i32 to index
      %swap3A_277 = tpu.vector_load %arg9[%swap3A_275, %swap3A_276] {strides = array<i32>} : memref<8x1024xf32, #tpu.memory_space<vmem>>, vector<16xf32>,
      tpu.vector_store %arg9[%swap3A_275, %swap3A_276], %select_n3A_271 {strides = array<i32>} : memref<8x1024xf32, #tpu.memory_space<vmem>>, vector<16xf32>,
      %broadcast_in_dim3A_278 = arith.constant 3 : i32
      %broadcast_in_dim3A_279 = vector.broadcast %broadcast_in_dim3A_278 : i32 to vector<16xi32>
      %add3A_280 = vector.broadcast %multiple_of3A : i32 to vector<16xi32>
      %add3A_281 = arith.addi %add3A_280, %broadcast_in_dim3A_279 : vector<16xi32>
      %gather3A_282 = tpu.vector_load_idx %arg7[%select_n3A_225, %add3A_281] masked %and3A_220 : memref<32x64xf32, #tpu.memory_space<vmem>>[vector<16xi32>, vector<16xi32>], vector<16xf32>, vector<16xi1>
      %mul3A_283 = arith.constant 16 : i32
      %mul3A_284 = arith.muli %scan3A_210, %mul3A_283 : i32
      %get3A_285 = arith.constant 3 : i32
      %get3A_286 = arith.index_cast %get3A_285 : i32 to index
      %get3A_287 = arith.index_cast %mul3A_284 : i32 to index
      %get3A_288 = tpu.vector_load %arg9[%get3A_286, %get3A_287] {strides = array<i32>} : memref<8x1024xf32, #tpu.memory_space<vmem>>, vector<16xf32>,
      %select_n3A_289 = arith.select %and3A_220, %gather3A_282, %get3A_288 : vector<16xi1>, vector<16xf32>
      %mul3A_290 = arith.constant 16 : i32
      %mul3A_291 = arith.muli %scan3A_210, %mul3A_290 : i32
      %swap3A_292 = arith.constant 3 : i32
      %swap3A_293 = arith.index_cast %swap3A_292 : i32 to index
      %swap3A_294 = arith.index_cast %mul3A_291 : i32 to index
      %swap3A_295 = tpu.vector_load %arg9[%swap3A_293, %swap3A_294] {strides = array<i32>} : memref<8x1024xf32, #tpu.memory_space<vmem>>, vector<16xf32>,
      tpu.vector_store %arg9[%swap3A_293, %swap3A_294], %select_n3A_289 {strides = array<i32>} : memref<8x1024xf32, #tpu.memory_space<vmem>>, vector<16xf32>,
      %broadcast_in_dim3A_296 = arith.constant 4 : i32
      %broadcast_in_dim3A_297 = vector.broadcast %broadcast_in_dim3A_296 : i32 to vector<16xi32>
      %add3A_298 = vector.broadcast %multiple_of3A : i32 to vector<16xi32>
      %add3A_299 = arith.addi %add3A_298, %broadcast_in_dim3A_297 : vector<16xi32>
      %gather3A_300 = tpu.vector_load_idx %arg7[%select_n3A_225, %add3A_299] masked %and3A_220 : memref<32x64xf32, #tpu.memory_space<vmem>>[vector<16xi32>, vector<16xi32>], vector<16xf32>, vector<16xi1>
      %mul3A_301 = arith.constant 16 : i32
      %mul3A_302 = arith.muli %scan3A_210, %mul3A_301 : i32
      %get3A_303 = arith.constant 4 : i32
      %get3A_304 = arith.index_cast %get3A_303 : i32 to index
      %get3A_305 = arith.index_cast %mul3A_302 : i32 to index
      %get3A_306 = tpu.vector_load %arg9[%get3A_304, %get3A_305] {strides = array<i32>} : memref<8x1024xf32, #tpu.memory_space<vmem>>, vector<16xf32>,
      %select_n3A_307 = arith.select %and3A_220, %gather3A_300, %get3A_306 : vector<16xi1>, vector<16xf32>
      %mul3A_308 = arith.constant 16 : i32
      %mul3A_309 = arith.muli %scan3A_210, %mul3A_308 : i32
      %swap3A_310 = arith.constant 4 : i32
      %swap3A_311 = arith.index_cast %swap3A_310 : i32 to index
      %swap3A_312 = arith.index_cast %mul3A_309 : i32 to index
      %swap3A_313 = tpu.vector_load %arg9[%swap3A_311, %swap3A_312] {strides = array<i32>} : memref<8x1024xf32, #tpu.memory_space<vmem>>, vector<16xf32>,
      tpu.vector_store %arg9[%swap3A_311, %swap3A_312], %select_n3A_307 {strides = array<i32>} : memref<8x1024xf32, #tpu.memory_space<vmem>>, vector<16xf32>,
      %broadcast_in_dim3A_314 = arith.constant 5 : i32
      %broadcast_in_dim3A_315 = vector.broadcast %broadcast_in_dim3A_314 : i32 to vector<16xi32>
      %add3A_316 = vector.broadcast %multiple_of3A : i32 to vector<16xi32>
      %add3A_317 = arith.addi %add3A_316, %broadcast_in_dim3A_315 : vector<16xi32>
      %gather3A_318 = tpu.vector_load_idx %arg7[%select_n3A_225, %add3A_317] masked %and3A_220 : memref<32x64xf32, #tpu.memory_space<vmem>>[vector<16xi32>, vector<16xi32>], vector<16xf32>, vector<16xi1>
      %mul3A_319 = arith.constant 16 : i32
      %mul3A_320 = arith.muli %scan3A_210, %mul3A_319 : i32
      %get3A_321 = arith.constant 5 : i32
      %get3A_322 = arith.index_cast %get3A_321 : i32 to index
      %get3A_323 = arith.index_cast %mul3A_320 : i32 to index
      %get3A_324 = tpu.vector_load %arg9[%get3A_322, %get3A_323] {strides = array<i32>} : memref<8x1024xf32, #tpu.memory_space<vmem>>, vector<16xf32>,
      %select_n3A_325 = arith.select %and3A_220, %gather3A_318, %get3A_324 : vector<16xi1>, vector<16xf32>
      %mul3A_326 = arith.constant 16 : i32
      %mul3A_327 = arith.muli %scan3A_210, %mul3A_326 : i32
      %swap3A_328 = arith.constant 5 : i32
      %swap3A_329 = arith.index_cast %swap3A_328 : i32 to index
      %swap3A_330 = arith.index_cast %mul3A_327 : i32 to index
      %swap3A_331 = tpu.vector_load %arg9[%swap3A_329, %swap3A_330] {strides = array<i32>} : memref<8x1024xf32, #tpu.memory_space<vmem>>, vector<16xf32>,
      tpu.vector_store %arg9[%swap3A_329, %swap3A_330], %select_n3A_325 {strides = array<i32>} : memref<8x1024xf32, #tpu.memory_space<vmem>>, vector<16xf32>,
      %broadcast_in_dim3A_332 = arith.constant 6 : i32
      %broadcast_in_dim3A_333 = vector.broadcast %broadcast_in_dim3A_332 : i32 to vector<16xi32>
      %add3A_334 = vector.broadcast %multiple_of3A : i32 to vector<16xi32>
      %add3A_335 = arith.addi %add3A_334, %broadcast_in_dim3A_333 : vector<16xi32>
      %gather3A_336 = tpu.vector_load_idx %arg7[%select_n3A_225, %add3A_335] masked %and3A_220 : memref<32x64xf32, #tpu.memory_space<vmem>>[vector<16xi32>, vector<16xi32>], vector<16xf32>, vector<16xi1>
      %mul3A_337 = arith.constant 16 : i32
      %mul3A_338 = arith.muli %scan3A_210, %mul3A_337 : i32
      %get3A_339 = arith.constant 6 : i32
      %get3A_340 = arith.index_cast %get3A_339 : i32 to index
      %get3A_341 = arith.index_cast %mul3A_338 : i32 to index
      %get3A_342 = tpu.vector_load %arg9[%get3A_340, %get3A_341] {strides = array<i32>} : memref<8x1024xf32, #tpu.memory_space<vmem>>, vector<16xf32>,
      %select_n3A_343 = arith.select %and3A_220, %gather3A_336, %get3A_342 : vector<16xi1>, vector<16xf32>
      %mul3A_344 = arith.constant 16 : i32
      %mul3A_345 = arith.muli %scan3A_210, %mul3A_344 : i32
      %swap3A_346 = arith.constant 6 : i32
      %swap3A_347 = arith.index_cast %swap3A_346 : i32 to index
      %swap3A_348 = arith.index_cast %mul3A_345 : i32 to index
      %swap3A_349 = tpu.vector_load %arg9[%swap3A_347, %swap3A_348] {strides = array<i32>} : memref<8x1024xf32, #tpu.memory_space<vmem>>, vector<16xf32>,
      tpu.vector_store %arg9[%swap3A_347, %swap3A_348], %select_n3A_343 {strides = array<i32>} : memref<8x1024xf32, #tpu.memory_space<vmem>>, vector<16xf32>,
      %broadcast_in_dim3A_350 = arith.constant 7 : i32
      %broadcast_in_dim3A_351 = vector.broadcast %broadcast_in_dim3A_350 : i32 to vector<16xi32>
      %add3A_352 = vector.broadcast %multiple_of3A : i32 to vector<16xi32>
      %add3A_353 = arith.addi %add3A_352, %broadcast_in_dim3A_351 : vector<16xi32>
      %gather3A_354 = tpu.vector_load_idx %arg7[%select_n3A_225, %add3A_353] masked %and3A_220 : memref<32x64xf32, #tpu.memory_space<vmem>>[vector<16xi32>, vector<16xi32>], vector<16xf32>, vector<16xi1>
      %mul3A_355 = arith.constant 16 : i32
      %mul3A_356 = arith.muli %scan3A_210, %mul3A_355 : i32
      %get3A_357 = arith.constant 7 : i32
      %get3A_358 = arith.index_cast %get3A_357 : i32 to index
      %get3A_359 = arith.index_cast %mul3A_356 : i32 to index
      %get3A_360 = tpu.vector_load %arg9[%get3A_358, %get3A_359] {strides = array<i32>} : memref<8x1024xf32, #tpu.memory_space<vmem>>, vector<16xf32>,
      %select_n3A_361 = arith.select %and3A_220, %gather3A_354, %get3A_360 : vector<16xi1>, vector<16xf32>
      %mul3A_362 = arith.constant 16 : i32
      %mul3A_363 = arith.muli %scan3A_210, %mul3A_362 : i32
      %swap3A_364 = arith.constant 7 : i32
      %swap3A_365 = arith.index_cast %swap3A_364 : i32 to index
      %swap3A_366 = arith.index_cast %mul3A_363 : i32 to index
      %swap3A_367 = tpu.vector_load %arg9[%swap3A_365, %swap3A_366] {strides = array<i32>} : memref<8x1024xf32, #tpu.memory_space<vmem>>, vector<16xf32>,
      tpu.vector_store %arg9[%swap3A_365, %swap3A_366], %select_n3A_361 {strides = array<i32>} : memref<8x1024xf32, #tpu.memory_space<vmem>>, vector<16xf32>,
      %scan3A_368 = arith.constant 0 : i32
      %scan3A_369 = arith.constant 1 : i32
      %scan3A_370 = arith.addi %scan3A_210, %scan3A_369 : i32
      %mul3A_371 = arith.constant 16 : i32
      %mul3A_372 = arith.muli %scan3A_370, %mul3A_371 : i32
      %get3A_373 = arith.index_cast %mul3A_372 : i32 to index
      %get3A_374 = tpu.vector_load %arg8[%get3A_373] {strides = array<i32>} : memref<1024xi32, #tpu.memory_space<vmem>>, vector<16xi32>,
      %ge3A_375 = arith.constant 99968 : i32
      %ge3A_376 = vector.broadcast %ge3A_375 : i32 to vector<16xi32>
      %ge3A_377 = arith.cmpi sge, %get3A_374, %ge3A_376 : vector<16xi32>
      %eq3A_378 = arith.constant 3 : i32
      %eq3A_379 = arith.cmpi eq, %select_n3A_30, %eq3A_378 : i32
      %and3A_380 = vector.broadcast %eq3A_379 : i1 to vector<16xi1>
      %and3A_381 = arith.andi %ge3A_377, %and3A_380 : vector<16xi1>
      %sub3A_382 = arith.constant 99968 : i32
      %sub3A_383 = vector.broadcast %sub3A_382 : i32 to vector<16xi32>
      %sub3A_384 = arith.subi %get3A_374, %sub3A_383 : vector<16xi32>
      %jit3A_385 = arith.constant 0 : i32
      %broadcast_in_dim3A_386 = vector.broadcast %jit3A_385 : i32 to vector<16xi32>
      %select_n3A_387 = arith.select %and3A_381, %sub3A_384, %broadcast_in_dim3A_386 : vector<16xi1>, vector<16xi32>
      %broadcast_in_dim3A_388 = arith.constant 0 : i32
      %broadcast_in_dim3A_389 = vector.broadcast %broadcast_in_dim3A_388 : i32 to vector<16xi32>
      %add3A_390 = vector.broadcast %multiple_of3A : i32 to vector<16xi32>
      %add3A_391 = arith.addi %add3A_390, %broadcast_in_dim3A_389 : vector<16xi32>
      %gather3A_392 = tpu.vector_load_idx %arg7[%select_n3A_387, %add3A_391] masked %and3A_381 : memref<32x64xf32, #tpu.memory_space<vmem>>[vector<16xi32>, vector<16xi32>], vector<16xf32>, vector<16xi1>
      %mul3A_393 = arith.constant 16 : i32
      %mul3A_394 = arith.muli %scan3A_370, %mul3A_393 : i32
      %get3A_395 = arith.constant 0 : i32
      %get3A_396 = arith.index_cast %get3A_395 : i32 to index
      %get3A_397 = arith.index_cast %mul3A_394 : i32 to index
      %get3A_398 = tpu.vector_load %arg9[%get3A_396, %get3A_397] {strides = array<i32>} : memref<8x1024xf32, #tpu.memory_space<vmem>>, vector<16xf32>,
      %select_n3A_399 = arith.select %and3A_381, %gather3A_392, %get3A_398 : vector<16xi1>, vector<16xf32>
      %mul3A_400 = arith.constant 16 : i32
      %mul3A_401 = arith.muli %scan3A_370, %mul3A_400 : i32
      %swap3A_402 = arith.constant 0 : i32
      %swap3A_403 = arith.index_cast %swap3A_402 : i32 to index
      %swap3A_404 = arith.index_cast %mul3A_401 : i32 to index
      %swap3A_405 = tpu.vector_load %arg9[%swap3A_403, %swap3A_404] {strides = array<i32>} : memref<8x1024xf32, #tpu.memory_space<vmem>>, vector<16xf32>,
      tpu.vector_store %arg9[%swap3A_403, %swap3A_404], %select_n3A_399 {strides = array<i32>} : memref<8x1024xf32, #tpu.memory_space<vmem>>, vector<16xf32>,
      %broadcast_in_dim3A_406 = arith.constant 1 : i32
      %broadcast_in_dim3A_407 = vector.broadcast %broadcast_in_dim3A_406 : i32 to vector<16xi32>
      %add3A_408 = vector.broadcast %multiple_of3A : i32 to vector<16xi32>
      %add3A_409 = arith.addi %add3A_408, %broadcast_in_dim3A_407 : vector<16xi32>
      %gather3A_410 = tpu.vector_load_idx %arg7[%select_n3A_387, %add3A_409] masked %and3A_381 : memref<32x64xf32, #tpu.memory_space<vmem>>[vector<16xi32>, vector<16xi32>], vector<16xf32>, vector<16xi1>
      %mul3A_411 = arith.constant 16 : i32
      %mul3A_412 = arith.muli %scan3A_370, %mul3A_411 : i32
      %get3A_413 = arith.constant 1 : i32
      %get3A_414 = arith.index_cast %get3A_413 : i32 to index
      %get3A_415 = arith.index_cast %mul3A_412 : i32 to index
      %get3A_416 = tpu.vector_load %arg9[%get3A_414, %get3A_415] {strides = array<i32>} : memref<8x1024xf32, #tpu.memory_space<vmem>>, vector<16xf32>,
      %select_n3A_417 = arith.select %and3A_381, %gather3A_410, %get3A_416 : vector<16xi1>, vector<16xf32>
      %mul3A_418 = arith.constant 16 : i32
      %mul3A_419 = arith.muli %scan3A_370, %mul3A_418 : i32
      %swap3A_420 = arith.constant 1 : i32
      %swap3A_421 = arith.index_cast %swap3A_420 : i32 to index
      %swap3A_422 = arith.index_cast %mul3A_419 : i32 to index
      %swap3A_423 = tpu.vector_load %arg9[%swap3A_421, %swap3A_422] {strides = array<i32>} : memref<8x1024xf32, #tpu.memory_space<vmem>>, vector<16xf32>,
      tpu.vector_store %arg9[%swap3A_421, %swap3A_422], %select_n3A_417 {strides = array<i32>} : memref<8x1024xf32, #tpu.memory_space<vmem>>, vector<16xf32>,
      %broadcast_in_dim3A_424 = arith.constant 2 : i32
      %broadcast_in_dim3A_425 = vector.broadcast %broadcast_in_dim3A_424 : i32 to vector<16xi32>
      %add3A_426 = vector.broadcast %multiple_of3A : i32 to vector<16xi32>
      %add3A_427 = arith.addi %add3A_426, %broadcast_in_dim3A_425 : vector<16xi32>
      %gather3A_428 = tpu.vector_load_idx %arg7[%select_n3A_387, %add3A_427] masked %and3A_381 : memref<32x64xf32, #tpu.memory_space<vmem>>[vector<16xi32>, vector<16xi32>], vector<16xf32>, vector<16xi1>
      %mul3A_429 = arith.constant 16 : i32
      %mul3A_430 = arith.muli %scan3A_370, %mul3A_429 : i32
      %get3A_431 = arith.constant 2 : i32
      %get3A_432 = arith.index_cast %get3A_431 : i32 to index
      %get3A_433 = arith.index_cast %mul3A_430 : i32 to index
      %get3A_434 = tpu.vector_load %arg9[%get3A_432, %get3A_433] {strides = array<i32>} : memref<8x1024xf32, #tpu.memory_space<vmem>>, vector<16xf32>,
      %select_n3A_435 = arith.select %and3A_381, %gather3A_428, %get3A_434 : vector<16xi1>, vector<16xf32>
      %mul3A_436 = arith.constant 16 : i32
      %mul3A_437 = arith.muli %scan3A_370, %mul3A_436 : i32
      %swap3A_438 = arith.constant 2 : i32
      %swap3A_439 = arith.index_cast %swap3A_438 : i32 to index
      %swap3A_440 = arith.index_cast %mul3A_437 : i32 to index
      %swap3A_441 = tpu.vector_load %arg9[%swap3A_439, %swap3A_440] {strides = array<i32>} : memref<8x1024xf32, #tpu.memory_space<vmem>>, vector<16xf32>,
      tpu.vector_store %arg9[%swap3A_439, %swap3A_440], %select_n3A_435 {strides = array<i32>} : memref<8x1024xf32, #tpu.memory_space<vmem>>, vector<16xf32>,
      %broadcast_in_dim3A_442 = arith.constant 3 : i32
      %broadcast_in_dim3A_443 = vector.broadcast %broadcast_in_dim3A_442 : i32 to vector<16xi32>
      %add3A_444 = vector.broadcast %multiple_of3A : i32 to vector<16xi32>
      %add3A_445 = arith.addi %add3A_444, %broadcast_in_dim3A_443 : vector<16xi32>
      %gather3A_446 = tpu.vector_load_idx %arg7[%select_n3A_387, %add3A_445] masked %and3A_381 : memref<32x64xf32, #tpu.memory_space<vmem>>[vector<16xi32>, vector<16xi32>], vector<16xf32>, vector<16xi1>
      %mul3A_447 = arith.constant 16 : i32
      %mul3A_448 = arith.muli %scan3A_370, %mul3A_447 : i32
      %get3A_449 = arith.constant 3 : i32
      %get3A_450 = arith.index_cast %get3A_449 : i32 to index
      %get3A_451 = arith.index_cast %mul3A_448 : i32 to index
      %get3A_452 = tpu.vector_load %arg9[%get3A_450, %get3A_451] {strides = array<i32>} : memref<8x1024xf32, #tpu.memory_space<vmem>>, vector<16xf32>,
      %select_n3A_453 = arith.select %and3A_381, %gather3A_446, %get3A_452 : vector<16xi1>, vector<16xf32>
      %mul3A_454 = arith.constant 16 : i32
      %mul3A_455 = arith.muli %scan3A_370, %mul3A_454 : i32
      %swap3A_456 = arith.constant 3 : i32
      %swap3A_457 = arith.index_cast %swap3A_456 : i32 to index
      %swap3A_458 = arith.index_cast %mul3A_455 : i32 to index
      %swap3A_459 = tpu.vector_load %arg9[%swap3A_457, %swap3A_458] {strides = array<i32>} : memref<8x1024xf32, #tpu.memory_space<vmem>>, vector<16xf32>,
      tpu.vector_store %arg9[%swap3A_457, %swap3A_458], %select_n3A_453 {strides = array<i32>} : memref<8x1024xf32, #tpu.memory_space<vmem>>, vector<16xf32>,
      %broadcast_in_dim3A_460 = arith.constant 4 : i32
      %broadcast_in_dim3A_461 = vector.broadcast %broadcast_in_dim3A_460 : i32 to vector<16xi32>
      %add3A_462 = vector.broadcast %multiple_of3A : i32 to vector<16xi32>
      %add3A_463 = arith.addi %add3A_462, %broadcast_in_dim3A_461 : vector<16xi32>
      %gather3A_464 = tpu.vector_load_idx %arg7[%select_n3A_387, %add3A_463] masked %and3A_381 : memref<32x64xf32, #tpu.memory_space<vmem>>[vector<16xi32>, vector<16xi32>], vector<16xf32>, vector<16xi1>
      %mul3A_465 = arith.constant 16 : i32
      %mul3A_466 = arith.muli %scan3A_370, %mul3A_465 : i32
      %get3A_467 = arith.constant 4 : i32
      %get3A_468 = arith.index_cast %get3A_467 : i32 to index
      %get3A_469 = arith.index_cast %mul3A_466 : i32 to index
      %get3A_470 = tpu.vector_load %arg9[%get3A_468, %get3A_469] {strides = array<i32>} : memref<8x1024xf32, #tpu.memory_space<vmem>>, vector<16xf32>,
      %select_n3A_471 = arith.select %and3A_381, %gather3A_464, %get3A_470 : vector<16xi1>, vector<16xf32>
      %mul3A_472 = arith.constant 16 : i32
      %mul3A_473 = arith.muli %scan3A_370, %mul3A_472 : i32
      %swap3A_474 = arith.constant 4 : i32
      %swap3A_475 = arith.index_cast %swap3A_474 : i32 to index
      %swap3A_476 = arith.index_cast %mul3A_473 : i32 to index
      %swap3A_477 = tpu.vector_load %arg9[%swap3A_475, %swap3A_476] {strides = array<i32>} : memref<8x1024xf32, #tpu.memory_space<vmem>>, vector<16xf32>,
      tpu.vector_store %arg9[%swap3A_475, %swap3A_476], %select_n3A_471 {strides = array<i32>} : memref<8x1024xf32, #tpu.memory_space<vmem>>, vector<16xf32>,
      %broadcast_in_dim3A_478 = arith.constant 5 : i32
      %broadcast_in_dim3A_479 = vector.broadcast %broadcast_in_dim3A_478 : i32 to vector<16xi32>
      %add3A_480 = vector.broadcast %multiple_of3A : i32 to vector<16xi32>
      %add3A_481 = arith.addi %add3A_480, %broadcast_in_dim3A_479 : vector<16xi32>
      %gather3A_482 = tpu.vector_load_idx %arg7[%select_n3A_387, %add3A_481] masked %and3A_381 : memref<32x64xf32, #tpu.memory_space<vmem>>[vector<16xi32>, vector<16xi32>], vector<16xf32>, vector<16xi1>
      %mul3A_483 = arith.constant 16 : i32
      %mul3A_484 = arith.muli %scan3A_370, %mul3A_483 : i32
      %get3A_485 = arith.constant 5 : i32
      %get3A_486 = arith.index_cast %get3A_485 : i32 to index
      %get3A_487 = arith.index_cast %mul3A_484 : i32 to index
      %get3A_488 = tpu.vector_load %arg9[%get3A_486, %get3A_487] {strides = array<i32>} : memref<8x1024xf32, #tpu.memory_space<vmem>>, vector<16xf32>,
      %select_n3A_489 = arith.select %and3A_381, %gather3A_482, %get3A_488 : vector<16xi1>, vector<16xf32>
      %mul3A_490 = arith.constant 16 : i32
      %mul3A_491 = arith.muli %scan3A_370, %mul3A_490 : i32
      %swap3A_492 = arith.constant 5 : i32
      %swap3A_493 = arith.index_cast %swap3A_492 : i32 to index
      %swap3A_494 = arith.index_cast %mul3A_491 : i32 to index
      %swap3A_495 = tpu.vector_load %arg9[%swap3A_493, %swap3A_494] {strides = array<i32>} : memref<8x1024xf32, #tpu.memory_space<vmem>>, vector<16xf32>,
      tpu.vector_store %arg9[%swap3A_493, %swap3A_494], %select_n3A_489 {strides = array<i32>} : memref<8x1024xf32, #tpu.memory_space<vmem>>, vector<16xf32>,
      %broadcast_in_dim3A_496 = arith.constant 6 : i32
      %broadcast_in_dim3A_497 = vector.broadcast %broadcast_in_dim3A_496 : i32 to vector<16xi32>
      %add3A_498 = vector.broadcast %multiple_of3A : i32 to vector<16xi32>
      %add3A_499 = arith.addi %add3A_498, %broadcast_in_dim3A_497 : vector<16xi32>
      %gather3A_500 = tpu.vector_load_idx %arg7[%select_n3A_387, %add3A_499] masked %and3A_381 : memref<32x64xf32, #tpu.memory_space<vmem>>[vector<16xi32>, vector<16xi32>], vector<16xf32>, vector<16xi1>
      %mul3A_501 = arith.constant 16 : i32
      %mul3A_502 = arith.muli %scan3A_370, %mul3A_501 : i32
      %get3A_503 = arith.constant 6 : i32
      %get3A_504 = arith.index_cast %get3A_503 : i32 to index
      %get3A_505 = arith.index_cast %mul3A_502 : i32 to index
      %get3A_506 = tpu.vector_load %arg9[%get3A_504, %get3A_505] {strides = array<i32>} : memref<8x1024xf32, #tpu.memory_space<vmem>>, vector<16xf32>,
      %select_n3A_507 = arith.select %and3A_381, %gather3A_500, %get3A_506 : vector<16xi1>, vector<16xf32>
      %mul3A_508 = arith.constant 16 : i32
      %mul3A_509 = arith.muli %scan3A_370, %mul3A_508 : i32
      %swap3A_510 = arith.constant 6 : i32
      %swap3A_511 = arith.index_cast %swap3A_510 : i32 to index
      %swap3A_512 = arith.index_cast %mul3A_509 : i32 to index
      %swap3A_513 = tpu.vector_load %arg9[%swap3A_511, %swap3A_512] {strides = array<i32>} : memref<8x1024xf32, #tpu.memory_space<vmem>>, vector<16xf32>,
      tpu.vector_store %arg9[%swap3A_511, %swap3A_512], %select_n3A_507 {strides = array<i32>} : memref<8x1024xf32, #tpu.memory_space<vmem>>, vector<16xf32>,
      %broadcast_in_dim3A_514 = arith.constant 7 : i32
      %broadcast_in_dim3A_515 = vector.broadcast %broadcast_in_dim3A_514 : i32 to vector<16xi32>
      %add3A_516 = vector.broadcast %multiple_of3A : i32 to vector<16xi32>
      %add3A_517 = arith.addi %add3A_516, %broadcast_in_dim3A_515 : vector<16xi32>
      %gather3A_518 = tpu.vector_load_idx %arg7[%select_n3A_387, %add3A_517] masked %and3A_381 : memref<32x64xf32, #tpu.memory_space<vmem>>[vector<16xi32>, vector<16xi32>], vector<16xf32>, vector<16xi1>
      %mul3A_519 = arith.constant 16 : i32
      %mul3A_520 = arith.muli %scan3A_370, %mul3A_519 : i32
      %get3A_521 = arith.constant 7 : i32
      %get3A_522 = arith.index_cast %get3A_521 : i32 to index
      %get3A_523 = arith.index_cast %mul3A_520 : i32 to index
      %get3A_524 = tpu.vector_load %arg9[%get3A_522, %get3A_523] {strides = array<i32>} : memref<8x1024xf32, #tpu.memory_space<vmem>>, vector<16xf32>,
      %select_n3A_525 = arith.select %and3A_381, %gather3A_518, %get3A_524 : vector<16xi1>, vector<16xf32>
      %mul3A_526 = arith.constant 16 : i32
      %mul3A_527 = arith.muli %scan3A_370, %mul3A_526 : i32
      %swap3A_528 = arith.constant 7 : i32
      %swap3A_529 = arith.index_cast %swap3A_528 : i32 to index
      %swap3A_530 = arith.index_cast %mul3A_527 : i32 to index
      %swap3A_531 = tpu.vector_load %arg9[%swap3A_529, %swap3A_530] {strides = array<i32>} : memref<8x1024xf32, #tpu.memory_space<vmem>>, vector<16xf32>,
      tpu.vector_store %arg9[%swap3A_529, %swap3A_530], %select_n3A_525 {strides = array<i32>} : memref<8x1024xf32, #tpu.memory_space<vmem>>, vector<16xf32>,
      %scan3A_532 = arith.constant 0 : i32
      %scan3A_533 = arith.constant 2 : i32
      %scan3A_534 = arith.addi %scan3A_210, %scan3A_533 : i32
      %mul3A_535 = arith.constant 16 : i32
      %mul3A_536 = arith.muli %scan3A_534, %mul3A_535 : i32
      %get3A_537 = arith.index_cast %mul3A_536 : i32 to index
      %get3A_538 = tpu.vector_load %arg8[%get3A_537] {strides = array<i32>} : memref<1024xi32, #tpu.memory_space<vmem>>, vector<16xi32>,
      %ge3A_539 = arith.constant 99968 : i32
      %ge3A_540 = vector.broadcast %ge3A_539 : i32 to vector<16xi32>
      %ge3A_541 = arith.cmpi sge, %get3A_538, %ge3A_540 : vector<16xi32>
      %eq3A_542 = arith.constant 3 : i32
      %eq3A_543 = arith.cmpi eq, %select_n3A_30, %eq3A_542 : i32
      %and3A_544 = vector.broadcast %eq3A_543 : i1 to vector<16xi1>
      %and3A_545 = arith.andi %ge3A_541, %and3A_544 : vector<16xi1>
      %sub3A_546 = arith.constant 99968 : i32
      %sub3A_547 = vector.broadcast %sub3A_546 : i32 to vector<16xi32>
      %sub3A_548 = arith.subi %get3A_538, %sub3A_547 : vector<16xi32>
      %jit3A_549 = arith.constant 0 : i32
      %broadcast_in_dim3A_550 = vector.broadcast %jit3A_549 : i32 to vector<16xi32>
      %select_n3A_551 = arith.select %and3A_545, %sub3A_548, %broadcast_in_dim3A_550 : vector<16xi1>, vector<16xi32>
      %broadcast_in_dim3A_552 = arith.constant 0 : i32
      %broadcast_in_dim3A_553 = vector.broadcast %broadcast_in_dim3A_552 : i32 to vector<16xi32>
      %add3A_554 = vector.broadcast %multiple_of3A : i32 to vector<16xi32>
      %add3A_555 = arith.addi %add3A_554, %broadcast_in_dim3A_553 : vector<16xi32>
      %gather3A_556 = tpu.vector_load_idx %arg7[%select_n3A_551, %add3A_555] masked %and3A_545 : memref<32x64xf32, #tpu.memory_space<vmem>>[vector<16xi32>, vector<16xi32>], vector<16xf32>, vector<16xi1>
      %mul3A_557 = arith.constant 16 : i32
      %mul3A_558 = arith.muli %scan3A_534, %mul3A_557 : i32
      %get3A_559 = arith.constant 0 : i32
      %get3A_560 = arith.index_cast %get3A_559 : i32 to index
      %get3A_561 = arith.index_cast %mul3A_558 : i32 to index
      %get3A_562 = tpu.vector_load %arg9[%get3A_560, %get3A_561] {strides = array<i32>} : memref<8x1024xf32, #tpu.memory_space<vmem>>, vector<16xf32>,
      %select_n3A_563 = arith.select %and3A_545, %gather3A_556, %get3A_562 : vector<16xi1>, vector<16xf32>
      %mul3A_564 = arith.constant 16 : i32
      %mul3A_565 = arith.muli %scan3A_534, %mul3A_564 : i32
      %swap3A_566 = arith.constant 0 : i32
      %swap3A_567 = arith.index_cast %swap3A_566 : i32 to index
      %swap3A_568 = arith.index_cast %mul3A_565 : i32 to index
      %swap3A_569 = tpu.vector_load %arg9[%swap3A_567, %swap3A_568] {strides = array<i32>} : memref<8x1024xf32, #tpu.memory_space<vmem>>, vector<16xf32>,
      tpu.vector_store %arg9[%swap3A_567, %swap3A_568], %select_n3A_563 {strides = array<i32>} : memref<8x1024xf32, #tpu.memory_space<vmem>>, vector<16xf32>,
      %broadcast_in_dim3A_570 = arith.constant 1 : i32
      %broadcast_in_dim3A_571 = vector.broadcast %broadcast_in_dim3A_570 : i32 to vector<16xi32>
      %add3A_572 = vector.broadcast %multiple_of3A : i32 to vector<16xi32>
      %add3A_573 = arith.addi %add3A_572, %broadcast_in_dim3A_571 : vector<16xi32>
      %gather3A_574 = tpu.vector_load_idx %arg7[%select_n3A_551, %add3A_573] masked %and3A_545 : memref<32x64xf32, #tpu.memory_space<vmem>>[vector<16xi32>, vector<16xi32>], vector<16xf32>, vector<16xi1>
      %mul3A_575 = arith.constant 16 : i32
      %mul3A_576 = arith.muli %scan3A_534, %mul3A_575 : i32
      %get3A_577 = arith.constant 1 : i32
      %get3A_578 = arith.index_cast %get3A_577 : i32 to index
      %get3A_579 = arith.index_cast %mul3A_576 : i32 to index
      %get3A_580 = tpu.vector_load %arg9[%get3A_578, %get3A_579] {strides = array<i32>} : memref<8x1024xf32, #tpu.memory_space<vmem>>, vector<16xf32>,
      %select_n3A_581 = arith.select %and3A_545, %gather3A_574, %get3A_580 : vector<16xi1>, vector<16xf32>
      %mul3A_582 = arith.constant 16 : i32
      %mul3A_583 = arith.muli %scan3A_534, %mul3A_582 : i32
      %swap3A_584 = arith.constant 1 : i32
      %swap3A_585 = arith.index_cast %swap3A_584 : i32 to index
      %swap3A_586 = arith.index_cast %mul3A_583 : i32 to index
      %swap3A_587 = tpu.vector_load %arg9[%swap3A_585, %swap3A_586] {strides = array<i32>} : memref<8x1024xf32, #tpu.memory_space<vmem>>, vector<16xf32>,
      tpu.vector_store %arg9[%swap3A_585, %swap3A_586], %select_n3A_581 {strides = array<i32>} : memref<8x1024xf32, #tpu.memory_space<vmem>>, vector<16xf32>,
      %broadcast_in_dim3A_588 = arith.constant 2 : i32
      %broadcast_in_dim3A_589 = vector.broadcast %broadcast_in_dim3A_588 : i32 to vector<16xi32>
      %add3A_590 = vector.broadcast %multiple_of3A : i32 to vector<16xi32>
      %add3A_591 = arith.addi %add3A_590, %broadcast_in_dim3A_589 : vector<16xi32>
      %gather3A_592 = tpu.vector_load_idx %arg7[%select_n3A_551, %add3A_591] masked %and3A_545 : memref<32x64xf32, #tpu.memory_space<vmem>>[vector<16xi32>, vector<16xi32>], vector<16xf32>, vector<16xi1>
      %mul3A_593 = arith.constant 16 : i32
      %mul3A_594 = arith.muli %scan3A_534, %mul3A_593 : i32
      %get3A_595 = arith.constant 2 : i32
      %get3A_596 = arith.index_cast %get3A_595 : i32 to index
      %get3A_597 = arith.index_cast %mul3A_594 : i32 to index
      %get3A_598 = tpu.vector_load %arg9[%get3A_596, %get3A_597] {strides = array<i32>} : memref<8x1024xf32, #tpu.memory_space<vmem>>, vector<16xf32>,
      %select_n3A_599 = arith.select %and3A_545, %gather3A_592, %get3A_598 : vector<16xi1>, vector<16xf32>
      %mul3A_600 = arith.constant 16 : i32
      %mul3A_601 = arith.muli %scan3A_534, %mul3A_600 : i32
      %swap3A_602 = arith.constant 2 : i32
      %swap3A_603 = arith.index_cast %swap3A_602 : i32 to index
      %swap3A_604 = arith.index_cast %mul3A_601 : i32 to index
      %swap3A_605 = tpu.vector_load %arg9[%swap3A_603, %swap3A_604] {strides = array<i32>} : memref<8x1024xf32, #tpu.memory_space<vmem>>, vector<16xf32>,
      tpu.vector_store %arg9[%swap3A_603, %swap3A_604], %select_n3A_599 {strides = array<i32>} : memref<8x1024xf32, #tpu.memory_space<vmem>>, vector<16xf32>,
      %broadcast_in_dim3A_606 = arith.constant 3 : i32
      %broadcast_in_dim3A_607 = vector.broadcast %broadcast_in_dim3A_606 : i32 to vector<16xi32>
      %add3A_608 = vector.broadcast %multiple_of3A : i32 to vector<16xi32>
      %add3A_609 = arith.addi %add3A_608, %broadcast_in_dim3A_607 : vector<16xi32>
      %gather3A_610 = tpu.vector_load_idx %arg7[%select_n3A_551, %add3A_609] masked %and3A_545 : memref<32x64xf32, #tpu.memory_space<vmem>>[vector<16xi32>, vector<16xi32>], vector<16xf32>, vector<16xi1>
      %mul3A_611 = arith.constant 16 : i32
      %mul3A_612 = arith.muli %scan3A_534, %mul3A_611 : i32
      %get3A_613 = arith.constant 3 : i32
      %get3A_614 = arith.index_cast %get3A_613 : i32 to index
      %get3A_615 = arith.index_cast %mul3A_612 : i32 to index
      %get3A_616 = tpu.vector_load %arg9[%get3A_614, %get3A_615] {strides = array<i32>} : memref<8x1024xf32, #tpu.memory_space<vmem>>, vector<16xf32>,
      %select_n3A_617 = arith.select %and3A_545, %gather3A_610, %get3A_616 : vector<16xi1>, vector<16xf32>
      %mul3A_618 = arith.constant 16 : i32
      %mul3A_619 = arith.muli %scan3A_534, %mul3A_618 : i32
      %swap3A_620 = arith.constant 3 : i32
      %swap3A_621 = arith.index_cast %swap3A_620 : i32 to index
      %swap3A_622 = arith.index_cast %mul3A_619 : i32 to index
      %swap3A_623 = tpu.vector_load %arg9[%swap3A_621, %swap3A_622] {strides = array<i32>} : memref<8x1024xf32, #tpu.memory_space<vmem>>, vector<16xf32>,
      tpu.vector_store %arg9[%swap3A_621, %swap3A_622], %select_n3A_617 {strides = array<i32>} : memref<8x1024xf32, #tpu.memory_space<vmem>>, vector<16xf32>,
      %broadcast_in_dim3A_624 = arith.constant 4 : i32
      %broadcast_in_dim3A_625 = vector.broadcast %broadcast_in_dim3A_624 : i32 to vector<16xi32>
      %add3A_626 = vector.broadcast %multiple_of3A : i32 to vector<16xi32>
      %add3A_627 = arith.addi %add3A_626, %broadcast_in_dim3A_625 : vector<16xi32>
      %gather3A_628 = tpu.vector_load_idx %arg7[%select_n3A_551, %add3A_627] masked %and3A_545 : memref<32x64xf32, #tpu.memory_space<vmem>>[vector<16xi32>, vector<16xi32>], vector<16xf32>, vector<16xi1>
      %mul3A_629 = arith.constant 16 : i32
      %mul3A_630 = arith.muli %scan3A_534, %mul3A_629 : i32
      %get3A_631 = arith.constant 4 : i32
      %get3A_632 = arith.index_cast %get3A_631 : i32 to index
      %get3A_633 = arith.index_cast %mul3A_630 : i32 to index
      %get3A_634 = tpu.vector_load %arg9[%get3A_632, %get3A_633] {strides = array<i32>} : memref<8x1024xf32, #tpu.memory_space<vmem>>, vector<16xf32>,
      %select_n3A_635 = arith.select %and3A_545, %gather3A_628, %get3A_634 : vector<16xi1>, vector<16xf32>
      %mul3A_636 = arith.constant 16 : i32
      %mul3A_637 = arith.muli %scan3A_534, %mul3A_636 : i32
      %swap3A_638 = arith.constant 4 : i32
      %swap3A_639 = arith.index_cast %swap3A_638 : i32 to index
      %swap3A_640 = arith.index_cast %mul3A_637 : i32 to index
      %swap3A_641 = tpu.vector_load %arg9[%swap3A_639, %swap3A_640] {strides = array<i32>} : memref<8x1024xf32, #tpu.memory_space<vmem>>, vector<16xf32>,
      tpu.vector_store %arg9[%swap3A_639, %swap3A_640], %select_n3A_635 {strides = array<i32>} : memref<8x1024xf32, #tpu.memory_space<vmem>>, vector<16xf32>,
      %broadcast_in_dim3A_642 = arith.constant 5 : i32
      %broadcast_in_dim3A_643 = vector.broadcast %broadcast_in_dim3A_642 : i32 to vector<16xi32>
      %add3A_644 = vector.broadcast %multiple_of3A : i32 to vector<16xi32>
      %add3A_645 = arith.addi %add3A_644, %broadcast_in_dim3A_643 : vector<16xi32>
      %gather3A_646 = tpu.vector_load_idx %arg7[%select_n3A_551, %add3A_645] masked %and3A_545 : memref<32x64xf32, #tpu.memory_space<vmem>>[vector<16xi32>, vector<16xi32>], vector<16xf32>, vector<16xi1>
      %mul3A_647 = arith.constant 16 : i32
      %mul3A_648 = arith.muli %scan3A_534, %mul3A_647 : i32
      %get3A_649 = arith.constant 5 : i32
      %get3A_650 = arith.index_cast %get3A_649 : i32 to index
      %get3A_651 = arith.index_cast %mul3A_648 : i32 to index
      %get3A_652 = tpu.vector_load %arg9[%get3A_650, %get3A_651] {strides = array<i32>} : memref<8x1024xf32, #tpu.memory_space<vmem>>, vector<16xf32>,
      %select_n3A_653 = arith.select %and3A_545, %gather3A_646, %get3A_652 : vector<16xi1>, vector<16xf32>
      %mul3A_654 = arith.constant 16 : i32
      %mul3A_655 = arith.muli %scan3A_534, %mul3A_654 : i32
      %swap3A_656 = arith.constant 5 : i32
      %swap3A_657 = arith.index_cast %swap3A_656 : i32 to index
      %swap3A_658 = arith.index_cast %mul3A_655 : i32 to index
      %swap3A_659 = tpu.vector_load %arg9[%swap3A_657, %swap3A_658] {strides = array<i32>} : memref<8x1024xf32, #tpu.memory_space<vmem>>, vector<16xf32>,
      tpu.vector_store %arg9[%swap3A_657, %swap3A_658], %select_n3A_653 {strides = array<i32>} : memref<8x1024xf32, #tpu.memory_space<vmem>>, vector<16xf32>,
      %broadcast_in_dim3A_660 = arith.constant 6 : i32
      %broadcast_in_dim3A_661 = vector.broadcast %broadcast_in_dim3A_660 : i32 to vector<16xi32>
      %add3A_662 = vector.broadcast %multiple_of3A : i32 to vector<16xi32>
      %add3A_663 = arith.addi %add3A_662, %broadcast_in_dim3A_661 : vector<16xi32>
      %gather3A_664 = tpu.vector_load_idx %arg7[%select_n3A_551, %add3A_663] masked %and3A_545 : memref<32x64xf32, #tpu.memory_space<vmem>>[vector<16xi32>, vector<16xi32>], vector<16xf32>, vector<16xi1>
      %mul3A_665 = arith.constant 16 : i32
      %mul3A_666 = arith.muli %scan3A_534, %mul3A_665 : i32
      %get3A_667 = arith.constant 6 : i32
      %get3A_668 = arith.index_cast %get3A_667 : i32 to index
      %get3A_669 = arith.index_cast %mul3A_666 : i32 to index
      %get3A_670 = tpu.vector_load %arg9[%get3A_668, %get3A_669] {strides = array<i32>} : memref<8x1024xf32, #tpu.memory_space<vmem>>, vector<16xf32>,
      %select_n3A_671 = arith.select %and3A_545, %gather3A_664, %get3A_670 : vector<16xi1>, vector<16xf32>
      %mul3A_672 = arith.constant 16 : i32
      %mul3A_673 = arith.muli %scan3A_534, %mul3A_672 : i32
      %swap3A_674 = arith.constant 6 : i32
      %swap3A_675 = arith.index_cast %swap3A_674 : i32 to index
      %swap3A_676 = arith.index_cast %mul3A_673 : i32 to index
      %swap3A_677 = tpu.vector_load %arg9[%swap3A_675, %swap3A_676] {strides = array<i32>} : memref<8x1024xf32, #tpu.memory_space<vmem>>, vector<16xf32>,
      tpu.vector_store %arg9[%swap3A_675, %swap3A_676], %select_n3A_671 {strides = array<i32>} : memref<8x1024xf32, #tpu.memory_space<vmem>>, vector<16xf32>,
      %broadcast_in_dim3A_678 = arith.constant 7 : i32
      %broadcast_in_dim3A_679 = vector.broadcast %broadcast_in_dim3A_678 : i32 to vector<16xi32>
      %add3A_680 = vector.broadcast %multiple_of3A : i32 to vector<16xi32>
      %add3A_681 = arith.addi %add3A_680, %broadcast_in_dim3A_679 : vector<16xi32>
      %gather3A_682 = tpu.vector_load_idx %arg7[%select_n3A_551, %add3A_681] masked %and3A_545 : memref<32x64xf32, #tpu.memory_space<vmem>>[vector<16xi32>, vector<16xi32>], vector<16xf32>, vector<16xi1>
      %mul3A_683 = arith.constant 16 : i32
      %mul3A_684 = arith.muli %scan3A_534, %mul3A_683 : i32
      %get3A_685 = arith.constant 7 : i32
      %get3A_686 = arith.index_cast %get3A_685 : i32 to index
      %get3A_687 = arith.index_cast %mul3A_684 : i32 to index
      %get3A_688 = tpu.vector_load %arg9[%get3A_686, %get3A_687] {strides = array<i32>} : memref<8x1024xf32, #tpu.memory_space<vmem>>, vector<16xf32>,
      %select_n3A_689 = arith.select %and3A_545, %gather3A_682, %get3A_688 : vector<16xi1>, vector<16xf32>
      %mul3A_690 = arith.constant 16 : i32
      %mul3A_691 = arith.muli %scan3A_534, %mul3A_690 : i32
      %swap3A_692 = arith.constant 7 : i32
      %swap3A_693 = arith.index_cast %swap3A_692 : i32 to index
      %swap3A_694 = arith.index_cast %mul3A_691 : i32 to index
      %swap3A_695 = tpu.vector_load %arg9[%swap3A_693, %swap3A_694] {strides = array<i32>} : memref<8x1024xf32, #tpu.memory_space<vmem>>, vector<16xf32>,
      tpu.vector_store %arg9[%swap3A_693, %swap3A_694], %select_n3A_689 {strides = array<i32>} : memref<8x1024xf32, #tpu.memory_space<vmem>>, vector<16xf32>,
      %scan3A_696 = arith.constant 0 : i32
      %scan3A_697 = arith.constant 3 : i32
      %scan3A_698 = arith.addi %scan3A_210, %scan3A_697 : i32
      %mul3A_699 = arith.constant 16 : i32
      %mul3A_700 = arith.muli %scan3A_698, %mul3A_699 : i32
      %get3A_701 = arith.index_cast %mul3A_700 : i32 to index
      %get3A_702 = tpu.vector_load %arg8[%get3A_701] {strides = array<i32>} : memref<1024xi32, #tpu.memory_space<vmem>>, vector<16xi32>,
      %ge3A_703 = arith.constant 99968 : i32
      %ge3A_704 = vector.broadcast %ge3A_703 : i32 to vector<16xi32>
      %ge3A_705 = arith.cmpi sge, %get3A_702, %ge3A_704 : vector<16xi32>
      %eq3A_706 = arith.constant 3 : i32
      %eq3A_707 = arith.cmpi eq, %select_n3A_30, %eq3A_706 : i32
      %and3A_708 = vector.broadcast %eq3A_707 : i1 to vector<16xi1>
      %and3A_709 = arith.andi %ge3A_705, %and3A_708 : vector<16xi1>
      %sub3A_710 = arith.constant 99968 : i32
      %sub3A_711 = vector.broadcast %sub3A_710 : i32 to vector<16xi32>
      %sub3A_712 = arith.subi %get3A_702, %sub3A_711 : vector<16xi32>
      %jit3A_713 = arith.constant 0 : i32
      %broadcast_in_dim3A_714 = vector.broadcast %jit3A_713 : i32 to vector<16xi32>
      %select_n3A_715 = arith.select %and3A_709, %sub3A_712, %broadcast_in_dim3A_714 : vector<16xi1>, vector<16xi32>
      %broadcast_in_dim3A_716 = arith.constant 0 : i32
      %broadcast_in_dim3A_717 = vector.broadcast %broadcast_in_dim3A_716 : i32 to vector<16xi32>
      %add3A_718 = vector.broadcast %multiple_of3A : i32 to vector<16xi32>
      %add3A_719 = arith.addi %add3A_718, %broadcast_in_dim3A_717 : vector<16xi32>
      %gather3A_720 = tpu.vector_load_idx %arg7[%select_n3A_715, %add3A_719] masked %and3A_709 : memref<32x64xf32, #tpu.memory_space<vmem>>[vector<16xi32>, vector<16xi32>], vector<16xf32>, vector<16xi1>
      %mul3A_721 = arith.constant 16 : i32
      %mul3A_722 = arith.muli %scan3A_698, %mul3A_721 : i32
      %get3A_723 = arith.constant 0 : i32
      %get3A_724 = arith.index_cast %get3A_723 : i32 to index
      %get3A_725 = arith.index_cast %mul3A_722 : i32 to index
      %get3A_726 = tpu.vector_load %arg9[%get3A_724, %get3A_725] {strides = array<i32>} : memref<8x1024xf32, #tpu.memory_space<vmem>>, vector<16xf32>,
      %select_n3A_727 = arith.select %and3A_709, %gather3A_720, %get3A_726 : vector<16xi1>, vector<16xf32>
      %mul3A_728 = arith.constant 16 : i32
      %mul3A_729 = arith.muli %scan3A_698, %mul3A_728 : i32
      %swap3A_730 = arith.constant 0 : i32
      %swap3A_731 = arith.index_cast %swap3A_730 : i32 to index
      %swap3A_732 = arith.index_cast %mul3A_729 : i32 to index
      %swap3A_733 = tpu.vector_load %arg9[%swap3A_731, %swap3A_732] {strides = array<i32>} : memref<8x1024xf32, #tpu.memory_space<vmem>>, vector<16xf32>,
      tpu.vector_store %arg9[%swap3A_731, %swap3A_732], %select_n3A_727 {strides = array<i32>} : memref<8x1024xf32, #tpu.memory_space<vmem>>, vector<16xf32>,
      %broadcast_in_dim3A_734 = arith.constant 1 : i32
      %broadcast_in_dim3A_735 = vector.broadcast %broadcast_in_dim3A_734 : i32 to vector<16xi32>
      %add3A_736 = vector.broadcast %multiple_of3A : i32 to vector<16xi32>
      %add3A_737 = arith.addi %add3A_736, %broadcast_in_dim3A_735 : vector<16xi32>
      %gather3A_738 = tpu.vector_load_idx %arg7[%select_n3A_715, %add3A_737] masked %and3A_709 : memref<32x64xf32, #tpu.memory_space<vmem>>[vector<16xi32>, vector<16xi32>], vector<16xf32>, vector<16xi1>
      %mul3A_739 = arith.constant 16 : i32
      %mul3A_740 = arith.muli %scan3A_698, %mul3A_739 : i32
      %get3A_741 = arith.constant 1 : i32
      %get3A_742 = arith.index_cast %get3A_741 : i32 to index
      %get3A_743 = arith.index_cast %mul3A_740 : i32 to index
      %get3A_744 = tpu.vector_load %arg9[%get3A_742, %get3A_743] {strides = array<i32>} : memref<8x1024xf32, #tpu.memory_space<vmem>>, vector<16xf32>,
      %select_n3A_745 = arith.select %and3A_709, %gather3A_738, %get3A_744 : vector<16xi1>, vector<16xf32>
      %mul3A_746 = arith.constant 16 : i32
      %mul3A_747 = arith.muli %scan3A_698, %mul3A_746 : i32
      %swap3A_748 = arith.constant 1 : i32
      %swap3A_749 = arith.index_cast %swap3A_748 : i32 to index
      %swap3A_750 = arith.index_cast %mul3A_747 : i32 to index
      %swap3A_751 = tpu.vector_load %arg9[%swap3A_749, %swap3A_750] {strides = array<i32>} : memref<8x1024xf32, #tpu.memory_space<vmem>>, vector<16xf32>,
      tpu.vector_store %arg9[%swap3A_749, %swap3A_750], %select_n3A_745 {strides = array<i32>} : memref<8x1024xf32, #tpu.memory_space<vmem>>, vector<16xf32>,
      %broadcast_in_dim3A_752 = arith.constant 2 : i32
      %broadcast_in_dim3A_753 = vector.broadcast %broadcast_in_dim3A_752 : i32 to vector<16xi32>
      %add3A_754 = vector.broadcast %multiple_of3A : i32 to vector<16xi32>
      %add3A_755 = arith.addi %add3A_754, %broadcast_in_dim3A_753 : vector<16xi32>
      %gather3A_756 = tpu.vector_load_idx %arg7[%select_n3A_715, %add3A_755] masked %and3A_709 : memref<32x64xf32, #tpu.memory_space<vmem>>[vector<16xi32>, vector<16xi32>], vector<16xf32>, vector<16xi1>
      %mul3A_757 = arith.constant 16 : i32
      %mul3A_758 = arith.muli %scan3A_698, %mul3A_757 : i32
      %get3A_759 = arith.constant 2 : i32
      %get3A_760 = arith.index_cast %get3A_759 : i32 to index
      %get3A_761 = arith.index_cast %mul3A_758 : i32 to index
      %get3A_762 = tpu.vector_load %arg9[%get3A_760, %get3A_761] {strides = array<i32>} : memref<8x1024xf32, #tpu.memory_space<vmem>>, vector<16xf32>,
      %select_n3A_763 = arith.select %and3A_709, %gather3A_756, %get3A_762 : vector<16xi1>, vector<16xf32>
      %mul3A_764 = arith.constant 16 : i32
      %mul3A_765 = arith.muli %scan3A_698, %mul3A_764 : i32
      %swap3A_766 = arith.constant 2 : i32
      %swap3A_767 = arith.index_cast %swap3A_766 : i32 to index
      %swap3A_768 = arith.index_cast %mul3A_765 : i32 to index
      %swap3A_769 = tpu.vector_load %arg9[%swap3A_767, %swap3A_768] {strides = array<i32>} : memref<8x1024xf32, #tpu.memory_space<vmem>>, vector<16xf32>,
      tpu.vector_store %arg9[%swap3A_767, %swap3A_768], %select_n3A_763 {strides = array<i32>} : memref<8x1024xf32, #tpu.memory_space<vmem>>, vector<16xf32>,
      %broadcast_in_dim3A_770 = arith.constant 3 : i32
      %broadcast_in_dim3A_771 = vector.broadcast %broadcast_in_dim3A_770 : i32 to vector<16xi32>
      %add3A_772 = vector.broadcast %multiple_of3A : i32 to vector<16xi32>
      %add3A_773 = arith.addi %add3A_772, %broadcast_in_dim3A_771 : vector<16xi32>
      %gather3A_774 = tpu.vector_load_idx %arg7[%select_n3A_715, %add3A_773] masked %and3A_709 : memref<32x64xf32, #tpu.memory_space<vmem>>[vector<16xi32>, vector<16xi32>], vector<16xf32>, vector<16xi1>
      %mul3A_775 = arith.constant 16 : i32
      %mul3A_776 = arith.muli %scan3A_698, %mul3A_775 : i32
      %get3A_777 = arith.constant 3 : i32
      %get3A_778 = arith.index_cast %get3A_777 : i32 to index
      %get3A_779 = arith.index_cast %mul3A_776 : i32 to index
      %get3A_780 = tpu.vector_load %arg9[%get3A_778, %get3A_779] {strides = array<i32>} : memref<8x1024xf32, #tpu.memory_space<vmem>>, vector<16xf32>,
      %select_n3A_781 = arith.select %and3A_709, %gather3A_774, %get3A_780 : vector<16xi1>, vector<16xf32>
      %mul3A_782 = arith.constant 16 : i32
      %mul3A_783 = arith.muli %scan3A_698, %mul3A_782 : i32
      %swap3A_784 = arith.constant 3 : i32
      %swap3A_785 = arith.index_cast %swap3A_784 : i32 to index
      %swap3A_786 = arith.index_cast %mul3A_783 : i32 to index
      %swap3A_787 = tpu.vector_load %arg9[%swap3A_785, %swap3A_786] {strides = array<i32>} : memref<8x1024xf32, #tpu.memory_space<vmem>>, vector<16xf32>,
      tpu.vector_store %arg9[%swap3A_785, %swap3A_786], %select_n3A_781 {strides = array<i32>} : memref<8x1024xf32, #tpu.memory_space<vmem>>, vector<16xf32>,
      %broadcast_in_dim3A_788 = arith.constant 4 : i32
      %broadcast_in_dim3A_789 = vector.broadcast %broadcast_in_dim3A_788 : i32 to vector<16xi32>
      %add3A_790 = vector.broadcast %multiple_of3A : i32 to vector<16xi32>
      %add3A_791 = arith.addi %add3A_790, %broadcast_in_dim3A_789 : vector<16xi32>
      %gather3A_792 = tpu.vector_load_idx %arg7[%select_n3A_715, %add3A_791] masked %and3A_709 : memref<32x64xf32, #tpu.memory_space<vmem>>[vector<16xi32>, vector<16xi32>], vector<16xf32>, vector<16xi1>
      %mul3A_793 = arith.constant 16 : i32
      %mul3A_794 = arith.muli %scan3A_698, %mul3A_793 : i32
      %get3A_795 = arith.constant 4 : i32
      %get3A_796 = arith.index_cast %get3A_795 : i32 to index
      %get3A_797 = arith.index_cast %mul3A_794 : i32 to index
      %get3A_798 = tpu.vector_load %arg9[%get3A_796, %get3A_797] {strides = array<i32>} : memref<8x1024xf32, #tpu.memory_space<vmem>>, vector<16xf32>,
      %select_n3A_799 = arith.select %and3A_709, %gather3A_792, %get3A_798 : vector<16xi1>, vector<16xf32>
      %mul3A_800 = arith.constant 16 : i32
      %mul3A_801 = arith.muli %scan3A_698, %mul3A_800 : i32
      %swap3A_802 = arith.constant 4 : i32
      %swap3A_803 = arith.index_cast %swap3A_802 : i32 to index
      %swap3A_804 = arith.index_cast %mul3A_801 : i32 to index
      %swap3A_805 = tpu.vector_load %arg9[%swap3A_803, %swap3A_804] {strides = array<i32>} : memref<8x1024xf32, #tpu.memory_space<vmem>>, vector<16xf32>,
      tpu.vector_store %arg9[%swap3A_803, %swap3A_804], %select_n3A_799 {strides = array<i32>} : memref<8x1024xf32, #tpu.memory_space<vmem>>, vector<16xf32>,
      %broadcast_in_dim3A_806 = arith.constant 5 : i32
      %broadcast_in_dim3A_807 = vector.broadcast %broadcast_in_dim3A_806 : i32 to vector<16xi32>
      %add3A_808 = vector.broadcast %multiple_of3A : i32 to vector<16xi32>
      %add3A_809 = arith.addi %add3A_808, %broadcast_in_dim3A_807 : vector<16xi32>
      %gather3A_810 = tpu.vector_load_idx %arg7[%select_n3A_715, %add3A_809] masked %and3A_709 : memref<32x64xf32, #tpu.memory_space<vmem>>[vector<16xi32>, vector<16xi32>], vector<16xf32>, vector<16xi1>
      %mul3A_811 = arith.constant 16 : i32
      %mul3A_812 = arith.muli %scan3A_698, %mul3A_811 : i32
      %get3A_813 = arith.constant 5 : i32
      %get3A_814 = arith.index_cast %get3A_813 : i32 to index
      %get3A_815 = arith.index_cast %mul3A_812 : i32 to index
      %get3A_816 = tpu.vector_load %arg9[%get3A_814, %get3A_815] {strides = array<i32>} : memref<8x1024xf32, #tpu.memory_space<vmem>>, vector<16xf32>,
      %select_n3A_817 = arith.select %and3A_709, %gather3A_810, %get3A_816 : vector<16xi1>, vector<16xf32>
      %mul3A_818 = arith.constant 16 : i32
      %mul3A_819 = arith.muli %scan3A_698, %mul3A_818 : i32
      %swap3A_820 = arith.constant 5 : i32
      %swap3A_821 = arith.index_cast %swap3A_820 : i32 to index
      %swap3A_822 = arith.index_cast %mul3A_819 : i32 to index
      %swap3A_823 = tpu.vector_load %arg9[%swap3A_821, %swap3A_822] {strides = array<i32>} : memref<8x1024xf32, #tpu.memory_space<vmem>>, vector<16xf32>,
      tpu.vector_store %arg9[%swap3A_821, %swap3A_822], %select_n3A_817 {strides = array<i32>} : memref<8x1024xf32, #tpu.memory_space<vmem>>, vector<16xf32>,
      %broadcast_in_dim3A_824 = arith.constant 6 : i32
      %broadcast_in_dim3A_825 = vector.broadcast %broadcast_in_dim3A_824 : i32 to vector<16xi32>
      %add3A_826 = vector.broadcast %multiple_of3A : i32 to vector<16xi32>
      %add3A_827 = arith.addi %add3A_826, %broadcast_in_dim3A_825 : vector<16xi32>
      %gather3A_828 = tpu.vector_load_idx %arg7[%select_n3A_715, %add3A_827] masked %and3A_709 : memref<32x64xf32, #tpu.memory_space<vmem>>[vector<16xi32>, vector<16xi32>], vector<16xf32>, vector<16xi1>
      %mul3A_829 = arith.constant 16 : i32
      %mul3A_830 = arith.muli %scan3A_698, %mul3A_829 : i32
      %get3A_831 = arith.constant 6 : i32
      %get3A_832 = arith.index_cast %get3A_831 : i32 to index
      %get3A_833 = arith.index_cast %mul3A_830 : i32 to index
      %get3A_834 = tpu.vector_load %arg9[%get3A_832, %get3A_833] {strides = array<i32>} : memref<8x1024xf32, #tpu.memory_space<vmem>>, vector<16xf32>,
      %select_n3A_835 = arith.select %and3A_709, %gather3A_828, %get3A_834 : vector<16xi1>, vector<16xf32>
      %mul3A_836 = arith.constant 16 : i32
      %mul3A_837 = arith.muli %scan3A_698, %mul3A_836 : i32
      %swap3A_838 = arith.constant 6 : i32
      %swap3A_839 = arith.index_cast %swap3A_838 : i32 to index
      %swap3A_840 = arith.index_cast %mul3A_837 : i32 to index
      %swap3A_841 = tpu.vector_load %arg9[%swap3A_839, %swap3A_840] {strides = array<i32>} : memref<8x1024xf32, #tpu.memory_space<vmem>>, vector<16xf32>,
      tpu.vector_store %arg9[%swap3A_839, %swap3A_840], %select_n3A_835 {strides = array<i32>} : memref<8x1024xf32, #tpu.memory_space<vmem>>, vector<16xf32>,
      %broadcast_in_dim3A_842 = arith.constant 7 : i32
      %broadcast_in_dim3A_843 = vector.broadcast %broadcast_in_dim3A_842 : i32 to vector<16xi32>
      %add3A_844 = vector.broadcast %multiple_of3A : i32 to vector<16xi32>
      %add3A_845 = arith.addi %add3A_844, %broadcast_in_dim3A_843 : vector<16xi32>
      %gather3A_846 = tpu.vector_load_idx %arg7[%select_n3A_715, %add3A_845] masked %and3A_709 : memref<32x64xf32, #tpu.memory_space<vmem>>[vector<16xi32>, vector<16xi32>], vector<16xf32>, vector<16xi1>
      %mul3A_847 = arith.constant 16 : i32
      %mul3A_848 = arith.muli %scan3A_698, %mul3A_847 : i32
      %get3A_849 = arith.constant 7 : i32
      %get3A_850 = arith.index_cast %get3A_849 : i32 to index
      %get3A_851 = arith.index_cast %mul3A_848 : i32 to index
      %get3A_852 = tpu.vector_load %arg9[%get3A_850, %get3A_851] {strides = array<i32>} : memref<8x1024xf32, #tpu.memory_space<vmem>>, vector<16xf32>,
      %select_n3A_853 = arith.select %and3A_709, %gather3A_846, %get3A_852 : vector<16xi1>, vector<16xf32>
      %mul3A_854 = arith.constant 16 : i32
      %mul3A_855 = arith.muli %scan3A_698, %mul3A_854 : i32
      %swap3A_856 = arith.constant 7 : i32
      %swap3A_857 = arith.index_cast %swap3A_856 : i32 to index
      %swap3A_858 = arith.index_cast %mul3A_855 : i32 to index
      %swap3A_859 = tpu.vector_load %arg9[%swap3A_857, %swap3A_858] {strides = array<i32>} : memref<8x1024xf32, #tpu.memory_space<vmem>>, vector<16xf32>,
      tpu.vector_store %arg9[%swap3A_857, %swap3A_858], %select_n3A_853 {strides = array<i32>} : memref<8x1024xf32, #tpu.memory_space<vmem>>, vector<16xf32>,
      %scan3A_860 = arith.constant 0 : i32
      scf.yield %scan3A_860 : i32
    }
    %scan3A_205 = arith.constant 64 : i32
    %mul3A_206 = arith.constant 64 : i32
    %mul3A_207 = arith.muli %select_n3A_30, %mul3A_206 : i32
    %add3A_208 = arith.addi %mul3A_207, %multiple_of3A : i32
    %multiple_of3A_209 = tpu.assume_multiple %add3A_208, 8 : i32
    "tpu.region"() ({
      %run_scoped3A = tpu.sem_alloc : memref<!tpu.dma_semaphore, #tpu.memory_space<semaphore_mem>>
      %dma_start3A_210 = arith.constant 0 : i32
      %dma_start3A_211 = tpu.memref_slice %arg5[%multiple_of3A_209, %dma_start3A_210] : memref<256x1024xf32, #tpu.memory_space<hbm>> -> memref<8x1024xf32, #tpu.memory_space<hbm>>
      %dma_start3A_212 = arith.constant 0 : i32
      %dma_start3A_213 = tpu.memref_slice %arg5[%multiple_of3A_209, %dma_start3A_212] : memref<256x1024xf32, #tpu.memory_space<hbm>> -> memref<8x1024xf32, #tpu.memory_space<hbm>>
      tpu.enqueue_dma source(%arg9 : memref<8x1024xf32, #tpu.memory_space<vmem>>) target(%dma_start3A_213 : memref<8x1024xf32, #tpu.memory_space<hbm>>) target_semaphore(%run_scoped3A : memref<!tpu.dma_semaphore, #tpu.memory_space<semaphore_mem>>)
      %dma_wait3A_214 = arith.constant 0 : i32
      %dma_wait3A_215 = tpu.memref_slice %arg5[%multiple_of3A_209, %dma_wait3A_214] : memref<256x1024xf32, #tpu.memory_space<hbm>> -> memref<8x1024xf32, #tpu.memory_space<hbm>>
      %dma_wait3A_216 = arith.constant 0 : i32
      %dma_wait3A_217 = tpu.memref_slice %arg5[%multiple_of3A_209, %dma_wait3A_216] : memref<256x1024xf32, #tpu.memory_space<hbm>> -> memref<8x1024xf32, #tpu.memory_space<hbm>>
      tpu.wait_dma2 semaphore(%run_scoped3A : memref<!tpu.dma_semaphore, #tpu.memory_space<semaphore_mem>>) src(%arg9 : memref<8x1024xf32, #tpu.memory_space<vmem>>) dst(%dma_wait3A_217 : memref<8x1024xf32, #tpu.memory_space<hbm>>)
      tpu.yield
    }) : () -> ()
    return
  }
}

module attributes {stable_mosaic.version = 14 : i64} {
  func.func @_mm_body(%arg0: i32, %arg1: memref<64x6144xf32, #tpu.memory_space<vmem>>, %arg2: memref<256x1024xf32, #tpu.memory_space<vmem>>, %arg3: memref<6144x1024xf32, #tpu.memory_space<vmem>>) attributes {dimension_semantics = [#tpu.dimension_semantics<arbitrary>], iteration_bounds = array<i64: 17>, scalar_prefetch = 0 : i64, scratch_operands = 0 : i64, tpu.core_type = #tpu.core_type<tc>, window_params = [{transform_indices = @transform_0, window_bounds = array<i64: 64, 6144>}, {pipeline_mode = #tpu.pipeline_mode<synchronous>, transform_indices = @transform_1, window_bounds = array<i64: 256, 1024>}, {transform_indices = @transform_2, window_bounds = array<i64: 6144, 1024>}]} {
    %get3A = arith.constant 0 : index
    %get3A_0 = arith.constant 0 : index
    %get3A_1 = vector.load %arg2[%get3A, %get3A_0] : memref<256x1024xf32, #tpu.memory_space<vmem>>, vector<64x1024xf32>
    %get3A_2 = arith.constant 64 : index
    %get3A_3 = arith.constant 0 : index
    %get3A_4 = vector.load %arg2[%get3A_2, %get3A_3] : memref<256x1024xf32, #tpu.memory_space<vmem>>, vector<64x1024xf32>
    %add3A = arith.addf %get3A_1, %get3A_4 : vector<64x1024xf32>
    %get3A_5 = arith.constant 128 : index
    %get3A_6 = arith.constant 0 : index
    %get3A_7 = vector.load %arg2[%get3A_5, %get3A_6] : memref<256x1024xf32, #tpu.memory_space<vmem>>, vector<64x1024xf32>
    %add3A_8 = arith.addf %add3A, %get3A_7 : vector<64x1024xf32>
    %get3A_9 = arith.constant 192 : index
    %get3A_10 = arith.constant 0 : index
    %get3A_11 = vector.load %arg2[%get3A_9, %get3A_10] : memref<256x1024xf32, #tpu.memory_space<vmem>>, vector<64x1024xf32>
    %add3A_12 = arith.addf %add3A_8, %get3A_11 : vector<64x1024xf32>
    %get3A_13 = arith.constant 0 : index
    %get3A_14 = arith.constant 0 : index
    %get3A_15 = vector.load %arg1[%get3A_13, %get3A_14] : memref<64x6144xf32, #tpu.memory_space<vmem>>, vector<64x6144xf32>
    %dot_general3A = arith.constant dense<0.000000e+00> : vector<6144x1024xf32>
    %dot_general3A_16 = tpu.matmul %get3A_15, %add3A_12, %dot_general3A {dimension_numbers = #tpu.dot_dimension_numbers<[0], [0], [1], [1], [0, 1, 1, 1], [], []>, transpose_lhs_hint = false} : vector<64x6144xf32>, vector<64x1024xf32>, vector<6144x1024xf32> -> vector<6144x1024xf32>
    %mul3A = arith.constant 1.250000e-01 : f32
    %mul3A_17 = vector.broadcast %mul3A : f32 to vector<6144x1024xf32>
    %mul3A_18 = arith.mulf %dot_general3A_16, %mul3A_17 : vector<6144x1024xf32>
    %swap3A = arith.constant 0 : index
    %swap3A_19 = arith.constant 0 : index
    %swap3A_20 = vector.load %arg3[%swap3A, %swap3A_19] : memref<6144x1024xf32, #tpu.memory_space<vmem>>, vector<6144x1024xf32>
    tpu.vector_store %arg3[%swap3A, %swap3A_19], %mul3A_18 {strides = array<i32>} : memref<6144x1024xf32, #tpu.memory_space<vmem>>, vector<6144x1024xf32>,
    return
  }
  func.func @transform_0(%arg0: i32) -> (i32, i32) {
    %c0_i32 = arith.constant 0 : i32
    %c0_i32_0 = arith.constant 0 : i32
    return %c0_i32, %arg0 : i32, i32
  }
  func.func @transform_1(%arg0: i32) -> (i32, i32) {
    %c0_i32 = arith.constant 0 : i32
    %c0_i32_0 = arith.constant 0 : i32
    %c0_i32_1 = arith.constant 0 : i32
    return %c0_i32, %c0_i32_0 : i32, i32
  }
  func.func @transform_2(%arg0: i32) -> (i32, i32) {
    %c0_i32 = arith.constant 0 : i32
    %c0_i32_0 = arith.constant 0 : i32
    return %arg0, %c0_i32 : i32, i32
  }
}

</mosaic_0001>

<sc_bundles>
// kernel: kernel.4.cloned.1.call-start
scs
__scs_entry_jumppad:
0x0: {  	(pc) =	sbr.rel $0x88, $3  }
0x1: {  	(tag) =	ssettag $0x0;
	lr =	simm.s32 $0x1  }
0x2: {  	[smem:$0x3F9E] =	sst lr;
	_ =	strace $0xD0000000  }
0x3: {  	_ = 	snop  }
0x4: {  	_ = 	snop  }
0x5: {  	_ = 	snop  }
0x6: {  	_ = 	snop  }
0x7: {  	_ = 	snop  }
__scs_overlays_trampoline_lowered:
0x8: {  	[smem:$0x3FAD] =	sst s0  }
0x9: {  	[smem:$0x3FAE] =	sst s1  }
0xa: {  	[smem:$0x3FAF] =	sst s2  }
0xb: {  	[smem:$0x3FB0] =	sst s3  }
0xc: {  	[smem:$0x3FB1] =	sst s4  }
0xd: {  	[smem:$0x3FB2] =	sst s5  }
0xe: {  	[smem:$0x3FB3] =	sst s6  }
0xf: {  	[smem:$0x3FB4] =	sst s7  }
0x10: {  	[smem:$0x3FB5] =	sst s8  }
0x11: {  	[smem:$0x3FB6] =	sst s9;
	s0 =	simm.s32 @!p0 $0x0  }
0x12: {  	s1 =	sld [smem:$0x3F9C];
	s0 =	simm.s32 @p0 $0x1  }
0x13: {  	[smem:$0x3FB7] =	sst s0;
	s0 =	simm.s32 @!p1 $0x0  }
0x14: {  	s2 =	sld [smem:$0x3F9B];
	s0 =	simm.s32 @p1 $0x1  }
0x15: {  	[smem:$0x3FB8] =	sst s0;
	s0 =	simm.s32 @!p2 $0x0  }
0x16: {  	s3 =	sld [smem:$0x3FDB];
	s0 =	simm.s32 @p2 $0x1  }
0x17: {  	s4 =	simm.s32 $0x1BF5;
	[smem:$0x3FBA] =	sst s0  }
0x18: {  	s0 =	sld [smem:$0x3F9D];
	_ =	swait.ge [sflag:s4], $0x0  }
0x19: {  	s7 =	sld [smem:$0x3F9E]  }
0x1a: {  	s8 =	sadd.s32 $0xFFFFE003, lr  }
0x1b: {  	s9 =	sadd.s32 $0xFFFFFEF7, lr;
	s5 =	simm.s32 $0xFFFFFFFF;
	p2 =	slt.u32 s8, $0xFFFFF086  }
0x1c: {  	p1 =	slt.u32 s9, $0xF7A;
	s5 =	simm.s32 @!p2 $0x0  }
0x1d: {  	s5 =	simm.s32 @p1 $0x1;
	p0 =	seq.s32 s7, s2  }
0x1e: {  	s7 =	smul.u32 @!p0 $0xF7A, s2;
	p2 =	seq.s32 @!p0 s5, $0x0  }
0x1f: {  	s9 =	smul.u32 $0xF7A, s1;
	s8 =	simm.s32 @!p0 $0x1BF5;
	p2 =	por !p2, p0  }
0x20: {  	[sflag:s8] =	ssyncset.s32 @!p0 $0xFFFFF086;
	s6 =	sadd.s32 @!p0 s3, s7;
	s7 =	simm.s32 @!p0 $0x108  }
0x21: {  	s3 =	sadd.s32 s3, s9;
	s6 =	sadd.s32 @!p0 $0x88, s6;
	s7 =	simm.s32 @p2 $0x1082  }
0x22: {  	[simem:s7], [sflag:s8] =	dma.local @!p0 [hbm:s6], $0xF7A  }
0x23: {  	s9 =	sor.u32 $0xD0000000, s2;
	s6 =	simm.s32 $0x108;
	_ =	swait.ge @!p0 [sflag:s8], $0x0  }
0x24: {  	s3 =	sadd.s32 $0x88, s3;
	s6 =	simm.s32 @!p1 $0x1082;
	[sflag:s4] =	ssyncset.s32 $0xFFFFF086  }
0x25: {  	[simem:s6], [sflag:s4] =	dma.local [hbm:s3], $0xF7A  }
0x26: {  	[smem:$0x3F9E] =	sst s1;
	(tag) =	ssettag s2;
	_ =	strace s9  }
0x27: {  	s1 =	sld [smem:$0x3FAE]  }
0x28: {  	s2 =	sld [smem:$0x3FAF]  }
0x29: {  	s4 =	sld [smem:$0x3FB1]  }
0x2a: {  	p0 =	seq.s32 s5, $0x0;
	s5 =	sld [smem:$0x3FB2]  }
0x2b: {  	s6 =	sld [smem:$0x3FB3]  }
0x2c: {  	s7 =	sld [smem:$0x3FB4]  }
0x2d: {  	s3 =	simm.s32 $0x108;
	s8 =	sld [smem:$0x3FB5]  }
0x2e: {  	s3 =	simm.s32 @!p0 $0x1082;
	s9 =	sld [smem:$0x3FB6]  }
0x2f: {  	lr =	sadd.s32 s0, s3;
	s0 =	sld [smem:$0x3FAD]  }
0x30: {  	s3 =	sld [smem:$0x3FB0]  }
0x31: {  	[smem:$0x3FB9] =	sst s10  }
0x32: {  	s10 =	sld [smem:$0x3FB7];
	_ =	sdelay $0x3  }
0x33: {  	p0 =	seq.s32 s10, $0x1;
	s10 =	sld [smem:$0x3FB9];
	_ =	sdelay $0x3  }
0x34: {  	[smem:$0x3FB9] =	sst s10  }
0x35: {  	s10 =	sld [smem:$0x3FB8];
	_ =	sdelay $0x3  }
0x36: {  	p1 =	seq.s32 s10, $0x1;
	s10 =	sld [smem:$0x3FB9];
	_ =	sdelay $0x3  }
0x37: {  	[smem:$0x3FB9] =	sst s10  }
0x38: {  	s10 =	sld [smem:$0x3FBA]  }
0x39: {  	_ = 	snop;
	(pc) =	sbr.ind lr, $3  }
0x3a: {  	_ = 	snop  }
0x3b: {  	_ = 	snop  }
0x3c: {  	p2 =	seq.s32 s10, $0x1;
	s10 =	sld [smem:$0x3FB9]  }
0x3d: {  	_ =	shalt  }
0x3e: {  	_ =	shalt  }
0x3f: {  	_ =	shalt  }
0x40: {  	_ =	shalt  }
0x41: {  	_ =	shalt  }
0x42: {  	_ =	shalt  }
0x43: {  	_ =	shalt  }
0x44: {  	_ =	shalt  }
0x45: {  	_ =	shalt  }
0x46: {  	_ =	shalt  }
0x47: {  	_ =	shalt  }
0x48: {  	_ =	shalt  }
0x49: {  	_ =	shalt  }
0x4a: {  	_ =	shalt  }
0x4b: {  	_ =	shalt  }
0x4c: {  	_ =	shalt  }
0x4d: {  	_ =	shalt  }
0x4e: {  	_ =	shalt  }
0x4f: {  	_ =	shalt  }
0x50: {  	_ =	shalt  }
0x51: {  	_ =	shalt  }
0x52: {  	_ =	shalt  }
0x53: {  	_ =	shalt  }
0x54: {  	_ =	shalt  }
0x55: {  	_ =	shalt  }
0x56: {  	_ =	shalt  }
0x57: {  	_ =	shalt  }
0x58: {  	_ =	shalt  }
0x59: {  	_ =	shalt  }
0x5a: {  	_ =	shalt  }
0x5b: {  	_ =	shalt  }
0x5c: {  	_ =	shalt  }
0x5d: {  	_ =	shalt  }
0x5e: {  	_ =	shalt  }
0x5f: {  	_ =	shalt  }
0x60: {  	_ =	shalt  }
0x61: {  	_ =	shalt  }
0x62: {  	_ =	shalt  }
0x63: {  	_ =	shalt  }
0x64: {  	_ =	shalt  }
0x65: {  	_ =	shalt  }
0x66: {  	_ =	shalt  }
0x67: {  	_ =	shalt  }
0x68: {  	_ =	shalt  }
0x69: {  	_ =	shalt  }
0x6a: {  	_ =	shalt  }
0x6b: {  	_ =	shalt  }
0x6c: {  	_ =	shalt  }
0x6d: {  	_ =	shalt  }
0x6e: {  	_ =	shalt  }
0x6f: {  	_ =	shalt  }
0x70: {  	_ =	shalt  }
0x71: {  	_ =	shalt  }
0x72: {  	_ =	shalt  }
0x73: {  	_ =	shalt  }
0x74: {  	_ =	shalt  }
0x75: {  	_ =	shalt  }
0x76: {  	_ =	shalt  }
0x77: {  	_ =	shalt  }
0x78: {  	_ =	shalt  }
0x79: {  	_ =	shalt  }
0x7a: {  	_ =	shalt  }
0x7b: {  	_ =	shalt  }
0x7c: {  	_ =	shalt  }
0x7d: {  	_ =	shalt  }
0x7e: {  	_ =	shalt  }
0x7f: {  	_ =	shalt  }
0x80: {  	_ =	shalt  }
0x81: {  	_ =	shalt  }
0x82: {  	_ =	shalt  }
0x83: {  	_ =	shalt  }
0x84: {  	_ =	shalt  }
0x85: {  	_ =	shalt  }
0x86: {  	_ =	shalt  }
0x87: {  	_ =	shalt  }
.Lfunc_end0:
.L_simem_size_0:
called_computation_lowered:
.L_overlay_start_0:
0x88: {  	s2 =	sld [smem:$0x3FD9]  }
0x89: {  	s3 =	sld [smem:$0x3FFE];
	_ =	sdelay $0x1  }
0x8a: {  	s1 =	srdreg.scid  }
0x8b: {  	s0 =	sand.u32 $0x1, s1  }
0x8c: {  	s17 =	sshll.u32 s0, $0xA;
	s2 =	sadd.s32 s3, s2  }
0x8d: {  	s2 =	sadd.s32 s2, s17  }
0x8e: {  	[smem:$0x3FC5] =	sst s2  }
0x8f: {  	_ = 	snop  }
0x90: {  	s2 =	sld [smem:$0x3FC7]  }
0x91: {  	s18 =	sld [smem:$0x3FD0];
	(tm) =	ssettm $0x1  }
0x92: {  	s4 =	sld [smem:$0x3FFB];
	_ =	sdelay $0x3  }
0x93: {  	_ =	strace s4  }
0x94: {  	s4 =	sld [smem:$0x3FFC];
	_ =	sdelay $0x3  }
0x95: {  	_ =	strace s4  }
0x96: {  	s4 =	sld [smem:$0x3FFD];
	_ =	sdelay $0x3  }
0x97: {  	_ =	strace s4  }
0x98: {  	_ =	strace $0x8FFFFFFF  }
0x99: {  	s19 =	sld [smem:$0x3FDB];
	_ =	sdelay $0x1  }
0x9a: {  	s5 =	simm.s32 $_scs_section_size  }
0x9b: {  	s6 =	simm.s32 $_size__tile_overlayer_lowered;
	s7 =	simm.s32 $_tile_overlayer_lowered  }
0x9c: {  	s22 =	simm.s32 $0x1BFF;
	s21 =	sshll.u32 s7, $0x1;
	s4 =	sadd.s32 s5, s19  }
0x9d: {  	s8 =	simm.s32 $0x0;
	s20 =	sshll.u32 s6, $0x1;
	s6 =	sadd.s32 s21, s4  }
0x9e: {  	[timem:s8], [sflag:s22] =	dma.local [hbm:s6], s20  }
0x9f: {  	_ =	swait.ge [sflag:s22], s20  }
0xa0: {  	s5 =	ssub.s32 $0x0, s20;
	[sflag:s22] =	ssyncset.done $0x0  }
0xa1: {  	[sflag:s22] =	ssyncadd.s32 s5;
	_ =	sdelay $0x1  }
0xa2: {  	s23 =	simm.s32 $0x1B8B  }
0xa3: {  	_ =	swait.ge [sflag:s23], $0x1  }
0xa4: {  	[sflag:s23] =	ssyncset.done $0x0  }
0xa5: {  	s25 =	simm.s32 $0x1B8E;
	s24 =	sld [smem:$0x3FFE];
	[sflag:s23] =	ssyncadd.s32 $0xFFFFFFFF  }
0xa6: {  	s26 =	simm.s32 $execute0_lowered;
	[smem:$0x3FD2] =	sst s25  }
0xa7: {  	s6 =	sshll.u32 s26, $0x1;
	_ =	strace $0x80000046;
	[dreg:$0x1] =	wrdreg $0xFFFFFFFF  }
0xa8: {  	s28 =	simm.s32 $_size_execute0_lowered;
	s4 =	sadd.s32 s4, s6;
	[dreg:$0x0] =	wrdreg $0x0  }
0xa9: {  	s6 =	sshll.u32 s28, $0x1;
	[dreg:$0x2] =	wrdreg s4  }
0xaa: {  	[dreg:$0x3] =	wrdreg s6  }
0xab: {  	[dreg:$0x4] =	wrdreg $0xC0  }
0xac: {  	_ =	task [dreg:s8], $0x5FFFF  }
0xad: {  	[dreg:$0x1] =	wrdreg $0xFFFFFFFF  }
0xae: {  	[dreg:$0x0] =	wrdreg $0x60  }
0xaf: {  	[dreg:$0x2] =	wrdreg s2  }
0xb0: {  	[dreg:$0x3] =	wrdreg s18  }
0xb1: {  	[dreg:$0x4] =	wrdreg s24  }
0xb2: {  	[dreg:$0x5] =	wrdreg $0x9  }
0xb3: {  	_ =	task.clear_ibuf [dreg:s8], $0x6FFFF;
	_ =	strace $0x90000046  }
0xb4: {  	s29 =	simm.s32 $0x9;
	_ =	strace $0x80000048  }
0xb5: {  	_ =	swait.ge [sflag:s29], $0x1  }
0xb6: {  	[sflag:s29] =	ssyncadd.s32 $0xFFFFFFFF  }
0xb7: {  	_ =	strace $0x90000048  }
0xb8: {  	_ =	sfence  }
0xb9: {  	s30 =	sld [smem:$0x0];
	_ =	sdelay $0x2  }
0xba: {  	s31 =	sshll.u32 s1, $0xD;
	s1 =	sshrl.u32 s1, $0x2  }
0xbb: {  	s3 =	sand.u32 $0x4000, s31;
	s1 =	sadd.s32 s1, s30  }
0xbc: {  	s0 =	sor.u32 s3, s0;
	s1 =	sshll.u32 s1, $0x11  }
0xbd: {  	s0 =	sor.u32 s1, s0  }
0xbe: {  	s0 =	sadd.s32 $0x8F2B, s0  }
0xbf: {  	[sflag:s0] =	ssyncadd.remote.s32 $0x1  }
0xc0: {  	_ =	sfence.sel $0xFFFF  }
0xc1: {  	[dreg:$0x0] =	wrdreg $0xFFFFFFFF;
	(pc) =	sbr.abs _section_cstart, $3  }
0xc2: {  	[dreg:$0x1] =	wrdreg $0xFFFFFFFF  }
0xc3: {  	_ =	task.clear_ibuf [dreg:s8], $0x2FFFF;
	_ =	strace $0x9FFFFFFF  }
0xc4: {  	(tm) =	ssettm $0x7FFFFFFF  }
0xc5: {  	_ =	shalt  }
tec
execute0_lowered:
.L_overlay_start_1:
0x0: {  	(tag) =	ssettag $0x1  }
0x1: {  	s6 =	rddreg [dreg:$0x0]  }
0x2: {  	s1 =	rddreg [dreg:$0x1]  }
0x3: {  	s5 =	rddreg [dreg:$0x2]  }
0x4: {  	s0 =	rddreg [dreg:$0x3];
	s3 =	simm.s32 $0x0  }
0x5: {  	s2 =	stileid.u32;
	s7 =	srdreg.scid;
	s17 =	simm.s32 $0x0  }
0x6: {  	[smem:$0x7FF] =	sst s3;
	s4 =	sadd.s32 $0x400, s5;
	s8 =	sshll.u32 s2, $0x1  }
0x7: {  	s9 =	sshrl.u32 s2, $0x1;
	s7 =	sand.u32 $0x1, s7;
	_ =	strace $0x80000047  }
0x8: {  	s8 =	sand.u32 $0x2, s8;
	s10 =	ssub.s32 $0x2, s7;
	s25 =	smul.u32 $0xC3800, s9  }
0x9: {  	s11 =	sshll.u32 s9, $0xA;
	s9 =	sshll.u32 s9, $0x3;
	s7 =	sor.u32 s7, s8  }
0xa: {  	s12 =	sshrl.u32 s10, $0x1;
	s11 =	sadd.s32 s11, s5;
	s13 =	smul.u32 $0x30C00, s7  }
0xb: {  	s10 =	ssub.s32 s10, s12;
	s26 =	smul.u32 $0x6180, s7;
	s8 =	sshrl.u32 s25, $0x3  }
0xc: {  	p0 =	seq.s32 s7, $0x3;
	s30 =	sshll.u32 s7, $0xD;
	s8 =	sadd.s32 s6, s8  }
0xd: {  	s31 =	sadd.s32 s30, s11;
	s10 =	smax.u32 s10, $0x1;
	s11 =	simm.s32 $0x3  }
0xe: {  	v5 =	vmov s9;
	s28 =	sadd.s32 s25, s13;
	s29 =	sadd.s32 $0x6200, s26;
	s14 =	sadd.s32 $0x6180, s26  }
0xf: {  	vm0 =	vmxor vm0, vm0;
	v7 =	vor.u32 $0x1, v5;
	v8 =	vor.u32 $0x2, v5;
	s15 =	sadd.s32 $0x1880, s26;
	s16 =	sadd.s32 $0x3100, s26;
	s12 =	sadd.s32 $0x4980, s26  }
0x10: {  	v9 =	vor.u32 $0x3, v5;
	v10 =	vor.u32 $0x4, v5;
	v11 =	vor.u32 $0x5, v5;
	s9 =	sadd.s32 $0x600, s31;
	s13 =	simm.s32 $0xC400;
	s5 =	sshrl.u32 s28, $0x3  }
0x11: {  	v12 =	vor.u32 $0x6, v5;
	v13 =	vor.u32 $0x7, v5;
	s14 =	simm.s32 @p0 $0x18680;
	v3 =	vmov s16;
	s7 =	sadd.s32 s16, s8;
	s16 =	simm.s32 $0x19C00  }
0x12: {  	vm0 =	vmneg @p0 vm0;
	v0 =	vmov s26;
	v1 =	vmov s15;
	s5 =	sadd.s32 s6, s5;
	s6 =	sadd.s32 s15, s8;
	s8 =	sadd.s32 s12, s8  }
0x13: {  	v4 =	vmov s12;
	v6 =	vmov s29;
	v2 =	vmov s14;
	s12 =	simm.s32 $0x18800;
	s14 =	simm.s32 $0x1;
	s15 =	simm.s32 $0x2  }
.LBB2_1:
0x14: {  	[tilespmem:s3], [sflag:$0x1] =	stream.linear.gather [hbm4b:s5+s3], $0xC400, $0x38;
	[tilespmem:$0x1BC00] =	vst v63  }
0x15: {  	s18 =	simm.s32 $0x19800  }
0x16: {  	[tilespmem:s18], [sflag:$0x3] =	stream.linear.gather [hbm4b:s4+s3], $0x400, $0x38;
	[tilespmem:$0x1BC00] =	vst v63  }
0x17: {  	_ =	swait.ge [sflag:s11], $0x400  }
0x18: {  	[sflag:s11] =	ssyncset.done $0x0  }
0x19: {  	[sflag:s11] =	ssyncadd.s32 $0xFFFFFC00  }
0x1a: {  	[tilespmem:s12], [sflag:$0x3] =	stream.linear.gather [hbm4b:s1+s3], $0x1000, $0x38;
	[tilespmem:$0x1BC00] =	vst v63  }
0x1b: {  	_ =	swait.ge [sflag:s11], $0x1000  }
0x1c: {  	[sflag:s11] =	ssyncset.done $0x0  }
0x1d: {  	[sflag:s11] =	ssyncadd.s32 $0xFFFFF000  }
0x1e: {  	[tilespmem:s13], [sflag:$0x2] =	stream.linear.gather [hbm4b:s6+s3], $0xC400, $0x38;
	[tilespmem:$0x1BC00] =	vst v63  }
0x1f: {  	_ =	swait.ge [sflag:s14], $0xC400  }
0x20: {  	s19 =	simm.s32 $0xFFFFFFFC;
	p0 =	por $0x0, $0x0;
	[sflag:s14] =	ssyncset.done $0x0  }
0x21: {  	s20 =	simm.s32 $0x0;
	s21 =	simm.s32 $0x0;
	[sflag:s14] =	ssyncadd.s32 $0xFFFF3C00  }
.LBB2_2:
0x22: {  	v14 =	vld [tilespmem:s18+$0x0];
	_ =	sdelay $0x4  }
0x23: {  	vm1 =	vlt.s32 v14, v1;
	vm2 =	vlt.s32 v14, v2  }
0x24: {  	vm3 =	vge.s32 v14, v0;
	vm1 =	vmand vm1, vm2  }
0x25: {  	v14 =	vsub.s32 v14, v0;
	vm1 =	vmand vm1, vm3  }
0x26: {  	v14 =	vnsel vm1, $0x0, v14  }
0x27: {  	v15 =	vshll.u32 v14, $0x3  }
0x28: {  	v14 =	vand.u32 $0x7F, v14;
	v15 =	vand.u32 $0xFFFFFC00, v15  }
0x29: {  	v14 =	vor.u32 v14, v15;
	_ =	sdelay $0x4  }
0x2a: {  	v15 =	vld.idx.msk [tilespmem:v14+s3+$0x0], vm1;
	_ =	sdelay $0x1  }
0x2b: {  	v16 =	vor.u32 $0x80, v14  }
0x2c: {  	s22 =	sand.u32 $0x1C00, s21  }
0x2d: {  	s24 =	sand.u32 $0x40, s20;
	s22 =	sadd.s32 $0x19C00, s22  }
0x2e: {  	s23 =	sor.u32 s24, s22;
	v15 =	vnsel vm1, $0x0, v15  }
0x2f: {  	[tilespmem:s23+$0x0] =	vst v15  }
0x30: {  	v15 =	vld.idx.msk [tilespmem:v16+s3+$0x0], vm1;
	_ =	sdelay $0x1  }
0x31: {  	v41 =	vor.u32 $0x100, v14;
	_ =	sdelay $0x2  }
0x32: {  	v15 =	vnsel vm1, $0x0, v15  }
0x33: {  	[tilespmem:s23+$0x80] =	vst v15  }
0x34: {  	v15 =	vld.idx.msk [tilespmem:v41+s3+$0x0], vm1;
	_ =	sdelay $0x1  }
0x35: {  	v42 =	vor.u32 $0x180, v14;
	_ =	sdelay $0x2  }
0x36: {  	v15 =	vnsel vm1, $0x0, v15  }
0x37: {  	[tilespmem:s23+$0x100] =	vst v15  }
0x38: {  	v15 =	vld.idx.msk [tilespmem:v42+s3+$0x0], vm1;
	_ =	sdelay $0x1  }
0x39: {  	v43 =	vor.u32 $0x200, v14;
	_ =	sdelay $0x2  }
0x3a: {  	v15 =	vnsel vm1, $0x0, v15  }
0x3b: {  	[tilespmem:s23+$0x180] =	vst v15  }
0x3c: {  	v15 =	vld.idx.msk [tilespmem:v43+s3+$0x0], vm1  }
0x3d: {  	s23 =	simm.s32 $0x1  }
0x3e: {  	v44 =	vor.u32 $0x280, v14;
	s23 =	simm.s32 @!p0 $0x0  }
0x3f: {  	s23 =	sshll.u32 s23, $0x6  }
0x40: {  	s23 =	sadd.s32 s23, s21  }
0x41: {  	s25 =	sor.u32 $0x200, s23;
	v15 =	vnsel vm1, $0x0, v15  }
0x42: {  	[tilespmem:s25+$0x19C00] =	vst v15  }
0x43: {  	v15 =	vld.idx.msk [tilespmem:v44+s3+$0x0], vm1;
	_ =	sdelay $0x1  }
0x44: {  	v45 =	vor.u32 $0x300, v14;
	_ =	sdelay $0x2  }
0x45: {  	s31 =	sor.u32 $0x280, s23;
	v15 =	vnsel vm1, $0x0, v15  }
0x46: {  	[tilespmem:s31+$0x19C00] =	vst v15  }
0x47: {  	v15 =	vld.idx.msk [tilespmem:v45+s3+$0x0], vm1;
	_ =	sdelay $0x1  }
0x48: {  	v14 =	vor.u32 $0x380, v14;
	_ =	sdelay $0x2  }
0x49: {  	s26 =	sor.u32 $0x300, s23;
	v15 =	vnsel vm1, $0x0, v15  }
0x4a: {  	[tilespmem:s26+$0x19C00] =	vst v15  }
0x4b: {  	v14 =	vld.idx.msk [tilespmem:v14+s3+$0x0], vm1;
	_ =	sdelay $0x3  }
0x4c: {  	s28 =	sor.u32 s21, s20;
	s26 =	sand.u32 $0x380, s20  }
0x4d: {  	s28 =	sor.u32 $0x380, s28;
	s29 =	sor.u32 $0x10, s24;
	s25 =	sor.u32 $0x19800, s26;
	v14 =	vnsel vm1, $0x0, v14  }
0x4e: {  	s26 =	sor.u32 s29, s25;
	[tilespmem:s28+$0x19C00] =	vst v14  }
0x4f: {  	v14 =	vld [tilespmem:s26+$0x0];
	_ =	sdelay $0x4  }
0x50: {  	vm1 =	vlt.s32 v14, v1;
	vm2 =	vlt.s32 v14, v2  }
0x51: {  	vm3 =	vge.s32 v14, v0;
	vm1 =	vmand vm1, vm2  }
0x52: {  	v14 =	vsub.s32 v14, v0;
	vm1 =	vmand vm1, vm3  }
0x53: {  	v14 =	vnsel vm1, $0x0, v14  }
0x54: {  	v15 =	vshll.u32 v14, $0x3  }
0x55: {  	v14 =	vand.u32 $0x7F, v14;
	v15 =	vand.u32 $0xFFFFFC00, v15  }
0x56: {  	v14 =	vor.u32 v14, v15;
	_ =	sdelay $0x4  }
0x57: {  	v15 =	vld.idx.msk [tilespmem:v14+s3+$0x0], vm1;
	_ =	sdelay $0x1  }
0x58: {  	v46 =	vor.u32 $0x80, v14;
	_ =	sdelay $0x2  }
0x59: {  	s29 =	sor.u32 s29, s22;
	v15 =	vnsel vm1, $0x0, v15  }
0x5a: {  	[tilespmem:s29+$0x0] =	vst v15  }
0x5b: {  	v15 =	vld.idx.msk [tilespmem:v46+s3+$0x0], vm1;
	_ =	sdelay $0x1  }
0x5c: {  	v47 =	vor.u32 $0x100, v14;
	_ =	sdelay $0x2  }
0x5d: {  	v15 =	vnsel vm1, $0x0, v15  }
0x5e: {  	[tilespmem:s29+$0x80] =	vst v15  }
0x5f: {  	v15 =	vld.idx.msk [tilespmem:v47+s3+$0x0], vm1;
	_ =	sdelay $0x1  }
0x60: {  	v48 =	vor.u32 $0x180, v14;
	_ =	sdelay $0x2  }
0x61: {  	v15 =	vnsel vm1, $0x0, v15  }
0x62: {  	[tilespmem:s29+$0x100] =	vst v15  }
0x63: {  	v15 =	vld.idx.msk [tilespmem:v48+s3+$0x0], vm1;
	_ =	sdelay $0x1  }
0x64: {  	v49 =	vor.u32 $0x200, v14;
	_ =	sdelay $0x2  }
0x65: {  	v15 =	vnsel vm1, $0x0, v15  }
0x66: {  	[tilespmem:s29+$0x180] =	vst v15  }
0x67: {  	v15 =	vld.idx.msk [tilespmem:v49+s3+$0x0], vm1;
	_ =	sdelay $0x1  }
0x68: {  	v50 =	vor.u32 $0x280, v14;
	_ =	sdelay $0x1  }
0x69: {  	s26 =	sadd.s32 $0x10, s23  }
0x6a: {  	s30 =	sor.u32 $0x200, s26;
	v15 =	vnsel vm1, $0x0, v15  }
0x6b: {  	[tilespmem:s30+$0x19C00] =	vst v15  }
0x6c: {  	v15 =	vld.idx.msk [tilespmem:v50+s3+$0x0], vm1;
	_ =	sdelay $0x1  }
0x6d: {  	v51 =	vor.u32 $0x300, v14;
	_ =	sdelay $0x2  }
0x6e: {  	s31 =	sor.u32 $0x280, s26;
	v15 =	vnsel vm1, $0x0, v15  }
0x6f: {  	[tilespmem:s31+$0x19C00] =	vst v15  }
0x70: {  	v15 =	vld.idx.msk [tilespmem:v51+s3+$0x0], vm1;
	_ =	sdelay $0x1  }
0x71: {  	v14 =	vor.u32 $0x380, v14;
	_ =	sdelay $0x2  }
0x72: {  	s29 =	sor.u32 $0x300, s26;
	v15 =	vnsel vm1, $0x0, v15  }
0x73: {  	[tilespmem:s29+$0x19C00] =	vst v15  }
0x74: {  	v14 =	vld.idx.msk [tilespmem:v14+s3+$0x0], vm1;
	_ =	sdelay $0x4  }
0x75: {  	s26 =	sor.u32 $0x380, s26;
	s30 =	sor.u32 $0x20, s24;
	v14 =	vnsel vm1, $0x0, v14  }
0x76: {  	s31 =	sor.u32 s30, s25;
	[tilespmem:s26+$0x19C00] =	vst v14  }
0x77: {  	v14 =	vld [tilespmem:s31+$0x0];
	_ =	sdelay $0x4  }
0x78: {  	vm1 =	vlt.s32 v14, v1;
	vm2 =	vlt.s32 v14, v2  }
0x79: {  	vm3 =	vge.s32 v14, v0;
	vm1 =	vmand vm1, vm2  }
0x7a: {  	v14 =	vsub.s32 v14, v0;
	vm1 =	vmand vm1, vm3  }
0x7b: {  	v14 =	vnsel vm1, $0x0, v14  }
0x7c: {  	v15 =	vshll.u32 v14, $0x3  }
0x7d: {  	v14 =	vand.u32 $0x7F, v14;
	v15 =	vand.u32 $0xFFFFFC00, v15  }
0x7e: {  	v14 =	vor.u32 v14, v15;
	_ =	sdelay $0x4  }
0x7f: {  	v15 =	vld.idx.msk [tilespmem:v14+s3+$0x0], vm1;
	_ =	sdelay $0x1  }
0x80: {  	v52 =	vor.u32 $0x80, v14;
	_ =	sdelay $0x2  }
0x81: {  	s28 =	sor.u32 s30, s22;
	v15 =	vnsel vm1, $0x0, v15  }
0x82: {  	[tilespmem:s28+$0x0] =	vst v15  }
0x83: {  	v15 =	vld.idx.msk [tilespmem:v52+s3+$0x0], vm1;
	_ =	sdelay $0x1  }
0x84: {  	v53 =	vor.u32 $0x100, v14;
	_ =	sdelay $0x2  }
0x85: {  	v15 =	vnsel vm1, $0x0, v15  }
0x86: {  	[tilespmem:s28+$0x80] =	vst v15  }
0x87: {  	v15 =	vld.idx.msk [tilespmem:v53+s3+$0x0], vm1;
	_ =	sdelay $0x1  }
0x88: {  	v54 =	vor.u32 $0x180, v14;
	_ =	sdelay $0x2  }
0x89: {  	v15 =	vnsel vm1, $0x0, v15  }
0x8a: {  	[tilespmem:s28+$0x100] =	vst v15  }
0x8b: {  	v15 =	vld.idx.msk [tilespmem:v54+s3+$0x0], vm1;
	_ =	sdelay $0x1  }
0x8c: {  	v55 =	vor.u32 $0x200, v14;
	_ =	sdelay $0x2  }
0x8d: {  	v15 =	vnsel vm1, $0x0, v15  }
0x8e: {  	[tilespmem:s28+$0x180] =	vst v15  }
0x8f: {  	v15 =	vld.idx.msk [tilespmem:v55+s3+$0x0], vm1;
	_ =	sdelay $0x1  }
0x90: {  	v56 =	vor.u32 $0x280, v14;
	_ =	sdelay $0x1  }
0x91: {  	s26 =	sadd.s32 $0x20, s23  }
0x92: {  	s29 =	sor.u32 $0x200, s26;
	v15 =	vnsel vm1, $0x0, v15  }
0x93: {  	[tilespmem:s29+$0x19C00] =	vst v15  }
0x94: {  	v15 =	vld.idx.msk [tilespmem:v56+s3+$0x0], vm1;
	_ =	sdelay $0x1  }
0x95: {  	v57 =	vor.u32 $0x300, v14;
	_ =	sdelay $0x2  }
0x96: {  	s30 =	sor.u32 $0x280, s26;
	v15 =	vnsel vm1, $0x0, v15  }
0x97: {  	[tilespmem:s30+$0x19C00] =	vst v15  }
0x98: {  	v15 =	vld.idx.msk [tilespmem:v57+s3+$0x0], vm1;
	_ =	sdelay $0x1  }
0x99: {  	v14 =	vor.u32 $0x380, v14;
	_ =	sdelay $0x2  }
0x9a: {  	s31 =	sor.u32 $0x300, s26;
	v15 =	vnsel vm1, $0x0, v15  }
0x9b: {  	[tilespmem:s31+$0x19C00] =	vst v15  }
0x9c: {  	v14 =	vld.idx.msk [tilespmem:v14+s3+$0x0], vm1;
	_ =	sdelay $0x4  }
0x9d: {  	s24 =	sor.u32 $0x30, s24;
	s26 =	sor.u32 $0x380, s26;
	v14 =	vnsel vm1, $0x0, v14  }
0x9e: {  	s25 =	sor.u32 s24, s25;
	[tilespmem:s26+$0x19C00] =	vst v14  }
0x9f: {  	v14 =	vld [tilespmem:s25+$0x0];
	_ =	sdelay $0x4  }
0xa0: {  	vm1 =	vlt.s32 v14, v1;
	vm2 =	vlt.s32 v14, v2  }
0xa1: {  	vm3 =	vge.s32 v14, v0;
	vm1 =	vmand vm1, vm2  }
0xa2: {  	v14 =	vsub.s32 v14, v0;
	vm1 =	vmand vm1, vm3  }
0xa3: {  	v14 =	vnsel vm1, $0x0, v14  }
0xa4: {  	v15 =	vshll.u32 v14, $0x3  }
0xa5: {  	v14 =	vand.u32 $0x7F, v14;
	v15 =	vand.u32 $0xFFFFFC00, v15  }
0xa6: {  	v14 =	vor.u32 v14, v15;
	_ =	sdelay $0x4  }
0xa7: {  	v15 =	vld.idx.msk [tilespmem:v14+s3+$0x0], vm1;
	_ =	sdelay $0x1  }
0xa8: {  	v58 =	vor.u32 $0x80, v14;
	_ =	sdelay $0x2  }
0xa9: {  	s22 =	sor.u32 s24, s22;
	v15 =	vnsel vm1, $0x0, v15  }
0xaa: {  	[tilespmem:s22+$0x0] =	vst v15  }
0xab: {  	v15 =	vld.idx.msk [tilespmem:v58+s3+$0x0], vm1;
	_ =	sdelay $0x1  }
0xac: {  	v59 =	vor.u32 $0x100, v14;
	_ =	sdelay $0x2  }
0xad: {  	v15 =	vnsel vm1, $0x0, v15  }
0xae: {  	[tilespmem:s22+$0x80] =	vst v15  }
0xaf: {  	v15 =	vld.idx.msk [tilespmem:v59+s3+$0x0], vm1;
	_ =	sdelay $0x1  }
0xb0: {  	v60 =	vor.u32 $0x180, v14;
	_ =	sdelay $0x2  }
0xb1: {  	v15 =	vnsel vm1, $0x0, v15  }
0xb2: {  	[tilespmem:s22+$0x100] =	vst v15  }
0xb3: {  	v15 =	vld.idx.msk [tilespmem:v60+s3+$0x0], vm1;
	_ =	sdelay $0x1  }
0xb4: {  	v61 =	vor.u32 $0x200, v14;
	_ =	sdelay $0x2  }
0xb5: {  	v15 =	vnsel vm1, $0x0, v15  }
0xb6: {  	[tilespmem:s22+$0x180] =	vst v15  }
0xb7: {  	v15 =	vld.idx.msk [tilespmem:v61+s3+$0x0], vm1;
	_ =	sdelay $0x1  }
0xb8: {  	v62 =	vor.u32 $0x280, v14;
	_ =	sdelay $0x1  }
0xb9: {  	s29 =	sadd.s32 $0x30, s23  }
0xba: {  	s23 =	sor.u32 $0x200, s29;
	v15 =	vnsel vm1, $0x0, v15  }
0xbb: {  	[tilespmem:s23+$0x19C00] =	vst v15  }
0xbc: {  	v15 =	vld.idx.msk [tilespmem:v62+s3+$0x0], vm1;
	_ =	sdelay $0x1  }
0xbd: {  	v63 =	vor.u32 $0x300, v14;
	_ =	sdelay $0x2  }
0xbe: {  	s30 =	sor.u32 $0x280, s29;
	v15 =	vnsel vm1, $0x0, v15  }
0xbf: {  	[tilespmem:s30+$0x19C00] =	vst v15  }
0xc0: {  	v15 =	vld.idx.msk [tilespmem:v63+s3+$0x0], vm1;
	_ =	sdelay $0x1  }
0xc1: {  	v14 =	vor.u32 $0x380, v14;
	_ =	sdelay $0x2  }
0xc2: {  	s31 =	sor.u32 $0x300, s29;
	v15 =	vnsel vm1, $0x0, v15  }
0xc3: {  	[tilespmem:s31+$0x19C00] =	vst v15  }
0xc4: {  	s19 =	sadd.s32 $0x4, s19;
	v14 =	vld.idx.msk [tilespmem:v14+s3+$0x0], vm1  }
0xc5: {  	p1 =	slt.u32 s19, $0x3C  }
.Ltmp0:
0xc6: {  	_ = 	snop;
	(pc) =	sbr.rel @p1 .LBB2_2-.Ltmp0, $3  }
0xc7: {  	_ =	sdelay $0x1  }
0xc8: {  	s18 =	sadd.s32 $0x40, s18;
	s22 =	sor.u32 $0x380, s29;
	v14 =	vnsel vm1, $0x0, v14  }
0xc9: {  	p0 =	por !p0, !p0;
	s21 =	sadd.s32 $0x200, s21;
	s20 =	sadd.s32 $0x40, s20;
	[tilespmem:s22+$0x19C00] =	vst v14  }
0xca: {  	s18 =	simm.s32 $0x0  }
0xcb: {  	[tilespmem:s18], [sflag:$0x1] =	stream.linear.gather [hbm4b:s7+s18], $0xC400, $0x38;
	[tilespmem:$0x1BC00] =	vst v63  }
0xcc: {  	_ =	swait.ge [sflag:s15], $0xC400  }
0xcd: {  	s19 =	simm.s32 $0xFFFFFFFC;
	p0 =	por $0x0, $0x0;
	[sflag:s15] =	ssyncset.done $0x0  }
0xce: {  	s20 =	simm.s32 $0x19800;
	s21 =	simm.s32 $0x0;
	[sflag:s15] =	ssyncadd.s32 $0xFFFF3C00  }
.LBB2_4:
0xcf: {  	v14 =	vld [tilespmem:s20+$0x0];
	_ =	sdelay $0x4  }
0xd0: {  	vm1 =	vlt.s32 v14, v3;
	vm2 =	vlt.s32 v14, v2  }
0xd1: {  	vm3 =	vge.s32 v14, v1;
	vm1 =	vmand vm1, vm2  }
0xd2: {  	v14 =	vsub.s32 v14, v1;
	vm1 =	vmand vm1, vm3  }
0xd3: {  	v14 =	vnsel vm1, $0x0, v14  }
0xd4: {  	v15 =	vshll.u32 v14, $0x3  }
0xd5: {  	v14 =	vand.u32 $0x7F, v14;
	v15 =	vand.u32 $0xFFFFFC00, v15  }
0xd6: {  	v14 =	vor.u32 v14, v15  }
0xd7: {  	s22 =	sand.u32 $0x1C00, s21  }
0xd8: {  	s24 =	sand.u32 $0x40, s18;
	s22 =	sadd.s32 $0x19C00, s22  }
0xd9: {  	s23 =	sor.u32 s24, s22  }
0xda: {  	v16 =	vld [tilespmem:s23+$0x0]  }
0xdb: {  	v15 =	vld.idx.msk [tilespmem:v14+s13+$0x0], vm1;
	_ =	sdelay $0x1  }
0xdc: {  	v17 =	vor.u32 $0x80, v14;
	_ =	sdelay $0x2  }
0xdd: {  	v15 =	vsel vm1, v15, v16  }
0xde: {  	v58 =	vld [tilespmem:s23+$0x80];
	[tilespmem:s23+$0x0] =	vst v15  }
0xdf: {  	v15 =	vld.idx.msk [tilespmem:v17+s13+$0x0], vm1;
	_ =	sdelay $0x1  }
0xe0: {  	v59 =	vor.u32 $0x100, v14;
	_ =	sdelay $0x2  }
0xe1: {  	v15 =	vsel vm1, v15, v58  }
0xe2: {  	v60 =	vld [tilespmem:s23+$0x100];
	[tilespmem:s23+$0x80] =	vst v15  }
0xe3: {  	v15 =	vld.idx.msk [tilespmem:v59+s13+$0x0], vm1;
	_ =	sdelay $0x1  }
0xe4: {  	v61 =	vor.u32 $0x180, v14;
	_ =	sdelay $0x2  }
0xe5: {  	v15 =	vsel vm1, v15, v60  }
0xe6: {  	v62 =	vld [tilespmem:s23+$0x180];
	[tilespmem:s23+$0x100] =	vst v15  }
0xe7: {  	v15 =	vld.idx.msk [tilespmem:v61+s13+$0x0], vm1;
	_ =	sdelay $0x1  }
0xe8: {  	v63 =	vor.u32 $0x200, v14  }
0xe9: {  	s25 =	simm.s32 $0x1  }
0xea: {  	s25 =	simm.s32 @!p0 $0x0  }
0xeb: {  	s25 =	sshll.u32 s25, $0x6;
	v15 =	vsel vm1, v15, v62  }
0xec: {  	[tilespmem:s23+$0x180] =	vst v15;
	s23 =	sadd.s32 s25, s21  }
0xed: {  	v15 =	vld.idx.msk [tilespmem:v63+s13+$0x0], vm1;
	s25 =	sor.u32 $0x200, s23  }
0xee: {  	v20 =	vld [tilespmem:s25+$0x19C00];
	_ =	sdelay $0x1  }
0xef: {  	v21 =	vor.u32 $0x280, v14;
	_ =	sdelay $0x2  }
0xf0: {  	v15 =	vsel vm1, v15, v20  }
0xf1: {  	[tilespmem:s25+$0x19C00] =	vst v15  }
0xf2: {  	s26 =	sor.u32 $0x280, s23;
	v15 =	vld.idx.msk [tilespmem:v21+s13+$0x0], vm1  }
0xf3: {  	v22 =	vld [tilespmem:s26+$0x19C00];
	_ =	sdelay $0x1  }
0xf4: {  	v23 =	vor.u32 $0x300, v14;
	_ =	sdelay $0x2  }
0xf5: {  	v15 =	vsel vm1, v15, v22  }
0xf6: {  	[tilespmem:s26+$0x19C00] =	vst v15  }
0xf7: {  	s28 =	sor.u32 $0x300, s23;
	v15 =	vld.idx.msk [tilespmem:v23+s13+$0x0], vm1  }
0xf8: {  	v24 =	vld [tilespmem:s28+$0x19C00];
	_ =	sdelay $0x1  }
0xf9: {  	v14 =	vor.u32 $0x380, v14;
	_ =	sdelay $0x2  }
0xfa: {  	v15 =	vsel vm1, v15, v24  }
0xfb: {  	s29 =	sor.u32 s21, s18;
	[tilespmem:s28+$0x19C00] =	vst v15  }
0xfc: {  	s26 =	sor.u32 $0x380, s29;
	v14 =	vld.idx.msk [tilespmem:v14+s13+$0x0], vm1  }
0xfd: {  	v15 =	vld [tilespmem:s26+$0x19C00];
	_ =	sdelay $0x3  }
0xfe: {  	s30 =	sand.u32 $0x380, s18  }
0xff: {  	s25 =	sor.u32 $0x19800, s30;
	s28 =	sor.u32 $0x10, s24;
	v14 =	vsel vm1, v14, v15  }
0x100: {  	s31 =	sor.u32 s28, s25;
	[tilespmem:s26+$0x19C00] =	vst v14  }
0x101: {  	v14 =	vld [tilespmem:s31+$0x0];
	_ =	sdelay $0x4  }
0x102: {  	vm1 =	vlt.s32 v14, v3;
	vm2 =	vlt.s32 v14, v2  }
0x103: {  	vm3 =	vge.s32 v14, v1;
	vm1 =	vmand vm1, vm2  }
0x104: {  	v14 =	vsub.s32 v14, v1;
	vm1 =	vmand vm1, vm3  }
0x105: {  	v14 =	vnsel vm1, $0x0, v14  }
0x106: {  	v15 =	vshll.u32 v14, $0x3  }
0x107: {  	v14 =	vand.u32 $0x7F, v14;
	v15 =	vand.u32 $0xFFFFFC00, v15  }
0x108: {  	v14 =	vor.u32 v14, v15;
	_ =	sdelay $0x2  }
0x109: {  	s29 =	sor.u32 s28, s22  }
0x10a: {  	v25 =	vld [tilespmem:s29+$0x0]  }
0x10b: {  	v15 =	vld.idx.msk [tilespmem:v14+s13+$0x0], vm1;
	_ =	sdelay $0x1  }
0x10c: {  	v26 =	vor.u32 $0x80, v14;
	_ =	sdelay $0x2  }
0x10d: {  	v15 =	vsel vm1, v15, v25  }
0x10e: {  	v27 =	vld [tilespmem:s29+$0x80];
	[tilespmem:s29+$0x0] =	vst v15  }
0x10f: {  	v15 =	vld.idx.msk [tilespmem:v26+s13+$0x0], vm1;
	_ =	sdelay $0x1  }
0x110: {  	v28 =	vor.u32 $0x100, v14;
	_ =	sdelay $0x2  }
0x111: {  	v15 =	vsel vm1, v15, v27  }
0x112: {  	v29 =	vld [tilespmem:s29+$0x100];
	[tilespmem:s29+$0x80] =	vst v15  }
0x113: {  	v15 =	vld.idx.msk [tilespmem:v28+s13+$0x0], vm1;
	_ =	sdelay $0x1  }
0x114: {  	v30 =	vor.u32 $0x180, v14;
	_ =	sdelay $0x2  }
0x115: {  	v15 =	vsel vm1, v15, v29  }
0x116: {  	v31 =	vld [tilespmem:s29+$0x180];
	[tilespmem:s29+$0x100] =	vst v15  }
0x117: {  	v15 =	vld.idx.msk [tilespmem:v30+s13+$0x0], vm1;
	_ =	sdelay $0x1  }
0x118: {  	v32 =	vor.u32 $0x200, v14;
	_ =	sdelay $0x2  }
0x119: {  	v15 =	vsel vm1, v15, v31  }
0x11a: {  	s26 =	sadd.s32 $0x10, s23;
	[tilespmem:s29+$0x180] =	vst v15  }
0x11b: {  	s30 =	sor.u32 $0x200, s26;
	v15 =	vld.idx.msk [tilespmem:v32+s13+$0x0], vm1  }
0x11c: {  	v33 =	vld [tilespmem:s30+$0x19C00];
	_ =	sdelay $0x1  }
0x11d: {  	v34 =	vor.u32 $0x280, v14;
	_ =	sdelay $0x2  }
0x11e: {  	v15 =	vsel vm1, v15, v33  }
0x11f: {  	[tilespmem:s30+$0x19C00] =	vst v15  }
0x120: {  	s31 =	sor.u32 $0x280, s26;
	v15 =	vld.idx.msk [tilespmem:v34+s13+$0x0], vm1  }
0x121: {  	v35 =	vld [tilespmem:s31+$0x19C00];
	_ =	sdelay $0x1  }
0x122: {  	v36 =	vor.u32 $0x300, v14;
	_ =	sdelay $0x2  }
0x123: {  	v15 =	vsel vm1, v15, v35  }
0x124: {  	[tilespmem:s31+$0x19C00] =	vst v15  }
0x125: {  	s29 =	sor.u32 $0x300, s26;
	v15 =	vld.idx.msk [tilespmem:v36+s13+$0x0], vm1  }
0x126: {  	v37 =	vld [tilespmem:s29+$0x19C00];
	_ =	sdelay $0x1  }
0x127: {  	v14 =	vor.u32 $0x380, v14;
	_ =	sdelay $0x2  }
0x128: {  	v15 =	vsel vm1, v15, v37  }
0x129: {  	[tilespmem:s29+$0x19C00] =	vst v15  }
0x12a: {  	s26 =	sor.u32 $0x380, s26;
	v14 =	vld.idx.msk [tilespmem:v14+s13+$0x0], vm1  }
0x12b: {  	v15 =	vld [tilespmem:s26+$0x19C00];
	_ =	sdelay $0x4  }
0x12c: {  	s30 =	sor.u32 $0x20, s24;
	v14 =	vsel vm1, v14, v15  }
0x12d: {  	s31 =	sor.u32 s30, s25;
	[tilespmem:s26+$0x19C00] =	vst v14  }
0x12e: {  	v14 =	vld [tilespmem:s31+$0x0];
	_ =	sdelay $0x4  }
0x12f: {  	vm1 =	vlt.s32 v14, v3;
	vm2 =	vlt.s32 v14, v2  }
0x130: {  	vm3 =	vge.s32 v14, v1;
	vm1 =	vmand vm1, vm2  }
0x131: {  	v14 =	vsub.s32 v14, v1;
	vm1 =	vmand vm1, vm3  }
0x132: {  	v14 =	vnsel vm1, $0x0, v14  }
0x133: {  	v15 =	vshll.u32 v14, $0x3  }
0x134: {  	v14 =	vand.u32 $0x7F, v14;
	v15 =	vand.u32 $0xFFFFFC00, v15  }
0x135: {  	v14 =	vor.u32 v14, v15;
	_ =	sdelay $0x2  }
0x136: {  	s28 =	sor.u32 s30, s22  }
0x137: {  	v38 =	vld [tilespmem:s28+$0x0]  }
0x138: {  	v15 =	vld.idx.msk [tilespmem:v14+s13+$0x0], vm1;
	_ =	sdelay $0x1  }
0x139: {  	v39 =	vor.u32 $0x80, v14;
	_ =	sdelay $0x2  }
0x13a: {  	v15 =	vsel vm1, v15, v38  }
0x13b: {  	v40 =	vld [tilespmem:s28+$0x80];
	[tilespmem:s28+$0x0] =	vst v15  }
0x13c: {  	v15 =	vld.idx.msk [tilespmem:v39+s13+$0x0], vm1;
	_ =	sdelay $0x1  }
0x13d: {  	v41 =	vor.u32 $0x100, v14;
	_ =	sdelay $0x2  }
0x13e: {  	v15 =	vsel vm1, v15, v40  }
0x13f: {  	v42 =	vld [tilespmem:s28+$0x100];
	[tilespmem:s28+$0x80] =	vst v15  }
0x140: {  	v15 =	vld.idx.msk [tilespmem:v41+s13+$0x0], vm1;
	_ =	sdelay $0x1  }
0x141: {  	v43 =	vor.u32 $0x180, v14;
	_ =	sdelay $0x2  }
0x142: {  	v15 =	vsel vm1, v15, v42  }
0x143: {  	v44 =	vld [tilespmem:s28+$0x180];
	[tilespmem:s28+$0x100] =	vst v15  }
0x144: {  	v15 =	vld.idx.msk [tilespmem:v43+s13+$0x0], vm1;
	_ =	sdelay $0x1  }
0x145: {  	v45 =	vor.u32 $0x200, v14;
	_ =	sdelay $0x2  }
0x146: {  	v15 =	vsel vm1, v15, v44  }
0x147: {  	s26 =	sadd.s32 $0x20, s23;
	[tilespmem:s28+$0x180] =	vst v15  }
0x148: {  	s29 =	sor.u32 $0x200, s26;
	v15 =	vld.idx.msk [tilespmem:v45+s13+$0x0], vm1  }
0x149: {  	v46 =	vld [tilespmem:s29+$0x19C00];
	_ =	sdelay $0x1  }
0x14a: {  	v47 =	vor.u32 $0x280, v14;
	_ =	sdelay $0x2  }
0x14b: {  	v15 =	vsel vm1, v15, v46  }
0x14c: {  	[tilespmem:s29+$0x19C00] =	vst v15  }
0x14d: {  	s30 =	sor.u32 $0x280, s26;
	v15 =	vld.idx.msk [tilespmem:v47+s13+$0x0], vm1  }
0x14e: {  	v48 =	vld [tilespmem:s30+$0x19C00];
	_ =	sdelay $0x1  }
0x14f: {  	v49 =	vor.u32 $0x300, v14;
	_ =	sdelay $0x2  }
0x150: {  	v15 =	vsel vm1, v15, v48  }
0x151: {  	[tilespmem:s30+$0x19C00] =	vst v15  }
0x152: {  	s31 =	sor.u32 $0x300, s26;
	v15 =	vld.idx.msk [tilespmem:v49+s13+$0x0], vm1  }
0x153: {  	v50 =	vld [tilespmem:s31+$0x19C00];
	_ =	sdelay $0x1  }
0x154: {  	v14 =	vor.u32 $0x380, v14;
	_ =	sdelay $0x2  }
0x155: {  	v15 =	vsel vm1, v15, v50  }
0x156: {  	[tilespmem:s31+$0x19C00] =	vst v15  }
0x157: {  	s26 =	sor.u32 $0x380, s26;
	v14 =	vld.idx.msk [tilespmem:v14+s13+$0x0], vm1  }
0x158: {  	v15 =	vld [tilespmem:s26+$0x19C00];
	_ =	sdelay $0x4  }
0x159: {  	s24 =	sor.u32 $0x30, s24;
	v14 =	vsel vm1, v14, v15  }
0x15a: {  	s25 =	sor.u32 s24, s25;
	[tilespmem:s26+$0x19C00] =	vst v14  }
0x15b: {  	v14 =	vld [tilespmem:s25+$0x0];
	_ =	sdelay $0x4  }
0x15c: {  	vm1 =	vlt.s32 v14, v3;
	vm2 =	vlt.s32 v14, v2  }
0x15d: {  	vm3 =	vge.s32 v14, v1;
	vm1 =	vmand vm1, vm2  }
0x15e: {  	v14 =	vsub.s32 v14, v1;
	vm1 =	vmand vm1, vm3  }
0x15f: {  	v14 =	vnsel vm1, $0x0, v14  }
0x160: {  	v15 =	vshll.u32 v14, $0x3  }
0x161: {  	v14 =	vand.u32 $0x7F, v14;
	v15 =	vand.u32 $0xFFFFFC00, v15  }
0x162: {  	v14 =	vor.u32 v14, v15;
	_ =	sdelay $0x2  }
0x163: {  	s22 =	sor.u32 s24, s22  }
0x164: {  	v51 =	vld [tilespmem:s22+$0x0]  }
0x165: {  	v15 =	vld.idx.msk [tilespmem:v14+s13+$0x0], vm1;
	_ =	sdelay $0x1  }
0x166: {  	v52 =	vor.u32 $0x80, v14;
	_ =	sdelay $0x2  }
0x167: {  	v15 =	vsel vm1, v15, v51  }
0x168: {  	v53 =	vld [tilespmem:s22+$0x80];
	[tilespmem:s22+$0x0] =	vst v15  }
0x169: {  	v15 =	vld.idx.msk [tilespmem:v52+s13+$0x0], vm1;
	_ =	sdelay $0x1  }
0x16a: {  	v54 =	vor.u32 $0x100, v14;
	_ =	sdelay $0x2  }
0x16b: {  	v15 =	vsel vm1, v15, v53  }
0x16c: {  	v55 =	vld [tilespmem:s22+$0x100];
	[tilespmem:s22+$0x80] =	vst v15  }
0x16d: {  	v15 =	vld.idx.msk [tilespmem:v54+s13+$0x0], vm1;
	_ =	sdelay $0x1  }
0x16e: {  	v56 =	vor.u32 $0x180, v14;
	_ =	sdelay $0x2  }
0x16f: {  	v15 =	vsel vm1, v15, v55  }
0x170: {  	v57 =	vld [tilespmem:s22+$0x180];
	[tilespmem:s22+$0x100] =	vst v15  }
0x171: {  	v15 =	vld.idx.msk [tilespmem:v56+s13+$0x0], vm1;
	_ =	sdelay $0x1  }
0x172: {  	v58 =	vor.u32 $0x200, v14;
	_ =	sdelay $0x2  }
0x173: {  	v15 =	vsel vm1, v15, v57  }
0x174: {  	s29 =	sadd.s32 $0x30, s23;
	[tilespmem:s22+$0x180] =	vst v15  }
0x175: {  	s23 =	sor.u32 $0x200, s29;
	v15 =	vld.idx.msk [tilespmem:v58+s13+$0x0], vm1  }
0x176: {  	v59 =	vld [tilespmem:s23+$0x19C00];
	_ =	sdelay $0x1  }
0x177: {  	v60 =	vor.u32 $0x280, v14;
	_ =	sdelay $0x2  }
0x178: {  	v15 =	vsel vm1, v15, v59  }
0x179: {  	[tilespmem:s23+$0x19C00] =	vst v15  }
0x17a: {  	s30 =	sor.u32 $0x280, s29;
	v15 =	vld.idx.msk [tilespmem:v60+s13+$0x0], vm1  }
0x17b: {  	v61 =	vld [tilespmem:s30+$0x19C00];
	_ =	sdelay $0x1  }
0x17c: {  	v62 =	vor.u32 $0x300, v14;
	_ =	sdelay $0x2  }
0x17d: {  	v15 =	vsel vm1, v15, v61  }
0x17e: {  	[tilespmem:s30+$0x19C00] =	vst v15  }
0x17f: {  	s31 =	sor.u32 $0x300, s29;
	v15 =	vld.idx.msk [tilespmem:v62+s13+$0x0], vm1  }
0x180: {  	v63 =	vld [tilespmem:s31+$0x19C00];
	_ =	sdelay $0x1  }
0x181: {  	v14 =	vor.u32 $0x380, v14;
	_ =	sdelay $0x2  }
0x182: {  	v15 =	vsel vm1, v15, v63  }
0x183: {  	[tilespmem:s31+$0x19C00] =	vst v15  }
0x184: {  	s22 =	sor.u32 $0x380, s29;
	v14 =	vld.idx.msk [tilespmem:v14+s13+$0x0], vm1  }
0x185: {  	s19 =	sadd.s32 $0x4, s19;
	v15 =	vld [tilespmem:s22+$0x19C00]  }
0x186: {  	p1 =	slt.u32 s19, $0x3C  }
.Ltmp1:
0x187: {  	_ = 	snop;
	(pc) =	sbr.rel @p1 .LBB2_4-.Ltmp1, $3  }
0x188: {  	_ =	sdelay $0x1  }
0x189: {  	s18 =	sadd.s32 $0x40, s18;
	v14 =	vsel vm1, v14, v15  }
0x18a: {  	s20 =	sadd.s32 $0x40, s20;
	p0 =	por !p0, !p0;
	s21 =	sadd.s32 $0x200, s21;
	[tilespmem:s22+$0x19C00] =	vst v14  }
0x18b: {  	s18 =	simm.s32 $0x0  }
0x18c: {  	[tilespmem:s13], [sflag:$0x2] =	stream.linear.gather [hbm4b:s8+s18], $0xC400, $0x38;
	[tilespmem:$0x1BC00] =	vst v63  }
0x18d: {  	_ =	swait.ge [sflag:s14], $0xC400  }
0x18e: {  	s19 =	simm.s32 $0xFFFFFFFC;
	p0 =	por $0x0, $0x0;
	[sflag:s14] =	ssyncset.done $0x0  }
0x18f: {  	s20 =	simm.s32 $0x19800;
	s21 =	simm.s32 $0x0;
	[sflag:s14] =	ssyncadd.s32 $0xFFFF3C00  }
.LBB2_6:
0x190: {  	v14 =	vld [tilespmem:s20+$0x0];
	_ =	sdelay $0x4  }
0x191: {  	vm1 =	vlt.s32 v14, v4;
	vm2 =	vlt.s32 v14, v2  }
0x192: {  	vm3 =	vge.s32 v14, v3;
	vm1 =	vmand vm1, vm2  }
0x193: {  	v14 =	vsub.s32 v14, v3;
	vm1 =	vmand vm1, vm3  }
0x194: {  	v14 =	vnsel vm1, $0x0, v14  }
0x195: {  	v15 =	vshll.u32 v14, $0x3  }
0x196: {  	v14 =	vand.u32 $0x7F, v14;
	v15 =	vand.u32 $0xFFFFFC00, v15  }
0x197: {  	v14 =	vor.u32 v14, v15  }
0x198: {  	s22 =	sand.u32 $0x1C00, s21  }
0x199: {  	s24 =	sand.u32 $0x40, s18;
	s22 =	sadd.s32 $0x19C00, s22  }
0x19a: {  	s23 =	sor.u32 s24, s22  }
0x19b: {  	v16 =	vld [tilespmem:s23+$0x0]  }
0x19c: {  	v15 =	vld.idx.msk [tilespmem:v14+s3+$0x0], vm1;
	_ =	sdelay $0x1  }
0x19d: {  	v17 =	vor.u32 $0x80, v14;
	_ =	sdelay $0x2  }
0x19e: {  	v15 =	vsel vm1, v15, v16  }
0x19f: {  	v58 =	vld [tilespmem:s23+$0x80];
	[tilespmem:s23+$0x0] =	vst v15  }
0x1a0: {  	v15 =	vld.idx.msk [tilespmem:v17+s3+$0x0], vm1;
	_ =	sdelay $0x1  }
0x1a1: {  	v59 =	vor.u32 $0x100, v14;
	_ =	sdelay $0x2  }
0x1a2: {  	v15 =	vsel vm1, v15, v58  }
0x1a3: {  	v60 =	vld [tilespmem:s23+$0x100];
	[tilespmem:s23+$0x80] =	vst v15  }
0x1a4: {  	v15 =	vld.idx.msk [tilespmem:v59+s3+$0x0], vm1;
	_ =	sdelay $0x1  }
0x1a5: {  	v61 =	vor.u32 $0x180, v14;
	_ =	sdelay $0x2  }
0x1a6: {  	v15 =	vsel vm1, v15, v60  }
0x1a7: {  	v62 =	vld [tilespmem:s23+$0x180];
	[tilespmem:s23+$0x100] =	vst v15  }
0x1a8: {  	v15 =	vld.idx.msk [tilespmem:v61+s3+$0x0], vm1;
	_ =	sdelay $0x1  }
0x1a9: {  	v63 =	vor.u32 $0x200, v14  }
0x1aa: {  	s25 =	simm.s32 $0x1  }
0x1ab: {  	s25 =	simm.s32 @!p0 $0x0  }
0x1ac: {  	s25 =	sshll.u32 s25, $0x6;
	v15 =	vsel vm1, v15, v62  }
0x1ad: {  	[tilespmem:s23+$0x180] =	vst v15;
	s23 =	sadd.s32 s25, s21  }
0x1ae: {  	v15 =	vld.idx.msk [tilespmem:v63+s3+$0x0], vm1;
	s25 =	sor.u32 $0x200, s23  }
0x1af: {  	v20 =	vld [tilespmem:s25+$0x19C00];
	_ =	sdelay $0x1  }
0x1b0: {  	v21 =	vor.u32 $0x280, v14;
	_ =	sdelay $0x2  }
0x1b1: {  	v15 =	vsel vm1, v15, v20  }
0x1b2: {  	[tilespmem:s25+$0x19C00] =	vst v15  }
0x1b3: {  	s26 =	sor.u32 $0x280, s23;
	v15 =	vld.idx.msk [tilespmem:v21+s3+$0x0], vm1  }
0x1b4: {  	v22 =	vld [tilespmem:s26+$0x19C00];
	_ =	sdelay $0x1  }
0x1b5: {  	v23 =	vor.u32 $0x300, v14;
	_ =	sdelay $0x2  }
0x1b6: {  	v15 =	vsel vm1, v15, v22  }
0x1b7: {  	[tilespmem:s26+$0x19C00] =	vst v15  }
0x1b8: {  	s28 =	sor.u32 $0x300, s23;
	v15 =	vld.idx.msk [tilespmem:v23+s3+$0x0], vm1  }
0x1b9: {  	v24 =	vld [tilespmem:s28+$0x19C00];
	_ =	sdelay $0x1  }
0x1ba: {  	v14 =	vor.u32 $0x380, v14;
	_ =	sdelay $0x2  }
0x1bb: {  	v15 =	vsel vm1, v15, v24  }
0x1bc: {  	s29 =	sor.u32 s21, s18;
	[tilespmem:s28+$0x19C00] =	vst v15  }
0x1bd: {  	s26 =	sor.u32 $0x380, s29;
	v14 =	vld.idx.msk [tilespmem:v14+s3+$0x0], vm1  }
0x1be: {  	v15 =	vld [tilespmem:s26+$0x19C00];
	_ =	sdelay $0x3  }
0x1bf: {  	s30 =	sand.u32 $0x380, s18  }
0x1c0: {  	s25 =	sor.u32 $0x19800, s30;
	s28 =	sor.u32 $0x10, s24;
	v14 =	vsel vm1, v14, v15  }
0x1c1: {  	s31 =	sor.u32 s28, s25;
	[tilespmem:s26+$0x19C00] =	vst v14  }
0x1c2: {  	v14 =	vld [tilespmem:s31+$0x0];
	_ =	sdelay $0x4  }
0x1c3: {  	vm1 =	vlt.s32 v14, v4;
	vm2 =	vlt.s32 v14, v2  }
0x1c4: {  	vm3 =	vge.s32 v14, v3;
	vm1 =	vmand vm1, vm2  }
0x1c5: {  	v14 =	vsub.s32 v14, v3;
	vm1 =	vmand vm1, vm3  }
0x1c6: {  	v14 =	vnsel vm1, $0x0, v14  }
0x1c7: {  	v15 =	vshll.u32 v14, $0x3  }
0x1c8: {  	v14 =	vand.u32 $0x7F, v14;
	v15 =	vand.u32 $0xFFFFFC00, v15  }
0x1c9: {  	v14 =	vor.u32 v14, v15;
	_ =	sdelay $0x2  }
0x1ca: {  	s29 =	sor.u32 s28, s22  }
0x1cb: {  	v25 =	vld [tilespmem:s29+$0x0]  }
0x1cc: {  	v15 =	vld.idx.msk [tilespmem:v14+s3+$0x0], vm1;
	_ =	sdelay $0x1  }
0x1cd: {  	v26 =	vor.u32 $0x80, v14;
	_ =	sdelay $0x2  }
0x1ce: {  	v15 =	vsel vm1, v15, v25  }
0x1cf: {  	v27 =	vld [tilespmem:s29+$0x80];
	[tilespmem:s29+$0x0] =	vst v15  }
0x1d0: {  	v15 =	vld.idx.msk [tilespmem:v26+s3+$0x0], vm1;
	_ =	sdelay $0x1  }
0x1d1: {  	v28 =	vor.u32 $0x100, v14;
	_ =	sdelay $0x2  }
0x1d2: {  	v15 =	vsel vm1, v15, v27  }
0x1d3: {  	v29 =	vld [tilespmem:s29+$0x100];
	[tilespmem:s29+$0x80] =	vst v15  }
0x1d4: {  	v15 =	vld.idx.msk [tilespmem:v28+s3+$0x0], vm1;
	_ =	sdelay $0x1  }
0x1d5: {  	v30 =	vor.u32 $0x180, v14;
	_ =	sdelay $0x2  }
0x1d6: {  	v15 =	vsel vm1, v15, v29  }
0x1d7: {  	v31 =	vld [tilespmem:s29+$0x180];
	[tilespmem:s29+$0x100] =	vst v15  }
0x1d8: {  	v15 =	vld.idx.msk [tilespmem:v30+s3+$0x0], vm1;
	_ =	sdelay $0x1  }
0x1d9: {  	v32 =	vor.u32 $0x200, v14;
	_ =	sdelay $0x2  }
0x1da: {  	v15 =	vsel vm1, v15, v31  }
0x1db: {  	s26 =	sadd.s32 $0x10, s23;
	[tilespmem:s29+$0x180] =	vst v15  }
0x1dc: {  	s30 =	sor.u32 $0x200, s26;
	v15 =	vld.idx.msk [tilespmem:v32+s3+$0x0], vm1  }
0x1dd: {  	v33 =	vld [tilespmem:s30+$0x19C00];
	_ =	sdelay $0x1  }
0x1de: {  	v34 =	vor.u32 $0x280, v14;
	_ =	sdelay $0x2  }
0x1df: {  	v15 =	vsel vm1, v15, v33  }
0x1e0: {  	[tilespmem:s30+$0x19C00] =	vst v15  }
0x1e1: {  	s31 =	sor.u32 $0x280, s26;
	v15 =	vld.idx.msk [tilespmem:v34+s3+$0x0], vm1  }
0x1e2: {  	v35 =	vld [tilespmem:s31+$0x19C00];
	_ =	sdelay $0x1  }
0x1e3: {  	v36 =	vor.u32 $0x300, v14;
	_ =	sdelay $0x2  }
0x1e4: {  	v15 =	vsel vm1, v15, v35  }
0x1e5: {  	[tilespmem:s31+$0x19C00] =	vst v15  }
0x1e6: {  	s29 =	sor.u32 $0x300, s26;
	v15 =	vld.idx.msk [tilespmem:v36+s3+$0x0], vm1  }
0x1e7: {  	v37 =	vld [tilespmem:s29+$0x19C00];
	_ =	sdelay $0x1  }
0x1e8: {  	v14 =	vor.u32 $0x380, v14;
	_ =	sdelay $0x2  }
0x1e9: {  	v15 =	vsel vm1, v15, v37  }
0x1ea: {  	[tilespmem:s29+$0x19C00] =	vst v15  }
0x1eb: {  	s26 =	sor.u32 $0x380, s26;
	v14 =	vld.idx.msk [tilespmem:v14+s3+$0x0], vm1  }
0x1ec: {  	v15 =	vld [tilespmem:s26+$0x19C00];
	_ =	sdelay $0x4  }
0x1ed: {  	s30 =	sor.u32 $0x20, s24;
	v14 =	vsel vm1, v14, v15  }
0x1ee: {  	s31 =	sor.u32 s30, s25;
	[tilespmem:s26+$0x19C00] =	vst v14  }
0x1ef: {  	v14 =	vld [tilespmem:s31+$0x0];
	_ =	sdelay $0x4  }
0x1f0: {  	vm1 =	vlt.s32 v14, v4;
	vm2 =	vlt.s32 v14, v2  }
0x1f1: {  	vm3 =	vge.s32 v14, v3;
	vm1 =	vmand vm1, vm2  }
0x1f2: {  	v14 =	vsub.s32 v14, v3;
	vm1 =	vmand vm1, vm3  }
0x1f3: {  	v14 =	vnsel vm1, $0x0, v14  }
0x1f4: {  	v15 =	vshll.u32 v14, $0x3  }
0x1f5: {  	v14 =	vand.u32 $0x7F, v14;
	v15 =	vand.u32 $0xFFFFFC00, v15  }
0x1f6: {  	v14 =	vor.u32 v14, v15;
	_ =	sdelay $0x2  }
0x1f7: {  	s28 =	sor.u32 s30, s22  }
0x1f8: {  	v38 =	vld [tilespmem:s28+$0x0]  }
0x1f9: {  	v15 =	vld.idx.msk [tilespmem:v14+s3+$0x0], vm1;
	_ =	sdelay $0x1  }
0x1fa: {  	v39 =	vor.u32 $0x80, v14;
	_ =	sdelay $0x2  }
0x1fb: {  	v15 =	vsel vm1, v15, v38  }
0x1fc: {  	v40 =	vld [tilespmem:s28+$0x80];
	[tilespmem:s28+$0x0] =	vst v15  }
0x1fd: {  	v15 =	vld.idx.msk [tilespmem:v39+s3+$0x0], vm1;
	_ =	sdelay $0x1  }
0x1fe: {  	v41 =	vor.u32 $0x100, v14;
	_ =	sdelay $0x2  }
0x1ff: {  	v15 =	vsel vm1, v15, v40  }
0x200: {  	v42 =	vld [tilespmem:s28+$0x100];
	[tilespmem:s28+$0x80] =	vst v15  }
0x201: {  	v15 =	vld.idx.msk [tilespmem:v41+s3+$0x0], vm1;
	_ =	sdelay $0x1  }
0x202: {  	v43 =	vor.u32 $0x180, v14;
	_ =	sdelay $0x2  }
0x203: {  	v15 =	vsel vm1, v15, v42  }
0x204: {  	v44 =	vld [tilespmem:s28+$0x180];
	[tilespmem:s28+$0x100] =	vst v15  }
0x205: {  	v15 =	vld.idx.msk [tilespmem:v43+s3+$0x0], vm1;
	_ =	sdelay $0x1  }
0x206: {  	v45 =	vor.u32 $0x200, v14;
	_ =	sdelay $0x2  }
0x207: {  	v15 =	vsel vm1, v15, v44  }
0x208: {  	s26 =	sadd.s32 $0x20, s23;
	[tilespmem:s28+$0x180] =	vst v15  }
0x209: {  	s29 =	sor.u32 $0x200, s26;
	v15 =	vld.idx.msk [tilespmem:v45+s3+$0x0], vm1  }
0x20a: {  	v46 =	vld [tilespmem:s29+$0x19C00];
	_ =	sdelay $0x1  }
0x20b: {  	v47 =	vor.u32 $0x280, v14;
	_ =	sdelay $0x2  }
0x20c: {  	v15 =	vsel vm1, v15, v46  }
0x20d: {  	[tilespmem:s29+$0x19C00] =	vst v15  }
0x20e: {  	s30 =	sor.u32 $0x280, s26;
	v15 =	vld.idx.msk [tilespmem:v47+s3+$0x0], vm1  }
0x20f: {  	v48 =	vld [tilespmem:s30+$0x19C00];
	_ =	sdelay $0x1  }
0x210: {  	v49 =	vor.u32 $0x300, v14;
	_ =	sdelay $0x2  }
0x211: {  	v15 =	vsel vm1, v15, v48  }
0x212: {  	[tilespmem:s30+$0x19C00] =	vst v15  }
0x213: {  	s31 =	sor.u32 $0x300, s26;
	v15 =	vld.idx.msk [tilespmem:v49+s3+$0x0], vm1  }
0x214: {  	v50 =	vld [tilespmem:s31+$0x19C00];
	_ =	sdelay $0x1  }
0x215: {  	v14 =	vor.u32 $0x380, v14;
	_ =	sdelay $0x2  }
0x216: {  	v15 =	vsel vm1, v15, v50  }
0x217: {  	[tilespmem:s31+$0x19C00] =	vst v15  }
0x218: {  	s26 =	sor.u32 $0x380, s26;
	v14 =	vld.idx.msk [tilespmem:v14+s3+$0x0], vm1  }
0x219: {  	v15 =	vld [tilespmem:s26+$0x19C00];
	_ =	sdelay $0x4  }
0x21a: {  	s24 =	sor.u32 $0x30, s24;
	v14 =	vsel vm1, v14, v15  }
0x21b: {  	s25 =	sor.u32 s24, s25;
	[tilespmem:s26+$0x19C00] =	vst v14  }
0x21c: {  	v14 =	vld [tilespmem:s25+$0x0];
	_ =	sdelay $0x4  }
0x21d: {  	vm1 =	vlt.s32 v14, v4;
	vm2 =	vlt.s32 v14, v2  }
0x21e: {  	vm3 =	vge.s32 v14, v3;
	vm1 =	vmand vm1, vm2  }
0x21f: {  	v14 =	vsub.s32 v14, v3;
	vm1 =	vmand vm1, vm3  }
0x220: {  	v14 =	vnsel vm1, $0x0, v14  }
0x221: {  	v15 =	vshll.u32 v14, $0x3  }
0x222: {  	v14 =	vand.u32 $0x7F, v14;
	v15 =	vand.u32 $0xFFFFFC00, v15  }
0x223: {  	v14 =	vor.u32 v14, v15;
	_ =	sdelay $0x2  }
0x224: {  	s22 =	sor.u32 s24, s22  }
0x225: {  	v51 =	vld [tilespmem:s22+$0x0]  }
0x226: {  	v15 =	vld.idx.msk [tilespmem:v14+s3+$0x0], vm1;
	_ =	sdelay $0x1  }
0x227: {  	v52 =	vor.u32 $0x80, v14;
	_ =	sdelay $0x2  }
0x228: {  	v15 =	vsel vm1, v15, v51  }
0x229: {  	v53 =	vld [tilespmem:s22+$0x80];
	[tilespmem:s22+$0x0] =	vst v15  }
0x22a: {  	v15 =	vld.idx.msk [tilespmem:v52+s3+$0x0], vm1;
	_ =	sdelay $0x1  }
0x22b: {  	v54 =	vor.u32 $0x100, v14;
	_ =	sdelay $0x2  }
0x22c: {  	v15 =	vsel vm1, v15, v53  }
0x22d: {  	v55 =	vld [tilespmem:s22+$0x100];
	[tilespmem:s22+$0x80] =	vst v15  }
0x22e: {  	v15 =	vld.idx.msk [tilespmem:v54+s3+$0x0], vm1;
	_ =	sdelay $0x1  }
0x22f: {  	v56 =	vor.u32 $0x180, v14;
	_ =	sdelay $0x2  }
0x230: {  	v15 =	vsel vm1, v15, v55  }
0x231: {  	v57 =	vld [tilespmem:s22+$0x180];
	[tilespmem:s22+$0x100] =	vst v15  }
0x232: {  	v15 =	vld.idx.msk [tilespmem:v56+s3+$0x0], vm1;
	_ =	sdelay $0x1  }
0x233: {  	v58 =	vor.u32 $0x200, v14;
	_ =	sdelay $0x2  }
0x234: {  	v15 =	vsel vm1, v15, v57  }
0x235: {  	s29 =	sadd.s32 $0x30, s23;
	[tilespmem:s22+$0x180] =	vst v15  }
0x236: {  	s23 =	sor.u32 $0x200, s29;
	v15 =	vld.idx.msk [tilespmem:v58+s3+$0x0], vm1  }
0x237: {  	v59 =	vld [tilespmem:s23+$0x19C00];
	_ =	sdelay $0x1  }
0x238: {  	v60 =	vor.u32 $0x280, v14;
	_ =	sdelay $0x2  }
0x239: {  	v15 =	vsel vm1, v15, v59  }
0x23a: {  	[tilespmem:s23+$0x19C00] =	vst v15  }
0x23b: {  	s30 =	sor.u32 $0x280, s29;
	v15 =	vld.idx.msk [tilespmem:v60+s3+$0x0], vm1  }
0x23c: {  	v61 =	vld [tilespmem:s30+$0x19C00];
	_ =	sdelay $0x1  }
0x23d: {  	v62 =	vor.u32 $0x300, v14;
	_ =	sdelay $0x2  }
0x23e: {  	v15 =	vsel vm1, v15, v61  }
0x23f: {  	[tilespmem:s30+$0x19C00] =	vst v15  }
0x240: {  	s31 =	sor.u32 $0x300, s29;
	v15 =	vld.idx.msk [tilespmem:v62+s3+$0x0], vm1  }
0x241: {  	v63 =	vld [tilespmem:s31+$0x19C00];
	_ =	sdelay $0x1  }
0x242: {  	v14 =	vor.u32 $0x380, v14;
	_ =	sdelay $0x2  }
0x243: {  	v15 =	vsel vm1, v15, v63  }
0x244: {  	[tilespmem:s31+$0x19C00] =	vst v15  }
0x245: {  	s22 =	sor.u32 $0x380, s29;
	v14 =	vld.idx.msk [tilespmem:v14+s3+$0x0], vm1  }
0x246: {  	s19 =	sadd.s32 $0x4, s19;
	v15 =	vld [tilespmem:s22+$0x19C00]  }
0x247: {  	p1 =	slt.u32 s19, $0x3C  }
.Ltmp2:
0x248: {  	_ = 	snop;
	(pc) =	sbr.rel @p1 .LBB2_6-.Ltmp2, $3  }
0x249: {  	_ =	sdelay $0x1  }
0x24a: {  	s18 =	sadd.s32 $0x40, s18;
	v14 =	vsel vm1, v14, v15  }
0x24b: {  	s20 =	sadd.s32 $0x40, s20;
	p0 =	por !p0, !p0;
	s21 =	sadd.s32 $0x200, s21;
	[tilespmem:s22+$0x19C00] =	vst v14  }
0x24c: {  	_ =	swait.ge [sflag:s15], $0xC400;
	s18 =	simm.s32 $0xFFFFFFFC;
	p0 =	por $0x0, $0x0  }
0x24d: {  	s19 =	simm.s32 $0x0;
	s20 =	simm.s32 $0x19800;
	s21 =	simm.s32 $0x19800  }
0x24e: {  	s22 =	simm.s32 $0x0;
	p1 =	por $0x0, $0x0;
	[sflag:s15] =	ssyncset.done $0x0  }
0x24f: {  	s23 =	simm.s32 $0x0;
	s24 =	simm.s32 $0xFFFFFFFC;
	[sflag:s15] =	ssyncadd.s32 $0xFFFF3C00  }
.LBB2_8:
0x250: {  	v14 =	vld [tilespmem:s21+$0x0];
	_ =	sdelay $0x4  }
0x251: {  	vm1 =	vlt.s32 v14, v6;
	vm2 =	vlt.s32 v14, v2  }
0x252: {  	vm3 =	vge.s32 v14, v4;
	vm1 =	vmand vm1, vm2  }
0x253: {  	v14 =	vsub.s32 v14, v4;
	vm1 =	vmand vm1, vm3  }
0x254: {  	v14 =	vnsel vm1, $0x0, v14  }
0x255: {  	v15 =	vshll.u32 v14, $0x3  }
0x256: {  	v14 =	vand.u32 $0x7F, v14;
	v15 =	vand.u32 $0xFFFFFC00, v15  }
0x257: {  	v14 =	vor.u32 v14, v15  }
0x258: {  	s25 =	sand.u32 $0x1C00, s23  }
0x259: {  	s28 =	sand.u32 $0x40, s22;
	s25 =	sadd.s32 $0x19C00, s25  }
0x25a: {  	s26 =	sor.u32 s28, s25  }
0x25b: {  	v16 =	vld [tilespmem:s26+$0x0]  }
0x25c: {  	v15 =	vld.idx.msk [tilespmem:v14+s13+$0x0], vm1;
	_ =	sdelay $0x1  }
0x25d: {  	v17 =	vor.u32 $0x80, v14;
	_ =	sdelay $0x2  }
0x25e: {  	v15 =	vsel vm1, v15, v16  }
0x25f: {  	v58 =	vld [tilespmem:s26+$0x80];
	[tilespmem:s26+$0x0] =	vst v15  }
0x260: {  	v15 =	vld.idx.msk [tilespmem:v17+s13+$0x0], vm1;
	_ =	sdelay $0x1  }
0x261: {  	v59 =	vor.u32 $0x100, v14;
	_ =	sdelay $0x2  }
0x262: {  	v15 =	vsel vm1, v15, v58  }
0x263: {  	v60 =	vld [tilespmem:s26+$0x100];
	[tilespmem:s26+$0x80] =	vst v15  }
0x264: {  	v15 =	vld.idx.msk [tilespmem:v59+s13+$0x0], vm1;
	_ =	sdelay $0x1  }
0x265: {  	v61 =	vor.u32 $0x180, v14;
	_ =	sdelay $0x2  }
0x266: {  	v15 =	vsel vm1, v15, v60  }
0x267: {  	v62 =	vld [tilespmem:s26+$0x180];
	[tilespmem:s26+$0x100] =	vst v15  }
0x268: {  	v15 =	vld.idx.msk [tilespmem:v61+s13+$0x0], vm1;
	_ =	sdelay $0x1  }
0x269: {  	v63 =	vor.u32 $0x200, v14  }
0x26a: {  	s29 =	simm.s32 $0x1  }
0x26b: {  	s29 =	simm.s32 @!p1 $0x0  }
0x26c: {  	s29 =	sshll.u32 s29, $0x6;
	v15 =	vsel vm1, v15, v62  }
0x26d: {  	[tilespmem:s26+$0x180] =	vst v15;
	s26 =	sadd.s32 s29, s23  }
0x26e: {  	v15 =	vld.idx.msk [tilespmem:v63+s13+$0x0], vm1;
	s29 =	sor.u32 $0x200, s26  }
0x26f: {  	v20 =	vld [tilespmem:s29+$0x19C00];
	_ =	sdelay $0x1  }
0x270: {  	v21 =	vor.u32 $0x280, v14;
	_ =	sdelay $0x2  }
0x271: {  	v15 =	vsel vm1, v15, v20  }
0x272: {  	[tilespmem:s29+$0x19C00] =	vst v15  }
0x273: {  	s30 =	sor.u32 $0x280, s26;
	v15 =	vld.idx.msk [tilespmem:v21+s13+$0x0], vm1  }
0x274: {  	v22 =	vld [tilespmem:s30+$0x19C00];
	_ =	sdelay $0x1  }
0x275: {  	v23 =	vor.u32 $0x300, v14;
	_ =	sdelay $0x2  }
0x276: {  	v15 =	vsel vm1, v15, v22  }
0x277: {  	[tilespmem:s30+$0x19C00] =	vst v15  }
0x278: {  	s31 =	sor.u32 $0x300, s26;
	v15 =	vld.idx.msk [tilespmem:v23+s13+$0x0], vm1  }
0x279: {  	v24 =	vld [tilespmem:s31+$0x19C00];
	_ =	sdelay $0x1  }
0x27a: {  	v14 =	vor.u32 $0x380, v14;
	_ =	sdelay $0x2  }
0x27b: {  	v15 =	vsel vm1, v15, v24  }
0x27c: {  	s30 =	sor.u32 s23, s22;
	[tilespmem:s31+$0x19C00] =	vst v15  }
0x27d: {  	s30 =	sor.u32 $0x380, s30;
	v14 =	vld.idx.msk [tilespmem:v14+s13+$0x0], vm1  }
0x27e: {  	v15 =	vld [tilespmem:s30+$0x19C00];
	_ =	sdelay $0x3  }
0x27f: {  	s29 =	sand.u32 $0x380, s22  }
0x280: {  	s29 =	sor.u32 $0x19800, s29;
	s31 =	sor.u32 $0x10, s28;
	v14 =	vsel vm1, v14, v15  }
0x281: {  	[tilespmem:s30+$0x19C00] =	vst v14;
	s30 =	sor.u32 s31, s29  }
0x282: {  	v14 =	vld [tilespmem:s30+$0x0];
	_ =	sdelay $0x4  }
0x283: {  	vm1 =	vlt.s32 v14, v6;
	vm2 =	vlt.s32 v14, v2  }
0x284: {  	vm3 =	vge.s32 v14, v4;
	vm1 =	vmand vm1, vm2  }
0x285: {  	v14 =	vsub.s32 v14, v4;
	vm1 =	vmand vm1, vm3  }
0x286: {  	v14 =	vnsel vm1, $0x0, v14  }
0x287: {  	v15 =	vshll.u32 v14, $0x3  }
0x288: {  	v14 =	vand.u32 $0x7F, v14;
	v15 =	vand.u32 $0xFFFFFC00, v15  }
0x289: {  	v14 =	vor.u32 v14, v15;
	_ =	sdelay $0x2  }
0x28a: {  	s31 =	sor.u32 s31, s25  }
0x28b: {  	v25 =	vld [tilespmem:s31+$0x0]  }
0x28c: {  	v15 =	vld.idx.msk [tilespmem:v14+s13+$0x0], vm1;
	_ =	sdelay $0x1  }
0x28d: {  	v26 =	vor.u32 $0x80, v14;
	_ =	sdelay $0x2  }
0x28e: {  	v15 =	vsel vm1, v15, v25  }
0x28f: {  	v27 =	vld [tilespmem:s31+$0x80];
	[tilespmem:s31+$0x0] =	vst v15  }
0x290: {  	v15 =	vld.idx.msk [tilespmem:v26+s13+$0x0], vm1;
	_ =	sdelay $0x1  }
0x291: {  	v28 =	vor.u32 $0x100, v14;
	_ =	sdelay $0x2  }
0x292: {  	v15 =	vsel vm1, v15, v27  }
0x293: {  	v29 =	vld [tilespmem:s31+$0x100];
	[tilespmem:s31+$0x80] =	vst v15  }
0x294: {  	v15 =	vld.idx.msk [tilespmem:v28+s13+$0x0], vm1;
	_ =	sdelay $0x1  }
0x295: {  	v30 =	vor.u32 $0x180, v14;
	_ =	sdelay $0x2  }
0x296: {  	v15 =	vsel vm1, v15, v29  }
0x297: {  	v31 =	vld [tilespmem:s31+$0x180];
	[tilespmem:s31+$0x100] =	vst v15  }
0x298: {  	v15 =	vld.idx.msk [tilespmem:v30+s13+$0x0], vm1;
	_ =	sdelay $0x1  }
0x299: {  	v32 =	vor.u32 $0x200, v14;
	_ =	sdelay $0x2  }
0x29a: {  	v15 =	vsel vm1, v15, v31  }
0x29b: {  	s30 =	sadd.s32 $0x10, s26;
	[tilespmem:s31+$0x180] =	vst v15  }
0x29c: {  	s31 =	sor.u32 $0x200, s30;
	v15 =	vld.idx.msk [tilespmem:v32+s13+$0x0], vm1  }
0x29d: {  	v33 =	vld [tilespmem:s31+$0x19C00];
	_ =	sdelay $0x1  }
0x29e: {  	v34 =	vor.u32 $0x280, v14;
	_ =	sdelay $0x2  }
0x29f: {  	v15 =	vsel vm1, v15, v33  }
0x2a0: {  	[tilespmem:s31+$0x19C00] =	vst v15  }
0x2a1: {  	s31 =	sor.u32 $0x280, s30;
	v15 =	vld.idx.msk [tilespmem:v34+s13+$0x0], vm1  }
0x2a2: {  	v35 =	vld [tilespmem:s31+$0x19C00];
	_ =	sdelay $0x1  }
0x2a3: {  	v36 =	vor.u32 $0x300, v14;
	_ =	sdelay $0x2  }
0x2a4: {  	v15 =	vsel vm1, v15, v35  }
0x2a5: {  	[tilespmem:s31+$0x19C00] =	vst v15  }
0x2a6: {  	s31 =	sor.u32 $0x300, s30;
	v15 =	vld.idx.msk [tilespmem:v36+s13+$0x0], vm1  }
0x2a7: {  	v37 =	vld [tilespmem:s31+$0x19C00];
	_ =	sdelay $0x1  }
0x2a8: {  	v14 =	vor.u32 $0x380, v14;
	_ =	sdelay $0x2  }
0x2a9: {  	v15 =	vsel vm1, v15, v37  }
0x2aa: {  	[tilespmem:s31+$0x19C00] =	vst v15  }
0x2ab: {  	s30 =	sor.u32 $0x380, s30;
	v14 =	vld.idx.msk [tilespmem:v14+s13+$0x0], vm1  }
0x2ac: {  	v15 =	vld [tilespmem:s30+$0x19C00];
	_ =	sdelay $0x4  }
0x2ad: {  	s31 =	sor.u32 $0x20, s28;
	v14 =	vsel vm1, v14, v15  }
0x2ae: {  	[tilespmem:s30+$0x19C00] =	vst v14;
	s30 =	sor.u32 s31, s29  }
0x2af: {  	v14 =	vld [tilespmem:s30+$0x0];
	_ =	sdelay $0x4  }
0x2b0: {  	vm1 =	vlt.s32 v14, v6;
	vm2 =	vlt.s32 v14, v2  }
0x2b1: {  	vm3 =	vge.s32 v14, v4;
	vm1 =	vmand vm1, vm2  }
0x2b2: {  	v14 =	vsub.s32 v14, v4;
	vm1 =	vmand vm1, vm3  }
0x2b3: {  	v14 =	vnsel vm1, $0x0, v14  }
0x2b4: {  	v15 =	vshll.u32 v14, $0x3  }
0x2b5: {  	v14 =	vand.u32 $0x7F, v14;
	v15 =	vand.u32 $0xFFFFFC00, v15  }
0x2b6: {  	v14 =	vor.u32 v14, v15;
	_ =	sdelay $0x2  }
0x2b7: {  	s31 =	sor.u32 s31, s25  }
0x2b8: {  	v38 =	vld [tilespmem:s31+$0x0]  }
0x2b9: {  	v15 =	vld.idx.msk [tilespmem:v14+s13+$0x0], vm1;
	_ =	sdelay $0x1  }
0x2ba: {  	v39 =	vor.u32 $0x80, v14;
	_ =	sdelay $0x2  }
0x2bb: {  	v15 =	vsel vm1, v15, v38  }
0x2bc: {  	v40 =	vld [tilespmem:s31+$0x80];
	[tilespmem:s31+$0x0] =	vst v15  }
0x2bd: {  	v15 =	vld.idx.msk [tilespmem:v39+s13+$0x0], vm1;
	_ =	sdelay $0x1  }
0x2be: {  	v41 =	vor.u32 $0x100, v14;
	_ =	sdelay $0x2  }
0x2bf: {  	v15 =	vsel vm1, v15, v40  }
0x2c0: {  	v42 =	vld [tilespmem:s31+$0x100];
	[tilespmem:s31+$0x80] =	vst v15  }
0x2c1: {  	v15 =	vld.idx.msk [tilespmem:v41+s13+$0x0], vm1;
	_ =	sdelay $0x1  }
0x2c2: {  	v43 =	vor.u32 $0x180, v14;
	_ =	sdelay $0x2  }
0x2c3: {  	v15 =	vsel vm1, v15, v42  }
0x2c4: {  	v44 =	vld [tilespmem:s31+$0x180];
	[tilespmem:s31+$0x100] =	vst v15  }
0x2c5: {  	v15 =	vld.idx.msk [tilespmem:v43+s13+$0x0], vm1;
	_ =	sdelay $0x1  }
0x2c6: {  	v45 =	vor.u32 $0x200, v14;
	_ =	sdelay $0x2  }
0x2c7: {  	v15 =	vsel vm1, v15, v44  }
0x2c8: {  	s30 =	sadd.s32 $0x20, s26;
	[tilespmem:s31+$0x180] =	vst v15  }
0x2c9: {  	s31 =	sor.u32 $0x200, s30;
	v15 =	vld.idx.msk [tilespmem:v45+s13+$0x0], vm1  }
0x2ca: {  	v46 =	vld [tilespmem:s31+$0x19C00];
	_ =	sdelay $0x1  }
0x2cb: {  	v47 =	vor.u32 $0x280, v14;
	_ =	sdelay $0x2  }
0x2cc: {  	v15 =	vsel vm1, v15, v46  }
0x2cd: {  	[tilespmem:s31+$0x19C00] =	vst v15  }
0x2ce: {  	s31 =	sor.u32 $0x280, s30;
	v15 =	vld.idx.msk [tilespmem:v47+s13+$0x0], vm1  }
0x2cf: {  	v48 =	vld [tilespmem:s31+$0x19C00];
	_ =	sdelay $0x1  }
0x2d0: {  	v49 =	vor.u32 $0x300, v14;
	_ =	sdelay $0x2  }
0x2d1: {  	v15 =	vsel vm1, v15, v48  }
0x2d2: {  	[tilespmem:s31+$0x19C00] =	vst v15  }
0x2d3: {  	s31 =	sor.u32 $0x300, s30;
	v15 =	vld.idx.msk [tilespmem:v49+s13+$0x0], vm1  }
0x2d4: {  	v50 =	vld [tilespmem:s31+$0x19C00];
	_ =	sdelay $0x1  }
0x2d5: {  	v14 =	vor.u32 $0x380, v14;
	_ =	sdelay $0x2  }
0x2d6: {  	v15 =	vsel vm1, v15, v50  }
0x2d7: {  	[tilespmem:s31+$0x19C00] =	vst v15  }
0x2d8: {  	s30 =	sor.u32 $0x380, s30;
	v14 =	vld.idx.msk [tilespmem:v14+s13+$0x0], vm1  }
0x2d9: {  	v15 =	vld [tilespmem:s30+$0x19C00];
	_ =	sdelay $0x4  }
0x2da: {  	s28 =	sor.u32 $0x30, s28;
	v14 =	vsel vm1, v14, v15  }
0x2db: {  	s29 =	sor.u32 s28, s29;
	[tilespmem:s30+$0x19C00] =	vst v14  }
0x2dc: {  	v14 =	vld [tilespmem:s29+$0x0];
	_ =	sdelay $0x4  }
0x2dd: {  	vm1 =	vlt.s32 v14, v6;
	vm2 =	vlt.s32 v14, v2  }
0x2de: {  	vm3 =	vge.s32 v14, v4;
	vm1 =	vmand vm1, vm2  }
0x2df: {  	v14 =	vsub.s32 v14, v4;
	vm1 =	vmand vm1, vm3  }
0x2e0: {  	v14 =	vnsel vm1, $0x0, v14  }
0x2e1: {  	v15 =	vshll.u32 v14, $0x3  }
0x2e2: {  	v14 =	vand.u32 $0x7F, v14;
	v15 =	vand.u32 $0xFFFFFC00, v15  }
0x2e3: {  	v14 =	vor.u32 v14, v15;
	_ =	sdelay $0x2  }
0x2e4: {  	s25 =	sor.u32 s28, s25  }
0x2e5: {  	v51 =	vld [tilespmem:s25+$0x0]  }
0x2e6: {  	v15 =	vld.idx.msk [tilespmem:v14+s13+$0x0], vm1;
	_ =	sdelay $0x1  }
0x2e7: {  	v52 =	vor.u32 $0x80, v14;
	_ =	sdelay $0x2  }
0x2e8: {  	v15 =	vsel vm1, v15, v51  }
0x2e9: {  	v53 =	vld [tilespmem:s25+$0x80];
	[tilespmem:s25+$0x0] =	vst v15  }
0x2ea: {  	v15 =	vld.idx.msk [tilespmem:v52+s13+$0x0], vm1;
	_ =	sdelay $0x1  }
0x2eb: {  	v54 =	vor.u32 $0x100, v14;
	_ =	sdelay $0x2  }
0x2ec: {  	v15 =	vsel vm1, v15, v53  }
0x2ed: {  	v55 =	vld [tilespmem:s25+$0x100];
	[tilespmem:s25+$0x80] =	vst v15  }
0x2ee: {  	v15 =	vld.idx.msk [tilespmem:v54+s13+$0x0], vm1;
	_ =	sdelay $0x1  }
0x2ef: {  	v56 =	vor.u32 $0x180, v14;
	_ =	sdelay $0x2  }
0x2f0: {  	v15 =	vsel vm1, v15, v55  }
0x2f1: {  	v57 =	vld [tilespmem:s25+$0x180];
	[tilespmem:s25+$0x100] =	vst v15  }
0x2f2: {  	v15 =	vld.idx.msk [tilespmem:v56+s13+$0x0], vm1;
	_ =	sdelay $0x1  }
0x2f3: {  	v58 =	vor.u32 $0x200, v14;
	_ =	sdelay $0x2  }
0x2f4: {  	v15 =	vsel vm1, v15, v57  }
0x2f5: {  	s29 =	sadd.s32 $0x30, s26;
	[tilespmem:s25+$0x180] =	vst v15  }
0x2f6: {  	s26 =	sor.u32 $0x200, s29;
	v15 =	vld.idx.msk [tilespmem:v58+s13+$0x0], vm1  }
0x2f7: {  	v59 =	vld [tilespmem:s26+$0x19C00];
	_ =	sdelay $0x1  }
0x2f8: {  	v60 =	vor.u32 $0x280, v14;
	_ =	sdelay $0x2  }
0x2f9: {  	v15 =	vsel vm1, v15, v59  }
0x2fa: {  	[tilespmem:s26+$0x19C00] =	vst v15  }
0x2fb: {  	s30 =	sor.u32 $0x280, s29;
	v15 =	vld.idx.msk [tilespmem:v60+s13+$0x0], vm1  }
0x2fc: {  	v61 =	vld [tilespmem:s30+$0x19C00];
	_ =	sdelay $0x1  }
0x2fd: {  	v62 =	vor.u32 $0x300, v14;
	_ =	sdelay $0x2  }
0x2fe: {  	v15 =	vsel vm1, v15, v61  }
0x2ff: {  	[tilespmem:s30+$0x19C00] =	vst v15  }
0x300: {  	s31 =	sor.u32 $0x300, s29;
	v15 =	vld.idx.msk [tilespmem:v62+s13+$0x0], vm1  }
0x301: {  	v63 =	vld [tilespmem:s31+$0x19C00];
	_ =	sdelay $0x1  }
0x302: {  	v14 =	vor.u32 $0x380, v14;
	_ =	sdelay $0x2  }
0x303: {  	v15 =	vsel vm1, v15, v63  }
0x304: {  	[tilespmem:s31+$0x19C00] =	vst v15  }
0x305: {  	s25 =	sor.u32 $0x380, s29;
	v14 =	vld.idx.msk [tilespmem:v14+s13+$0x0], vm1  }
0x306: {  	s24 =	sadd.s32 $0x4, s24;
	v15 =	vld [tilespmem:s25+$0x19C00]  }
0x307: {  	p2 =	slt.u32 s24, $0x3C  }
.Ltmp3:
0x308: {  	_ = 	snop;
	(pc) =	sbr.rel @p2 .LBB2_8-.Ltmp3, $3  }
0x309: {  	_ =	sdelay $0x1  }
0x30a: {  	s21 =	sadd.s32 $0x40, s21;
	v14 =	vsel vm1, v14, v15  }
0x30b: {  	p1 =	por !p1, !p1;
	s23 =	sadd.s32 $0x200, s23;
	s22 =	sadd.s32 $0x40, s22;
	[tilespmem:s25+$0x19C00] =	vst v14  }
0x30c: {  	s21 =	simm.s32 $0x0  }
.LBB2_10:
0x30d: {  	v14 =	vld [tilespmem:s20+$0x0];
	_ =	sdelay $0x4  }
0x30e: {  	vm1 =	vgt.s32 v14, $0x1867F;
	v14 =	vshll.u32 v14, $0x7  }
0x30f: {  	vm1 =	vmand vm0, vm1;
	v14 =	vadd.s32 $0xFF3CC000, v14  }
0x310: {  	v14 =	vnsel vm1, $0x0, v14  }
0x311: {  	v15 =	vor.u32 v5, v14  }
0x312: {  	s22 =	sand.u32 $0x1C00, s21  }
0x313: {  	s24 =	sand.u32 $0x40, s19;
	s22 =	sadd.s32 $0x19C00, s22  }
0x314: {  	s23 =	sor.u32 s24, s22  }
0x315: {  	v16 =	vld [tilespmem:s23+$0x0]  }
0x316: {  	v15 =	vld.idx.msk [tilespmem:v15+s12+$0x0], vm1;
	_ =	sdelay $0x1  }
0x317: {  	v17 =	vor.u32 v7, v14;
	_ =	sdelay $0x2  }
0x318: {  	v15 =	vsel vm1, v15, v16  }
0x319: {  	v58 =	vld [tilespmem:s23+$0x80];
	[tilespmem:s23+$0x0] =	vst v15  }
0x31a: {  	v15 =	vld.idx.msk [tilespmem:v17+s12+$0x0], vm1;
	_ =	sdelay $0x1  }
0x31b: {  	v59 =	vor.u32 v8, v14;
	_ =	sdelay $0x2  }
0x31c: {  	v15 =	vsel vm1, v15, v58  }
0x31d: {  	v60 =	vld [tilespmem:s23+$0x100];
	[tilespmem:s23+$0x80] =	vst v15  }
0x31e: {  	v15 =	vld.idx.msk [tilespmem:v59+s12+$0x0], vm1;
	_ =	sdelay $0x1  }
0x31f: {  	v61 =	vor.u32 v9, v14;
	_ =	sdelay $0x2  }
0x320: {  	v15 =	vsel vm1, v15, v60  }
0x321: {  	v62 =	vld [tilespmem:s23+$0x180];
	[tilespmem:s23+$0x100] =	vst v15  }
0x322: {  	v15 =	vld.idx.msk [tilespmem:v61+s12+$0x0], vm1;
	_ =	sdelay $0x1  }
0x323: {  	v63 =	vor.u32 v10, v14  }
0x324: {  	s25 =	simm.s32 $0x1  }
0x325: {  	s25 =	simm.s32 @!p0 $0x0  }
0x326: {  	s25 =	sshll.u32 s25, $0x6;
	v15 =	vsel vm1, v15, v62  }
0x327: {  	[tilespmem:s23+$0x180] =	vst v15;
	s23 =	sadd.s32 s25, s21  }
0x328: {  	v15 =	vld.idx.msk [tilespmem:v63+s12+$0x0], vm1;
	s25 =	sor.u32 $0x200, s23  }
0x329: {  	v20 =	vld [tilespmem:s25+$0x19C00];
	_ =	sdelay $0x1  }
0x32a: {  	v21 =	vor.u32 v11, v14;
	_ =	sdelay $0x2  }
0x32b: {  	v15 =	vsel vm1, v15, v20  }
0x32c: {  	[tilespmem:s25+$0x19C00] =	vst v15  }
0x32d: {  	s26 =	sor.u32 $0x280, s23;
	v15 =	vld.idx.msk [tilespmem:v21+s12+$0x0], vm1  }
0x32e: {  	v22 =	vld [tilespmem:s26+$0x19C00];
	_ =	sdelay $0x1  }
0x32f: {  	v23 =	vor.u32 v12, v14;
	_ =	sdelay $0x2  }
0x330: {  	v15 =	vsel vm1, v15, v22  }
0x331: {  	[tilespmem:s26+$0x19C00] =	vst v15  }
0x332: {  	s28 =	sor.u32 $0x300, s23;
	v15 =	vld.idx.msk [tilespmem:v23+s12+$0x0], vm1  }
0x333: {  	v24 =	vld [tilespmem:s28+$0x19C00];
	_ =	sdelay $0x1  }
0x334: {  	v14 =	vor.u32 v13, v14;
	_ =	sdelay $0x2  }
0x335: {  	v15 =	vsel vm1, v15, v24  }
0x336: {  	s29 =	sor.u32 s21, s19;
	[tilespmem:s28+$0x19C00] =	vst v15  }
0x337: {  	s26 =	sor.u32 $0x380, s29;
	v14 =	vld.idx.msk [tilespmem:v14+s12+$0x0], vm1  }
0x338: {  	v15 =	vld [tilespmem:s26+$0x19C00];
	_ =	sdelay $0x3  }
0x339: {  	s30 =	sand.u32 $0x380, s19  }
0x33a: {  	s25 =	sor.u32 $0x19800, s30;
	s28 =	sor.u32 $0x10, s24;
	v14 =	vsel vm1, v14, v15  }
0x33b: {  	s31 =	sor.u32 s28, s25;
	[tilespmem:s26+$0x19C00] =	vst v14  }
0x33c: {  	v14 =	vld [tilespmem:s31+$0x0];
	_ =	sdelay $0x4  }
0x33d: {  	vm1 =	vgt.s32 v14, $0x1867F;
	v14 =	vshll.u32 v14, $0x7  }
0x33e: {  	vm1 =	vmand vm0, vm1;
	v14 =	vadd.s32 $0xFF3CC000, v14  }
0x33f: {  	v14 =	vnsel vm1, $0x0, v14  }
0x340: {  	v15 =	vor.u32 v5, v14;
	_ =	sdelay $0x2  }
0x341: {  	s29 =	sor.u32 s28, s22  }
0x342: {  	v25 =	vld [tilespmem:s29+$0x0]  }
0x343: {  	v15 =	vld.idx.msk [tilespmem:v15+s12+$0x0], vm1;
	_ =	sdelay $0x1  }
0x344: {  	v26 =	vor.u32 v7, v14;
	_ =	sdelay $0x2  }
0x345: {  	v15 =	vsel vm1, v15, v25  }
0x346: {  	v27 =	vld [tilespmem:s29+$0x80];
	[tilespmem:s29+$0x0] =	vst v15  }
0x347: {  	v15 =	vld.idx.msk [tilespmem:v26+s12+$0x0], vm1;
	_ =	sdelay $0x1  }
0x348: {  	v28 =	vor.u32 v8, v14;
	_ =	sdelay $0x2  }
0x349: {  	v15 =	vsel vm1, v15, v27  }
0x34a: {  	v29 =	vld [tilespmem:s29+$0x100];
	[tilespmem:s29+$0x80] =	vst v15  }
0x34b: {  	v15 =	vld.idx.msk [tilespmem:v28+s12+$0x0], vm1;
	_ =	sdelay $0x1  }
0x34c: {  	v30 =	vor.u32 v9, v14;
	_ =	sdelay $0x2  }
0x34d: {  	v15 =	vsel vm1, v15, v29  }
0x34e: {  	v31 =	vld [tilespmem:s29+$0x180];
	[tilespmem:s29+$0x100] =	vst v15  }
0x34f: {  	v15 =	vld.idx.msk [tilespmem:v30+s12+$0x0], vm1;
	_ =	sdelay $0x1  }
0x350: {  	v32 =	vor.u32 v10, v14;
	_ =	sdelay $0x2  }
0x351: {  	v15 =	vsel vm1, v15, v31  }
0x352: {  	s26 =	sadd.s32 $0x10, s23;
	[tilespmem:s29+$0x180] =	vst v15  }
0x353: {  	s30 =	sor.u32 $0x200, s26;
	v15 =	vld.idx.msk [tilespmem:v32+s12+$0x0], vm1  }
0x354: {  	v33 =	vld [tilespmem:s30+$0x19C00];
	_ =	sdelay $0x1  }
0x355: {  	v34 =	vor.u32 v11, v14;
	_ =	sdelay $0x2  }
0x356: {  	v15 =	vsel vm1, v15, v33  }
0x357: {  	[tilespmem:s30+$0x19C00] =	vst v15  }
0x358: {  	s31 =	sor.u32 $0x280, s26;
	v15 =	vld.idx.msk [tilespmem:v34+s12+$0x0], vm1  }
0x359: {  	v35 =	vld [tilespmem:s31+$0x19C00];
	_ =	sdelay $0x1  }
0x35a: {  	v36 =	vor.u32 v12, v14;
	_ =	sdelay $0x2  }
0x35b: {  	v15 =	vsel vm1, v15, v35  }
0x35c: {  	[tilespmem:s31+$0x19C00] =	vst v15  }
0x35d: {  	s29 =	sor.u32 $0x300, s26;
	v15 =	vld.idx.msk [tilespmem:v36+s12+$0x0], vm1  }
0x35e: {  	v37 =	vld [tilespmem:s29+$0x19C00];
	_ =	sdelay $0x1  }
0x35f: {  	v14 =	vor.u32 v13, v14;
	_ =	sdelay $0x2  }
0x360: {  	v15 =	vsel vm1, v15, v37  }
0x361: {  	[tilespmem:s29+$0x19C00] =	vst v15  }
0x362: {  	s26 =	sor.u32 $0x380, s26;
	v14 =	vld.idx.msk [tilespmem:v14+s12+$0x0], vm1  }
0x363: {  	v15 =	vld [tilespmem:s26+$0x19C00];
	_ =	sdelay $0x4  }
0x364: {  	s30 =	sor.u32 $0x20, s24;
	v14 =	vsel vm1, v14, v15  }
0x365: {  	s31 =	sor.u32 s30, s25;
	[tilespmem:s26+$0x19C00] =	vst v14  }
0x366: {  	v14 =	vld [tilespmem:s31+$0x0];
	_ =	sdelay $0x4  }
0x367: {  	vm1 =	vgt.s32 v14, $0x1867F;
	v14 =	vshll.u32 v14, $0x7  }
0x368: {  	vm1 =	vmand vm0, vm1;
	v14 =	vadd.s32 $0xFF3CC000, v14  }
0x369: {  	v14 =	vnsel vm1, $0x0, v14  }
0x36a: {  	v15 =	vor.u32 v5, v14;
	_ =	sdelay $0x2  }
0x36b: {  	s28 =	sor.u32 s30, s22  }
0x36c: {  	v38 =	vld [tilespmem:s28+$0x0]  }
0x36d: {  	v15 =	vld.idx.msk [tilespmem:v15+s12+$0x0], vm1;
	_ =	sdelay $0x1  }
0x36e: {  	v39 =	vor.u32 v7, v14;
	_ =	sdelay $0x2  }
0x36f: {  	v15 =	vsel vm1, v15, v38  }
0x370: {  	v40 =	vld [tilespmem:s28+$0x80];
	[tilespmem:s28+$0x0] =	vst v15  }
0x371: {  	v15 =	vld.idx.msk [tilespmem:v39+s12+$0x0], vm1;
	_ =	sdelay $0x1  }
0x372: {  	v41 =	vor.u32 v8, v14;
	_ =	sdelay $0x2  }
0x373: {  	v15 =	vsel vm1, v15, v40  }
0x374: {  	v42 =	vld [tilespmem:s28+$0x100];
	[tilespmem:s28+$0x80] =	vst v15  }
0x375: {  	v15 =	vld.idx.msk [tilespmem:v41+s12+$0x0], vm1;
	_ =	sdelay $0x1  }
0x376: {  	v43 =	vor.u32 v9, v14;
	_ =	sdelay $0x2  }
0x377: {  	v15 =	vsel vm1, v15, v42  }
0x378: {  	v44 =	vld [tilespmem:s28+$0x180];
	[tilespmem:s28+$0x100] =	vst v15  }
0x379: {  	v15 =	vld.idx.msk [tilespmem:v43+s12+$0x0], vm1;
	_ =	sdelay $0x1  }
0x37a: {  	v45 =	vor.u32 v10, v14;
	_ =	sdelay $0x2  }
0x37b: {  	v15 =	vsel vm1, v15, v44  }
0x37c: {  	s26 =	sadd.s32 $0x20, s23;
	[tilespmem:s28+$0x180] =	vst v15  }
0x37d: {  	s29 =	sor.u32 $0x200, s26;
	v15 =	vld.idx.msk [tilespmem:v45+s12+$0x0], vm1  }
0x37e: {  	v46 =	vld [tilespmem:s29+$0x19C00];
	_ =	sdelay $0x1  }
0x37f: {  	v47 =	vor.u32 v11, v14;
	_ =	sdelay $0x2  }
0x380: {  	v15 =	vsel vm1, v15, v46  }
0x381: {  	[tilespmem:s29+$0x19C00] =	vst v15  }
0x382: {  	s30 =	sor.u32 $0x280, s26;
	v15 =	vld.idx.msk [tilespmem:v47+s12+$0x0], vm1  }
0x383: {  	v48 =	vld [tilespmem:s30+$0x19C00];
	_ =	sdelay $0x1  }
0x384: {  	v49 =	vor.u32 v12, v14;
	_ =	sdelay $0x2  }
0x385: {  	v15 =	vsel vm1, v15, v48  }
0x386: {  	[tilespmem:s30+$0x19C00] =	vst v15  }
0x387: {  	s31 =	sor.u32 $0x300, s26;
	v15 =	vld.idx.msk [tilespmem:v49+s12+$0x0], vm1  }
0x388: {  	v50 =	vld [tilespmem:s31+$0x19C00];
	_ =	sdelay $0x1  }
0x389: {  	v14 =	vor.u32 v13, v14;
	_ =	sdelay $0x2  }
0x38a: {  	v15 =	vsel vm1, v15, v50  }
0x38b: {  	[tilespmem:s31+$0x19C00] =	vst v15  }
0x38c: {  	s26 =	sor.u32 $0x380, s26;
	v14 =	vld.idx.msk [tilespmem:v14+s12+$0x0], vm1  }
0x38d: {  	v15 =	vld [tilespmem:s26+$0x19C00];
	_ =	sdelay $0x4  }
0x38e: {  	s24 =	sor.u32 $0x30, s24;
	v14 =	vsel vm1, v14, v15  }
0x38f: {  	s25 =	sor.u32 s24, s25;
	[tilespmem:s26+$0x19C00] =	vst v14  }
0x390: {  	v14 =	vld [tilespmem:s25+$0x0];
	_ =	sdelay $0x4  }
0x391: {  	vm1 =	vgt.s32 v14, $0x1867F;
	v14 =	vshll.u32 v14, $0x7  }
0x392: {  	vm1 =	vmand vm0, vm1;
	v14 =	vadd.s32 $0xFF3CC000, v14  }
0x393: {  	v14 =	vnsel vm1, $0x0, v14  }
0x394: {  	v15 =	vor.u32 v5, v14;
	_ =	sdelay $0x2  }
0x395: {  	s22 =	sor.u32 s24, s22  }
0x396: {  	v51 =	vld [tilespmem:s22+$0x0]  }
0x397: {  	v15 =	vld.idx.msk [tilespmem:v15+s12+$0x0], vm1;
	_ =	sdelay $0x1  }
0x398: {  	v52 =	vor.u32 v7, v14;
	_ =	sdelay $0x2  }
0x399: {  	v15 =	vsel vm1, v15, v51  }
0x39a: {  	v53 =	vld [tilespmem:s22+$0x80];
	[tilespmem:s22+$0x0] =	vst v15  }
0x39b: {  	v15 =	vld.idx.msk [tilespmem:v52+s12+$0x0], vm1;
	_ =	sdelay $0x1  }
0x39c: {  	v54 =	vor.u32 v8, v14;
	_ =	sdelay $0x2  }
0x39d: {  	v15 =	vsel vm1, v15, v53  }
0x39e: {  	v55 =	vld [tilespmem:s22+$0x100];
	[tilespmem:s22+$0x80] =	vst v15  }
0x39f: {  	v15 =	vld.idx.msk [tilespmem:v54+s12+$0x0], vm1;
	_ =	sdelay $0x1  }
0x3a0: {  	v56 =	vor.u32 v9, v14;
	_ =	sdelay $0x2  }
0x3a1: {  	v15 =	vsel vm1, v15, v55  }
0x3a2: {  	v57 =	vld [tilespmem:s22+$0x180];
	[tilespmem:s22+$0x100] =	vst v15  }
0x3a3: {  	v15 =	vld.idx.msk [tilespmem:v56+s12+$0x0], vm1;
	_ =	sdelay $0x1  }
0x3a4: {  	v58 =	vor.u32 v10, v14;
	_ =	sdelay $0x2  }
0x3a5: {  	v15 =	vsel vm1, v15, v57  }
0x3a6: {  	s29 =	sadd.s32 $0x30, s23;
	[tilespmem:s22+$0x180] =	vst v15  }
0x3a7: {  	s23 =	sor.u32 $0x200, s29;
	v15 =	vld.idx.msk [tilespmem:v58+s12+$0x0], vm1  }
0x3a8: {  	v59 =	vld [tilespmem:s23+$0x19C00];
	_ =	sdelay $0x1  }
0x3a9: {  	v60 =	vor.u32 v11, v14;
	_ =	sdelay $0x2  }
0x3aa: {  	v15 =	vsel vm1, v15, v59  }
0x3ab: {  	[tilespmem:s23+$0x19C00] =	vst v15  }
0x3ac: {  	s30 =	sor.u32 $0x280, s29;
	v15 =	vld.idx.msk [tilespmem:v60+s12+$0x0], vm1  }
0x3ad: {  	v61 =	vld [tilespmem:s30+$0x19C00];
	_ =	sdelay $0x1  }
0x3ae: {  	v62 =	vor.u32 v12, v14;
	_ =	sdelay $0x2  }
0x3af: {  	v15 =	vsel vm1, v15, v61  }
0x3b0: {  	[tilespmem:s30+$0x19C00] =	vst v15  }
0x3b1: {  	s31 =	sor.u32 $0x300, s29;
	v15 =	vld.idx.msk [tilespmem:v62+s12+$0x0], vm1  }
0x3b2: {  	v63 =	vld [tilespmem:s31+$0x19C00];
	_ =	sdelay $0x1  }
0x3b3: {  	v14 =	vor.u32 v13, v14;
	_ =	sdelay $0x2  }
0x3b4: {  	v15 =	vsel vm1, v15, v63  }
0x3b5: {  	[tilespmem:s31+$0x19C00] =	vst v15  }
0x3b6: {  	s22 =	sor.u32 $0x380, s29;
	v14 =	vld.idx.msk [tilespmem:v14+s12+$0x0], vm1  }
0x3b7: {  	s18 =	sadd.s32 $0x4, s18;
	v15 =	vld [tilespmem:s22+$0x19C00]  }
0x3b8: {  	p1 =	slt.u32 s18, $0x3C  }
.Ltmp4:
0x3b9: {  	_ = 	snop;
	(pc) =	sbr.rel @p1 .LBB2_10-.Ltmp4, $3  }
0x3ba: {  	_ =	sdelay $0x1  }
0x3bb: {  	s19 =	sadd.s32 $0x40, s19;
	v14 =	vsel vm1, v14, v15  }
0x3bc: {  	s20 =	sadd.s32 $0x40, s20;
	p0 =	por !p0, !p0;
	s21 =	sadd.s32 $0x200, s21;
	[tilespmem:s22+$0x19C00] =	vst v14  }
0x3bd: {  	s17 =	sadd.s32 $0x1, s17  }
0x3be: {  	p0 =	sne.s32 s17, s10  }
.Ltmp5:
0x3bf: {  	_ = 	snop;
	(pc) =	sbr.rel @p0 .LBB2_1-.Ltmp5, $4  }
0x3c0: {  	[hbm4b:s9+s3] =	stream.linear.scatter [tilespmem:s16], [sflag:$0x3], $0x2000, $0x38;
	[tilespmem:$0x1BC00] =	vst v63  }
0x3c1: {  	_ =	swait.ge [sflag:s11], $0x2000  }
0x3c2: {  	[sflag:s11] =	ssyncset.done $0x0  }
0x3c3: {  	[sflag:s11] =	ssyncadd.s32 $0xFFFFE000  }
0x3c4: {  	_ =	sfence.sel $0x180000  }
0x3c5: {  	[bflag:$0x0] =	sbarrier.arrive $0xFFFF  }
0x3c6: {  	p0 =	sne.s32 s2, $0x0;
	_ =	strace $0x90000047  }
0x3c7: {  	s0 =	sadd.s32 @!p0 $0x100000, s0;
	[bflag:$0x2] =	sbarrier.arrive $0xFFFF  }
0x3c8: {  	[sflag:s0] =	ssyncadd.tile.s32 @!p0 $0x1;
	_ =	shalt  }
.Lfunc_end2:
_tile_overlayer_lowered:
.L_overlay_start_2:
0x3c9: {  	(tag) =	ssettag $0x2  }
0x3ca: {  	s0 =	rddreg [dreg:$0x0];
	s2 =	stileid.u32  }
0x3cb: {  	s1 =	rddreg [dreg:$0x1];
	p0 =	sne.s32 s2, $0x0  }
0x3cc: {  	s3 =	rddreg [dreg:$0x2];
	[bflag:$0x3] =	sbarrier.arrive $0xFFFF;
	s2 =	simm.s32 @!p0 $0x1C03  }
0x3cd: {  	[timem:s3], [sflag:s2] =	dma.local @!p0 [hbm:s0], s1  }
0x3ce: {  	s0 =	simm.s32 @!p0 $0x3  }
0x3cf: {  	_ =	swait.ge @!p0 [sflag:s0], s1  }
0x3d0: {  	s1 =	ssub.s32 @!p0 $0x0, s1;
	[sflag:s0] =	ssyncset.done @!p0 $0x0  }
0x3d1: {  	[sflag:s0] =	ssyncadd.s32 @!p0 s1  }
0x3d2: {  	[bflag:$0x3] =	sbarrier.arrive $0xFFFF  }
0x3d3: {  	_ =	shalt  }

</sc_bundles>
